<compile_context>
chip_gen: v7x
topology: tpu7x:2x2x1
jax: 0.10.2.dev20260603
libtpu: 0.0.44.dev20260713+nightly
codegen_flags: <defaults>
</compile_context>

<pallas_src>
import functools

import jax
import jax.numpy as jnp
from jax import lax
from jax.experimental import pallas as pl
from jax.experimental.pallas import tpu as pltpu
from jax.experimental.pallas import tpu_sc as plsc

IN_SIZE = 1000000
OUT_SIZE = 64
BATCH = 16384

NC = 2
NS = 16
NW = NC * NS
RANGE = IN_SIZE // NW
CHUNK_W = 256
N_CHUNKS = 124
TAIL_LO = (IN_SIZE // 128) * 128
MAX_OFF = TAIL_LO - CHUNK_W
SENTINEL = 0x7FFFFFF0
NSLOT = 16


def _body(mat3, idx_hbm, tail_hbm, out_hbm, idx_v, p_c, cbuf, stg,
          tail_v, gsems, wsem):
    wid = lax.axis_index("s") * NC + lax.axis_index("c")
    wlo = wid * RANGE
    whi = wlo + RANGE
    s0_base = pl.multiple_of((wlo // 128) * 128, 128)
    lanes = lax.iota(jnp.int32, 16)

    def chunk_off(c):
        vs = s0_base + c * CHUNK_W
        return pl.multiple_of(jnp.minimum(vs, MAX_OFF), 128)

    def start_chunk(c, b):
        pltpu.async_copy(
            mat3.at[:, :, pl.ds(chunk_off(c), CHUNK_W)], cbuf.at[b],
            gsems.at[b],
        )

    def wait_chunk(b):
        pltpu.make_async_copy(
            mat3.at[:, :, pl.ds(0, CHUNK_W)], cbuf.at[b], gsems.at[b]
        ).wait()

    for bb in range(4):
        start_chunk(bb, bb)

    pltpu.sync_copy(idx_hbm, idx_v)
    pltpu.sync_copy(tail_hbm, tail_v)

    def emit_row(wc, row_vecs, b_s):
        slot = wc & (NSLOT - 1)

        @pl.when(wc >= NSLOT)
        def _():
            pltpu.make_async_copy(
                stg.at[pl.ds(0, 1)], out_hbm.at[pl.ds(0, 1)], wsem
            ).wait()

        for k in range(4):
            stg[slot, pl.ds(k * 16, 16)] = row_vecs[k]
        pltpu.async_copy(
            stg.at[pl.ds(slot, 1)], out_hbm.at[pl.ds(b_s, 1)], wsem
        )
        return wc + 1

    def extract_main(wc, b, i_s, b_s, off):
        off2 = jnp.full((16,), i_s - off, dtype=jnp.int32)
        vecs = []
        for k in range(4):
            j = k * 16 + lanes
            vecs.append(
                plsc.load_gather(
                    cbuf.at[b],
                    [jax.lax.shift_right_logical(j, 3), j & 7, off2],
                )
            )
        return emit_row(wc, vecs, b_s)

    def extract_tail(wc, i_s, b_s):
        rr = jnp.full((16,), i_s - TAIL_LO, dtype=jnp.int32)
        vecs = [
            plsc.load_gather(tail_v, [rr, k * 16 + lanes]) for k in range(4)
        ]
        return emit_row(wc, vecs, b_s)

    def scan_body(v, cnt):
        iv = idx_v[pl.ds(v * 16, 16)]
        bv = v * 16 + lanes
        m = (iv >= wlo) & (iv < whi)
        packed = jax.lax.shift_left(iv - s0_base, 14) | bv
        plsc.store_compressed(p_c.at[pl.ds(cnt, 16)], packed, mask=m)
        return cnt + plsc.all_reduce_population_count(m)[0]

    cnt = lax.fori_loop(0, BATCH // 16, scan_body, 0)
    p_c[pl.ds(cnt, 16)] = jnp.full((16,), SENTINEL, dtype=jnp.int32)
    nv = (cnt + 15) // 16

    def do_chunk(c, b, wc):
        wait_chunk(b)
        vs = s0_base + c * CHUNK_W
        off = chunk_off(c)

        plo = jax.lax.shift_left(vs - s0_base, 14)
        phi = jax.lax.shift_left(vs - s0_base + CHUNK_W, 14)

        def scan_matched(extract):
            def scan_fn(v, wc_in):
                pv = p_c[pl.ds(v * 16, 16)]
                m0 = (pv >= plo) & (pv < phi)
                mi = jnp.where(m0, 1, 0)
                pc = plsc.all_reduce_population_count(m0)[0]

                def w_cond(cr):
                    _, p, _ = cr
                    return p > 0

                def w_step(cr):
                    m, p, wc2 = cr
                    e = plsc.all_reduce_ffs(m != 0)
                    p_s = plsc.load_gather(p_c, [v * 16 + e])[0]
                    i_s = s0_base + jax.lax.shift_right_logical(p_s, 14)
                    b_s = p_s & (BATCH - 1)
                    wc3 = extract(wc2, i_s, b_s)
                    return (jnp.where(lanes == e, 0, m), p - 1, wc3)

                _, _, wc_out = lax.while_loop(w_cond, w_step, (mi, pc, wc_in))
                return wc_out

            return scan_fn

        main_fn = scan_matched(
            lambda wc2, i_s, b_s: extract_main(wc2, b, i_s, b_s, off)
        )
        tail_fn = scan_matched(extract_tail)
        return lax.cond(
            vs < TAIL_LO,
            lambda w: lax.fori_loop(0, nv, main_fn, w),
            lambda w: lax.fori_loop(0, nv, tail_fn, w),
            wc,
        )

    def outer(g, wc):
        for bb in range(4):
            c = 4 * g + bb
            wc = do_chunk(c, bb, wc)

            @pl.when(c + 4 < N_CHUNKS)
            def _():
                start_chunk(c + 4, bb)

        return wc

    wc = lax.fori_loop(0, N_CHUNKS // 4, outer, 0)

    def drain(_, x):
        pltpu.make_async_copy(
            stg.at[pl.ds(0, 1)], out_hbm.at[pl.ds(0, 1)], wsem
        ).wait()
        return x

    lax.fori_loop(0, jnp.minimum(wc, NSLOT), drain, 0)


@jax.jit
def _gather(x, mat):
    matT = jnp.transpose(mat)
    mat3 = jnp.reshape(matT, (8, 8, IN_SIZE))
    tail = lax.slice(mat, (TAIL_LO, 0), (IN_SIZE, OUT_SIZE))
    mesh = plsc.VectorSubcoreMesh(core_axis_name="c", subcore_axis_name="s")
    run = functools.partial(
        pl.kernel,
        out_type=jax.ShapeDtypeStruct((BATCH, OUT_SIZE), jnp.float32),
        mesh=mesh,
        scratch_types=[
            pltpu.VMEM((BATCH,), jnp.int32),
            pltpu.VMEM((BATCH + 32,), jnp.int32),
            pltpu.VMEM((4, 8, 8, CHUNK_W), jnp.float32),
            pltpu.VMEM((NSLOT, OUT_SIZE), jnp.float32),
            pltpu.VMEM((64, OUT_SIZE), jnp.float32),
            pltpu.SemaphoreType.DMA((2,)),
            pltpu.SemaphoreType.DMA,
        ],
        compiler_params=pltpu.CompilerParams(
            use_tc_tiling_on_sc=True, needs_layout_passes=False
        ),
    )(_body)
    return run(mat3, x, tail)


def kernel(x, mat):
    return _gather(x, mat)

# --- scband reference (transcript-rebuilt; emitter-appended) ---
"""Pipeline reference for scband-user-encoder-27539330302019 (READ-ONLY COPY).

The authoritative reference and input builder live on the scoring server;
editing this copy changes nothing except your own understanding.
"""

import jax, jax.numpy as jnp
import numpy as np

IN_SIZE = 1000000
OUT_SIZE = 64
BATCH = 16384

def setup_inputs(seed: int = 0) -> dict:
    key = jax.random.key(seed)
    k_idx, k_mat = jax.random.split(key)
    x = jax.random.randint(k_idx, (BATCH,), 0, IN_SIZE, dtype=jnp.int64 if jax.config.jax_enable_x64 else jnp.int32)
    k = 1.0 / (IN_SIZE ** 0.5)
    mat = jax.random.uniform(k_mat, (IN_SIZE, OUT_SIZE), dtype=jnp.float32, minval=-k, maxval=k)
    return {"x": x, "mat": mat}

def reference(x, mat):
    # Faithful translation of: return self.mat[x.flatten()]
    idx = jnp.reshape(x, (-1,))
    return jnp.take(mat, idx, axis=0)

if __name__ == "__main__":
    import jax
    _d = setup_inputs()
    print(jax.jit(kernel)(*tuple(_d.values())))

</pallas_src>

<mosaic_0001>
#map = affine_map<(d0, d1) -> (0, 0, 0)>
#map1 = affine_map<(d0, d1) -> (0)>
#map2 = affine_map<(d0, d1) -> (0, 0)>
module attributes {stable_mosaic.version = 14 : i64} {
  func.func @_body(%arg0: i32, %arg1: i32, %arg2: memref<8x8x1000000xf32, #tpu.memory_space<hbm>>, %arg3: memref<16384xi32, #tpu.memory_space<hbm>>, %arg4: memref<64x64xf32, #tpu.memory_space<hbm>>, %arg5: memref<16384x64xf32, #tpu.memory_space<hbm>>, %arg6: memref<16384xi32, #tpu.memory_space<vmem>>, %arg7: memref<16416xi32, #tpu.memory_space<vmem>>, %arg8: memref<4x8x8x256xf32, #tpu.memory_space<vmem>>, %arg9: memref<16x64xf32, #tpu.memory_space<vmem>>, %arg10: memref<64x64xf32, #tpu.memory_space<vmem>>, %arg11: memref<2x!tpu.dma_semaphore, #tpu.memory_space<semaphore_mem>>, %arg12: memref<!tpu.dma_semaphore, #tpu.memory_space<semaphore_mem>>) attributes {dimension_semantics = [#tpu.dimension_semantics<core_parallel>, #tpu.dimension_semantics<subcore_parallel>], iteration_bounds = array<i64: 2, 16>, scalar_prefetch = 0 : i64, scratch_operands = 7 : i64, tpu.core_type = #tpu.core_type<sc_vector_subcore>, window_params = [{transform_indices = #map}, {transform_indices = #map1}, {transform_indices = #map2}, {transform_indices = #map2}]} {
    %mul3A = arith.constant 2 : i32
    %mul3A_0 = arith.muli %arg1, %mul3A : i32
    %add3A = arith.addi %mul3A_0, %arg0 : i32
    %mul3A_1 = arith.constant 31250 : i32
    %mul3A_2 = arith.muli %add3A, %mul3A_1 : i32
    %add3A_3 = arith.constant 31250 : i32
    %add3A_4 = arith.addi %mul3A_2, %add3A_3 : i32
    %jit3A = arith.constant 128 : i32
    %div3A = arith.divsi %mul3A_2, %jit3A : i32
    %sign3A = arith.constant 0 : i32
    %sign3A_5 = arith.cmpi sgt, %mul3A_2, %sign3A : i32
    %sign3A_6 = arith.extui %sign3A_5 : i1 to i32
    %sign3A_7 = arith.constant 0 : i32
    %sign3A_8 = arith.cmpi slt, %mul3A_2, %sign3A_7 : i32
    %sign3A_9 = arith.extui %sign3A_8 : i1 to i32
    %sign3A_10 = arith.subi %sign3A_6, %sign3A_9 : i32
    %sign3A_11 = arith.constant 0 : i32
    %sign3A_12 = arith.cmpi sgt, %jit3A, %sign3A_11 : i32
    %sign3A_13 = arith.extui %sign3A_12 : i1 to i32
    %sign3A_14 = arith.constant 0 : i32
    %sign3A_15 = arith.cmpi slt, %jit3A, %sign3A_14 : i32
    %sign3A_16 = arith.extui %sign3A_15 : i1 to i32
    %sign3A_17 = arith.subi %sign3A_13, %sign3A_16 : i32
    %ne3A = arith.cmpi ne, %sign3A_10, %sign3A_17 : i32
    %rem3A = arith.remsi %mul3A_2, %jit3A : i32
    %ne3A_18 = arith.constant 0 : i32
    %ne3A_19 = arith.cmpi ne, %rem3A, %ne3A_18 : i32
    %and3A = arith.andi %ne3A, %ne3A_19 : i1
    %sub3A = arith.constant 1 : i32
    %sub3A_20 = arith.subi %div3A, %sub3A : i32
    %select_n3A = arith.select %and3A, %sub3A_20, %div3A : i32
    %mul3A_21 = arith.constant 128 : i32
    %mul3A_22 = arith.muli %select_n3A, %mul3A_21 : i32
    %multiple_of3A = tpu.assume_multiple %mul3A_22, 128 : i32
    %iota3A = tpu.iota {dimensions = array<i32: 0>} : vector<16xi32>
    %add3A_23 = arith.constant 0 : i32
    %add3A_24 = arith.addi %multiple_of3A, %add3A_23 : i32
    %min3A = arith.constant 999680 : i32
    %min3A_25 = arith.minsi %add3A_24, %min3A : i32
    %multiple_of3A_26 = tpu.assume_multiple %min3A_25, 128 : i32
    %dma_start3A = arith.constant 0 : i32
    %dma_start3A_27 = arith.constant 0 : i32
    %dma_start3A_28 = arith.constant 0 : i32
    %dma_start3A_29 = arith.constant 0 : i32
    %dma_start3A_30 = arith.constant 0 : i32
    %dma_start3A_31 = tpu.memref_slice %arg8[%dma_start3A, %dma_start3A_28, %dma_start3A_29, %dma_start3A_30] : memref<4x8x8x256xf32, #tpu.memory_space<vmem>> -> memref<1x8x8x256xf32, #tpu.memory_space<vmem>>
    %dma_start3A_32 = tpu.memref_squeeze %dma_start3A_31 : memref<1x8x8x256xf32, #tpu.memory_space<vmem>> -> memref<8x8x256xf32, #tpu.memory_space<vmem>>
    %dma_start3A_33 = arith.constant 0 : i32
    %dma_start3A_34 = arith.constant 0 : i32
    %dma_start3A_35 = tpu.memref_slice %arg2[%dma_start3A_33, %dma_start3A_34, %multiple_of3A_26] : memref<8x8x1000000xf32, #tpu.memory_space<hbm>> -> memref<8x8x256xf32, #tpu.memory_space<hbm>>
    %dma_start3A_36 = tpu.memref_slice %arg11[%dma_start3A_27] : memref<2x!tpu.dma_semaphore, #tpu.memory_space<semaphore_mem>> -> memref<1x!tpu.dma_semaphore, #tpu.memory_space<semaphore_mem>>
    %dma_start3A_37 = tpu.memref_squeeze %dma_start3A_36 : memref<1x!tpu.dma_semaphore, #tpu.memory_space<semaphore_mem>> -> memref<!tpu.dma_semaphore, #tpu.memory_space<semaphore_mem>>
    %dma_start3A_38 = arith.constant 0 : i32
    %dma_start3A_39 = arith.constant 0 : i32
    %dma_start3A_40 = arith.constant 0 : i32
    %dma_start3A_41 = tpu.memref_slice %arg8[%dma_start3A, %dma_start3A_38, %dma_start3A_39, %dma_start3A_40] : memref<4x8x8x256xf32, #tpu.memory_space<vmem>> -> memref<1x8x8x256xf32, #tpu.memory_space<vmem>>
    %dma_start3A_42 = tpu.memref_squeeze %dma_start3A_41 : memref<1x8x8x256xf32, #tpu.memory_space<vmem>> -> memref<8x8x256xf32, #tpu.memory_space<vmem>>
    %dma_start3A_43 = arith.constant 0 : i32
    %dma_start3A_44 = arith.constant 0 : i32
    %dma_start3A_45 = tpu.memref_slice %arg2[%dma_start3A_43, %dma_start3A_44, %multiple_of3A_26] : memref<8x8x1000000xf32, #tpu.memory_space<hbm>> -> memref<8x8x256xf32, #tpu.memory_space<hbm>>
    tpu.enqueue_dma source(%dma_start3A_45 : memref<8x8x256xf32, #tpu.memory_space<hbm>>) target(%dma_start3A_42 : memref<8x8x256xf32, #tpu.memory_space<vmem>>) target_semaphore(%dma_start3A_37 : memref<!tpu.dma_semaphore, #tpu.memory_space<semaphore_mem>>)
    %add3A_46 = arith.constant 256 : i32
    %add3A_47 = arith.addi %multiple_of3A, %add3A_46 : i32
    %min3A_48 = arith.constant 999680 : i32
    %min3A_49 = arith.minsi %add3A_47, %min3A_48 : i32
    %multiple_of3A_50 = tpu.assume_multiple %min3A_49, 128 : i32
    %dma_start3A_51 = arith.constant 1 : i32
    %dma_start3A_52 = arith.constant 1 : i32
    %dma_start3A_53 = arith.constant 0 : i32
    %dma_start3A_54 = arith.constant 0 : i32
    %dma_start3A_55 = arith.constant 0 : i32
    %dma_start3A_56 = tpu.memref_slice %arg8[%dma_start3A_51, %dma_start3A_53, %dma_start3A_54, %dma_start3A_55] : memref<4x8x8x256xf32, #tpu.memory_space<vmem>> -> memref<1x8x8x256xf32, #tpu.memory_space<vmem>>
    %dma_start3A_57 = tpu.memref_squeeze %dma_start3A_56 : memref<1x8x8x256xf32, #tpu.memory_space<vmem>> -> memref<8x8x256xf32, #tpu.memory_space<vmem>>
    %dma_start3A_58 = arith.constant 0 : i32
    %dma_start3A_59 = arith.constant 0 : i32
    %dma_start3A_60 = tpu.memref_slice %arg2[%dma_start3A_58, %dma_start3A_59, %multiple_of3A_50] : memref<8x8x1000000xf32, #tpu.memory_space<hbm>> -> memref<8x8x256xf32, #tpu.memory_space<hbm>>
    %dma_start3A_61 = tpu.memref_slice %arg11[%dma_start3A_52] : memref<2x!tpu.dma_semaphore, #tpu.memory_space<semaphore_mem>> -> memref<1x!tpu.dma_semaphore, #tpu.memory_space<semaphore_mem>>
    %dma_start3A_62 = tpu.memref_squeeze %dma_start3A_61 : memref<1x!tpu.dma_semaphore, #tpu.memory_space<semaphore_mem>> -> memref<!tpu.dma_semaphore, #tpu.memory_space<semaphore_mem>>
    %dma_start3A_63 = arith.constant 0 : i32
    %dma_start3A_64 = arith.constant 0 : i32
    %dma_start3A_65 = arith.constant 0 : i32
    %dma_start3A_66 = tpu.memref_slice %arg8[%dma_start3A_51, %dma_start3A_63, %dma_start3A_64, %dma_start3A_65] : memref<4x8x8x256xf32, #tpu.memory_space<vmem>> -> memref<1x8x8x256xf32, #tpu.memory_space<vmem>>
    %dma_start3A_67 = tpu.memref_squeeze %dma_start3A_66 : memref<1x8x8x256xf32, #tpu.memory_space<vmem>> -> memref<8x8x256xf32, #tpu.memory_space<vmem>>
    %dma_start3A_68 = arith.constant 0 : i32
    %dma_start3A_69 = arith.constant 0 : i32
    %dma_start3A_70 = tpu.memref_slice %arg2[%dma_start3A_68, %dma_start3A_69, %multiple_of3A_50] : memref<8x8x1000000xf32, #tpu.memory_space<hbm>> -> memref<8x8x256xf32, #tpu.memory_space<hbm>>
    tpu.enqueue_dma source(%dma_start3A_70 : memref<8x8x256xf32, #tpu.memory_space<hbm>>) target(%dma_start3A_67 : memref<8x8x256xf32, #tpu.memory_space<vmem>>) target_semaphore(%dma_start3A_62 : memref<!tpu.dma_semaphore, #tpu.memory_space<semaphore_mem>>)
    %add3A_71 = arith.constant 512 : i32
    %add3A_72 = arith.addi %multiple_of3A, %add3A_71 : i32
    %min3A_73 = arith.constant 999680 : i32
    %min3A_74 = arith.minsi %add3A_72, %min3A_73 : i32
    %multiple_of3A_75 = tpu.assume_multiple %min3A_74, 128 : i32
    %dma_start3A_76 = arith.constant 2 : i32
    %dma_start3A_77 = arith.constant 2 : i32
    %dma_start3A_78 = arith.constant 0 : i32
    %dma_start3A_79 = arith.constant 0 : i32
    %dma_start3A_80 = arith.constant 0 : i32
    %dma_start3A_81 = tpu.memref_slice %arg8[%dma_start3A_76, %dma_start3A_78, %dma_start3A_79, %dma_start3A_80] : memref<4x8x8x256xf32, #tpu.memory_space<vmem>> -> memref<1x8x8x256xf32, #tpu.memory_space<vmem>>
    %dma_start3A_82 = tpu.memref_squeeze %dma_start3A_81 : memref<1x8x8x256xf32, #tpu.memory_space<vmem>> -> memref<8x8x256xf32, #tpu.memory_space<vmem>>
    %dma_start3A_83 = arith.constant 0 : i32
    %dma_start3A_84 = arith.constant 0 : i32
    %dma_start3A_85 = tpu.memref_slice %arg2[%dma_start3A_83, %dma_start3A_84, %multiple_of3A_75] : memref<8x8x1000000xf32, #tpu.memory_space<hbm>> -> memref<8x8x256xf32, #tpu.memory_space<hbm>>
    %dma_start3A_86 = tpu.memref_slice %arg11[%dma_start3A_77] : memref<2x!tpu.dma_semaphore, #tpu.memory_space<semaphore_mem>> -> memref<1x!tpu.dma_semaphore, #tpu.memory_space<semaphore_mem>>
    %dma_start3A_87 = tpu.memref_squeeze %dma_start3A_86 : memref<1x!tpu.dma_semaphore, #tpu.memory_space<semaphore_mem>> -> memref<!tpu.dma_semaphore, #tpu.memory_space<semaphore_mem>>
    %dma_start3A_88 = arith.constant 0 : i32
    %dma_start3A_89 = arith.constant 0 : i32
    %dma_start3A_90 = arith.constant 0 : i32
    %dma_start3A_91 = tpu.memref_slice %arg8[%dma_start3A_76, %dma_start3A_88, %dma_start3A_89, %dma_start3A_90] : memref<4x8x8x256xf32, #tpu.memory_space<vmem>> -> memref<1x8x8x256xf32, #tpu.memory_space<vmem>>
    %dma_start3A_92 = tpu.memref_squeeze %dma_start3A_91 : memref<1x8x8x256xf32, #tpu.memory_space<vmem>> -> memref<8x8x256xf32, #tpu.memory_space<vmem>>
    %dma_start3A_93 = arith.constant 0 : i32
    %dma_start3A_94 = arith.constant 0 : i32
    %dma_start3A_95 = tpu.memref_slice %arg2[%dma_start3A_93, %dma_start3A_94, %multiple_of3A_75] : memref<8x8x1000000xf32, #tpu.memory_space<hbm>> -> memref<8x8x256xf32, #tpu.memory_space<hbm>>
    tpu.enqueue_dma source(%dma_start3A_95 : memref<8x8x256xf32, #tpu.memory_space<hbm>>) target(%dma_start3A_92 : memref<8x8x256xf32, #tpu.memory_space<vmem>>) target_semaphore(%dma_start3A_87 : memref<!tpu.dma_semaphore, #tpu.memory_space<semaphore_mem>>)
    %add3A_96 = arith.constant 768 : i32
    %add3A_97 = arith.addi %multiple_of3A, %add3A_96 : i32
    %min3A_98 = arith.constant 999680 : i32
    %min3A_99 = arith.minsi %add3A_97, %min3A_98 : i32
    %multiple_of3A_100 = tpu.assume_multiple %min3A_99, 128 : i32
    %dma_start3A_101 = arith.constant 3 : i32
    %dma_start3A_102 = arith.constant 3 : i32
    %dma_start3A_103 = arith.constant 0 : i32
    %dma_start3A_104 = arith.constant 0 : i32
    %dma_start3A_105 = arith.constant 0 : i32
    %dma_start3A_106 = tpu.memref_slice %arg8[%dma_start3A_101, %dma_start3A_103, %dma_start3A_104, %dma_start3A_105] : memref<4x8x8x256xf32, #tpu.memory_space<vmem>> -> memref<1x8x8x256xf32, #tpu.memory_space<vmem>>
    %dma_start3A_107 = tpu.memref_squeeze %dma_start3A_106 : memref<1x8x8x256xf32, #tpu.memory_space<vmem>> -> memref<8x8x256xf32, #tpu.memory_space<vmem>>
    %dma_start3A_108 = arith.constant 0 : i32
    %dma_start3A_109 = arith.constant 0 : i32
    %dma_start3A_110 = tpu.memref_slice %arg2[%dma_start3A_108, %dma_start3A_109, %multiple_of3A_100] : memref<8x8x1000000xf32, #tpu.memory_space<hbm>> -> memref<8x8x256xf32, #tpu.memory_space<hbm>>
    %dma_start3A_111 = tpu.memref_slice %arg11[%dma_start3A_102] : memref<2x!tpu.dma_semaphore, #tpu.memory_space<semaphore_mem>> -> memref<1x!tpu.dma_semaphore, #tpu.memory_space<semaphore_mem>>
    %dma_start3A_112 = tpu.memref_squeeze %dma_start3A_111 : memref<1x!tpu.dma_semaphore, #tpu.memory_space<semaphore_mem>> -> memref<!tpu.dma_semaphore, #tpu.memory_space<semaphore_mem>>
    %dma_start3A_113 = arith.constant 0 : i32
    %dma_start3A_114 = arith.constant 0 : i32
    %dma_start3A_115 = arith.constant 0 : i32
    %dma_start3A_116 = tpu.memref_slice %arg8[%dma_start3A_101, %dma_start3A_113, %dma_start3A_114, %dma_start3A_115] : memref<4x8x8x256xf32, #tpu.memory_space<vmem>> -> memref<1x8x8x256xf32, #tpu.memory_space<vmem>>
    %dma_start3A_117 = tpu.memref_squeeze %dma_start3A_116 : memref<1x8x8x256xf32, #tpu.memory_space<vmem>> -> memref<8x8x256xf32, #tpu.memory_space<vmem>>
    %dma_start3A_118 = arith.constant 0 : i32
    %dma_start3A_119 = arith.constant 0 : i32
    %dma_start3A_120 = tpu.memref_slice %arg2[%dma_start3A_118, %dma_start3A_119, %multiple_of3A_100] : memref<8x8x1000000xf32, #tpu.memory_space<hbm>> -> memref<8x8x256xf32, #tpu.memory_space<hbm>>
    tpu.enqueue_dma source(%dma_start3A_120 : memref<8x8x256xf32, #tpu.memory_space<hbm>>) target(%dma_start3A_117 : memref<8x8x256xf32, #tpu.memory_space<vmem>>) target_semaphore(%dma_start3A_112 : memref<!tpu.dma_semaphore, #tpu.memory_space<semaphore_mem>>)
    "tpu.region"() ({
      %run_scoped3A = tpu.sem_alloc : memref<!tpu.dma_semaphore, #tpu.memory_space<semaphore_mem>>
      tpu.enqueue_dma source(%arg3 : memref<16384xi32, #tpu.memory_space<hbm>>) target(%arg6 : memref<16384xi32, #tpu.memory_space<vmem>>) target_semaphore(%run_scoped3A : memref<!tpu.dma_semaphore, #tpu.memory_space<semaphore_mem>>)
      tpu.wait_dma2 semaphore(%run_scoped3A : memref<!tpu.dma_semaphore, #tpu.memory_space<semaphore_mem>>) src(%arg3 : memref<16384xi32, #tpu.memory_space<hbm>>) dst(%arg6 : memref<16384xi32, #tpu.memory_space<vmem>>)
      tpu.yield
    }) : () -> ()
    "tpu.region"() ({
      %run_scoped3A = tpu.sem_alloc : memref<!tpu.dma_semaphore, #tpu.memory_space<semaphore_mem>>
      tpu.enqueue_dma source(%arg4 : memref<64x64xf32, #tpu.memory_space<hbm>>) target(%arg10 : memref<64x64xf32, #tpu.memory_space<vmem>>) target_semaphore(%run_scoped3A : memref<!tpu.dma_semaphore, #tpu.memory_space<semaphore_mem>>)
      tpu.wait_dma2 semaphore(%run_scoped3A : memref<!tpu.dma_semaphore, #tpu.memory_space<semaphore_mem>>) src(%arg4 : memref<64x64xf32, #tpu.memory_space<hbm>>) dst(%arg10 : memref<64x64xf32, #tpu.memory_space<vmem>>)
      tpu.yield
    }) : () -> ()
    %scan3A = arith.constant 0 : i32
    %scan3A_121 = arith.constant 0 : i32
    %scan3A_122 = arith.constant 1024 : i32
    %scan3A_123 = arith.addi %scan3A_121, %scan3A_122 : i32
    %scan3A_124 = arith.constant 1 : i32
    %scan3A_125 = scf.for %scan3A_173 = %scan3A_121 to %scan3A_123 step %scan3A_124 iter_args(%scan3A_174 = %scan3A) -> (i32)  : i32 {
      %mul3A_175 = arith.constant 16 : i32
      %mul3A_176 = arith.muli %scan3A_173, %mul3A_175 : i32
      %get3A = arith.index_cast %mul3A_176 : i32 to index
      %get3A_177 = tpu.vector_load %arg6[%get3A] {strides = array<i32>} : memref<16384xi32, #tpu.memory_space<vmem>>, vector<16xi32>,
      %mul3A_178 = arith.constant 16 : i32
      %mul3A_179 = arith.muli %scan3A_173, %mul3A_178 : i32
      %add3A_180 = vector.broadcast %mul3A_179 : i32 to vector<16xi32>
      %add3A_181 = arith.addi %add3A_180, %iota3A : vector<16xi32>
      %ge3A = vector.broadcast %mul3A_2 : i32 to vector<16xi32>
      %ge3A_182 = arith.cmpi sge, %get3A_177, %ge3A : vector<16xi32>
      %lt3A = vector.broadcast %add3A_4 : i32 to vector<16xi32>
      %lt3A_183 = arith.cmpi slt, %get3A_177, %lt3A : vector<16xi32>
      %and3A_184 = arith.andi %ge3A_182, %lt3A_183 : vector<16xi1>
      %sub3A_185 = vector.broadcast %multiple_of3A : i32 to vector<16xi32>
      %sub3A_186 = arith.subi %get3A_177, %sub3A_185 : vector<16xi32>
      %shift_left3A = arith.constant 14 : i32
      %shift_left3A_187 = vector.broadcast %shift_left3A : i32 to vector<16xi32>
      %shift_left3A_188 = arith.shli %sub3A_186, %shift_left3A_187 : vector<16xi32>
      %or3A = arith.ori %shift_left3A_188, %add3A_181 : vector<16xi32>
      %swap3A_189 = arith.index_cast %scan3A_174 : i32 to index
      %swap3A_190 = tpu.vector_load %arg7[%swap3A_189] masked %and3A_184 {strides = array<i32>} : memref<16416xi32, #tpu.memory_space<vmem>>, vector<16xi32>, vector<16xi1>
      tpu.vector_store %arg7[%swap3A_189], %or3A masked %and3A_184 {strides = array<i32>} : memref<16416xi32, #tpu.memory_space<vmem>>, vector<16xi32>, vector<16xi1>
      %all_reduce_population_count3A = tpu.all_reduce %and3A_184 {dim = 0 : i64, kind = #tpu.reduction_kind<sum>} : vector<16xi1> -> vector<16xi32>
      %slice3A = vector.extract_strided_slice %all_reduce_population_count3A {offsets = [0], sizes = [1], strides = [1]} : vector<16xi32> to vector<1xi32>
      %squeeze3A = vector.extract %slice3A[0] : i32 from vector<1xi32>
      %add3A_191 = arith.addi %scan3A_174, %squeeze3A : i32
      scf.yield %add3A_191 : i32
    }
    %scan3A_126 = arith.constant 1024 : i32
    %broadcast_in_dim3A = arith.constant 2147483632 : i32
    %broadcast_in_dim3A_127 = vector.broadcast %broadcast_in_dim3A : i32 to vector<16xi32>
    %swap3A = arith.index_cast %scan3A_125 : i32 to index
    %swap3A_128 = tpu.vector_load %arg7[%swap3A] {strides = array<i32>} : memref<16416xi32, #tpu.memory_space<vmem>>, vector<16xi32>,
    tpu.vector_store %arg7[%swap3A], %broadcast_in_dim3A_127 {strides = array<i32>} : memref<16416xi32, #tpu.memory_space<vmem>>, vector<16xi32>,
    %add3A_129 = arith.constant 15 : i32
    %add3A_130 = arith.addi %scan3A_125, %add3A_129 : i32
    %jit3A_131 = arith.constant 16 : i32
    %div3A_132 = arith.divsi %add3A_130, %jit3A_131 : i32
    %sign3A_133 = arith.constant 0 : i32
    %sign3A_134 = arith.cmpi sgt, %add3A_130, %sign3A_133 : i32
    %sign3A_135 = arith.extui %sign3A_134 : i1 to i32
    %sign3A_136 = arith.constant 0 : i32
    %sign3A_137 = arith.cmpi slt, %add3A_130, %sign3A_136 : i32
    %sign3A_138 = arith.extui %sign3A_137 : i1 to i32
    %sign3A_139 = arith.subi %sign3A_135, %sign3A_138 : i32
    %sign3A_140 = arith.constant 0 : i32
    %sign3A_141 = arith.cmpi sgt, %jit3A_131, %sign3A_140 : i32
    %sign3A_142 = arith.extui %sign3A_141 : i1 to i32
    %sign3A_143 = arith.constant 0 : i32
    %sign3A_144 = arith.cmpi slt, %jit3A_131, %sign3A_143 : i32
    %sign3A_145 = arith.extui %sign3A_144 : i1 to i32
    %sign3A_146 = arith.subi %sign3A_142, %sign3A_145 : i32
    %ne3A_147 = arith.cmpi ne, %sign3A_139, %sign3A_146 : i32
    %rem3A_148 = arith.remsi %add3A_130, %jit3A_131 : i32
    %ne3A_149 = arith.constant 0 : i32
    %ne3A_150 = arith.cmpi ne, %rem3A_148, %ne3A_149 : i32
    %and3A_151 = arith.andi %ne3A_147, %ne3A_150 : i1
    %sub3A_152 = arith.constant 1 : i32
    %sub3A_153 = arith.subi %div3A_132, %sub3A_152 : i32
    %select_n3A_154 = arith.select %and3A_151, %sub3A_153, %div3A_132 : i32
    %scan3A_155 = arith.constant 0 : i32
    %scan3A_156 = arith.constant 0 : i32
    %scan3A_157 = arith.constant 31 : i32
    %scan3A_158 = arith.addi %scan3A_156, %scan3A_157 : i32
    %scan3A_159 = arith.constant 1 : i32
    %scan3A_160 = scf.for %scan3A_173 = %scan3A_156 to %scan3A_158 step %scan3A_159 iter_args(%scan3A_174 = %scan3A_155) -> (i32)  : i32 {
      %mul3A_175 = arith.constant 4 : i32
      %mul3A_176 = arith.muli %mul3A_175, %scan3A_173 : i32
      %add3A_177 = arith.constant 0 : i32
      %add3A_178 = arith.addi %mul3A_176, %add3A_177 : i32
      %dma_wait3A = arith.constant 0 : i32
      %dma_wait3A_179 = arith.constant 0 : i32
      %dma_wait3A_180 = arith.constant 0 : i32
      %dma_wait3A_181 = arith.constant 0 : i32
      %dma_wait3A_182 = arith.constant 0 : i32
      %dma_wait3A_183 = tpu.memref_slice %arg8[%dma_wait3A, %dma_wait3A_180, %dma_wait3A_181, %dma_wait3A_182] : memref<4x8x8x256xf32, #tpu.memory_space<vmem>> -> memref<1x8x8x256xf32, #tpu.memory_space<vmem>>
      %dma_wait3A_184 = tpu.memref_squeeze %dma_wait3A_183 : memref<1x8x8x256xf32, #tpu.memory_space<vmem>> -> memref<8x8x256xf32, #tpu.memory_space<vmem>>
      %dma_wait3A_185 = arith.constant 0 : i32
      %dma_wait3A_186 = arith.constant 0 : i32
      %dma_wait3A_187 = arith.constant 0 : i32
      %dma_wait3A_188 = tpu.memref_slice %arg2[%dma_wait3A_185, %dma_wait3A_186, %dma_wait3A_187] : memref<8x8x1000000xf32, #tpu.memory_space<hbm>> -> memref<8x8x256xf32, #tpu.memory_space<hbm>>
      %dma_wait3A_189 = tpu.memref_slice %arg11[%dma_wait3A_179] : memref<2x!tpu.dma_semaphore, #tpu.memory_space<semaphore_mem>> -> memref<1x!tpu.dma_semaphore, #tpu.memory_space<semaphore_mem>>
      %dma_wait3A_190 = tpu.memref_squeeze %dma_wait3A_189 : memref<1x!tpu.dma_semaphore, #tpu.memory_space<semaphore_mem>> -> memref<!tpu.dma_semaphore, #tpu.memory_space<semaphore_mem>>
      %dma_wait3A_191 = arith.constant 0 : i32
      %dma_wait3A_192 = arith.constant 0 : i32
      %dma_wait3A_193 = arith.constant 0 : i32
      %dma_wait3A_194 = tpu.memref_slice %arg8[%dma_wait3A, %dma_wait3A_191, %dma_wait3A_192, %dma_wait3A_193] : memref<4x8x8x256xf32, #tpu.memory_space<vmem>> -> memref<1x8x8x256xf32, #tpu.memory_space<vmem>>
      %dma_wait3A_195 = tpu.memref_squeeze %dma_wait3A_194 : memref<1x8x8x256xf32, #tpu.memory_space<vmem>> -> memref<8x8x256xf32, #tpu.memory_space<vmem>>
      %dma_wait3A_196 = arith.constant 0 : i32
      %dma_wait3A_197 = arith.constant 0 : i32
      %dma_wait3A_198 = arith.constant 0 : i32
      %dma_wait3A_199 = tpu.memref_slice %arg2[%dma_wait3A_196, %dma_wait3A_197, %dma_wait3A_198] : memref<8x8x1000000xf32, #tpu.memory_space<hbm>> -> memref<8x8x256xf32, #tpu.memory_space<hbm>>
      tpu.wait_dma2 semaphore(%dma_wait3A_190 : memref<!tpu.dma_semaphore, #tpu.memory_space<semaphore_mem>>) src(%dma_wait3A_199 : memref<8x8x256xf32, #tpu.memory_space<hbm>>) dst(%dma_wait3A_195 : memref<8x8x256xf32, #tpu.memory_space<vmem>>)
      %mul3A_200 = arith.constant 256 : i32
      %mul3A_201 = arith.muli %add3A_178, %mul3A_200 : i32
      %add3A_202 = arith.addi %multiple_of3A, %mul3A_201 : i32
      %mul3A_203 = arith.constant 256 : i32
      %mul3A_204 = arith.muli %add3A_178, %mul3A_203 : i32
      %add3A_205 = arith.addi %multiple_of3A, %mul3A_204 : i32
      %min3A_206 = arith.constant 999680 : i32
      %min3A_207 = arith.minsi %add3A_205, %min3A_206 : i32
      %multiple_of3A_208 = tpu.assume_multiple %min3A_207, 128 : i32
      %sub3A_209 = arith.subi %add3A_202, %multiple_of3A : i32
      %shift_left3A = arith.constant 14 : i32
      %shift_left3A_210 = arith.shli %sub3A_209, %shift_left3A : i32
      %sub3A_211 = arith.subi %add3A_202, %multiple_of3A : i32
      %add3A_212 = arith.constant 256 : i32
      %add3A_213 = arith.addi %sub3A_211, %add3A_212 : i32
      %shift_left3A_214 = arith.constant 14 : i32
      %shift_left3A_215 = arith.shli %add3A_213, %shift_left3A_214 : i32
      %lt3A = arith.constant 999936 : i32
      %lt3A_216 = arith.cmpi slt, %add3A_202, %lt3A : i32
      %convert_element_type3A = arith.extui %lt3A_216 : i1 to i32
      %cond3A = arith.constant 0 : i32
      %cond3A_217 = arith.cmpi ne, %convert_element_type3A, %cond3A : i32
      %cond3A_218 = scf.if %cond3A_217 -> (i32) {
        %while3A_394 = arith.constant 0 : i32
        %while3A_395 = arith.subi %select_n3A_154, %while3A_394 : i32
        %while3A_396 = arith.addi %while3A_394, %while3A_395 : i32
        %while3A_397 = arith.constant 1 : i32
        %while3A_398 = arith.divsi %while3A_395, %while3A_397 : i32
        %while3A_399 = arith.muli %while3A_398, %while3A_397 : i32
        %while3A_400 = arith.addi %while3A_394, %while3A_399 : i32
        %while3A_401 = arith.constant 1 : i32
        %while3A_402 = scf.for %while3A_405 = %while3A_394 to %while3A_400 step %while3A_401 iter_args(%while3A_406 = %scan3A_174) -> (i32)  : i32 {
          %mul3A_407 = arith.constant 16 : i32
          %mul3A_408 = arith.muli %while3A_405, %mul3A_407 : i32
          %get3A = arith.index_cast %mul3A_408 : i32 to index
          %get3A_409 = tpu.vector_load %arg7[%get3A] {strides = array<i32>} : memref<16416xi32, #tpu.memory_space<vmem>>, vector<16xi32>,
          %ge3A = vector.broadcast %shift_left3A_210 : i32 to vector<16xi32>
          %ge3A_410 = arith.cmpi sge, %get3A_409, %ge3A : vector<16xi32>
          %lt3A_411 = vector.broadcast %shift_left3A_215 : i32 to vector<16xi32>
          %lt3A_412 = arith.cmpi slt, %get3A_409, %lt3A_411 : vector<16xi32>
          %and3A_413 = arith.andi %ge3A_410, %lt3A_412 : vector<16xi1>
          %jit3A_414 = arith.constant 1 : i32
          %jit3A_415 = arith.constant 0 : i32
          %broadcast_in_dim3A_416 = vector.broadcast %jit3A_414 : i32 to vector<16xi32>
          %broadcast_in_dim3A_417 = vector.broadcast %jit3A_415 : i32 to vector<16xi32>
          %select_n3A_418 = arith.select %and3A_413, %broadcast_in_dim3A_416, %broadcast_in_dim3A_417 : vector<16xi1>, vector<16xi32>
          %all_reduce_population_count3A = tpu.all_reduce %and3A_413 {dim = 0 : i64, kind = #tpu.reduction_kind<sum>} : vector<16xi1> -> vector<16xi32>
          %slice3A = vector.extract_strided_slice %all_reduce_population_count3A {offsets = [0], sizes = [1], strides = [1]} : vector<16xi32> to vector<1xi32>
          %squeeze3A = vector.extract %slice3A[0] : i32 from vector<1xi32>
          %while3A_419:3 = scf.while (%while3A_420 = %select_n3A_418, %while3A_421 = %squeeze3A, %while3A_422 = %while3A_406) : (vector<16xi32>, i32, i32) -> (vector<16xi32>, i32, i32) {
            %gt3A = arith.constant 0 : i32
            %gt3A_423 = arith.cmpi sgt, %while3A_421, %gt3A : i32
            scf.condition(%gt3A_423) %while3A_420, %while3A_421, %while3A_422 : vector<16xi32>, i32, i32
          } do {
          ^bb0(%while3A_420: vector<16xi32>, %while3A_421: i32, %while3A_422: i32):
            %ne3A_423 = arith.constant 0 : i32
            %ne3A_424 = vector.broadcast %ne3A_423 : i32 to vector<16xi32>
            %ne3A_425 = arith.cmpi ne, %while3A_420, %ne3A_424 : vector<16xi32>
            %all_reduce_ffs3A = tpu.all_reduce %ne3A_425 {dim = 0 : i64, kind = #tpu.reduction_kind<find_first_set>} : vector<16xi1> -> vector<16xi32>
            %mul3A_426 = arith.constant 16 : i32
            %mul3A_427 = arith.muli %while3A_405, %mul3A_426 : i32
            %add3A_428 = vector.broadcast %mul3A_427 : i32 to vector<16xi32>
            %add3A_429 = arith.addi %add3A_428, %all_reduce_ffs3A : vector<16xi32>
            %gather3A = tpu.vector_load_idx %arg7[%add3A_429] : memref<16416xi32, #tpu.memory_space<vmem>>[vector<16xi32>], vector<16xi32>,
            %slice3A_430 = vector.extract_strided_slice %gather3A {offsets = [0], sizes = [1], strides = [1]} : vector<16xi32> to vector<1xi32>
            %squeeze3A_431 = vector.extract %slice3A_430[0] : i32 from vector<1xi32>
            %shift_right_logical3A = arith.constant 14 : i32
            %shift_right_logical3A_432 = arith.shrui %squeeze3A_431, %shift_right_logical3A : i32
            %add3A_433 = arith.addi %multiple_of3A, %shift_right_logical3A_432 : i32
            %and3A_434 = arith.constant 16383 : i32
            %and3A_435 = arith.andi %squeeze3A_431, %and3A_434 : i32
            %sub3A_436 = arith.subi %add3A_433, %multiple_of3A_208 : i32
            %broadcast_in_dim3A_437 = vector.broadcast %sub3A_436 : i32 to vector<16xi32>
            %add3A_438 = arith.constant 0 : i32
            %add3A_439 = vector.broadcast %add3A_438 : i32 to vector<16xi32>
            %add3A_440 = arith.addi %add3A_439, %iota3A : vector<16xi32>
            %shift_right_logical3A_441 = arith.constant 3 : i32
            %shift_right_logical3A_442 = vector.broadcast %shift_right_logical3A_441 : i32 to vector<16xi32>
            %shift_right_logical3A_443 = arith.shrui %add3A_440, %shift_right_logical3A_442 : vector<16xi32>
            %and3A_444 = arith.constant 7 : i32
            %and3A_445 = vector.broadcast %and3A_444 : i32 to vector<16xi32>
            %and3A_446 = arith.andi %add3A_440, %and3A_445 : vector<16xi32>
            %gather3A_447 = arith.constant 0 : i32
            %gather3A_448 = arith.constant 0 : i32
            %gather3A_449 = arith.constant 0 : i32
            %gather3A_450 = arith.constant 0 : i32
            %gather3A_451 = tpu.memref_slice %arg8[%gather3A_447, %gather3A_448, %gather3A_449, %gather3A_450] : memref<4x8x8x256xf32, #tpu.memory_space<vmem>> -> memref<1x8x8x256xf32, #tpu.memory_space<vmem>>
            %gather3A_452 = tpu.memref_squeeze %gather3A_451 : memref<1x8x8x256xf32, #tpu.memory_space<vmem>> -> memref<8x8x256xf32, #tpu.memory_space<vmem>>
            %gather3A_453 = tpu.vector_load_idx %gather3A_452[%shift_right_logical3A_443, %and3A_446, %broadcast_in_dim3A_437] : memref<8x8x256xf32, #tpu.memory_space<vmem>>[vector<16xi32>, vector<16xi32>, vector<16xi32>], vector<16xf32>,
            %add3A_454 = arith.constant 16 : i32
            %add3A_455 = vector.broadcast %add3A_454 : i32 to vector<16xi32>
            %add3A_456 = arith.addi %add3A_455, %iota3A : vector<16xi32>
            %shift_right_logical3A_457 = arith.constant 3 : i32
            %shift_right_logical3A_458 = vector.broadcast %shift_right_logical3A_457 : i32 to vector<16xi32>
            %shift_right_logical3A_459 = arith.shrui %add3A_456, %shift_right_logical3A_458 : vector<16xi32>
            %and3A_460 = arith.constant 7 : i32
            %and3A_461 = vector.broadcast %and3A_460 : i32 to vector<16xi32>
            %and3A_462 = arith.andi %add3A_456, %and3A_461 : vector<16xi32>
            %gather3A_463 = arith.constant 0 : i32
            %gather3A_464 = arith.constant 0 : i32
            %gather3A_465 = arith.constant 0 : i32
            %gather3A_466 = arith.constant 0 : i32
            %gather3A_467 = tpu.memref_slice %arg8[%gather3A_463, %gather3A_464, %gather3A_465, %gather3A_466] : memref<4x8x8x256xf32, #tpu.memory_space<vmem>> -> memref<1x8x8x256xf32, #tpu.memory_space<vmem>>
            %gather3A_468 = tpu.memref_squeeze %gather3A_467 : memref<1x8x8x256xf32, #tpu.memory_space<vmem>> -> memref<8x8x256xf32, #tpu.memory_space<vmem>>
            %gather3A_469 = tpu.vector_load_idx %gather3A_468[%shift_right_logical3A_459, %and3A_462, %broadcast_in_dim3A_437] : memref<8x8x256xf32, #tpu.memory_space<vmem>>[vector<16xi32>, vector<16xi32>, vector<16xi32>], vector<16xf32>,
            %add3A_470 = arith.constant 32 : i32
            %add3A_471 = vector.broadcast %add3A_470 : i32 to vector<16xi32>
            %add3A_472 = arith.addi %add3A_471, %iota3A : vector<16xi32>
            %shift_right_logical3A_473 = arith.constant 3 : i32
            %shift_right_logical3A_474 = vector.broadcast %shift_right_logical3A_473 : i32 to vector<16xi32>
            %shift_right_logical3A_475 = arith.shrui %add3A_472, %shift_right_logical3A_474 : vector<16xi32>
            %and3A_476 = arith.constant 7 : i32
            %and3A_477 = vector.broadcast %and3A_476 : i32 to vector<16xi32>
            %and3A_478 = arith.andi %add3A_472, %and3A_477 : vector<16xi32>
            %gather3A_479 = arith.constant 0 : i32
            %gather3A_480 = arith.constant 0 : i32
            %gather3A_481 = arith.constant 0 : i32
            %gather3A_482 = arith.constant 0 : i32
            %gather3A_483 = tpu.memref_slice %arg8[%gather3A_479, %gather3A_480, %gather3A_481, %gather3A_482] : memref<4x8x8x256xf32, #tpu.memory_space<vmem>> -> memref<1x8x8x256xf32, #tpu.memory_space<vmem>>
            %gather3A_484 = tpu.memref_squeeze %gather3A_483 : memref<1x8x8x256xf32, #tpu.memory_space<vmem>> -> memref<8x8x256xf32, #tpu.memory_space<vmem>>
            %gather3A_485 = tpu.vector_load_idx %gather3A_484[%shift_right_logical3A_475, %and3A_478, %broadcast_in_dim3A_437] : memref<8x8x256xf32, #tpu.memory_space<vmem>>[vector<16xi32>, vector<16xi32>, vector<16xi32>], vector<16xf32>,
            %add3A_486 = arith.constant 48 : i32
            %add3A_487 = vector.broadcast %add3A_486 : i32 to vector<16xi32>
            %add3A_488 = arith.addi %add3A_487, %iota3A : vector<16xi32>
            %shift_right_logical3A_489 = arith.constant 3 : i32
            %shift_right_logical3A_490 = vector.broadcast %shift_right_logical3A_489 : i32 to vector<16xi32>
            %shift_right_logical3A_491 = arith.shrui %add3A_488, %shift_right_logical3A_490 : vector<16xi32>
            %and3A_492 = arith.constant 7 : i32
            %and3A_493 = vector.broadcast %and3A_492 : i32 to vector<16xi32>
            %and3A_494 = arith.andi %add3A_488, %and3A_493 : vector<16xi32>
            %gather3A_495 = arith.constant 0 : i32
            %gather3A_496 = arith.constant 0 : i32
            %gather3A_497 = arith.constant 0 : i32
            %gather3A_498 = arith.constant 0 : i32
            %gather3A_499 = tpu.memref_slice %arg8[%gather3A_495, %gather3A_496, %gather3A_497, %gather3A_498] : memref<4x8x8x256xf32, #tpu.memory_space<vmem>> -> memref<1x8x8x256xf32, #tpu.memory_space<vmem>>
            %gather3A_500 = tpu.memref_squeeze %gather3A_499 : memref<1x8x8x256xf32, #tpu.memory_space<vmem>> -> memref<8x8x256xf32, #tpu.memory_space<vmem>>
            %gather3A_501 = tpu.vector_load_idx %gather3A_500[%shift_right_logical3A_491, %and3A_494, %broadcast_in_dim3A_437] : memref<8x8x256xf32, #tpu.memory_space<vmem>>[vector<16xi32>, vector<16xi32>, vector<16xi32>], vector<16xf32>,
            %and3A_502 = arith.constant 15 : i32
            %and3A_503 = arith.andi %while3A_422, %and3A_502 : i32
            %ge3A_504 = arith.constant 16 : i32
            %ge3A_505 = arith.cmpi sge, %while3A_422, %ge3A_504 : i32
            %convert_element_type3A_506 = arith.extui %ge3A_505 : i1 to i32
            %cond3A_507 = arith.constant 0 : i32
            %cond3A_508 = arith.cmpi ne, %convert_element_type3A_506, %cond3A_507 : i32
            scf.if %cond3A_508 {
              %dma_wait3A_536 = arith.constant 0 : i32
              %dma_wait3A_537 = arith.constant 0 : i32
              %dma_wait3A_538 = tpu.memref_slice %arg9[%dma_wait3A_536, %dma_wait3A_537] : memref<16x64xf32, #tpu.memory_space<vmem>> -> memref<1x64xf32, #tpu.memory_space<vmem>>
              %dma_wait3A_539 = arith.constant 0 : i32
              %dma_wait3A_540 = arith.constant 0 : i32
              %dma_wait3A_541 = tpu.memref_slice %arg5[%dma_wait3A_539, %dma_wait3A_540] : memref<16384x64xf32, #tpu.memory_space<hbm>> -> memref<1x64xf32, #tpu.memory_space<hbm>>
              %dma_wait3A_542 = arith.constant 0 : i32
              %dma_wait3A_543 = arith.constant 0 : i32
              %dma_wait3A_544 = tpu.memref_slice %arg5[%dma_wait3A_542, %dma_wait3A_543] : memref<16384x64xf32, #tpu.memory_space<hbm>> -> memref<1x64xf32, #tpu.memory_space<hbm>>
              %dma_wait3A_545 = arith.constant 0 : i32
              %dma_wait3A_546 = arith.constant 0 : i32
              %dma_wait3A_547 = tpu.memref_slice %arg9[%dma_wait3A_545, %dma_wait3A_546] : memref<16x64xf32, #tpu.memory_space<vmem>> -> memref<1x64xf32, #tpu.memory_space<vmem>>
              tpu.wait_dma2 semaphore(%arg12 : memref<!tpu.dma_semaphore, #tpu.memory_space<semaphore_mem>>) src(%dma_wait3A_547 : memref<1x64xf32, #tpu.memory_space<vmem>>) dst(%dma_wait3A_544 : memref<1x64xf32, #tpu.memory_space<hbm>>)
            } else {
            }
            %swap3A_509 = arith.index_cast %and3A_503 : i32 to index
            %swap3A_510 = arith.constant 0 : index
            %swap3A_511 = tpu.vector_load %arg9[%swap3A_509, %swap3A_510] {strides = array<i32>} : memref<16x64xf32, #tpu.memory_space<vmem>>, vector<16xf32>,
            tpu.vector_store %arg9[%swap3A_509, %swap3A_510], %gather3A_453 {strides = array<i32>} : memref<16x64xf32, #tpu.memory_space<vmem>>, vector<16xf32>,
            %swap3A_512 = arith.index_cast %and3A_503 : i32 to index
            %swap3A_513 = arith.constant 16 : index
            %swap3A_514 = tpu.vector_load %arg9[%swap3A_512, %swap3A_513] {strides = array<i32>} : memref<16x64xf32, #tpu.memory_space<vmem>>, vector<16xf32>,
            tpu.vector_store %arg9[%swap3A_512, %swap3A_513], %gather3A_469 {strides = array<i32>} : memref<16x64xf32, #tpu.memory_space<vmem>>, vector<16xf32>,
            %swap3A_515 = arith.index_cast %and3A_503 : i32 to index
            %swap3A_516 = arith.constant 32 : index
            %swap3A_517 = tpu.vector_load %arg9[%swap3A_515, %swap3A_516] {strides = array<i32>} : memref<16x64xf32, #tpu.memory_space<vmem>>, vector<16xf32>,
            tpu.vector_store %arg9[%swap3A_515, %swap3A_516], %gather3A_485 {strides = array<i32>} : memref<16x64xf32, #tpu.memory_space<vmem>>, vector<16xf32>,
            %swap3A_518 = arith.index_cast %and3A_503 : i32 to index
            %swap3A_519 = arith.constant 48 : index
            %swap3A_520 = tpu.vector_load %arg9[%swap3A_518, %swap3A_519] {strides = array<i32>} : memref<16x64xf32, #tpu.memory_space<vmem>>, vector<16xf32>,
            tpu.vector_store %arg9[%swap3A_518, %swap3A_519], %gather3A_501 {strides = array<i32>} : memref<16x64xf32, #tpu.memory_space<vmem>>, vector<16xf32>,
            %dma_start3A_521 = arith.constant 0 : i32
            %dma_start3A_522 = tpu.memref_slice %arg9[%and3A_503, %dma_start3A_521] : memref<16x64xf32, #tpu.memory_space<vmem>> -> memref<1x64xf32, #tpu.memory_space<vmem>>
            %dma_start3A_523 = arith.constant 0 : i32
            %dma_start3A_524 = tpu.memref_slice %arg5[%and3A_435, %dma_start3A_523] : memref<16384x64xf32, #tpu.memory_space<hbm>> -> memref<1x64xf32, #tpu.memory_space<hbm>>
            %dma_start3A_525 = arith.constant 0 : i32
            %dma_start3A_526 = tpu.memref_slice %arg5[%and3A_435, %dma_start3A_525] : memref<16384x64xf32, #tpu.memory_space<hbm>> -> memref<1x64xf32, #tpu.memory_space<hbm>>
            %dma_start3A_527 = arith.constant 0 : i32
            %dma_start3A_528 = tpu.memref_slice %arg9[%and3A_503, %dma_start3A_527] : memref<16x64xf32, #tpu.memory_space<vmem>> -> memref<1x64xf32, #tpu.memory_space<vmem>>
            tpu.enqueue_dma source(%dma_start3A_528 : memref<1x64xf32, #tpu.memory_space<vmem>>) target(%dma_start3A_526 : memref<1x64xf32, #tpu.memory_space<hbm>>) target_semaphore(%arg12 : memref<!tpu.dma_semaphore, #tpu.memory_space<semaphore_mem>>)
            %add3A_529 = arith.constant 1 : i32
            %add3A_530 = arith.addi %while3A_422, %add3A_529 : i32
            %eq3A = arith.cmpi eq, %iota3A, %all_reduce_ffs3A : vector<16xi32>
            %jit3A_531 = arith.constant 0 : i32
            %broadcast_in_dim3A_532 = vector.broadcast %jit3A_531 : i32 to vector<16xi32>
            %select_n3A_533 = arith.select %eq3A, %broadcast_in_dim3A_532, %while3A_420 : vector<16xi1>, vector<16xi32>
            %sub3A_534 = arith.constant 1 : i32
            %sub3A_535 = arith.subi %while3A_421, %sub3A_534 : i32
            scf.yield %select_n3A_533, %sub3A_535, %add3A_530 : vector<16xi32>, i32, i32
          }
          scf.yield %while3A_419#2 : i32
        }
        %while3A_403 = arith.constant 1 : i32
        %while3A_404 = scf.for %while3A_405 = %while3A_400 to %while3A_396 step %while3A_403 iter_args(%while3A_406 = %while3A_402) -> (i32)  : i32 {
          %mul3A_407 = arith.constant 16 : i32
          %mul3A_408 = arith.muli %while3A_405, %mul3A_407 : i32
          %get3A = arith.index_cast %mul3A_408 : i32 to index
          %get3A_409 = tpu.vector_load %arg7[%get3A] {strides = array<i32>} : memref<16416xi32, #tpu.memory_space<vmem>>, vector<16xi32>,
          %ge3A = vector.broadcast %shift_left3A_210 : i32 to vector<16xi32>
          %ge3A_410 = arith.cmpi sge, %get3A_409, %ge3A : vector<16xi32>
          %lt3A_411 = vector.broadcast %shift_left3A_215 : i32 to vector<16xi32>
          %lt3A_412 = arith.cmpi slt, %get3A_409, %lt3A_411 : vector<16xi32>
          %and3A_413 = arith.andi %ge3A_410, %lt3A_412 : vector<16xi1>
          %jit3A_414 = arith.constant 1 : i32
          %jit3A_415 = arith.constant 0 : i32
          %broadcast_in_dim3A_416 = vector.broadcast %jit3A_414 : i32 to vector<16xi32>
          %broadcast_in_dim3A_417 = vector.broadcast %jit3A_415 : i32 to vector<16xi32>
          %select_n3A_418 = arith.select %and3A_413, %broadcast_in_dim3A_416, %broadcast_in_dim3A_417 : vector<16xi1>, vector<16xi32>
          %all_reduce_population_count3A = tpu.all_reduce %and3A_413 {dim = 0 : i64, kind = #tpu.reduction_kind<sum>} : vector<16xi1> -> vector<16xi32>
          %slice3A = vector.extract_strided_slice %all_reduce_population_count3A {offsets = [0], sizes = [1], strides = [1]} : vector<16xi32> to vector<1xi32>
          %squeeze3A = vector.extract %slice3A[0] : i32 from vector<1xi32>
          %while3A_419:3 = scf.while (%while3A_420 = %select_n3A_418, %while3A_421 = %squeeze3A, %while3A_422 = %while3A_406) : (vector<16xi32>, i32, i32) -> (vector<16xi32>, i32, i32) {
            %gt3A = arith.constant 0 : i32
            %gt3A_423 = arith.cmpi sgt, %while3A_421, %gt3A : i32
            scf.condition(%gt3A_423) %while3A_420, %while3A_421, %while3A_422 : vector<16xi32>, i32, i32
          } do {
          ^bb0(%while3A_420: vector<16xi32>, %while3A_421: i32, %while3A_422: i32):
            %ne3A_423 = arith.constant 0 : i32
            %ne3A_424 = vector.broadcast %ne3A_423 : i32 to vector<16xi32>
            %ne3A_425 = arith.cmpi ne, %while3A_420, %ne3A_424 : vector<16xi32>
            %all_reduce_ffs3A = tpu.all_reduce %ne3A_425 {dim = 0 : i64, kind = #tpu.reduction_kind<find_first_set>} : vector<16xi1> -> vector<16xi32>
            %mul3A_426 = arith.constant 16 : i32
            %mul3A_427 = arith.muli %while3A_405, %mul3A_426 : i32
            %add3A_428 = vector.broadcast %mul3A_427 : i32 to vector<16xi32>
            %add3A_429 = arith.addi %add3A_428, %all_reduce_ffs3A : vector<16xi32>
            %gather3A = tpu.vector_load_idx %arg7[%add3A_429] : memref<16416xi32, #tpu.memory_space<vmem>>[vector<16xi32>], vector<16xi32>,
            %slice3A_430 = vector.extract_strided_slice %gather3A {offsets = [0], sizes = [1], strides = [1]} : vector<16xi32> to vector<1xi32>
            %squeeze3A_431 = vector.extract %slice3A_430[0] : i32 from vector<1xi32>
            %shift_right_logical3A = arith.constant 14 : i32
            %shift_right_logical3A_432 = arith.shrui %squeeze3A_431, %shift_right_logical3A : i32
            %add3A_433 = arith.addi %multiple_of3A, %shift_right_logical3A_432 : i32
            %and3A_434 = arith.constant 16383 : i32
            %and3A_435 = arith.andi %squeeze3A_431, %and3A_434 : i32
            %sub3A_436 = arith.subi %add3A_433, %multiple_of3A_208 : i32
            %broadcast_in_dim3A_437 = vector.broadcast %sub3A_436 : i32 to vector<16xi32>
            %add3A_438 = arith.constant 0 : i32
            %add3A_439 = vector.broadcast %add3A_438 : i32 to vector<16xi32>
            %add3A_440 = arith.addi %add3A_439, %iota3A : vector<16xi32>
            %shift_right_logical3A_441 = arith.constant 3 : i32
            %shift_right_logical3A_442 = vector.broadcast %shift_right_logical3A_441 : i32 to vector<16xi32>
            %shift_right_logical3A_443 = arith.shrui %add3A_440, %shift_right_logical3A_442 : vector<16xi32>
            %and3A_444 = arith.constant 7 : i32
            %and3A_445 = vector.broadcast %and3A_444 : i32 to vector<16xi32>
            %and3A_446 = arith.andi %add3A_440, %and3A_445 : vector<16xi32>
            %gather3A_447 = arith.constant 0 : i32
            %gather3A_448 = arith.constant 0 : i32
            %gather3A_449 = arith.constant 0 : i32
            %gather3A_450 = arith.constant 0 : i32
            %gather3A_451 = tpu.memref_slice %arg8[%gather3A_447, %gather3A_448, %gather3A_449, %gather3A_450] : memref<4x8x8x256xf32, #tpu.memory_space<vmem>> -> memref<1x8x8x256xf32, #tpu.memory_space<vmem>>
            %gather3A_452 = tpu.memref_squeeze %gather3A_451 : memref<1x8x8x256xf32, #tpu.memory_space<vmem>> -> memref<8x8x256xf32, #tpu.memory_space<vmem>>
            %gather3A_453 = tpu.vector_load_idx %gather3A_452[%shift_right_logical3A_443, %and3A_446, %broadcast_in_dim3A_437] : memref<8x8x256xf32, #tpu.memory_space<vmem>>[vector<16xi32>, vector<16xi32>, vector<16xi32>], vector<16xf32>,
            %add3A_454 = arith.constant 16 : i32
            %add3A_455 = vector.broadcast %add3A_454 : i32 to vector<16xi32>
            %add3A_456 = arith.addi %add3A_455, %iota3A : vector<16xi32>
            %shift_right_logical3A_457 = arith.constant 3 : i32
            %shift_right_logical3A_458 = vector.broadcast %shift_right_logical3A_457 : i32 to vector<16xi32>
            %shift_right_logical3A_459 = arith.shrui %add3A_456, %shift_right_logical3A_458 : vector<16xi32>
            %and3A_460 = arith.constant 7 : i32
            %and3A_461 = vector.broadcast %and3A_460 : i32 to vector<16xi32>
            %and3A_462 = arith.andi %add3A_456, %and3A_461 : vector<16xi32>
            %gather3A_463 = arith.constant 0 : i32
            %gather3A_464 = arith.constant 0 : i32
            %gather3A_465 = arith.constant 0 : i32
            %gather3A_466 = arith.constant 0 : i32
            %gather3A_467 = tpu.memref_slice %arg8[%gather3A_463, %gather3A_464, %gather3A_465, %gather3A_466] : memref<4x8x8x256xf32, #tpu.memory_space<vmem>> -> memref<1x8x8x256xf32, #tpu.memory_space<vmem>>
            %gather3A_468 = tpu.memref_squeeze %gather3A_467 : memref<1x8x8x256xf32, #tpu.memory_space<vmem>> -> memref<8x8x256xf32, #tpu.memory_space<vmem>>
            %gather3A_469 = tpu.vector_load_idx %gather3A_468[%shift_right_logical3A_459, %and3A_462, %broadcast_in_dim3A_437] : memref<8x8x256xf32, #tpu.memory_space<vmem>>[vector<16xi32>, vector<16xi32>, vector<16xi32>], vector<16xf32>,
            %add3A_470 = arith.constant 32 : i32
            %add3A_471 = vector.broadcast %add3A_470 : i32 to vector<16xi32>
            %add3A_472 = arith.addi %add3A_471, %iota3A : vector<16xi32>
            %shift_right_logical3A_473 = arith.constant 3 : i32
            %shift_right_logical3A_474 = vector.broadcast %shift_right_logical3A_473 : i32 to vector<16xi32>
            %shift_right_logical3A_475 = arith.shrui %add3A_472, %shift_right_logical3A_474 : vector<16xi32>
            %and3A_476 = arith.constant 7 : i32
            %and3A_477 = vector.broadcast %and3A_476 : i32 to vector<16xi32>
            %and3A_478 = arith.andi %add3A_472, %and3A_477 : vector<16xi32>
            %gather3A_479 = arith.constant 0 : i32
            %gather3A_480 = arith.constant 0 : i32
            %gather3A_481 = arith.constant 0 : i32
            %gather3A_482 = arith.constant 0 : i32
            %gather3A_483 = tpu.memref_slice %arg8[%gather3A_479, %gather3A_480, %gather3A_481, %gather3A_482] : memref<4x8x8x256xf32, #tpu.memory_space<vmem>> -> memref<1x8x8x256xf32, #tpu.memory_space<vmem>>
            %gather3A_484 = tpu.memref_squeeze %gather3A_483 : memref<1x8x8x256xf32, #tpu.memory_space<vmem>> -> memref<8x8x256xf32, #tpu.memory_space<vmem>>
            %gather3A_485 = tpu.vector_load_idx %gather3A_484[%shift_right_logical3A_475, %and3A_478, %broadcast_in_dim3A_437] : memref<8x8x256xf32, #tpu.memory_space<vmem>>[vector<16xi32>, vector<16xi32>, vector<16xi32>], vector<16xf32>,
            %add3A_486 = arith.constant 48 : i32
            %add3A_487 = vector.broadcast %add3A_486 : i32 to vector<16xi32>
            %add3A_488 = arith.addi %add3A_487, %iota3A : vector<16xi32>
            %shift_right_logical3A_489 = arith.constant 3 : i32
            %shift_right_logical3A_490 = vector.broadcast %shift_right_logical3A_489 : i32 to vector<16xi32>
            %shift_right_logical3A_491 = arith.shrui %add3A_488, %shift_right_logical3A_490 : vector<16xi32>
            %and3A_492 = arith.constant 7 : i32
            %and3A_493 = vector.broadcast %and3A_492 : i32 to vector<16xi32>
            %and3A_494 = arith.andi %add3A_488, %and3A_493 : vector<16xi32>
            %gather3A_495 = arith.constant 0 : i32
            %gather3A_496 = arith.constant 0 : i32
            %gather3A_497 = arith.constant 0 : i32
            %gather3A_498 = arith.constant 0 : i32
            %gather3A_499 = tpu.memref_slice %arg8[%gather3A_495, %gather3A_496, %gather3A_497, %gather3A_498] : memref<4x8x8x256xf32, #tpu.memory_space<vmem>> -> memref<1x8x8x256xf32, #tpu.memory_space<vmem>>
            %gather3A_500 = tpu.memref_squeeze %gather3A_499 : memref<1x8x8x256xf32, #tpu.memory_space<vmem>> -> memref<8x8x256xf32, #tpu.memory_space<vmem>>
            %gather3A_501 = tpu.vector_load_idx %gather3A_500[%shift_right_logical3A_491, %and3A_494, %broadcast_in_dim3A_437] : memref<8x8x256xf32, #tpu.memory_space<vmem>>[vector<16xi32>, vector<16xi32>, vector<16xi32>], vector<16xf32>,
            %and3A_502 = arith.constant 15 : i32
            %and3A_503 = arith.andi %while3A_422, %and3A_502 : i32
            %ge3A_504 = arith.constant 16 : i32
            %ge3A_505 = arith.cmpi sge, %while3A_422, %ge3A_504 : i32
            %convert_element_type3A_506 = arith.extui %ge3A_505 : i1 to i32
            %cond3A_507 = arith.constant 0 : i32
            %cond3A_508 = arith.cmpi ne, %convert_element_type3A_506, %cond3A_507 : i32
            scf.if %cond3A_508 {
              %dma_wait3A_536 = arith.constant 0 : i32
              %dma_wait3A_537 = arith.constant 0 : i32
              %dma_wait3A_538 = tpu.memref_slice %arg9[%dma_wait3A_536, %dma_wait3A_537] : memref<16x64xf32, #tpu.memory_space<vmem>> -> memref<1x64xf32, #tpu.memory_space<vmem>>
              %dma_wait3A_539 = arith.constant 0 : i32
              %dma_wait3A_540 = arith.constant 0 : i32
              %dma_wait3A_541 = tpu.memref_slice %arg5[%dma_wait3A_539, %dma_wait3A_540] : memref<16384x64xf32, #tpu.memory_space<hbm>> -> memref<1x64xf32, #tpu.memory_space<hbm>>
              %dma_wait3A_542 = arith.constant 0 : i32
              %dma_wait3A_543 = arith.constant 0 : i32
              %dma_wait3A_544 = tpu.memref_slice %arg5[%dma_wait3A_542, %dma_wait3A_543] : memref<16384x64xf32, #tpu.memory_space<hbm>> -> memref<1x64xf32, #tpu.memory_space<hbm>>
              %dma_wait3A_545 = arith.constant 0 : i32
              %dma_wait3A_546 = arith.constant 0 : i32
              %dma_wait3A_547 = tpu.memref_slice %arg9[%dma_wait3A_545, %dma_wait3A_546] : memref<16x64xf32, #tpu.memory_space<vmem>> -> memref<1x64xf32, #tpu.memory_space<vmem>>
              tpu.wait_dma2 semaphore(%arg12 : memref<!tpu.dma_semaphore, #tpu.memory_space<semaphore_mem>>) src(%dma_wait3A_547 : memref<1x64xf32, #tpu.memory_space<vmem>>) dst(%dma_wait3A_544 : memref<1x64xf32, #tpu.memory_space<hbm>>)
            } else {
            }
            %swap3A_509 = arith.index_cast %and3A_503 : i32 to index
            %swap3A_510 = arith.constant 0 : index
            %swap3A_511 = tpu.vector_load %arg9[%swap3A_509, %swap3A_510] {strides = array<i32>} : memref<16x64xf32, #tpu.memory_space<vmem>>, vector<16xf32>,
            tpu.vector_store %arg9[%swap3A_509, %swap3A_510], %gather3A_453 {strides = array<i32>} : memref<16x64xf32, #tpu.memory_space<vmem>>, vector<16xf32>,
            %swap3A_512 = arith.index_cast %and3A_503 : i32 to index
            %swap3A_513 = arith.constant 16 : index
            %swap3A_514 = tpu.vector_load %arg9[%swap3A_512, %swap3A_513] {strides = array<i32>} : memref<16x64xf32, #tpu.memory_space<vmem>>, vector<16xf32>,
            tpu.vector_store %arg9[%swap3A_512, %swap3A_513], %gather3A_469 {strides = array<i32>} : memref<16x64xf32, #tpu.memory_space<vmem>>, vector<16xf32>,
            %swap3A_515 = arith.index_cast %and3A_503 : i32 to index
            %swap3A_516 = arith.constant 32 : index
            %swap3A_517 = tpu.vector_load %arg9[%swap3A_515, %swap3A_516] {strides = array<i32>} : memref<16x64xf32, #tpu.memory_space<vmem>>, vector<16xf32>,
            tpu.vector_store %arg9[%swap3A_515, %swap3A_516], %gather3A_485 {strides = array<i32>} : memref<16x64xf32, #tpu.memory_space<vmem>>, vector<16xf32>,
            %swap3A_518 = arith.index_cast %and3A_503 : i32 to index
            %swap3A_519 = arith.constant 48 : index
            %swap3A_520 = tpu.vector_load %arg9[%swap3A_518, %swap3A_519] {strides = array<i32>} : memref<16x64xf32, #tpu.memory_space<vmem>>, vector<16xf32>,
            tpu.vector_store %arg9[%swap3A_518, %swap3A_519], %gather3A_501 {strides = array<i32>} : memref<16x64xf32, #tpu.memory_space<vmem>>, vector<16xf32>,
            %dma_start3A_521 = arith.constant 0 : i32
            %dma_start3A_522 = tpu.memref_slice %arg9[%and3A_503, %dma_start3A_521] : memref<16x64xf32, #tpu.memory_space<vmem>> -> memref<1x64xf32, #tpu.memory_space<vmem>>
            %dma_start3A_523 = arith.constant 0 : i32
            %dma_start3A_524 = tpu.memref_slice %arg5[%and3A_435, %dma_start3A_523] : memref<16384x64xf32, #tpu.memory_space<hbm>> -> memref<1x64xf32, #tpu.memory_space<hbm>>
            %dma_start3A_525 = arith.constant 0 : i32
            %dma_start3A_526 = tpu.memref_slice %arg5[%and3A_435, %dma_start3A_525] : memref<16384x64xf32, #tpu.memory_space<hbm>> -> memref<1x64xf32, #tpu.memory_space<hbm>>
            %dma_start3A_527 = arith.constant 0 : i32
            %dma_start3A_528 = tpu.memref_slice %arg9[%and3A_503, %dma_start3A_527] : memref<16x64xf32, #tpu.memory_space<vmem>> -> memref<1x64xf32, #tpu.memory_space<vmem>>
            tpu.enqueue_dma source(%dma_start3A_528 : memref<1x64xf32, #tpu.memory_space<vmem>>) target(%dma_start3A_526 : memref<1x64xf32, #tpu.memory_space<hbm>>) target_semaphore(%arg12 : memref<!tpu.dma_semaphore, #tpu.memory_space<semaphore_mem>>)
            %add3A_529 = arith.constant 1 : i32
            %add3A_530 = arith.addi %while3A_422, %add3A_529 : i32
            %eq3A = arith.cmpi eq, %iota3A, %all_reduce_ffs3A : vector<16xi32>
            %jit3A_531 = arith.constant 0 : i32
            %broadcast_in_dim3A_532 = vector.broadcast %jit3A_531 : i32 to vector<16xi32>
            %select_n3A_533 = arith.select %eq3A, %broadcast_in_dim3A_532, %while3A_420 : vector<16xi1>, vector<16xi32>
            %sub3A_534 = arith.constant 1 : i32
            %sub3A_535 = arith.subi %while3A_421, %sub3A_534 : i32
            scf.yield %select_n3A_533, %sub3A_535, %add3A_530 : vector<16xi32>, i32, i32
          }
          scf.yield %while3A_419#2 : i32
        }
        scf.yield %while3A_404 : i32
      } else {
        %while3A_394 = arith.constant 0 : i32
        %while3A_395 = arith.subi %select_n3A_154, %while3A_394 : i32
        %while3A_396 = arith.addi %while3A_394, %while3A_395 : i32
        %while3A_397 = arith.constant 1 : i32
        %while3A_398 = arith.divsi %while3A_395, %while3A_397 : i32
        %while3A_399 = arith.muli %while3A_398, %while3A_397 : i32
        %while3A_400 = arith.addi %while3A_394, %while3A_399 : i32
        %while3A_401 = arith.constant 1 : i32
        %while3A_402 = scf.for %while3A_405 = %while3A_394 to %while3A_400 step %while3A_401 iter_args(%while3A_406 = %scan3A_174) -> (i32)  : i32 {
          %mul3A_407 = arith.constant 16 : i32
          %mul3A_408 = arith.muli %while3A_405, %mul3A_407 : i32
          %get3A = arith.index_cast %mul3A_408 : i32 to index
          %get3A_409 = tpu.vector_load %arg7[%get3A] {strides = array<i32>} : memref<16416xi32, #tpu.memory_space<vmem>>, vector<16xi32>,
          %ge3A = vector.broadcast %shift_left3A_210 : i32 to vector<16xi32>
          %ge3A_410 = arith.cmpi sge, %get3A_409, %ge3A : vector<16xi32>
          %lt3A_411 = vector.broadcast %shift_left3A_215 : i32 to vector<16xi32>
          %lt3A_412 = arith.cmpi slt, %get3A_409, %lt3A_411 : vector<16xi32>
          %and3A_413 = arith.andi %ge3A_410, %lt3A_412 : vector<16xi1>
          %jit3A_414 = arith.constant 1 : i32
          %jit3A_415 = arith.constant 0 : i32
          %broadcast_in_dim3A_416 = vector.broadcast %jit3A_414 : i32 to vector<16xi32>
          %broadcast_in_dim3A_417 = vector.broadcast %jit3A_415 : i32 to vector<16xi32>
          %select_n3A_418 = arith.select %and3A_413, %broadcast_in_dim3A_416, %broadcast_in_dim3A_417 : vector<16xi1>, vector<16xi32>
          %all_reduce_population_count3A = tpu.all_reduce %and3A_413 {dim = 0 : i64, kind = #tpu.reduction_kind<sum>} : vector<16xi1> -> vector<16xi32>
          %slice3A = vector.extract_strided_slice %all_reduce_population_count3A {offsets = [0], sizes = [1], strides = [1]} : vector<16xi32> to vector<1xi32>
          %squeeze3A = vector.extract %slice3A[0] : i32 from vector<1xi32>
          %while3A_419:3 = scf.while (%while3A_420 = %select_n3A_418, %while3A_421 = %squeeze3A, %while3A_422 = %while3A_406) : (vector<16xi32>, i32, i32) -> (vector<16xi32>, i32, i32) {
            %gt3A = arith.constant 0 : i32
            %gt3A_423 = arith.cmpi sgt, %while3A_421, %gt3A : i32
            scf.condition(%gt3A_423) %while3A_420, %while3A_421, %while3A_422 : vector<16xi32>, i32, i32
          } do {
          ^bb0(%while3A_420: vector<16xi32>, %while3A_421: i32, %while3A_422: i32):
            %ne3A_423 = arith.constant 0 : i32
            %ne3A_424 = vector.broadcast %ne3A_423 : i32 to vector<16xi32>
            %ne3A_425 = arith.cmpi ne, %while3A_420, %ne3A_424 : vector<16xi32>
            %all_reduce_ffs3A = tpu.all_reduce %ne3A_425 {dim = 0 : i64, kind = #tpu.reduction_kind<find_first_set>} : vector<16xi1> -> vector<16xi32>
            %mul3A_426 = arith.constant 16 : i32
            %mul3A_427 = arith.muli %while3A_405, %mul3A_426 : i32
            %add3A_428 = vector.broadcast %mul3A_427 : i32 to vector<16xi32>
            %add3A_429 = arith.addi %add3A_428, %all_reduce_ffs3A : vector<16xi32>
            %gather3A = tpu.vector_load_idx %arg7[%add3A_429] : memref<16416xi32, #tpu.memory_space<vmem>>[vector<16xi32>], vector<16xi32>,
            %slice3A_430 = vector.extract_strided_slice %gather3A {offsets = [0], sizes = [1], strides = [1]} : vector<16xi32> to vector<1xi32>
            %squeeze3A_431 = vector.extract %slice3A_430[0] : i32 from vector<1xi32>
            %shift_right_logical3A = arith.constant 14 : i32
            %shift_right_logical3A_432 = arith.shrui %squeeze3A_431, %shift_right_logical3A : i32
            %add3A_433 = arith.addi %multiple_of3A, %shift_right_logical3A_432 : i32
            %and3A_434 = arith.constant 16383 : i32
            %and3A_435 = arith.andi %squeeze3A_431, %and3A_434 : i32
            %sub3A_436 = arith.constant 999936 : i32
            %sub3A_437 = arith.subi %add3A_433, %sub3A_436 : i32
            %broadcast_in_dim3A_438 = vector.broadcast %sub3A_437 : i32 to vector<16xi32>
            %add3A_439 = arith.constant 0 : i32
            %add3A_440 = vector.broadcast %add3A_439 : i32 to vector<16xi32>
            %add3A_441 = arith.addi %add3A_440, %iota3A : vector<16xi32>
            %gather3A_442 = tpu.vector_load_idx %arg10[%broadcast_in_dim3A_438, %add3A_441] : memref<64x64xf32, #tpu.memory_space<vmem>>[vector<16xi32>, vector<16xi32>], vector<16xf32>,
            %add3A_443 = arith.constant 16 : i32
            %add3A_444 = vector.broadcast %add3A_443 : i32 to vector<16xi32>
            %add3A_445 = arith.addi %add3A_444, %iota3A : vector<16xi32>
            %gather3A_446 = tpu.vector_load_idx %arg10[%broadcast_in_dim3A_438, %add3A_445] : memref<64x64xf32, #tpu.memory_space<vmem>>[vector<16xi32>, vector<16xi32>], vector<16xf32>,
            %add3A_447 = arith.constant 32 : i32
            %add3A_448 = vector.broadcast %add3A_447 : i32 to vector<16xi32>
            %add3A_449 = arith.addi %add3A_448, %iota3A : vector<16xi32>
            %gather3A_450 = tpu.vector_load_idx %arg10[%broadcast_in_dim3A_438, %add3A_449] : memref<64x64xf32, #tpu.memory_space<vmem>>[vector<16xi32>, vector<16xi32>], vector<16xf32>,
            %add3A_451 = arith.constant 48 : i32
            %add3A_452 = vector.broadcast %add3A_451 : i32 to vector<16xi32>
            %add3A_453 = arith.addi %add3A_452, %iota3A : vector<16xi32>
            %gather3A_454 = tpu.vector_load_idx %arg10[%broadcast_in_dim3A_438, %add3A_453] : memref<64x64xf32, #tpu.memory_space<vmem>>[vector<16xi32>, vector<16xi32>], vector<16xf32>,
            %and3A_455 = arith.constant 15 : i32
            %and3A_456 = arith.andi %while3A_422, %and3A_455 : i32
            %ge3A_457 = arith.constant 16 : i32
            %ge3A_458 = arith.cmpi sge, %while3A_422, %ge3A_457 : i32
            %convert_element_type3A_459 = arith.extui %ge3A_458 : i1 to i32
            %cond3A_460 = arith.constant 0 : i32
            %cond3A_461 = arith.cmpi ne, %convert_element_type3A_459, %cond3A_460 : i32
            scf.if %cond3A_461 {
              %dma_wait3A_489 = arith.constant 0 : i32
              %dma_wait3A_490 = arith.constant 0 : i32
              %dma_wait3A_491 = tpu.memref_slice %arg9[%dma_wait3A_489, %dma_wait3A_490] : memref<16x64xf32, #tpu.memory_space<vmem>> -> memref<1x64xf32, #tpu.memory_space<vmem>>
              %dma_wait3A_492 = arith.constant 0 : i32
              %dma_wait3A_493 = arith.constant 0 : i32
              %dma_wait3A_494 = tpu.memref_slice %arg5[%dma_wait3A_492, %dma_wait3A_493] : memref<16384x64xf32, #tpu.memory_space<hbm>> -> memref<1x64xf32, #tpu.memory_space<hbm>>
              %dma_wait3A_495 = arith.constant 0 : i32
              %dma_wait3A_496 = arith.constant 0 : i32
              %dma_wait3A_497 = tpu.memref_slice %arg5[%dma_wait3A_495, %dma_wait3A_496] : memref<16384x64xf32, #tpu.memory_space<hbm>> -> memref<1x64xf32, #tpu.memory_space<hbm>>
              %dma_wait3A_498 = arith.constant 0 : i32
              %dma_wait3A_499 = arith.constant 0 : i32
              %dma_wait3A_500 = tpu.memref_slice %arg9[%dma_wait3A_498, %dma_wait3A_499] : memref<16x64xf32, #tpu.memory_space<vmem>> -> memref<1x64xf32, #tpu.memory_space<vmem>>
              tpu.wait_dma2 semaphore(%arg12 : memref<!tpu.dma_semaphore, #tpu.memory_space<semaphore_mem>>) src(%dma_wait3A_500 : memref<1x64xf32, #tpu.memory_space<vmem>>) dst(%dma_wait3A_497 : memref<1x64xf32, #tpu.memory_space<hbm>>)
            } else {
            }
            %swap3A_462 = arith.index_cast %and3A_456 : i32 to index
            %swap3A_463 = arith.constant 0 : index
            %swap3A_464 = tpu.vector_load %arg9[%swap3A_462, %swap3A_463] {strides = array<i32>} : memref<16x64xf32, #tpu.memory_space<vmem>>, vector<16xf32>,
            tpu.vector_store %arg9[%swap3A_462, %swap3A_463], %gather3A_442 {strides = array<i32>} : memref<16x64xf32, #tpu.memory_space<vmem>>, vector<16xf32>,
            %swap3A_465 = arith.index_cast %and3A_456 : i32 to index
            %swap3A_466 = arith.constant 16 : index
            %swap3A_467 = tpu.vector_load %arg9[%swap3A_465, %swap3A_466] {strides = array<i32>} : memref<16x64xf32, #tpu.memory_space<vmem>>, vector<16xf32>,
            tpu.vector_store %arg9[%swap3A_465, %swap3A_466], %gather3A_446 {strides = array<i32>} : memref<16x64xf32, #tpu.memory_space<vmem>>, vector<16xf32>,
            %swap3A_468 = arith.index_cast %and3A_456 : i32 to index
            %swap3A_469 = arith.constant 32 : index
            %swap3A_470 = tpu.vector_load %arg9[%swap3A_468, %swap3A_469] {strides = array<i32>} : memref<16x64xf32, #tpu.memory_space<vmem>>, vector<16xf32>,
            tpu.vector_store %arg9[%swap3A_468, %swap3A_469], %gather3A_450 {strides = array<i32>} : memref<16x64xf32, #tpu.memory_space<vmem>>, vector<16xf32>,
            %swap3A_471 = arith.index_cast %and3A_456 : i32 to index
            %swap3A_472 = arith.constant 48 : index
            %swap3A_473 = tpu.vector_load %arg9[%swap3A_471, %swap3A_472] {strides = array<i32>} : memref<16x64xf32, #tpu.memory_space<vmem>>, vector<16xf32>,
            tpu.vector_store %arg9[%swap3A_471, %swap3A_472], %gather3A_454 {strides = array<i32>} : memref<16x64xf32, #tpu.memory_space<vmem>>, vector<16xf32>,
            %dma_start3A_474 = arith.constant 0 : i32
            %dma_start3A_475 = tpu.memref_slice %arg9[%and3A_456, %dma_start3A_474] : memref<16x64xf32, #tpu.memory_space<vmem>> -> memref<1x64xf32, #tpu.memory_space<vmem>>
            %dma_start3A_476 = arith.constant 0 : i32
            %dma_start3A_477 = tpu.memref_slice %arg5[%and3A_435, %dma_start3A_476] : memref<16384x64xf32, #tpu.memory_space<hbm>> -> memref<1x64xf32, #tpu.memory_space<hbm>>
            %dma_start3A_478 = arith.constant 0 : i32
            %dma_start3A_479 = tpu.memref_slice %arg5[%and3A_435, %dma_start3A_478] : memref<16384x64xf32, #tpu.memory_space<hbm>> -> memref<1x64xf32, #tpu.memory_space<hbm>>
            %dma_start3A_480 = arith.constant 0 : i32
            %dma_start3A_481 = tpu.memref_slice %arg9[%and3A_456, %dma_start3A_480] : memref<16x64xf32, #tpu.memory_space<vmem>> -> memref<1x64xf32, #tpu.memory_space<vmem>>
            tpu.enqueue_dma source(%dma_start3A_481 : memref<1x64xf32, #tpu.memory_space<vmem>>) target(%dma_start3A_479 : memref<1x64xf32, #tpu.memory_space<hbm>>) target_semaphore(%arg12 : memref<!tpu.dma_semaphore, #tpu.memory_space<semaphore_mem>>)
            %add3A_482 = arith.constant 1 : i32
            %add3A_483 = arith.addi %while3A_422, %add3A_482 : i32
            %eq3A = arith.cmpi eq, %iota3A, %all_reduce_ffs3A : vector<16xi32>
            %jit3A_484 = arith.constant 0 : i32
            %broadcast_in_dim3A_485 = vector.broadcast %jit3A_484 : i32 to vector<16xi32>
            %select_n3A_486 = arith.select %eq3A, %broadcast_in_dim3A_485, %while3A_420 : vector<16xi1>, vector<16xi32>
            %sub3A_487 = arith.constant 1 : i32
            %sub3A_488 = arith.subi %while3A_421, %sub3A_487 : i32
            scf.yield %select_n3A_486, %sub3A_488, %add3A_483 : vector<16xi32>, i32, i32
          }
          scf.yield %while3A_419#2 : i32
        }
        %while3A_403 = arith.constant 1 : i32
        %while3A_404 = scf.for %while3A_405 = %while3A_400 to %while3A_396 step %while3A_403 iter_args(%while3A_406 = %while3A_402) -> (i32)  : i32 {
          %mul3A_407 = arith.constant 16 : i32
          %mul3A_408 = arith.muli %while3A_405, %mul3A_407 : i32
          %get3A = arith.index_cast %mul3A_408 : i32 to index
          %get3A_409 = tpu.vector_load %arg7[%get3A] {strides = array<i32>} : memref<16416xi32, #tpu.memory_space<vmem>>, vector<16xi32>,
          %ge3A = vector.broadcast %shift_left3A_210 : i32 to vector<16xi32>
          %ge3A_410 = arith.cmpi sge, %get3A_409, %ge3A : vector<16xi32>
          %lt3A_411 = vector.broadcast %shift_left3A_215 : i32 to vector<16xi32>
          %lt3A_412 = arith.cmpi slt, %get3A_409, %lt3A_411 : vector<16xi32>
          %and3A_413 = arith.andi %ge3A_410, %lt3A_412 : vector<16xi1>
          %jit3A_414 = arith.constant 1 : i32
          %jit3A_415 = arith.constant 0 : i32
          %broadcast_in_dim3A_416 = vector.broadcast %jit3A_414 : i32 to vector<16xi32>
          %broadcast_in_dim3A_417 = vector.broadcast %jit3A_415 : i32 to vector<16xi32>
          %select_n3A_418 = arith.select %and3A_413, %broadcast_in_dim3A_416, %broadcast_in_dim3A_417 : vector<16xi1>, vector<16xi32>
          %all_reduce_population_count3A = tpu.all_reduce %and3A_413 {dim = 0 : i64, kind = #tpu.reduction_kind<sum>} : vector<16xi1> -> vector<16xi32>
          %slice3A = vector.extract_strided_slice %all_reduce_population_count3A {offsets = [0], sizes = [1], strides = [1]} : vector<16xi32> to vector<1xi32>
          %squeeze3A = vector.extract %slice3A[0] : i32 from vector<1xi32>
          %while3A_419:3 = scf.while (%while3A_420 = %select_n3A_418, %while3A_421 = %squeeze3A, %while3A_422 = %while3A_406) : (vector<16xi32>, i32, i32) -> (vector<16xi32>, i32, i32) {
            %gt3A = arith.constant 0 : i32
            %gt3A_423 = arith.cmpi sgt, %while3A_421, %gt3A : i32
            scf.condition(%gt3A_423) %while3A_420, %while3A_421, %while3A_422 : vector<16xi32>, i32, i32
          } do {
          ^bb0(%while3A_420: vector<16xi32>, %while3A_421: i32, %while3A_422: i32):
            %ne3A_423 = arith.constant 0 : i32
            %ne3A_424 = vector.broadcast %ne3A_423 : i32 to vector<16xi32>
            %ne3A_425 = arith.cmpi ne, %while3A_420, %ne3A_424 : vector<16xi32>
            %all_reduce_ffs3A = tpu.all_reduce %ne3A_425 {dim = 0 : i64, kind = #tpu.reduction_kind<find_first_set>} : vector<16xi1> -> vector<16xi32>
            %mul3A_426 = arith.constant 16 : i32
            %mul3A_427 = arith.muli %while3A_405, %mul3A_426 : i32
            %add3A_428 = vector.broadcast %mul3A_427 : i32 to vector<16xi32>
            %add3A_429 = arith.addi %add3A_428, %all_reduce_ffs3A : vector<16xi32>
            %gather3A = tpu.vector_load_idx %arg7[%add3A_429] : memref<16416xi32, #tpu.memory_space<vmem>>[vector<16xi32>], vector<16xi32>,
            %slice3A_430 = vector.extract_strided_slice %gather3A {offsets = [0], sizes = [1], strides = [1]} : vector<16xi32> to vector<1xi32>
            %squeeze3A_431 = vector.extract %slice3A_430[0] : i32 from vector<1xi32>
            %shift_right_logical3A = arith.constant 14 : i32
            %shift_right_logical3A_432 = arith.shrui %squeeze3A_431, %shift_right_logical3A : i32
            %add3A_433 = arith.addi %multiple_of3A, %shift_right_logical3A_432 : i32
            %and3A_434 = arith.constant 16383 : i32
            %and3A_435 = arith.andi %squeeze3A_431, %and3A_434 : i32
            %sub3A_436 = arith.constant 999936 : i32
            %sub3A_437 = arith.subi %add3A_433, %sub3A_436 : i32
            %broadcast_in_dim3A_438 = vector.broadcast %sub3A_437 : i32 to vector<16xi32>
            %add3A_439 = arith.constant 0 : i32
            %add3A_440 = vector.broadcast %add3A_439 : i32 to vector<16xi32>
            %add3A_441 = arith.addi %add3A_440, %iota3A : vector<16xi32>
            %gather3A_442 = tpu.vector_load_idx %arg10[%broadcast_in_dim3A_438, %add3A_441] : memref<64x64xf32, #tpu.memory_space<vmem>>[vector<16xi32>, vector<16xi32>], vector<16xf32>,
            %add3A_443 = arith.constant 16 : i32
            %add3A_444 = vector.broadcast %add3A_443 : i32 to vector<16xi32>
            %add3A_445 = arith.addi %add3A_444, %iota3A : vector<16xi32>
            %gather3A_446 = tpu.vector_load_idx %arg10[%broadcast_in_dim3A_438, %add3A_445] : memref<64x64xf32, #tpu.memory_space<vmem>>[vector<16xi32>, vector<16xi32>], vector<16xf32>,
            %add3A_447 = arith.constant 32 : i32
            %add3A_448 = vector.broadcast %add3A_447 : i32 to vector<16xi32>
            %add3A_449 = arith.addi %add3A_448, %iota3A : vector<16xi32>
            %gather3A_450 = tpu.vector_load_idx %arg10[%broadcast_in_dim3A_438, %add3A_449] : memref<64x64xf32, #tpu.memory_space<vmem>>[vector<16xi32>, vector<16xi32>], vector<16xf32>,
            %add3A_451 = arith.constant 48 : i32
            %add3A_452 = vector.broadcast %add3A_451 : i32 to vector<16xi32>
            %add3A_453 = arith.addi %add3A_452, %iota3A : vector<16xi32>
            %gather3A_454 = tpu.vector_load_idx %arg10[%broadcast_in_dim3A_438, %add3A_453] : memref<64x64xf32, #tpu.memory_space<vmem>>[vector<16xi32>, vector<16xi32>], vector<16xf32>,
            %and3A_455 = arith.constant 15 : i32
            %and3A_456 = arith.andi %while3A_422, %and3A_455 : i32
            %ge3A_457 = arith.constant 16 : i32
            %ge3A_458 = arith.cmpi sge, %while3A_422, %ge3A_457 : i32
            %convert_element_type3A_459 = arith.extui %ge3A_458 : i1 to i32
            %cond3A_460 = arith.constant 0 : i32
            %cond3A_461 = arith.cmpi ne, %convert_element_type3A_459, %cond3A_460 : i32
            scf.if %cond3A_461 {
              %dma_wait3A_489 = arith.constant 0 : i32
              %dma_wait3A_490 = arith.constant 0 : i32
              %dma_wait3A_491 = tpu.memref_slice %arg9[%dma_wait3A_489, %dma_wait3A_490] : memref<16x64xf32, #tpu.memory_space<vmem>> -> memref<1x64xf32, #tpu.memory_space<vmem>>
              %dma_wait3A_492 = arith.constant 0 : i32
              %dma_wait3A_493 = arith.constant 0 : i32
              %dma_wait3A_494 = tpu.memref_slice %arg5[%dma_wait3A_492, %dma_wait3A_493] : memref<16384x64xf32, #tpu.memory_space<hbm>> -> memref<1x64xf32, #tpu.memory_space<hbm>>
              %dma_wait3A_495 = arith.constant 0 : i32
              %dma_wait3A_496 = arith.constant 0 : i32
              %dma_wait3A_497 = tpu.memref_slice %arg5[%dma_wait3A_495, %dma_wait3A_496] : memref<16384x64xf32, #tpu.memory_space<hbm>> -> memref<1x64xf32, #tpu.memory_space<hbm>>
              %dma_wait3A_498 = arith.constant 0 : i32
              %dma_wait3A_499 = arith.constant 0 : i32
              %dma_wait3A_500 = tpu.memref_slice %arg9[%dma_wait3A_498, %dma_wait3A_499] : memref<16x64xf32, #tpu.memory_space<vmem>> -> memref<1x64xf32, #tpu.memory_space<vmem>>
              tpu.wait_dma2 semaphore(%arg12 : memref<!tpu.dma_semaphore, #tpu.memory_space<semaphore_mem>>) src(%dma_wait3A_500 : memref<1x64xf32, #tpu.memory_space<vmem>>) dst(%dma_wait3A_497 : memref<1x64xf32, #tpu.memory_space<hbm>>)
            } else {
            }
            %swap3A_462 = arith.index_cast %and3A_456 : i32 to index
            %swap3A_463 = arith.constant 0 : index
            %swap3A_464 = tpu.vector_load %arg9[%swap3A_462, %swap3A_463] {strides = array<i32>} : memref<16x64xf32, #tpu.memory_space<vmem>>, vector<16xf32>,
            tpu.vector_store %arg9[%swap3A_462, %swap3A_463], %gather3A_442 {strides = array<i32>} : memref<16x64xf32, #tpu.memory_space<vmem>>, vector<16xf32>,
            %swap3A_465 = arith.index_cast %and3A_456 : i32 to index
            %swap3A_466 = arith.constant 16 : index
            %swap3A_467 = tpu.vector_load %arg9[%swap3A_465, %swap3A_466] {strides = array<i32>} : memref<16x64xf32, #tpu.memory_space<vmem>>, vector<16xf32>,
            tpu.vector_store %arg9[%swap3A_465, %swap3A_466], %gather3A_446 {strides = array<i32>} : memref<16x64xf32, #tpu.memory_space<vmem>>, vector<16xf32>,
            %swap3A_468 = arith.index_cast %and3A_456 : i32 to index
            %swap3A_469 = arith.constant 32 : index
            %swap3A_470 = tpu.vector_load %arg9[%swap3A_468, %swap3A_469] {strides = array<i32>} : memref<16x64xf32, #tpu.memory_space<vmem>>, vector<16xf32>,
            tpu.vector_store %arg9[%swap3A_468, %swap3A_469], %gather3A_450 {strides = array<i32>} : memref<16x64xf32, #tpu.memory_space<vmem>>, vector<16xf32>,
            %swap3A_471 = arith.index_cast %and3A_456 : i32 to index
            %swap3A_472 = arith.constant 48 : index
            %swap3A_473 = tpu.vector_load %arg9[%swap3A_471, %swap3A_472] {strides = array<i32>} : memref<16x64xf32, #tpu.memory_space<vmem>>, vector<16xf32>,
            tpu.vector_store %arg9[%swap3A_471, %swap3A_472], %gather3A_454 {strides = array<i32>} : memref<16x64xf32, #tpu.memory_space<vmem>>, vector<16xf32>,
            %dma_start3A_474 = arith.constant 0 : i32
            %dma_start3A_475 = tpu.memref_slice %arg9[%and3A_456, %dma_start3A_474] : memref<16x64xf32, #tpu.memory_space<vmem>> -> memref<1x64xf32, #tpu.memory_space<vmem>>
            %dma_start3A_476 = arith.constant 0 : i32
            %dma_start3A_477 = tpu.memref_slice %arg5[%and3A_435, %dma_start3A_476] : memref<16384x64xf32, #tpu.memory_space<hbm>> -> memref<1x64xf32, #tpu.memory_space<hbm>>
            %dma_start3A_478 = arith.constant 0 : i32
            %dma_start3A_479 = tpu.memref_slice %arg5[%and3A_435, %dma_start3A_478] : memref<16384x64xf32, #tpu.memory_space<hbm>> -> memref<1x64xf32, #tpu.memory_space<hbm>>
            %dma_start3A_480 = arith.constant 0 : i32
            %dma_start3A_481 = tpu.memref_slice %arg9[%and3A_456, %dma_start3A_480] : memref<16x64xf32, #tpu.memory_space<vmem>> -> memref<1x64xf32, #tpu.memory_space<vmem>>
            tpu.enqueue_dma source(%dma_start3A_481 : memref<1x64xf32, #tpu.memory_space<vmem>>) target(%dma_start3A_479 : memref<1x64xf32, #tpu.memory_space<hbm>>) target_semaphore(%arg12 : memref<!tpu.dma_semaphore, #tpu.memory_space<semaphore_mem>>)
            %add3A_482 = arith.constant 1 : i32
            %add3A_483 = arith.addi %while3A_422, %add3A_482 : i32
            %eq3A = arith.cmpi eq, %iota3A, %all_reduce_ffs3A : vector<16xi32>
            %jit3A_484 = arith.constant 0 : i32
            %broadcast_in_dim3A_485 = vector.broadcast %jit3A_484 : i32 to vector<16xi32>
            %select_n3A_486 = arith.select %eq3A, %broadcast_in_dim3A_485, %while3A_420 : vector<16xi1>, vector<16xi32>
            %sub3A_487 = arith.constant 1 : i32
            %sub3A_488 = arith.subi %while3A_421, %sub3A_487 : i32
            scf.yield %select_n3A_486, %sub3A_488, %add3A_483 : vector<16xi32>, i32, i32
          }
          scf.yield %while3A_419#2 : i32
        }
        scf.yield %while3A_404 : i32
      }
      %add3A_219 = arith.constant 4 : i32
      %add3A_220 = arith.addi %add3A_178, %add3A_219 : i32
      %lt3A_221 = arith.constant 124 : i32
      %lt3A_222 = arith.cmpi slt, %add3A_220, %lt3A_221 : i32
      %convert_element_type3A_223 = arith.extui %lt3A_222 : i1 to i32
      %cond3A_224 = arith.constant 0 : i32
      %cond3A_225 = arith.cmpi ne, %convert_element_type3A_223, %cond3A_224 : i32
      scf.if %cond3A_225 {
        %add3A_394 = arith.constant 4 : i32
        %add3A_395 = arith.addi %add3A_178, %add3A_394 : i32
        %mul3A_396 = arith.constant 256 : i32
        %mul3A_397 = arith.muli %add3A_395, %mul3A_396 : i32
        %add3A_398 = arith.addi %multiple_of3A, %mul3A_397 : i32
        %min3A_399 = arith.constant 999680 : i32
        %min3A_400 = arith.minsi %add3A_398, %min3A_399 : i32
        %multiple_of3A_401 = tpu.assume_multiple %min3A_400, 128 : i32
        %dma_start3A_402 = arith.constant 0 : i32
        %dma_start3A_403 = arith.constant 0 : i32
        %dma_start3A_404 = arith.constant 0 : i32
        %dma_start3A_405 = arith.constant 0 : i32
        %dma_start3A_406 = arith.constant 0 : i32
        %dma_start3A_407 = tpu.memref_slice %arg8[%dma_start3A_402, %dma_start3A_404, %dma_start3A_405, %dma_start3A_406] : memref<4x8x8x256xf32, #tpu.memory_space<vmem>> -> memref<1x8x8x256xf32, #tpu.memory_space<vmem>>
        %dma_start3A_408 = tpu.memref_squeeze %dma_start3A_407 : memref<1x8x8x256xf32, #tpu.memory_space<vmem>> -> memref<8x8x256xf32, #tpu.memory_space<vmem>>
        %dma_start3A_409 = arith.constant 0 : i32
        %dma_start3A_410 = arith.constant 0 : i32
        %dma_start3A_411 = tpu.memref_slice %arg2[%dma_start3A_409, %dma_start3A_410, %multiple_of3A_401] : memref<8x8x1000000xf32, #tpu.memory_space<hbm>> -> memref<8x8x256xf32, #tpu.memory_space<hbm>>
        %dma_start3A_412 = tpu.memref_slice %arg11[%dma_start3A_403] : memref<2x!tpu.dma_semaphore, #tpu.memory_space<semaphore_mem>> -> memref<1x!tpu.dma_semaphore, #tpu.memory_space<semaphore_mem>>
        %dma_start3A_413 = tpu.memref_squeeze %dma_start3A_412 : memref<1x!tpu.dma_semaphore, #tpu.memory_space<semaphore_mem>> -> memref<!tpu.dma_semaphore, #tpu.memory_space<semaphore_mem>>
        %dma_start3A_414 = arith.constant 0 : i32
        %dma_start3A_415 = arith.constant 0 : i32
        %dma_start3A_416 = arith.constant 0 : i32
        %dma_start3A_417 = tpu.memref_slice %arg8[%dma_start3A_402, %dma_start3A_414, %dma_start3A_415, %dma_start3A_416] : memref<4x8x8x256xf32, #tpu.memory_space<vmem>> -> memref<1x8x8x256xf32, #tpu.memory_space<vmem>>
        %dma_start3A_418 = tpu.memref_squeeze %dma_start3A_417 : memref<1x8x8x256xf32, #tpu.memory_space<vmem>> -> memref<8x8x256xf32, #tpu.memory_space<vmem>>
        %dma_start3A_419 = arith.constant 0 : i32
        %dma_start3A_420 = arith.constant 0 : i32
        %dma_start3A_421 = tpu.memref_slice %arg2[%dma_start3A_419, %dma_start3A_420, %multiple_of3A_401] : memref<8x8x1000000xf32, #tpu.memory_space<hbm>> -> memref<8x8x256xf32, #tpu.memory_space<hbm>>
        tpu.enqueue_dma source(%dma_start3A_421 : memref<8x8x256xf32, #tpu.memory_space<hbm>>) target(%dma_start3A_418 : memref<8x8x256xf32, #tpu.memory_space<vmem>>) target_semaphore(%dma_start3A_413 : memref<!tpu.dma_semaphore, #tpu.memory_space<semaphore_mem>>)
      } else {
      }
      %mul3A_226 = arith.constant 4 : i32
      %mul3A_227 = arith.muli %mul3A_226, %scan3A_173 : i32
      %add3A_228 = arith.constant 1 : i32
      %add3A_229 = arith.addi %mul3A_227, %add3A_228 : i32
      %dma_wait3A_230 = arith.constant 1 : i32
      %dma_wait3A_231 = arith.constant 1 : i32
      %dma_wait3A_232 = arith.constant 0 : i32
      %dma_wait3A_233 = arith.constant 0 : i32
      %dma_wait3A_234 = arith.constant 0 : i32
      %dma_wait3A_235 = tpu.memref_slice %arg8[%dma_wait3A_230, %dma_wait3A_232, %dma_wait3A_233, %dma_wait3A_234] : memref<4x8x8x256xf32, #tpu.memory_space<vmem>> -> memref<1x8x8x256xf32, #tpu.memory_space<vmem>>
      %dma_wait3A_236 = tpu.memref_squeeze %dma_wait3A_235 : memref<1x8x8x256xf32, #tpu.memory_space<vmem>> -> memref<8x8x256xf32, #tpu.memory_space<vmem>>
      %dma_wait3A_237 = arith.constant 0 : i32
      %dma_wait3A_238 = arith.constant 0 : i32
      %dma_wait3A_239 = arith.constant 0 : i32
      %dma_wait3A_240 = tpu.memref_slice %arg2[%dma_wait3A_237, %dma_wait3A_238, %dma_wait3A_239] : memref<8x8x1000000xf32, #tpu.memory_space<hbm>> -> memref<8x8x256xf32, #tpu.memory_space<hbm>>
      %dma_wait3A_241 = tpu.memref_slice %arg11[%dma_wait3A_231] : memref<2x!tpu.dma_semaphore, #tpu.memory_space<semaphore_mem>> -> memref<1x!tpu.dma_semaphore, #tpu.memory_space<semaphore_mem>>
      %dma_wait3A_242 = tpu.memref_squeeze %dma_wait3A_241 : memref<1x!tpu.dma_semaphore, #tpu.memory_space<semaphore_mem>> -> memref<!tpu.dma_semaphore, #tpu.memory_space<semaphore_mem>>
      %dma_wait3A_243 = arith.constant 0 : i32
      %dma_wait3A_244 = arith.constant 0 : i32
      %dma_wait3A_245 = arith.constant 0 : i32
      %dma_wait3A_246 = tpu.memref_slice %arg8[%dma_wait3A_230, %dma_wait3A_243, %dma_wait3A_244, %dma_wait3A_245] : memref<4x8x8x256xf32, #tpu.memory_space<vmem>> -> memref<1x8x8x256xf32, #tpu.memory_space<vmem>>
      %dma_wait3A_247 = tpu.memref_squeeze %dma_wait3A_246 : memref<1x8x8x256xf32, #tpu.memory_space<vmem>> -> memref<8x8x256xf32, #tpu.memory_space<vmem>>
      %dma_wait3A_248 = arith.constant 0 : i32
      %dma_wait3A_249 = arith.constant 0 : i32
      %dma_wait3A_250 = arith.constant 0 : i32
      %dma_wait3A_251 = tpu.memref_slice %arg2[%dma_wait3A_248, %dma_wait3A_249, %dma_wait3A_250] : memref<8x8x1000000xf32, #tpu.memory_space<hbm>> -> memref<8x8x256xf32, #tpu.memory_space<hbm>>
      tpu.wait_dma2 semaphore(%dma_wait3A_242 : memref<!tpu.dma_semaphore, #tpu.memory_space<semaphore_mem>>) src(%dma_wait3A_251 : memref<8x8x256xf32, #tpu.memory_space<hbm>>) dst(%dma_wait3A_247 : memref<8x8x256xf32, #tpu.memory_space<vmem>>)
      %mul3A_252 = arith.constant 256 : i32
      %mul3A_253 = arith.muli %add3A_229, %mul3A_252 : i32
      %add3A_254 = arith.addi %multiple_of3A, %mul3A_253 : i32
      %mul3A_255 = arith.constant 256 : i32
      %mul3A_256 = arith.muli %add3A_229, %mul3A_255 : i32
      %add3A_257 = arith.addi %multiple_of3A, %mul3A_256 : i32
      %min3A_258 = arith.constant 999680 : i32
      %min3A_259 = arith.minsi %add3A_257, %min3A_258 : i32
      %multiple_of3A_260 = tpu.assume_multiple %min3A_259, 128 : i32
      %sub3A_261 = arith.subi %add3A_254, %multiple_of3A : i32
      %shift_left3A_262 = arith.constant 14 : i32
      %shift_left3A_263 = arith.shli %sub3A_261, %shift_left3A_262 : i32
      %sub3A_264 = arith.subi %add3A_254, %multiple_of3A : i32
      %add3A_265 = arith.constant 256 : i32
      %add3A_266 = arith.addi %sub3A_264, %add3A_265 : i32
      %shift_left3A_267 = arith.constant 14 : i32
      %shift_left3A_268 = arith.shli %add3A_266, %shift_left3A_267 : i32
      %lt3A_269 = arith.constant 999936 : i32
      %lt3A_270 = arith.cmpi slt, %add3A_254, %lt3A_269 : i32
      %convert_element_type3A_271 = arith.extui %lt3A_270 : i1 to i32
      %cond3A_272 = arith.constant 0 : i32
      %cond3A_273 = arith.cmpi ne, %convert_element_type3A_271, %cond3A_272 : i32
      %cond3A_274 = scf.if %cond3A_273 -> (i32) {
        %while3A_394 = arith.constant 0 : i32
        %while3A_395 = arith.subi %select_n3A_154, %while3A_394 : i32
        %while3A_396 = arith.addi %while3A_394, %while3A_395 : i32
        %while3A_397 = arith.constant 1 : i32
        %while3A_398 = arith.divsi %while3A_395, %while3A_397 : i32
        %while3A_399 = arith.muli %while3A_398, %while3A_397 : i32
        %while3A_400 = arith.addi %while3A_394, %while3A_399 : i32
        %while3A_401 = arith.constant 1 : i32
        %while3A_402 = scf.for %while3A_405 = %while3A_394 to %while3A_400 step %while3A_401 iter_args(%while3A_406 = %cond3A_218) -> (i32)  : i32 {
          %mul3A_407 = arith.constant 16 : i32
          %mul3A_408 = arith.muli %while3A_405, %mul3A_407 : i32
          %get3A = arith.index_cast %mul3A_408 : i32 to index
          %get3A_409 = tpu.vector_load %arg7[%get3A] {strides = array<i32>} : memref<16416xi32, #tpu.memory_space<vmem>>, vector<16xi32>,
          %ge3A = vector.broadcast %shift_left3A_263 : i32 to vector<16xi32>
          %ge3A_410 = arith.cmpi sge, %get3A_409, %ge3A : vector<16xi32>
          %lt3A_411 = vector.broadcast %shift_left3A_268 : i32 to vector<16xi32>
          %lt3A_412 = arith.cmpi slt, %get3A_409, %lt3A_411 : vector<16xi32>
          %and3A_413 = arith.andi %ge3A_410, %lt3A_412 : vector<16xi1>
          %jit3A_414 = arith.constant 1 : i32
          %jit3A_415 = arith.constant 0 : i32
          %broadcast_in_dim3A_416 = vector.broadcast %jit3A_414 : i32 to vector<16xi32>
          %broadcast_in_dim3A_417 = vector.broadcast %jit3A_415 : i32 to vector<16xi32>
          %select_n3A_418 = arith.select %and3A_413, %broadcast_in_dim3A_416, %broadcast_in_dim3A_417 : vector<16xi1>, vector<16xi32>
          %all_reduce_population_count3A = tpu.all_reduce %and3A_413 {dim = 0 : i64, kind = #tpu.reduction_kind<sum>} : vector<16xi1> -> vector<16xi32>
          %slice3A = vector.extract_strided_slice %all_reduce_population_count3A {offsets = [0], sizes = [1], strides = [1]} : vector<16xi32> to vector<1xi32>
          %squeeze3A = vector.extract %slice3A[0] : i32 from vector<1xi32>
          %while3A_419:3 = scf.while (%while3A_420 = %select_n3A_418, %while3A_421 = %squeeze3A, %while3A_422 = %while3A_406) : (vector<16xi32>, i32, i32) -> (vector<16xi32>, i32, i32) {
            %gt3A = arith.constant 0 : i32
            %gt3A_423 = arith.cmpi sgt, %while3A_421, %gt3A : i32
            scf.condition(%gt3A_423) %while3A_420, %while3A_421, %while3A_422 : vector<16xi32>, i32, i32
          } do {
          ^bb0(%while3A_420: vector<16xi32>, %while3A_421: i32, %while3A_422: i32):
            %ne3A_423 = arith.constant 0 : i32
            %ne3A_424 = vector.broadcast %ne3A_423 : i32 to vector<16xi32>
            %ne3A_425 = arith.cmpi ne, %while3A_420, %ne3A_424 : vector<16xi32>
            %all_reduce_ffs3A = tpu.all_reduce %ne3A_425 {dim = 0 : i64, kind = #tpu.reduction_kind<find_first_set>} : vector<16xi1> -> vector<16xi32>
            %mul3A_426 = arith.constant 16 : i32
            %mul3A_427 = arith.muli %while3A_405, %mul3A_426 : i32
            %add3A_428 = vector.broadcast %mul3A_427 : i32 to vector<16xi32>
            %add3A_429 = arith.addi %add3A_428, %all_reduce_ffs3A : vector<16xi32>
            %gather3A = tpu.vector_load_idx %arg7[%add3A_429] : memref<16416xi32, #tpu.memory_space<vmem>>[vector<16xi32>], vector<16xi32>,
            %slice3A_430 = vector.extract_strided_slice %gather3A {offsets = [0], sizes = [1], strides = [1]} : vector<16xi32> to vector<1xi32>
            %squeeze3A_431 = vector.extract %slice3A_430[0] : i32 from vector<1xi32>
            %shift_right_logical3A = arith.constant 14 : i32
            %shift_right_logical3A_432 = arith.shrui %squeeze3A_431, %shift_right_logical3A : i32
            %add3A_433 = arith.addi %multiple_of3A, %shift_right_logical3A_432 : i32
            %and3A_434 = arith.constant 16383 : i32
            %and3A_435 = arith.andi %squeeze3A_431, %and3A_434 : i32
            %sub3A_436 = arith.subi %add3A_433, %multiple_of3A_260 : i32
            %broadcast_in_dim3A_437 = vector.broadcast %sub3A_436 : i32 to vector<16xi32>
            %add3A_438 = arith.constant 0 : i32
            %add3A_439 = vector.broadcast %add3A_438 : i32 to vector<16xi32>
            %add3A_440 = arith.addi %add3A_439, %iota3A : vector<16xi32>
            %shift_right_logical3A_441 = arith.constant 3 : i32
            %shift_right_logical3A_442 = vector.broadcast %shift_right_logical3A_441 : i32 to vector<16xi32>
            %shift_right_logical3A_443 = arith.shrui %add3A_440, %shift_right_logical3A_442 : vector<16xi32>
            %and3A_444 = arith.constant 7 : i32
            %and3A_445 = vector.broadcast %and3A_444 : i32 to vector<16xi32>
            %and3A_446 = arith.andi %add3A_440, %and3A_445 : vector<16xi32>
            %gather3A_447 = arith.constant 1 : i32
            %gather3A_448 = arith.constant 0 : i32
            %gather3A_449 = arith.constant 0 : i32
            %gather3A_450 = arith.constant 0 : i32
            %gather3A_451 = tpu.memref_slice %arg8[%gather3A_447, %gather3A_448, %gather3A_449, %gather3A_450] : memref<4x8x8x256xf32, #tpu.memory_space<vmem>> -> memref<1x8x8x256xf32, #tpu.memory_space<vmem>>
            %gather3A_452 = tpu.memref_squeeze %gather3A_451 : memref<1x8x8x256xf32, #tpu.memory_space<vmem>> -> memref<8x8x256xf32, #tpu.memory_space<vmem>>
            %gather3A_453 = tpu.vector_load_idx %gather3A_452[%shift_right_logical3A_443, %and3A_446, %broadcast_in_dim3A_437] : memref<8x8x256xf32, #tpu.memory_space<vmem>>[vector<16xi32>, vector<16xi32>, vector<16xi32>], vector<16xf32>,
            %add3A_454 = arith.constant 16 : i32
            %add3A_455 = vector.broadcast %add3A_454 : i32 to vector<16xi32>
            %add3A_456 = arith.addi %add3A_455, %iota3A : vector<16xi32>
            %shift_right_logical3A_457 = arith.constant 3 : i32
            %shift_right_logical3A_458 = vector.broadcast %shift_right_logical3A_457 : i32 to vector<16xi32>
            %shift_right_logical3A_459 = arith.shrui %add3A_456, %shift_right_logical3A_458 : vector<16xi32>
            %and3A_460 = arith.constant 7 : i32
            %and3A_461 = vector.broadcast %and3A_460 : i32 to vector<16xi32>
            %and3A_462 = arith.andi %add3A_456, %and3A_461 : vector<16xi32>
            %gather3A_463 = arith.constant 1 : i32
            %gather3A_464 = arith.constant 0 : i32
            %gather3A_465 = arith.constant 0 : i32
            %gather3A_466 = arith.constant 0 : i32
            %gather3A_467 = tpu.memref_slice %arg8[%gather3A_463, %gather3A_464, %gather3A_465, %gather3A_466] : memref<4x8x8x256xf32, #tpu.memory_space<vmem>> -> memref<1x8x8x256xf32, #tpu.memory_space<vmem>>
            %gather3A_468 = tpu.memref_squeeze %gather3A_467 : memref<1x8x8x256xf32, #tpu.memory_space<vmem>> -> memref<8x8x256xf32, #tpu.memory_space<vmem>>
            %gather3A_469 = tpu.vector_load_idx %gather3A_468[%shift_right_logical3A_459, %and3A_462, %broadcast_in_dim3A_437] : memref<8x8x256xf32, #tpu.memory_space<vmem>>[vector<16xi32>, vector<16xi32>, vector<16xi32>], vector<16xf32>,
            %add3A_470 = arith.constant 32 : i32
            %add3A_471 = vector.broadcast %add3A_470 : i32 to vector<16xi32>
            %add3A_472 = arith.addi %add3A_471, %iota3A : vector<16xi32>
            %shift_right_logical3A_473 = arith.constant 3 : i32
            %shift_right_logical3A_474 = vector.broadcast %shift_right_logical3A_473 : i32 to vector<16xi32>
            %shift_right_logical3A_475 = arith.shrui %add3A_472, %shift_right_logical3A_474 : vector<16xi32>
            %and3A_476 = arith.constant 7 : i32
            %and3A_477 = vector.broadcast %and3A_476 : i32 to vector<16xi32>
            %and3A_478 = arith.andi %add3A_472, %and3A_477 : vector<16xi32>
            %gather3A_479 = arith.constant 1 : i32
            %gather3A_480 = arith.constant 0 : i32
            %gather3A_481 = arith.constant 0 : i32
            %gather3A_482 = arith.constant 0 : i32
            %gather3A_483 = tpu.memref_slice %arg8[%gather3A_479, %gather3A_480, %gather3A_481, %gather3A_482] : memref<4x8x8x256xf32, #tpu.memory_space<vmem>> -> memref<1x8x8x256xf32, #tpu.memory_space<vmem>>
            %gather3A_484 = tpu.memref_squeeze %gather3A_483 : memref<1x8x8x256xf32, #tpu.memory_space<vmem>> -> memref<8x8x256xf32, #tpu.memory_space<vmem>>
            %gather3A_485 = tpu.vector_load_idx %gather3A_484[%shift_right_logical3A_475, %and3A_478, %broadcast_in_dim3A_437] : memref<8x8x256xf32, #tpu.memory_space<vmem>>[vector<16xi32>, vector<16xi32>, vector<16xi32>], vector<16xf32>,
            %add3A_486 = arith.constant 48 : i32
            %add3A_487 = vector.broadcast %add3A_486 : i32 to vector<16xi32>
            %add3A_488 = arith.addi %add3A_487, %iota3A : vector<16xi32>
            %shift_right_logical3A_489 = arith.constant 3 : i32
            %shift_right_logical3A_490 = vector.broadcast %shift_right_logical3A_489 : i32 to vector<16xi32>
            %shift_right_logical3A_491 = arith.shrui %add3A_488, %shift_right_logical3A_490 : vector<16xi32>
            %and3A_492 = arith.constant 7 : i32
            %and3A_493 = vector.broadcast %and3A_492 : i32 to vector<16xi32>
            %and3A_494 = arith.andi %add3A_488, %and3A_493 : vector<16xi32>
            %gather3A_495 = arith.constant 1 : i32
            %gather3A_496 = arith.constant 0 : i32
            %gather3A_497 = arith.constant 0 : i32
            %gather3A_498 = arith.constant 0 : i32
            %gather3A_499 = tpu.memref_slice %arg8[%gather3A_495, %gather3A_496, %gather3A_497, %gather3A_498] : memref<4x8x8x256xf32, #tpu.memory_space<vmem>> -> memref<1x8x8x256xf32, #tpu.memory_space<vmem>>
            %gather3A_500 = tpu.memref_squeeze %gather3A_499 : memref<1x8x8x256xf32, #tpu.memory_space<vmem>> -> memref<8x8x256xf32, #tpu.memory_space<vmem>>
            %gather3A_501 = tpu.vector_load_idx %gather3A_500[%shift_right_logical3A_491, %and3A_494, %broadcast_in_dim3A_437] : memref<8x8x256xf32, #tpu.memory_space<vmem>>[vector<16xi32>, vector<16xi32>, vector<16xi32>], vector<16xf32>,
            %and3A_502 = arith.constant 15 : i32
            %and3A_503 = arith.andi %while3A_422, %and3A_502 : i32
            %ge3A_504 = arith.constant 16 : i32
            %ge3A_505 = arith.cmpi sge, %while3A_422, %ge3A_504 : i32
            %convert_element_type3A_506 = arith.extui %ge3A_505 : i1 to i32
            %cond3A_507 = arith.constant 0 : i32
            %cond3A_508 = arith.cmpi ne, %convert_element_type3A_506, %cond3A_507 : i32
            scf.if %cond3A_508 {
              %dma_wait3A_536 = arith.constant 0 : i32
              %dma_wait3A_537 = arith.constant 0 : i32
              %dma_wait3A_538 = tpu.memref_slice %arg9[%dma_wait3A_536, %dma_wait3A_537] : memref<16x64xf32, #tpu.memory_space<vmem>> -> memref<1x64xf32, #tpu.memory_space<vmem>>
              %dma_wait3A_539 = arith.constant 0 : i32
              %dma_wait3A_540 = arith.constant 0 : i32
              %dma_wait3A_541 = tpu.memref_slice %arg5[%dma_wait3A_539, %dma_wait3A_540] : memref<16384x64xf32, #tpu.memory_space<hbm>> -> memref<1x64xf32, #tpu.memory_space<hbm>>
              %dma_wait3A_542 = arith.constant 0 : i32
              %dma_wait3A_543 = arith.constant 0 : i32
              %dma_wait3A_544 = tpu.memref_slice %arg5[%dma_wait3A_542, %dma_wait3A_543] : memref<16384x64xf32, #tpu.memory_space<hbm>> -> memref<1x64xf32, #tpu.memory_space<hbm>>
              %dma_wait3A_545 = arith.constant 0 : i32
              %dma_wait3A_546 = arith.constant 0 : i32
              %dma_wait3A_547 = tpu.memref_slice %arg9[%dma_wait3A_545, %dma_wait3A_546] : memref<16x64xf32, #tpu.memory_space<vmem>> -> memref<1x64xf32, #tpu.memory_space<vmem>>
              tpu.wait_dma2 semaphore(%arg12 : memref<!tpu.dma_semaphore, #tpu.memory_space<semaphore_mem>>) src(%dma_wait3A_547 : memref<1x64xf32, #tpu.memory_space<vmem>>) dst(%dma_wait3A_544 : memref<1x64xf32, #tpu.memory_space<hbm>>)
            } else {
            }
            %swap3A_509 = arith.index_cast %and3A_503 : i32 to index
            %swap3A_510 = arith.constant 0 : index
            %swap3A_511 = tpu.vector_load %arg9[%swap3A_509, %swap3A_510] {strides = array<i32>} : memref<16x64xf32, #tpu.memory_space<vmem>>, vector<16xf32>,
            tpu.vector_store %arg9[%swap3A_509, %swap3A_510], %gather3A_453 {strides = array<i32>} : memref<16x64xf32, #tpu.memory_space<vmem>>, vector<16xf32>,
            %swap3A_512 = arith.index_cast %and3A_503 : i32 to index
            %swap3A_513 = arith.constant 16 : index
            %swap3A_514 = tpu.vector_load %arg9[%swap3A_512, %swap3A_513] {strides = array<i32>} : memref<16x64xf32, #tpu.memory_space<vmem>>, vector<16xf32>,
            tpu.vector_store %arg9[%swap3A_512, %swap3A_513], %gather3A_469 {strides = array<i32>} : memref<16x64xf32, #tpu.memory_space<vmem>>, vector<16xf32>,
            %swap3A_515 = arith.index_cast %and3A_503 : i32 to index
            %swap3A_516 = arith.constant 32 : index
            %swap3A_517 = tpu.vector_load %arg9[%swap3A_515, %swap3A_516] {strides = array<i32>} : memref<16x64xf32, #tpu.memory_space<vmem>>, vector<16xf32>,
            tpu.vector_store %arg9[%swap3A_515, %swap3A_516], %gather3A_485 {strides = array<i32>} : memref<16x64xf32, #tpu.memory_space<vmem>>, vector<16xf32>,
            %swap3A_518 = arith.index_cast %and3A_503 : i32 to index
            %swap3A_519 = arith.constant 48 : index
            %swap3A_520 = tpu.vector_load %arg9[%swap3A_518, %swap3A_519] {strides = array<i32>} : memref<16x64xf32, #tpu.memory_space<vmem>>, vector<16xf32>,
            tpu.vector_store %arg9[%swap3A_518, %swap3A_519], %gather3A_501 {strides = array<i32>} : memref<16x64xf32, #tpu.memory_space<vmem>>, vector<16xf32>,
            %dma_start3A_521 = arith.constant 0 : i32
            %dma_start3A_522 = tpu.memref_slice %arg9[%and3A_503, %dma_start3A_521] : memref<16x64xf32, #tpu.memory_space<vmem>> -> memref<1x64xf32, #tpu.memory_space<vmem>>
            %dma_start3A_523 = arith.constant 0 : i32
            %dma_start3A_524 = tpu.memref_slice %arg5[%and3A_435, %dma_start3A_523] : memref<16384x64xf32, #tpu.memory_space<hbm>> -> memref<1x64xf32, #tpu.memory_space<hbm>>
            %dma_start3A_525 = arith.constant 0 : i32
            %dma_start3A_526 = tpu.memref_slice %arg5[%and3A_435, %dma_start3A_525] : memref<16384x64xf32, #tpu.memory_space<hbm>> -> memref<1x64xf32, #tpu.memory_space<hbm>>
            %dma_start3A_527 = arith.constant 0 : i32
            %dma_start3A_528 = tpu.memref_slice %arg9[%and3A_503, %dma_start3A_527] : memref<16x64xf32, #tpu.memory_space<vmem>> -> memref<1x64xf32, #tpu.memory_space<vmem>>
            tpu.enqueue_dma source(%dma_start3A_528 : memref<1x64xf32, #tpu.memory_space<vmem>>) target(%dma_start3A_526 : memref<1x64xf32, #tpu.memory_space<hbm>>) target_semaphore(%arg12 : memref<!tpu.dma_semaphore, #tpu.memory_space<semaphore_mem>>)
            %add3A_529 = arith.constant 1 : i32
            %add3A_530 = arith.addi %while3A_422, %add3A_529 : i32
            %eq3A = arith.cmpi eq, %iota3A, %all_reduce_ffs3A : vector<16xi32>
            %jit3A_531 = arith.constant 0 : i32
            %broadcast_in_dim3A_532 = vector.broadcast %jit3A_531 : i32 to vector<16xi32>
            %select_n3A_533 = arith.select %eq3A, %broadcast_in_dim3A_532, %while3A_420 : vector<16xi1>, vector<16xi32>
            %sub3A_534 = arith.constant 1 : i32
            %sub3A_535 = arith.subi %while3A_421, %sub3A_534 : i32
            scf.yield %select_n3A_533, %sub3A_535, %add3A_530 : vector<16xi32>, i32, i32
          }
          scf.yield %while3A_419#2 : i32
        }
        %while3A_403 = arith.constant 1 : i32
        %while3A_404 = scf.for %while3A_405 = %while3A_400 to %while3A_396 step %while3A_403 iter_args(%while3A_406 = %while3A_402) -> (i32)  : i32 {
          %mul3A_407 = arith.constant 16 : i32
          %mul3A_408 = arith.muli %while3A_405, %mul3A_407 : i32
          %get3A = arith.index_cast %mul3A_408 : i32 to index
          %get3A_409 = tpu.vector_load %arg7[%get3A] {strides = array<i32>} : memref<16416xi32, #tpu.memory_space<vmem>>, vector<16xi32>,
          %ge3A = vector.broadcast %shift_left3A_263 : i32 to vector<16xi32>
          %ge3A_410 = arith.cmpi sge, %get3A_409, %ge3A : vector<16xi32>
          %lt3A_411 = vector.broadcast %shift_left3A_268 : i32 to vector<16xi32>
          %lt3A_412 = arith.cmpi slt, %get3A_409, %lt3A_411 : vector<16xi32>
          %and3A_413 = arith.andi %ge3A_410, %lt3A_412 : vector<16xi1>
          %jit3A_414 = arith.constant 1 : i32
          %jit3A_415 = arith.constant 0 : i32
          %broadcast_in_dim3A_416 = vector.broadcast %jit3A_414 : i32 to vector<16xi32>
          %broadcast_in_dim3A_417 = vector.broadcast %jit3A_415 : i32 to vector<16xi32>
          %select_n3A_418 = arith.select %and3A_413, %broadcast_in_dim3A_416, %broadcast_in_dim3A_417 : vector<16xi1>, vector<16xi32>
          %all_reduce_population_count3A = tpu.all_reduce %and3A_413 {dim = 0 : i64, kind = #tpu.reduction_kind<sum>} : vector<16xi1> -> vector<16xi32>
          %slice3A = vector.extract_strided_slice %all_reduce_population_count3A {offsets = [0], sizes = [1], strides = [1]} : vector<16xi32> to vector<1xi32>
          %squeeze3A = vector.extract %slice3A[0] : i32 from vector<1xi32>
          %while3A_419:3 = scf.while (%while3A_420 = %select_n3A_418, %while3A_421 = %squeeze3A, %while3A_422 = %while3A_406) : (vector<16xi32>, i32, i32) -> (vector<16xi32>, i32, i32) {
            %gt3A = arith.constant 0 : i32
            %gt3A_423 = arith.cmpi sgt, %while3A_421, %gt3A : i32
            scf.condition(%gt3A_423) %while3A_420, %while3A_421, %while3A_422 : vector<16xi32>, i32, i32
          } do {
          ^bb0(%while3A_420: vector<16xi32>, %while3A_421: i32, %while3A_422: i32):
            %ne3A_423 = arith.constant 0 : i32
            %ne3A_424 = vector.broadcast %ne3A_423 : i32 to vector<16xi32>
            %ne3A_425 = arith.cmpi ne, %while3A_420, %ne3A_424 : vector<16xi32>
            %all_reduce_ffs3A = tpu.all_reduce %ne3A_425 {dim = 0 : i64, kind = #tpu.reduction_kind<find_first_set>} : vector<16xi1> -> vector<16xi32>
            %mul3A_426 = arith.constant 16 : i32
            %mul3A_427 = arith.muli %while3A_405, %mul3A_426 : i32
            %add3A_428 = vector.broadcast %mul3A_427 : i32 to vector<16xi32>
            %add3A_429 = arith.addi %add3A_428, %all_reduce_ffs3A : vector<16xi32>
            %gather3A = tpu.vector_load_idx %arg7[%add3A_429] : memref<16416xi32, #tpu.memory_space<vmem>>[vector<16xi32>], vector<16xi32>,
            %slice3A_430 = vector.extract_strided_slice %gather3A {offsets = [0], sizes = [1], strides = [1]} : vector<16xi32> to vector<1xi32>
            %squeeze3A_431 = vector.extract %slice3A_430[0] : i32 from vector<1xi32>
            %shift_right_logical3A = arith.constant 14 : i32
            %shift_right_logical3A_432 = arith.shrui %squeeze3A_431, %shift_right_logical3A : i32
            %add3A_433 = arith.addi %multiple_of3A, %shift_right_logical3A_432 : i32
            %and3A_434 = arith.constant 16383 : i32
            %and3A_435 = arith.andi %squeeze3A_431, %and3A_434 : i32
            %sub3A_436 = arith.subi %add3A_433, %multiple_of3A_260 : i32
            %broadcast_in_dim3A_437 = vector.broadcast %sub3A_436 : i32 to vector<16xi32>
            %add3A_438 = arith.constant 0 : i32
            %add3A_439 = vector.broadcast %add3A_438 : i32 to vector<16xi32>
            %add3A_440 = arith.addi %add3A_439, %iota3A : vector<16xi32>
            %shift_right_logical3A_441 = arith.constant 3 : i32
            %shift_right_logical3A_442 = vector.broadcast %shift_right_logical3A_441 : i32 to vector<16xi32>
            %shift_right_logical3A_443 = arith.shrui %add3A_440, %shift_right_logical3A_442 : vector<16xi32>
            %and3A_444 = arith.constant 7 : i32
            %and3A_445 = vector.broadcast %and3A_444 : i32 to vector<16xi32>
            %and3A_446 = arith.andi %add3A_440, %and3A_445 : vector<16xi32>
            %gather3A_447 = arith.constant 1 : i32
            %gather3A_448 = arith.constant 0 : i32
            %gather3A_449 = arith.constant 0 : i32
            %gather3A_450 = arith.constant 0 : i32
            %gather3A_451 = tpu.memref_slice %arg8[%gather3A_447, %gather3A_448, %gather3A_449, %gather3A_450] : memref<4x8x8x256xf32, #tpu.memory_space<vmem>> -> memref<1x8x8x256xf32, #tpu.memory_space<vmem>>
            %gather3A_452 = tpu.memref_squeeze %gather3A_451 : memref<1x8x8x256xf32, #tpu.memory_space<vmem>> -> memref<8x8x256xf32, #tpu.memory_space<vmem>>
            %gather3A_453 = tpu.vector_load_idx %gather3A_452[%shift_right_logical3A_443, %and3A_446, %broadcast_in_dim3A_437] : memref<8x8x256xf32, #tpu.memory_space<vmem>>[vector<16xi32>, vector<16xi32>, vector<16xi32>], vector<16xf32>,
            %add3A_454 = arith.constant 16 : i32
            %add3A_455 = vector.broadcast %add3A_454 : i32 to vector<16xi32>
            %add3A_456 = arith.addi %add3A_455, %iota3A : vector<16xi32>
            %shift_right_logical3A_457 = arith.constant 3 : i32
            %shift_right_logical3A_458 = vector.broadcast %shift_right_logical3A_457 : i32 to vector<16xi32>
            %shift_right_logical3A_459 = arith.shrui %add3A_456, %shift_right_logical3A_458 : vector<16xi32>
            %and3A_460 = arith.constant 7 : i32
            %and3A_461 = vector.broadcast %and3A_460 : i32 to vector<16xi32>
            %and3A_462 = arith.andi %add3A_456, %and3A_461 : vector<16xi32>
            %gather3A_463 = arith.constant 1 : i32
            %gather3A_464 = arith.constant 0 : i32
            %gather3A_465 = arith.constant 0 : i32
            %gather3A_466 = arith.constant 0 : i32
            %gather3A_467 = tpu.memref_slice %arg8[%gather3A_463, %gather3A_464, %gather3A_465, %gather3A_466] : memref<4x8x8x256xf32, #tpu.memory_space<vmem>> -> memref<1x8x8x256xf32, #tpu.memory_space<vmem>>
            %gather3A_468 = tpu.memref_squeeze %gather3A_467 : memref<1x8x8x256xf32, #tpu.memory_space<vmem>> -> memref<8x8x256xf32, #tpu.memory_space<vmem>>
            %gather3A_469 = tpu.vector_load_idx %gather3A_468[%shift_right_logical3A_459, %and3A_462, %broadcast_in_dim3A_437] : memref<8x8x256xf32, #tpu.memory_space<vmem>>[vector<16xi32>, vector<16xi32>, vector<16xi32>], vector<16xf32>,
            %add3A_470 = arith.constant 32 : i32
            %add3A_471 = vector.broadcast %add3A_470 : i32 to vector<16xi32>
            %add3A_472 = arith.addi %add3A_471, %iota3A : vector<16xi32>
            %shift_right_logical3A_473 = arith.constant 3 : i32
            %shift_right_logical3A_474 = vector.broadcast %shift_right_logical3A_473 : i32 to vector<16xi32>
            %shift_right_logical3A_475 = arith.shrui %add3A_472, %shift_right_logical3A_474 : vector<16xi32>
            %and3A_476 = arith.constant 7 : i32
            %and3A_477 = vector.broadcast %and3A_476 : i32 to vector<16xi32>
            %and3A_478 = arith.andi %add3A_472, %and3A_477 : vector<16xi32>
            %gather3A_479 = arith.constant 1 : i32
            %gather3A_480 = arith.constant 0 : i32
            %gather3A_481 = arith.constant 0 : i32
            %gather3A_482 = arith.constant 0 : i32
            %gather3A_483 = tpu.memref_slice %arg8[%gather3A_479, %gather3A_480, %gather3A_481, %gather3A_482] : memref<4x8x8x256xf32, #tpu.memory_space<vmem>> -> memref<1x8x8x256xf32, #tpu.memory_space<vmem>>
            %gather3A_484 = tpu.memref_squeeze %gather3A_483 : memref<1x8x8x256xf32, #tpu.memory_space<vmem>> -> memref<8x8x256xf32, #tpu.memory_space<vmem>>
            %gather3A_485 = tpu.vector_load_idx %gather3A_484[%shift_right_logical3A_475, %and3A_478, %broadcast_in_dim3A_437] : memref<8x8x256xf32, #tpu.memory_space<vmem>>[vector<16xi32>, vector<16xi32>, vector<16xi32>], vector<16xf32>,
            %add3A_486 = arith.constant 48 : i32
            %add3A_487 = vector.broadcast %add3A_486 : i32 to vector<16xi32>
            %add3A_488 = arith.addi %add3A_487, %iota3A : vector<16xi32>
            %shift_right_logical3A_489 = arith.constant 3 : i32
            %shift_right_logical3A_490 = vector.broadcast %shift_right_logical3A_489 : i32 to vector<16xi32>
            %shift_right_logical3A_491 = arith.shrui %add3A_488, %shift_right_logical3A_490 : vector<16xi32>
            %and3A_492 = arith.constant 7 : i32
            %and3A_493 = vector.broadcast %and3A_492 : i32 to vector<16xi32>
            %and3A_494 = arith.andi %add3A_488, %and3A_493 : vector<16xi32>
            %gather3A_495 = arith.constant 1 : i32
            %gather3A_496 = arith.constant 0 : i32
            %gather3A_497 = arith.constant 0 : i32
            %gather3A_498 = arith.constant 0 : i32
            %gather3A_499 = tpu.memref_slice %arg8[%gather3A_495, %gather3A_496, %gather3A_497, %gather3A_498] : memref<4x8x8x256xf32, #tpu.memory_space<vmem>> -> memref<1x8x8x256xf32, #tpu.memory_space<vmem>>
            %gather3A_500 = tpu.memref_squeeze %gather3A_499 : memref<1x8x8x256xf32, #tpu.memory_space<vmem>> -> memref<8x8x256xf32, #tpu.memory_space<vmem>>
            %gather3A_501 = tpu.vector_load_idx %gather3A_500[%shift_right_logical3A_491, %and3A_494, %broadcast_in_dim3A_437] : memref<8x8x256xf32, #tpu.memory_space<vmem>>[vector<16xi32>, vector<16xi32>, vector<16xi32>], vector<16xf32>,
            %and3A_502 = arith.constant 15 : i32
            %and3A_503 = arith.andi %while3A_422, %and3A_502 : i32
            %ge3A_504 = arith.constant 16 : i32
            %ge3A_505 = arith.cmpi sge, %while3A_422, %ge3A_504 : i32
            %convert_element_type3A_506 = arith.extui %ge3A_505 : i1 to i32
            %cond3A_507 = arith.constant 0 : i32
            %cond3A_508 = arith.cmpi ne, %convert_element_type3A_506, %cond3A_507 : i32
            scf.if %cond3A_508 {
              %dma_wait3A_536 = arith.constant 0 : i32
              %dma_wait3A_537 = arith.constant 0 : i32
              %dma_wait3A_538 = tpu.memref_slice %arg9[%dma_wait3A_536, %dma_wait3A_537] : memref<16x64xf32, #tpu.memory_space<vmem>> -> memref<1x64xf32, #tpu.memory_space<vmem>>
              %dma_wait3A_539 = arith.constant 0 : i32
              %dma_wait3A_540 = arith.constant 0 : i32
              %dma_wait3A_541 = tpu.memref_slice %arg5[%dma_wait3A_539, %dma_wait3A_540] : memref<16384x64xf32, #tpu.memory_space<hbm>> -> memref<1x64xf32, #tpu.memory_space<hbm>>
              %dma_wait3A_542 = arith.constant 0 : i32
              %dma_wait3A_543 = arith.constant 0 : i32
              %dma_wait3A_544 = tpu.memref_slice %arg5[%dma_wait3A_542, %dma_wait3A_543] : memref<16384x64xf32, #tpu.memory_space<hbm>> -> memref<1x64xf32, #tpu.memory_space<hbm>>
              %dma_wait3A_545 = arith.constant 0 : i32
              %dma_wait3A_546 = arith.constant 0 : i32
              %dma_wait3A_547 = tpu.memref_slice %arg9[%dma_wait3A_545, %dma_wait3A_546] : memref<16x64xf32, #tpu.memory_space<vmem>> -> memref<1x64xf32, #tpu.memory_space<vmem>>
              tpu.wait_dma2 semaphore(%arg12 : memref<!tpu.dma_semaphore, #tpu.memory_space<semaphore_mem>>) src(%dma_wait3A_547 : memref<1x64xf32, #tpu.memory_space<vmem>>) dst(%dma_wait3A_544 : memref<1x64xf32, #tpu.memory_space<hbm>>)
            } else {
            }
            %swap3A_509 = arith.index_cast %and3A_503 : i32 to index
            %swap3A_510 = arith.constant 0 : index
            %swap3A_511 = tpu.vector_load %arg9[%swap3A_509, %swap3A_510] {strides = array<i32>} : memref<16x64xf32, #tpu.memory_space<vmem>>, vector<16xf32>,
            tpu.vector_store %arg9[%swap3A_509, %swap3A_510], %gather3A_453 {strides = array<i32>} : memref<16x64xf32, #tpu.memory_space<vmem>>, vector<16xf32>,
            %swap3A_512 = arith.index_cast %and3A_503 : i32 to index
            %swap3A_513 = arith.constant 16 : index
            %swap3A_514 = tpu.vector_load %arg9[%swap3A_512, %swap3A_513] {strides = array<i32>} : memref<16x64xf32, #tpu.memory_space<vmem>>, vector<16xf32>,
            tpu.vector_store %arg9[%swap3A_512, %swap3A_513], %gather3A_469 {strides = array<i32>} : memref<16x64xf32, #tpu.memory_space<vmem>>, vector<16xf32>,
            %swap3A_515 = arith.index_cast %and3A_503 : i32 to index
            %swap3A_516 = arith.constant 32 : index
            %swap3A_517 = tpu.vector_load %arg9[%swap3A_515, %swap3A_516] {strides = array<i32>} : memref<16x64xf32, #tpu.memory_space<vmem>>, vector<16xf32>,
            tpu.vector_store %arg9[%swap3A_515, %swap3A_516], %gather3A_485 {strides = array<i32>} : memref<16x64xf32, #tpu.memory_space<vmem>>, vector<16xf32>,
            %swap3A_518 = arith.index_cast %and3A_503 : i32 to index
            %swap3A_519 = arith.constant 48 : index
            %swap3A_520 = tpu.vector_load %arg9[%swap3A_518, %swap3A_519] {strides = array<i32>} : memref<16x64xf32, #tpu.memory_space<vmem>>, vector<16xf32>,
            tpu.vector_store %arg9[%swap3A_518, %swap3A_519], %gather3A_501 {strides = array<i32>} : memref<16x64xf32, #tpu.memory_space<vmem>>, vector<16xf32>,
            %dma_start3A_521 = arith.constant 0 : i32
            %dma_start3A_522 = tpu.memref_slice %arg9[%and3A_503, %dma_start3A_521] : memref<16x64xf32, #tpu.memory_space<vmem>> -> memref<1x64xf32, #tpu.memory_space<vmem>>
            %dma_start3A_523 = arith.constant 0 : i32
            %dma_start3A_524 = tpu.memref_slice %arg5[%and3A_435, %dma_start3A_523] : memref<16384x64xf32, #tpu.memory_space<hbm>> -> memref<1x64xf32, #tpu.memory_space<hbm>>
            %dma_start3A_525 = arith.constant 0 : i32
            %dma_start3A_526 = tpu.memref_slice %arg5[%and3A_435, %dma_start3A_525] : memref<16384x64xf32, #tpu.memory_space<hbm>> -> memref<1x64xf32, #tpu.memory_space<hbm>>
            %dma_start3A_527 = arith.constant 0 : i32
            %dma_start3A_528 = tpu.memref_slice %arg9[%and3A_503, %dma_start3A_527] : memref<16x64xf32, #tpu.memory_space<vmem>> -> memref<1x64xf32, #tpu.memory_space<vmem>>
            tpu.enqueue_dma source(%dma_start3A_528 : memref<1x64xf32, #tpu.memory_space<vmem>>) target(%dma_start3A_526 : memref<1x64xf32, #tpu.memory_space<hbm>>) target_semaphore(%arg12 : memref<!tpu.dma_semaphore, #tpu.memory_space<semaphore_mem>>)
            %add3A_529 = arith.constant 1 : i32
            %add3A_530 = arith.addi %while3A_422, %add3A_529 : i32
            %eq3A = arith.cmpi eq, %iota3A, %all_reduce_ffs3A : vector<16xi32>
            %jit3A_531 = arith.constant 0 : i32
            %broadcast_in_dim3A_532 = vector.broadcast %jit3A_531 : i32 to vector<16xi32>
            %select_n3A_533 = arith.select %eq3A, %broadcast_in_dim3A_532, %while3A_420 : vector<16xi1>, vector<16xi32>
            %sub3A_534 = arith.constant 1 : i32
            %sub3A_535 = arith.subi %while3A_421, %sub3A_534 : i32
            scf.yield %select_n3A_533, %sub3A_535, %add3A_530 : vector<16xi32>, i32, i32
          }
          scf.yield %while3A_419#2 : i32
        }
        scf.yield %while3A_404 : i32
      } else {
        %while3A_394 = arith.constant 0 : i32
        %while3A_395 = arith.subi %select_n3A_154, %while3A_394 : i32
        %while3A_396 = arith.addi %while3A_394, %while3A_395 : i32
        %while3A_397 = arith.constant 1 : i32
        %while3A_398 = arith.divsi %while3A_395, %while3A_397 : i32
        %while3A_399 = arith.muli %while3A_398, %while3A_397 : i32
        %while3A_400 = arith.addi %while3A_394, %while3A_399 : i32
        %while3A_401 = arith.constant 1 : i32
        %while3A_402 = scf.for %while3A_405 = %while3A_394 to %while3A_400 step %while3A_401 iter_args(%while3A_406 = %cond3A_218) -> (i32)  : i32 {
          %mul3A_407 = arith.constant 16 : i32
          %mul3A_408 = arith.muli %while3A_405, %mul3A_407 : i32
          %get3A = arith.index_cast %mul3A_408 : i32 to index
          %get3A_409 = tpu.vector_load %arg7[%get3A] {strides = array<i32>} : memref<16416xi32, #tpu.memory_space<vmem>>, vector<16xi32>,
          %ge3A = vector.broadcast %shift_left3A_263 : i32 to vector<16xi32>
          %ge3A_410 = arith.cmpi sge, %get3A_409, %ge3A : vector<16xi32>
          %lt3A_411 = vector.broadcast %shift_left3A_268 : i32 to vector<16xi32>
          %lt3A_412 = arith.cmpi slt, %get3A_409, %lt3A_411 : vector<16xi32>
          %and3A_413 = arith.andi %ge3A_410, %lt3A_412 : vector<16xi1>
          %jit3A_414 = arith.constant 1 : i32
          %jit3A_415 = arith.constant 0 : i32
          %broadcast_in_dim3A_416 = vector.broadcast %jit3A_414 : i32 to vector<16xi32>
          %broadcast_in_dim3A_417 = vector.broadcast %jit3A_415 : i32 to vector<16xi32>
          %select_n3A_418 = arith.select %and3A_413, %broadcast_in_dim3A_416, %broadcast_in_dim3A_417 : vector<16xi1>, vector<16xi32>
          %all_reduce_population_count3A = tpu.all_reduce %and3A_413 {dim = 0 : i64, kind = #tpu.reduction_kind<sum>} : vector<16xi1> -> vector<16xi32>
          %slice3A = vector.extract_strided_slice %all_reduce_population_count3A {offsets = [0], sizes = [1], strides = [1]} : vector<16xi32> to vector<1xi32>
          %squeeze3A = vector.extract %slice3A[0] : i32 from vector<1xi32>
          %while3A_419:3 = scf.while (%while3A_420 = %select_n3A_418, %while3A_421 = %squeeze3A, %while3A_422 = %while3A_406) : (vector<16xi32>, i32, i32) -> (vector<16xi32>, i32, i32) {
            %gt3A = arith.constant 0 : i32
            %gt3A_423 = arith.cmpi sgt, %while3A_421, %gt3A : i32
            scf.condition(%gt3A_423) %while3A_420, %while3A_421, %while3A_422 : vector<16xi32>, i32, i32
          } do {
          ^bb0(%while3A_420: vector<16xi32>, %while3A_421: i32, %while3A_422: i32):
            %ne3A_423 = arith.constant 0 : i32
            %ne3A_424 = vector.broadcast %ne3A_423 : i32 to vector<16xi32>
            %ne3A_425 = arith.cmpi ne, %while3A_420, %ne3A_424 : vector<16xi32>
            %all_reduce_ffs3A = tpu.all_reduce %ne3A_425 {dim = 0 : i64, kind = #tpu.reduction_kind<find_first_set>} : vector<16xi1> -> vector<16xi32>
            %mul3A_426 = arith.constant 16 : i32
            %mul3A_427 = arith.muli %while3A_405, %mul3A_426 : i32
            %add3A_428 = vector.broadcast %mul3A_427 : i32 to vector<16xi32>
            %add3A_429 = arith.addi %add3A_428, %all_reduce_ffs3A : vector<16xi32>
            %gather3A = tpu.vector_load_idx %arg7[%add3A_429] : memref<16416xi32, #tpu.memory_space<vmem>>[vector<16xi32>], vector<16xi32>,
            %slice3A_430 = vector.extract_strided_slice %gather3A {offsets = [0], sizes = [1], strides = [1]} : vector<16xi32> to vector<1xi32>
            %squeeze3A_431 = vector.extract %slice3A_430[0] : i32 from vector<1xi32>
            %shift_right_logical3A = arith.constant 14 : i32
            %shift_right_logical3A_432 = arith.shrui %squeeze3A_431, %shift_right_logical3A : i32
            %add3A_433 = arith.addi %multiple_of3A, %shift_right_logical3A_432 : i32
            %and3A_434 = arith.constant 16383 : i32
            %and3A_435 = arith.andi %squeeze3A_431, %and3A_434 : i32
            %sub3A_436 = arith.constant 999936 : i32
            %sub3A_437 = arith.subi %add3A_433, %sub3A_436 : i32
            %broadcast_in_dim3A_438 = vector.broadcast %sub3A_437 : i32 to vector<16xi32>
            %add3A_439 = arith.constant 0 : i32
            %add3A_440 = vector.broadcast %add3A_439 : i32 to vector<16xi32>
            %add3A_441 = arith.addi %add3A_440, %iota3A : vector<16xi32>
            %gather3A_442 = tpu.vector_load_idx %arg10[%broadcast_in_dim3A_438, %add3A_441] : memref<64x64xf32, #tpu.memory_space<vmem>>[vector<16xi32>, vector<16xi32>], vector<16xf32>,
            %add3A_443 = arith.constant 16 : i32
            %add3A_444 = vector.broadcast %add3A_443 : i32 to vector<16xi32>
            %add3A_445 = arith.addi %add3A_444, %iota3A : vector<16xi32>
            %gather3A_446 = tpu.vector_load_idx %arg10[%broadcast_in_dim3A_438, %add3A_445] : memref<64x64xf32, #tpu.memory_space<vmem>>[vector<16xi32>, vector<16xi32>], vector<16xf32>,
            %add3A_447 = arith.constant 32 : i32
            %add3A_448 = vector.broadcast %add3A_447 : i32 to vector<16xi32>
            %add3A_449 = arith.addi %add3A_448, %iota3A : vector<16xi32>
            %gather3A_450 = tpu.vector_load_idx %arg10[%broadcast_in_dim3A_438, %add3A_449] : memref<64x64xf32, #tpu.memory_space<vmem>>[vector<16xi32>, vector<16xi32>], vector<16xf32>,
            %add3A_451 = arith.constant 48 : i32
            %add3A_452 = vector.broadcast %add3A_451 : i32 to vector<16xi32>
            %add3A_453 = arith.addi %add3A_452, %iota3A : vector<16xi32>
            %gather3A_454 = tpu.vector_load_idx %arg10[%broadcast_in_dim3A_438, %add3A_453] : memref<64x64xf32, #tpu.memory_space<vmem>>[vector<16xi32>, vector<16xi32>], vector<16xf32>,
            %and3A_455 = arith.constant 15 : i32
            %and3A_456 = arith.andi %while3A_422, %and3A_455 : i32
            %ge3A_457 = arith.constant 16 : i32
            %ge3A_458 = arith.cmpi sge, %while3A_422, %ge3A_457 : i32
            %convert_element_type3A_459 = arith.extui %ge3A_458 : i1 to i32
            %cond3A_460 = arith.constant 0 : i32
            %cond3A_461 = arith.cmpi ne, %convert_element_type3A_459, %cond3A_460 : i32
            scf.if %cond3A_461 {
              %dma_wait3A_489 = arith.constant 0 : i32
              %dma_wait3A_490 = arith.constant 0 : i32
              %dma_wait3A_491 = tpu.memref_slice %arg9[%dma_wait3A_489, %dma_wait3A_490] : memref<16x64xf32, #tpu.memory_space<vmem>> -> memref<1x64xf32, #tpu.memory_space<vmem>>
              %dma_wait3A_492 = arith.constant 0 : i32
              %dma_wait3A_493 = arith.constant 0 : i32
              %dma_wait3A_494 = tpu.memref_slice %arg5[%dma_wait3A_492, %dma_wait3A_493] : memref<16384x64xf32, #tpu.memory_space<hbm>> -> memref<1x64xf32, #tpu.memory_space<hbm>>
              %dma_wait3A_495 = arith.constant 0 : i32
              %dma_wait3A_496 = arith.constant 0 : i32
              %dma_wait3A_497 = tpu.memref_slice %arg5[%dma_wait3A_495, %dma_wait3A_496] : memref<16384x64xf32, #tpu.memory_space<hbm>> -> memref<1x64xf32, #tpu.memory_space<hbm>>
              %dma_wait3A_498 = arith.constant 0 : i32
              %dma_wait3A_499 = arith.constant 0 : i32
              %dma_wait3A_500 = tpu.memref_slice %arg9[%dma_wait3A_498, %dma_wait3A_499] : memref<16x64xf32, #tpu.memory_space<vmem>> -> memref<1x64xf32, #tpu.memory_space<vmem>>
              tpu.wait_dma2 semaphore(%arg12 : memref<!tpu.dma_semaphore, #tpu.memory_space<semaphore_mem>>) src(%dma_wait3A_500 : memref<1x64xf32, #tpu.memory_space<vmem>>) dst(%dma_wait3A_497 : memref<1x64xf32, #tpu.memory_space<hbm>>)
            } else {
            }
            %swap3A_462 = arith.index_cast %and3A_456 : i32 to index
            %swap3A_463 = arith.constant 0 : index
            %swap3A_464 = tpu.vector_load %arg9[%swap3A_462, %swap3A_463] {strides = array<i32>} : memref<16x64xf32, #tpu.memory_space<vmem>>, vector<16xf32>,
            tpu.vector_store %arg9[%swap3A_462, %swap3A_463], %gather3A_442 {strides = array<i32>} : memref<16x64xf32, #tpu.memory_space<vmem>>, vector<16xf32>,
            %swap3A_465 = arith.index_cast %and3A_456 : i32 to index
            %swap3A_466 = arith.constant 16 : index
            %swap3A_467 = tpu.vector_load %arg9[%swap3A_465, %swap3A_466] {strides = array<i32>} : memref<16x64xf32, #tpu.memory_space<vmem>>, vector<16xf32>,
            tpu.vector_store %arg9[%swap3A_465, %swap3A_466], %gather3A_446 {strides = array<i32>} : memref<16x64xf32, #tpu.memory_space<vmem>>, vector<16xf32>,
            %swap3A_468 = arith.index_cast %and3A_456 : i32 to index
            %swap3A_469 = arith.constant 32 : index
            %swap3A_470 = tpu.vector_load %arg9[%swap3A_468, %swap3A_469] {strides = array<i32>} : memref<16x64xf32, #tpu.memory_space<vmem>>, vector<16xf32>,
            tpu.vector_store %arg9[%swap3A_468, %swap3A_469], %gather3A_450 {strides = array<i32>} : memref<16x64xf32, #tpu.memory_space<vmem>>, vector<16xf32>,
            %swap3A_471 = arith.index_cast %and3A_456 : i32 to index
            %swap3A_472 = arith.constant 48 : index
            %swap3A_473 = tpu.vector_load %arg9[%swap3A_471, %swap3A_472] {strides = array<i32>} : memref<16x64xf32, #tpu.memory_space<vmem>>, vector<16xf32>,
            tpu.vector_store %arg9[%swap3A_471, %swap3A_472], %gather3A_454 {strides = array<i32>} : memref<16x64xf32, #tpu.memory_space<vmem>>, vector<16xf32>,
            %dma_start3A_474 = arith.constant 0 : i32
            %dma_start3A_475 = tpu.memref_slice %arg9[%and3A_456, %dma_start3A_474] : memref<16x64xf32, #tpu.memory_space<vmem>> -> memref<1x64xf32, #tpu.memory_space<vmem>>
            %dma_start3A_476 = arith.constant 0 : i32
            %dma_start3A_477 = tpu.memref_slice %arg5[%and3A_435, %dma_start3A_476] : memref<16384x64xf32, #tpu.memory_space<hbm>> -> memref<1x64xf32, #tpu.memory_space<hbm>>
            %dma_start3A_478 = arith.constant 0 : i32
            %dma_start3A_479 = tpu.memref_slice %arg5[%and3A_435, %dma_start3A_478] : memref<16384x64xf32, #tpu.memory_space<hbm>> -> memref<1x64xf32, #tpu.memory_space<hbm>>
            %dma_start3A_480 = arith.constant 0 : i32
            %dma_start3A_481 = tpu.memref_slice %arg9[%and3A_456, %dma_start3A_480] : memref<16x64xf32, #tpu.memory_space<vmem>> -> memref<1x64xf32, #tpu.memory_space<vmem>>
            tpu.enqueue_dma source(%dma_start3A_481 : memref<1x64xf32, #tpu.memory_space<vmem>>) target(%dma_start3A_479 : memref<1x64xf32, #tpu.memory_space<hbm>>) target_semaphore(%arg12 : memref<!tpu.dma_semaphore, #tpu.memory_space<semaphore_mem>>)
            %add3A_482 = arith.constant 1 : i32
            %add3A_483 = arith.addi %while3A_422, %add3A_482 : i32
            %eq3A = arith.cmpi eq, %iota3A, %all_reduce_ffs3A : vector<16xi32>
            %jit3A_484 = arith.constant 0 : i32
            %broadcast_in_dim3A_485 = vector.broadcast %jit3A_484 : i32 to vector<16xi32>
            %select_n3A_486 = arith.select %eq3A, %broadcast_in_dim3A_485, %while3A_420 : vector<16xi1>, vector<16xi32>
            %sub3A_487 = arith.constant 1 : i32
            %sub3A_488 = arith.subi %while3A_421, %sub3A_487 : i32
            scf.yield %select_n3A_486, %sub3A_488, %add3A_483 : vector<16xi32>, i32, i32
          }
          scf.yield %while3A_419#2 : i32
        }
        %while3A_403 = arith.constant 1 : i32
        %while3A_404 = scf.for %while3A_405 = %while3A_400 to %while3A_396 step %while3A_403 iter_args(%while3A_406 = %while3A_402) -> (i32)  : i32 {
          %mul3A_407 = arith.constant 16 : i32
          %mul3A_408 = arith.muli %while3A_405, %mul3A_407 : i32
          %get3A = arith.index_cast %mul3A_408 : i32 to index
          %get3A_409 = tpu.vector_load %arg7[%get3A] {strides = array<i32>} : memref<16416xi32, #tpu.memory_space<vmem>>, vector<16xi32>,
          %ge3A = vector.broadcast %shift_left3A_263 : i32 to vector<16xi32>
          %ge3A_410 = arith.cmpi sge, %get3A_409, %ge3A : vector<16xi32>
          %lt3A_411 = vector.broadcast %shift_left3A_268 : i32 to vector<16xi32>
          %lt3A_412 = arith.cmpi slt, %get3A_409, %lt3A_411 : vector<16xi32>
          %and3A_413 = arith.andi %ge3A_410, %lt3A_412 : vector<16xi1>
          %jit3A_414 = arith.constant 1 : i32
          %jit3A_415 = arith.constant 0 : i32
          %broadcast_in_dim3A_416 = vector.broadcast %jit3A_414 : i32 to vector<16xi32>
          %broadcast_in_dim3A_417 = vector.broadcast %jit3A_415 : i32 to vector<16xi32>
          %select_n3A_418 = arith.select %and3A_413, %broadcast_in_dim3A_416, %broadcast_in_dim3A_417 : vector<16xi1>, vector<16xi32>
          %all_reduce_population_count3A = tpu.all_reduce %and3A_413 {dim = 0 : i64, kind = #tpu.reduction_kind<sum>} : vector<16xi1> -> vector<16xi32>
          %slice3A = vector.extract_strided_slice %all_reduce_population_count3A {offsets = [0], sizes = [1], strides = [1]} : vector<16xi32> to vector<1xi32>
          %squeeze3A = vector.extract %slice3A[0] : i32 from vector<1xi32>
          %while3A_419:3 = scf.while (%while3A_420 = %select_n3A_418, %while3A_421 = %squeeze3A, %while3A_422 = %while3A_406) : (vector<16xi32>, i32, i32) -> (vector<16xi32>, i32, i32) {
            %gt3A = arith.constant 0 : i32
            %gt3A_423 = arith.cmpi sgt, %while3A_421, %gt3A : i32
            scf.condition(%gt3A_423) %while3A_420, %while3A_421, %while3A_422 : vector<16xi32>, i32, i32
          } do {
          ^bb0(%while3A_420: vector<16xi32>, %while3A_421: i32, %while3A_422: i32):
            %ne3A_423 = arith.constant 0 : i32
            %ne3A_424 = vector.broadcast %ne3A_423 : i32 to vector<16xi32>
            %ne3A_425 = arith.cmpi ne, %while3A_420, %ne3A_424 : vector<16xi32>
            %all_reduce_ffs3A = tpu.all_reduce %ne3A_425 {dim = 0 : i64, kind = #tpu.reduction_kind<find_first_set>} : vector<16xi1> -> vector<16xi32>
            %mul3A_426 = arith.constant 16 : i32
            %mul3A_427 = arith.muli %while3A_405, %mul3A_426 : i32
            %add3A_428 = vector.broadcast %mul3A_427 : i32 to vector<16xi32>
            %add3A_429 = arith.addi %add3A_428, %all_reduce_ffs3A : vector<16xi32>
            %gather3A = tpu.vector_load_idx %arg7[%add3A_429] : memref<16416xi32, #tpu.memory_space<vmem>>[vector<16xi32>], vector<16xi32>,
            %slice3A_430 = vector.extract_strided_slice %gather3A {offsets = [0], sizes = [1], strides = [1]} : vector<16xi32> to vector<1xi32>
            %squeeze3A_431 = vector.extract %slice3A_430[0] : i32 from vector<1xi32>
            %shift_right_logical3A = arith.constant 14 : i32
            %shift_right_logical3A_432 = arith.shrui %squeeze3A_431, %shift_right_logical3A : i32
            %add3A_433 = arith.addi %multiple_of3A, %shift_right_logical3A_432 : i32
            %and3A_434 = arith.constant 16383 : i32
            %and3A_435 = arith.andi %squeeze3A_431, %and3A_434 : i32
            %sub3A_436 = arith.constant 999936 : i32
            %sub3A_437 = arith.subi %add3A_433, %sub3A_436 : i32
            %broadcast_in_dim3A_438 = vector.broadcast %sub3A_437 : i32 to vector<16xi32>
            %add3A_439 = arith.constant 0 : i32
            %add3A_440 = vector.broadcast %add3A_439 : i32 to vector<16xi32>
            %add3A_441 = arith.addi %add3A_440, %iota3A : vector<16xi32>
            %gather3A_442 = tpu.vector_load_idx %arg10[%broadcast_in_dim3A_438, %add3A_441] : memref<64x64xf32, #tpu.memory_space<vmem>>[vector<16xi32>, vector<16xi32>], vector<16xf32>,
            %add3A_443 = arith.constant 16 : i32
            %add3A_444 = vector.broadcast %add3A_443 : i32 to vector<16xi32>
            %add3A_445 = arith.addi %add3A_444, %iota3A : vector<16xi32>
            %gather3A_446 = tpu.vector_load_idx %arg10[%broadcast_in_dim3A_438, %add3A_445] : memref<64x64xf32, #tpu.memory_space<vmem>>[vector<16xi32>, vector<16xi32>], vector<16xf32>,
            %add3A_447 = arith.constant 32 : i32
            %add3A_448 = vector.broadcast %add3A_447 : i32 to vector<16xi32>
            %add3A_449 = arith.addi %add3A_448, %iota3A : vector<16xi32>
            %gather3A_450 = tpu.vector_load_idx %arg10[%broadcast_in_dim3A_438, %add3A_449] : memref<64x64xf32, #tpu.memory_space<vmem>>[vector<16xi32>, vector<16xi32>], vector<16xf32>,
            %add3A_451 = arith.constant 48 : i32
            %add3A_452 = vector.broadcast %add3A_451 : i32 to vector<16xi32>
            %add3A_453 = arith.addi %add3A_452, %iota3A : vector<16xi32>
            %gather3A_454 = tpu.vector_load_idx %arg10[%broadcast_in_dim3A_438, %add3A_453] : memref<64x64xf32, #tpu.memory_space<vmem>>[vector<16xi32>, vector<16xi32>], vector<16xf32>,
            %and3A_455 = arith.constant 15 : i32
            %and3A_456 = arith.andi %while3A_422, %and3A_455 : i32
            %ge3A_457 = arith.constant 16 : i32
            %ge3A_458 = arith.cmpi sge, %while3A_422, %ge3A_457 : i32
            %convert_element_type3A_459 = arith.extui %ge3A_458 : i1 to i32
            %cond3A_460 = arith.constant 0 : i32
            %cond3A_461 = arith.cmpi ne, %convert_element_type3A_459, %cond3A_460 : i32
            scf.if %cond3A_461 {
              %dma_wait3A_489 = arith.constant 0 : i32
              %dma_wait3A_490 = arith.constant 0 : i32
              %dma_wait3A_491 = tpu.memref_slice %arg9[%dma_wait3A_489, %dma_wait3A_490] : memref<16x64xf32, #tpu.memory_space<vmem>> -> memref<1x64xf32, #tpu.memory_space<vmem>>
              %dma_wait3A_492 = arith.constant 0 : i32
              %dma_wait3A_493 = arith.constant 0 : i32
              %dma_wait3A_494 = tpu.memref_slice %arg5[%dma_wait3A_492, %dma_wait3A_493] : memref<16384x64xf32, #tpu.memory_space<hbm>> -> memref<1x64xf32, #tpu.memory_space<hbm>>
              %dma_wait3A_495 = arith.constant 0 : i32
              %dma_wait3A_496 = arith.constant 0 : i32
              %dma_wait3A_497 = tpu.memref_slice %arg5[%dma_wait3A_495, %dma_wait3A_496] : memref<16384x64xf32, #tpu.memory_space<hbm>> -> memref<1x64xf32, #tpu.memory_space<hbm>>
              %dma_wait3A_498 = arith.constant 0 : i32
              %dma_wait3A_499 = arith.constant 0 : i32
              %dma_wait3A_500 = tpu.memref_slice %arg9[%dma_wait3A_498, %dma_wait3A_499] : memref<16x64xf32, #tpu.memory_space<vmem>> -> memref<1x64xf32, #tpu.memory_space<vmem>>
              tpu.wait_dma2 semaphore(%arg12 : memref<!tpu.dma_semaphore, #tpu.memory_space<semaphore_mem>>) src(%dma_wait3A_500 : memref<1x64xf32, #tpu.memory_space<vmem>>) dst(%dma_wait3A_497 : memref<1x64xf32, #tpu.memory_space<hbm>>)
            } else {
            }
            %swap3A_462 = arith.index_cast %and3A_456 : i32 to index
            %swap3A_463 = arith.constant 0 : index
            %swap3A_464 = tpu.vector_load %arg9[%swap3A_462, %swap3A_463] {strides = array<i32>} : memref<16x64xf32, #tpu.memory_space<vmem>>, vector<16xf32>,
            tpu.vector_store %arg9[%swap3A_462, %swap3A_463], %gather3A_442 {strides = array<i32>} : memref<16x64xf32, #tpu.memory_space<vmem>>, vector<16xf32>,
            %swap3A_465 = arith.index_cast %and3A_456 : i32 to index
            %swap3A_466 = arith.constant 16 : index
            %swap3A_467 = tpu.vector_load %arg9[%swap3A_465, %swap3A_466] {strides = array<i32>} : memref<16x64xf32, #tpu.memory_space<vmem>>, vector<16xf32>,
            tpu.vector_store %arg9[%swap3A_465, %swap3A_466], %gather3A_446 {strides = array<i32>} : memref<16x64xf32, #tpu.memory_space<vmem>>, vector<16xf32>,
            %swap3A_468 = arith.index_cast %and3A_456 : i32 to index
            %swap3A_469 = arith.constant 32 : index
            %swap3A_470 = tpu.vector_load %arg9[%swap3A_468, %swap3A_469] {strides = array<i32>} : memref<16x64xf32, #tpu.memory_space<vmem>>, vector<16xf32>,
            tpu.vector_store %arg9[%swap3A_468, %swap3A_469], %gather3A_450 {strides = array<i32>} : memref<16x64xf32, #tpu.memory_space<vmem>>, vector<16xf32>,
            %swap3A_471 = arith.index_cast %and3A_456 : i32 to index
            %swap3A_472 = arith.constant 48 : index
            %swap3A_473 = tpu.vector_load %arg9[%swap3A_471, %swap3A_472] {strides = array<i32>} : memref<16x64xf32, #tpu.memory_space<vmem>>, vector<16xf32>,
            tpu.vector_store %arg9[%swap3A_471, %swap3A_472], %gather3A_454 {strides = array<i32>} : memref<16x64xf32, #tpu.memory_space<vmem>>, vector<16xf32>,
            %dma_start3A_474 = arith.constant 0 : i32
            %dma_start3A_475 = tpu.memref_slice %arg9[%and3A_456, %dma_start3A_474] : memref<16x64xf32, #tpu.memory_space<vmem>> -> memref<1x64xf32, #tpu.memory_space<vmem>>
            %dma_start3A_476 = arith.constant 0 : i32
            %dma_start3A_477 = tpu.memref_slice %arg5[%and3A_435, %dma_start3A_476] : memref<16384x64xf32, #tpu.memory_space<hbm>> -> memref<1x64xf32, #tpu.memory_space<hbm>>
            %dma_start3A_478 = arith.constant 0 : i32
            %dma_start3A_479 = tpu.memref_slice %arg5[%and3A_435, %dma_start3A_478] : memref<16384x64xf32, #tpu.memory_space<hbm>> -> memref<1x64xf32, #tpu.memory_space<hbm>>
            %dma_start3A_480 = arith.constant 0 : i32
            %dma_start3A_481 = tpu.memref_slice %arg9[%and3A_456, %dma_start3A_480] : memref<16x64xf32, #tpu.memory_space<vmem>> -> memref<1x64xf32, #tpu.memory_space<vmem>>
            tpu.enqueue_dma source(%dma_start3A_481 : memref<1x64xf32, #tpu.memory_space<vmem>>) target(%dma_start3A_479 : memref<1x64xf32, #tpu.memory_space<hbm>>) target_semaphore(%arg12 : memref<!tpu.dma_semaphore, #tpu.memory_space<semaphore_mem>>)
            %add3A_482 = arith.constant 1 : i32
            %add3A_483 = arith.addi %while3A_422, %add3A_482 : i32
            %eq3A = arith.cmpi eq, %iota3A, %all_reduce_ffs3A : vector<16xi32>
            %jit3A_484 = arith.constant 0 : i32
            %broadcast_in_dim3A_485 = vector.broadcast %jit3A_484 : i32 to vector<16xi32>
            %select_n3A_486 = arith.select %eq3A, %broadcast_in_dim3A_485, %while3A_420 : vector<16xi1>, vector<16xi32>
            %sub3A_487 = arith.constant 1 : i32
            %sub3A_488 = arith.subi %while3A_421, %sub3A_487 : i32
            scf.yield %select_n3A_486, %sub3A_488, %add3A_483 : vector<16xi32>, i32, i32
          }
          scf.yield %while3A_419#2 : i32
        }
        scf.yield %while3A_404 : i32
      }
      %add3A_275 = arith.constant 4 : i32
      %add3A_276 = arith.addi %add3A_229, %add3A_275 : i32
      %lt3A_277 = arith.constant 124 : i32
      %lt3A_278 = arith.cmpi slt, %add3A_276, %lt3A_277 : i32
      %convert_element_type3A_279 = arith.extui %lt3A_278 : i1 to i32
      %cond3A_280 = arith.constant 0 : i32
      %cond3A_281 = arith.cmpi ne, %convert_element_type3A_279, %cond3A_280 : i32
      scf.if %cond3A_281 {
        %add3A_394 = arith.constant 4 : i32
        %add3A_395 = arith.addi %add3A_229, %add3A_394 : i32
        %mul3A_396 = arith.constant 256 : i32
        %mul3A_397 = arith.muli %add3A_395, %mul3A_396 : i32
        %add3A_398 = arith.addi %multiple_of3A, %mul3A_397 : i32
        %min3A_399 = arith.constant 999680 : i32
        %min3A_400 = arith.minsi %add3A_398, %min3A_399 : i32
        %multiple_of3A_401 = tpu.assume_multiple %min3A_400, 128 : i32
        %dma_start3A_402 = arith.constant 1 : i32
        %dma_start3A_403 = arith.constant 1 : i32
        %dma_start3A_404 = arith.constant 0 : i32
        %dma_start3A_405 = arith.constant 0 : i32
        %dma_start3A_406 = arith.constant 0 : i32
        %dma_start3A_407 = tpu.memref_slice %arg8[%dma_start3A_402, %dma_start3A_404, %dma_start3A_405, %dma_start3A_406] : memref<4x8x8x256xf32, #tpu.memory_space<vmem>> -> memref<1x8x8x256xf32, #tpu.memory_space<vmem>>
        %dma_start3A_408 = tpu.memref_squeeze %dma_start3A_407 : memref<1x8x8x256xf32, #tpu.memory_space<vmem>> -> memref<8x8x256xf32, #tpu.memory_space<vmem>>
        %dma_start3A_409 = arith.constant 0 : i32
        %dma_start3A_410 = arith.constant 0 : i32
        %dma_start3A_411 = tpu.memref_slice %arg2[%dma_start3A_409, %dma_start3A_410, %multiple_of3A_401] : memref<8x8x1000000xf32, #tpu.memory_space<hbm>> -> memref<8x8x256xf32, #tpu.memory_space<hbm>>
        %dma_start3A_412 = tpu.memref_slice %arg11[%dma_start3A_403] : memref<2x!tpu.dma_semaphore, #tpu.memory_space<semaphore_mem>> -> memref<1x!tpu.dma_semaphore, #tpu.memory_space<semaphore_mem>>
        %dma_start3A_413 = tpu.memref_squeeze %dma_start3A_412 : memref<1x!tpu.dma_semaphore, #tpu.memory_space<semaphore_mem>> -> memref<!tpu.dma_semaphore, #tpu.memory_space<semaphore_mem>>
        %dma_start3A_414 = arith.constant 0 : i32
        %dma_start3A_415 = arith.constant 0 : i32
        %dma_start3A_416 = arith.constant 0 : i32
        %dma_start3A_417 = tpu.memref_slice %arg8[%dma_start3A_402, %dma_start3A_414, %dma_start3A_415, %dma_start3A_416] : memref<4x8x8x256xf32, #tpu.memory_space<vmem>> -> memref<1x8x8x256xf32, #tpu.memory_space<vmem>>
        %dma_start3A_418 = tpu.memref_squeeze %dma_start3A_417 : memref<1x8x8x256xf32, #tpu.memory_space<vmem>> -> memref<8x8x256xf32, #tpu.memory_space<vmem>>
        %dma_start3A_419 = arith.constant 0 : i32
        %dma_start3A_420 = arith.constant 0 : i32
        %dma_start3A_421 = tpu.memref_slice %arg2[%dma_start3A_419, %dma_start3A_420, %multiple_of3A_401] : memref<8x8x1000000xf32, #tpu.memory_space<hbm>> -> memref<8x8x256xf32, #tpu.memory_space<hbm>>
        tpu.enqueue_dma source(%dma_start3A_421 : memref<8x8x256xf32, #tpu.memory_space<hbm>>) target(%dma_start3A_418 : memref<8x8x256xf32, #tpu.memory_space<vmem>>) target_semaphore(%dma_start3A_413 : memref<!tpu.dma_semaphore, #tpu.memory_space<semaphore_mem>>)
      } else {
      }
      %mul3A_282 = arith.constant 4 : i32
      %mul3A_283 = arith.muli %mul3A_282, %scan3A_173 : i32
      %add3A_284 = arith.constant 2 : i32
      %add3A_285 = arith.addi %mul3A_283, %add3A_284 : i32
      %dma_wait3A_286 = arith.constant 2 : i32
      %dma_wait3A_287 = arith.constant 2 : i32
      %dma_wait3A_288 = arith.constant 0 : i32
      %dma_wait3A_289 = arith.constant 0 : i32
      %dma_wait3A_290 = arith.constant 0 : i32
      %dma_wait3A_291 = tpu.memref_slice %arg8[%dma_wait3A_286, %dma_wait3A_288, %dma_wait3A_289, %dma_wait3A_290] : memref<4x8x8x256xf32, #tpu.memory_space<vmem>> -> memref<1x8x8x256xf32, #tpu.memory_space<vmem>>
      %dma_wait3A_292 = tpu.memref_squeeze %dma_wait3A_291 : memref<1x8x8x256xf32, #tpu.memory_space<vmem>> -> memref<8x8x256xf32, #tpu.memory_space<vmem>>
      %dma_wait3A_293 = arith.constant 0 : i32
      %dma_wait3A_294 = arith.constant 0 : i32
      %dma_wait3A_295 = arith.constant 0 : i32
      %dma_wait3A_296 = tpu.memref_slice %arg2[%dma_wait3A_293, %dma_wait3A_294, %dma_wait3A_295] : memref<8x8x1000000xf32, #tpu.memory_space<hbm>> -> memref<8x8x256xf32, #tpu.memory_space<hbm>>
      %dma_wait3A_297 = tpu.memref_slice %arg11[%dma_wait3A_287] : memref<2x!tpu.dma_semaphore, #tpu.memory_space<semaphore_mem>> -> memref<1x!tpu.dma_semaphore, #tpu.memory_space<semaphore_mem>>
      %dma_wait3A_298 = tpu.memref_squeeze %dma_wait3A_297 : memref<1x!tpu.dma_semaphore, #tpu.memory_space<semaphore_mem>> -> memref<!tpu.dma_semaphore, #tpu.memory_space<semaphore_mem>>
      %dma_wait3A_299 = arith.constant 0 : i32
      %dma_wait3A_300 = arith.constant 0 : i32
      %dma_wait3A_301 = arith.constant 0 : i32
      %dma_wait3A_302 = tpu.memref_slice %arg8[%dma_wait3A_286, %dma_wait3A_299, %dma_wait3A_300, %dma_wait3A_301] : memref<4x8x8x256xf32, #tpu.memory_space<vmem>> -> memref<1x8x8x256xf32, #tpu.memory_space<vmem>>
      %dma_wait3A_303 = tpu.memref_squeeze %dma_wait3A_302 : memref<1x8x8x256xf32, #tpu.memory_space<vmem>> -> memref<8x8x256xf32, #tpu.memory_space<vmem>>
      %dma_wait3A_304 = arith.constant 0 : i32
      %dma_wait3A_305 = arith.constant 0 : i32
      %dma_wait3A_306 = arith.constant 0 : i32
      %dma_wait3A_307 = tpu.memref_slice %arg2[%dma_wait3A_304, %dma_wait3A_305, %dma_wait3A_306] : memref<8x8x1000000xf32, #tpu.memory_space<hbm>> -> memref<8x8x256xf32, #tpu.memory_space<hbm>>
      tpu.wait_dma2 semaphore(%dma_wait3A_298 : memref<!tpu.dma_semaphore, #tpu.memory_space<semaphore_mem>>) src(%dma_wait3A_307 : memref<8x8x256xf32, #tpu.memory_space<hbm>>) dst(%dma_wait3A_303 : memref<8x8x256xf32, #tpu.memory_space<vmem>>)
      %mul3A_308 = arith.constant 256 : i32
      %mul3A_309 = arith.muli %add3A_285, %mul3A_308 : i32
      %add3A_310 = arith.addi %multiple_of3A, %mul3A_309 : i32
      %mul3A_311 = arith.constant 256 : i32
      %mul3A_312 = arith.muli %add3A_285, %mul3A_311 : i32
      %add3A_313 = arith.addi %multiple_of3A, %mul3A_312 : i32
      %min3A_314 = arith.constant 999680 : i32
      %min3A_315 = arith.minsi %add3A_313, %min3A_314 : i32
      %multiple_of3A_316 = tpu.assume_multiple %min3A_315, 128 : i32
      %sub3A_317 = arith.subi %add3A_310, %multiple_of3A : i32
      %shift_left3A_318 = arith.constant 14 : i32
      %shift_left3A_319 = arith.shli %sub3A_317, %shift_left3A_318 : i32
      %sub3A_320 = arith.subi %add3A_310, %multiple_of3A : i32
      %add3A_321 = arith.constant 256 : i32
      %add3A_322 = arith.addi %sub3A_320, %add3A_321 : i32
      %shift_left3A_323 = arith.constant 14 : i32
      %shift_left3A_324 = arith.shli %add3A_322, %shift_left3A_323 : i32
      %lt3A_325 = arith.constant 999936 : i32
      %lt3A_326 = arith.cmpi slt, %add3A_310, %lt3A_325 : i32
      %convert_element_type3A_327 = arith.extui %lt3A_326 : i1 to i32
      %cond3A_328 = arith.constant 0 : i32
      %cond3A_329 = arith.cmpi ne, %convert_element_type3A_327, %cond3A_328 : i32
      %cond3A_330 = scf.if %cond3A_329 -> (i32) {
        %while3A_394 = arith.constant 0 : i32
        %while3A_395 = arith.subi %select_n3A_154, %while3A_394 : i32
        %while3A_396 = arith.addi %while3A_394, %while3A_395 : i32
        %while3A_397 = arith.constant 1 : i32
        %while3A_398 = arith.divsi %while3A_395, %while3A_397 : i32
        %while3A_399 = arith.muli %while3A_398, %while3A_397 : i32
        %while3A_400 = arith.addi %while3A_394, %while3A_399 : i32
        %while3A_401 = arith.constant 1 : i32
        %while3A_402 = scf.for %while3A_405 = %while3A_394 to %while3A_400 step %while3A_401 iter_args(%while3A_406 = %cond3A_274) -> (i32)  : i32 {
          %mul3A_407 = arith.constant 16 : i32
          %mul3A_408 = arith.muli %while3A_405, %mul3A_407 : i32
          %get3A = arith.index_cast %mul3A_408 : i32 to index
          %get3A_409 = tpu.vector_load %arg7[%get3A] {strides = array<i32>} : memref<16416xi32, #tpu.memory_space<vmem>>, vector<16xi32>,
          %ge3A = vector.broadcast %shift_left3A_319 : i32 to vector<16xi32>
          %ge3A_410 = arith.cmpi sge, %get3A_409, %ge3A : vector<16xi32>
          %lt3A_411 = vector.broadcast %shift_left3A_324 : i32 to vector<16xi32>
          %lt3A_412 = arith.cmpi slt, %get3A_409, %lt3A_411 : vector<16xi32>
          %and3A_413 = arith.andi %ge3A_410, %lt3A_412 : vector<16xi1>
          %jit3A_414 = arith.constant 1 : i32
          %jit3A_415 = arith.constant 0 : i32
          %broadcast_in_dim3A_416 = vector.broadcast %jit3A_414 : i32 to vector<16xi32>
          %broadcast_in_dim3A_417 = vector.broadcast %jit3A_415 : i32 to vector<16xi32>
          %select_n3A_418 = arith.select %and3A_413, %broadcast_in_dim3A_416, %broadcast_in_dim3A_417 : vector<16xi1>, vector<16xi32>
          %all_reduce_population_count3A = tpu.all_reduce %and3A_413 {dim = 0 : i64, kind = #tpu.reduction_kind<sum>} : vector<16xi1> -> vector<16xi32>
          %slice3A = vector.extract_strided_slice %all_reduce_population_count3A {offsets = [0], sizes = [1], strides = [1]} : vector<16xi32> to vector<1xi32>
          %squeeze3A = vector.extract %slice3A[0] : i32 from vector<1xi32>
          %while3A_419:3 = scf.while (%while3A_420 = %select_n3A_418, %while3A_421 = %squeeze3A, %while3A_422 = %while3A_406) : (vector<16xi32>, i32, i32) -> (vector<16xi32>, i32, i32) {
            %gt3A = arith.constant 0 : i32
            %gt3A_423 = arith.cmpi sgt, %while3A_421, %gt3A : i32
            scf.condition(%gt3A_423) %while3A_420, %while3A_421, %while3A_422 : vector<16xi32>, i32, i32
          } do {
          ^bb0(%while3A_420: vector<16xi32>, %while3A_421: i32, %while3A_422: i32):
            %ne3A_423 = arith.constant 0 : i32
            %ne3A_424 = vector.broadcast %ne3A_423 : i32 to vector<16xi32>
            %ne3A_425 = arith.cmpi ne, %while3A_420, %ne3A_424 : vector<16xi32>
            %all_reduce_ffs3A = tpu.all_reduce %ne3A_425 {dim = 0 : i64, kind = #tpu.reduction_kind<find_first_set>} : vector<16xi1> -> vector<16xi32>
            %mul3A_426 = arith.constant 16 : i32
            %mul3A_427 = arith.muli %while3A_405, %mul3A_426 : i32
            %add3A_428 = vector.broadcast %mul3A_427 : i32 to vector<16xi32>
            %add3A_429 = arith.addi %add3A_428, %all_reduce_ffs3A : vector<16xi32>
            %gather3A = tpu.vector_load_idx %arg7[%add3A_429] : memref<16416xi32, #tpu.memory_space<vmem>>[vector<16xi32>], vector<16xi32>,
            %slice3A_430 = vector.extract_strided_slice %gather3A {offsets = [0], sizes = [1], strides = [1]} : vector<16xi32> to vector<1xi32>
            %squeeze3A_431 = vector.extract %slice3A_430[0] : i32 from vector<1xi32>
            %shift_right_logical3A = arith.constant 14 : i32
            %shift_right_logical3A_432 = arith.shrui %squeeze3A_431, %shift_right_logical3A : i32
            %add3A_433 = arith.addi %multiple_of3A, %shift_right_logical3A_432 : i32
            %and3A_434 = arith.constant 16383 : i32
            %and3A_435 = arith.andi %squeeze3A_431, %and3A_434 : i32
            %sub3A_436 = arith.subi %add3A_433, %multiple_of3A_316 : i32
            %broadcast_in_dim3A_437 = vector.broadcast %sub3A_436 : i32 to vector<16xi32>
            %add3A_438 = arith.constant 0 : i32
            %add3A_439 = vector.broadcast %add3A_438 : i32 to vector<16xi32>
            %add3A_440 = arith.addi %add3A_439, %iota3A : vector<16xi32>
            %shift_right_logical3A_441 = arith.constant 3 : i32
            %shift_right_logical3A_442 = vector.broadcast %shift_right_logical3A_441 : i32 to vector<16xi32>
            %shift_right_logical3A_443 = arith.shrui %add3A_440, %shift_right_logical3A_442 : vector<16xi32>
            %and3A_444 = arith.constant 7 : i32
            %and3A_445 = vector.broadcast %and3A_444 : i32 to vector<16xi32>
            %and3A_446 = arith.andi %add3A_440, %and3A_445 : vector<16xi32>
            %gather3A_447 = arith.constant 2 : i32
            %gather3A_448 = arith.constant 0 : i32
            %gather3A_449 = arith.constant 0 : i32
            %gather3A_450 = arith.constant 0 : i32
            %gather3A_451 = tpu.memref_slice %arg8[%gather3A_447, %gather3A_448, %gather3A_449, %gather3A_450] : memref<4x8x8x256xf32, #tpu.memory_space<vmem>> -> memref<1x8x8x256xf32, #tpu.memory_space<vmem>>
            %gather3A_452 = tpu.memref_squeeze %gather3A_451 : memref<1x8x8x256xf32, #tpu.memory_space<vmem>> -> memref<8x8x256xf32, #tpu.memory_space<vmem>>
            %gather3A_453 = tpu.vector_load_idx %gather3A_452[%shift_right_logical3A_443, %and3A_446, %broadcast_in_dim3A_437] : memref<8x8x256xf32, #tpu.memory_space<vmem>>[vector<16xi32>, vector<16xi32>, vector<16xi32>], vector<16xf32>,
            %add3A_454 = arith.constant 16 : i32
            %add3A_455 = vector.broadcast %add3A_454 : i32 to vector<16xi32>
            %add3A_456 = arith.addi %add3A_455, %iota3A : vector<16xi32>
            %shift_right_logical3A_457 = arith.constant 3 : i32
            %shift_right_logical3A_458 = vector.broadcast %shift_right_logical3A_457 : i32 to vector<16xi32>
            %shift_right_logical3A_459 = arith.shrui %add3A_456, %shift_right_logical3A_458 : vector<16xi32>
            %and3A_460 = arith.constant 7 : i32
            %and3A_461 = vector.broadcast %and3A_460 : i32 to vector<16xi32>
            %and3A_462 = arith.andi %add3A_456, %and3A_461 : vector<16xi32>
            %gather3A_463 = arith.constant 2 : i32
            %gather3A_464 = arith.constant 0 : i32
            %gather3A_465 = arith.constant 0 : i32
            %gather3A_466 = arith.constant 0 : i32
            %gather3A_467 = tpu.memref_slice %arg8[%gather3A_463, %gather3A_464, %gather3A_465, %gather3A_466] : memref<4x8x8x256xf32, #tpu.memory_space<vmem>> -> memref<1x8x8x256xf32, #tpu.memory_space<vmem>>
            %gather3A_468 = tpu.memref_squeeze %gather3A_467 : memref<1x8x8x256xf32, #tpu.memory_space<vmem>> -> memref<8x8x256xf32, #tpu.memory_space<vmem>>
            %gather3A_469 = tpu.vector_load_idx %gather3A_468[%shift_right_logical3A_459, %and3A_462, %broadcast_in_dim3A_437] : memref<8x8x256xf32, #tpu.memory_space<vmem>>[vector<16xi32>, vector<16xi32>, vector<16xi32>], vector<16xf32>,
            %add3A_470 = arith.constant 32 : i32
            %add3A_471 = vector.broadcast %add3A_470 : i32 to vector<16xi32>
            %add3A_472 = arith.addi %add3A_471, %iota3A : vector<16xi32>
            %shift_right_logical3A_473 = arith.constant 3 : i32
            %shift_right_logical3A_474 = vector.broadcast %shift_right_logical3A_473 : i32 to vector<16xi32>
            %shift_right_logical3A_475 = arith.shrui %add3A_472, %shift_right_logical3A_474 : vector<16xi32>
            %and3A_476 = arith.constant 7 : i32
            %and3A_477 = vector.broadcast %and3A_476 : i32 to vector<16xi32>
            %and3A_478 = arith.andi %add3A_472, %and3A_477 : vector<16xi32>
            %gather3A_479 = arith.constant 2 : i32
            %gather3A_480 = arith.constant 0 : i32
            %gather3A_481 = arith.constant 0 : i32
            %gather3A_482 = arith.constant 0 : i32
            %gather3A_483 = tpu.memref_slice %arg8[%gather3A_479, %gather3A_480, %gather3A_481, %gather3A_482] : memref<4x8x8x256xf32, #tpu.memory_space<vmem>> -> memref<1x8x8x256xf32, #tpu.memory_space<vmem>>
            %gather3A_484 = tpu.memref_squeeze %gather3A_483 : memref<1x8x8x256xf32, #tpu.memory_space<vmem>> -> memref<8x8x256xf32, #tpu.memory_space<vmem>>
            %gather3A_485 = tpu.vector_load_idx %gather3A_484[%shift_right_logical3A_475, %and3A_478, %broadcast_in_dim3A_437] : memref<8x8x256xf32, #tpu.memory_space<vmem>>[vector<16xi32>, vector<16xi32>, vector<16xi32>], vector<16xf32>,
            %add3A_486 = arith.constant 48 : i32
            %add3A_487 = vector.broadcast %add3A_486 : i32 to vector<16xi32>
            %add3A_488 = arith.addi %add3A_487, %iota3A : vector<16xi32>
            %shift_right_logical3A_489 = arith.constant 3 : i32
            %shift_right_logical3A_490 = vector.broadcast %shift_right_logical3A_489 : i32 to vector<16xi32>
            %shift_right_logical3A_491 = arith.shrui %add3A_488, %shift_right_logical3A_490 : vector<16xi32>
            %and3A_492 = arith.constant 7 : i32
            %and3A_493 = vector.broadcast %and3A_492 : i32 to vector<16xi32>
            %and3A_494 = arith.andi %add3A_488, %and3A_493 : vector<16xi32>
            %gather3A_495 = arith.constant 2 : i32
            %gather3A_496 = arith.constant 0 : i32
            %gather3A_497 = arith.constant 0 : i32
            %gather3A_498 = arith.constant 0 : i32
            %gather3A_499 = tpu.memref_slice %arg8[%gather3A_495, %gather3A_496, %gather3A_497, %gather3A_498] : memref<4x8x8x256xf32, #tpu.memory_space<vmem>> -> memref<1x8x8x256xf32, #tpu.memory_space<vmem>>
            %gather3A_500 = tpu.memref_squeeze %gather3A_499 : memref<1x8x8x256xf32, #tpu.memory_space<vmem>> -> memref<8x8x256xf32, #tpu.memory_space<vmem>>
            %gather3A_501 = tpu.vector_load_idx %gather3A_500[%shift_right_logical3A_491, %and3A_494, %broadcast_in_dim3A_437] : memref<8x8x256xf32, #tpu.memory_space<vmem>>[vector<16xi32>, vector<16xi32>, vector<16xi32>], vector<16xf32>,
            %and3A_502 = arith.constant 15 : i32
            %and3A_503 = arith.andi %while3A_422, %and3A_502 : i32
            %ge3A_504 = arith.constant 16 : i32
            %ge3A_505 = arith.cmpi sge, %while3A_422, %ge3A_504 : i32
            %convert_element_type3A_506 = arith.extui %ge3A_505 : i1 to i32
            %cond3A_507 = arith.constant 0 : i32
            %cond3A_508 = arith.cmpi ne, %convert_element_type3A_506, %cond3A_507 : i32
            scf.if %cond3A_508 {
              %dma_wait3A_536 = arith.constant 0 : i32
              %dma_wait3A_537 = arith.constant 0 : i32
              %dma_wait3A_538 = tpu.memref_slice %arg9[%dma_wait3A_536, %dma_wait3A_537] : memref<16x64xf32, #tpu.memory_space<vmem>> -> memref<1x64xf32, #tpu.memory_space<vmem>>
              %dma_wait3A_539 = arith.constant 0 : i32
              %dma_wait3A_540 = arith.constant 0 : i32
              %dma_wait3A_541 = tpu.memref_slice %arg5[%dma_wait3A_539, %dma_wait3A_540] : memref<16384x64xf32, #tpu.memory_space<hbm>> -> memref<1x64xf32, #tpu.memory_space<hbm>>
              %dma_wait3A_542 = arith.constant 0 : i32
              %dma_wait3A_543 = arith.constant 0 : i32
              %dma_wait3A_544 = tpu.memref_slice %arg5[%dma_wait3A_542, %dma_wait3A_543] : memref<16384x64xf32, #tpu.memory_space<hbm>> -> memref<1x64xf32, #tpu.memory_space<hbm>>
              %dma_wait3A_545 = arith.constant 0 : i32
              %dma_wait3A_546 = arith.constant 0 : i32
              %dma_wait3A_547 = tpu.memref_slice %arg9[%dma_wait3A_545, %dma_wait3A_546] : memref<16x64xf32, #tpu.memory_space<vmem>> -> memref<1x64xf32, #tpu.memory_space<vmem>>
              tpu.wait_dma2 semaphore(%arg12 : memref<!tpu.dma_semaphore, #tpu.memory_space<semaphore_mem>>) src(%dma_wait3A_547 : memref<1x64xf32, #tpu.memory_space<vmem>>) dst(%dma_wait3A_544 : memref<1x64xf32, #tpu.memory_space<hbm>>)
            } else {
            }
            %swap3A_509 = arith.index_cast %and3A_503 : i32 to index
            %swap3A_510 = arith.constant 0 : index
            %swap3A_511 = tpu.vector_load %arg9[%swap3A_509, %swap3A_510] {strides = array<i32>} : memref<16x64xf32, #tpu.memory_space<vmem>>, vector<16xf32>,
            tpu.vector_store %arg9[%swap3A_509, %swap3A_510], %gather3A_453 {strides = array<i32>} : memref<16x64xf32, #tpu.memory_space<vmem>>, vector<16xf32>,
            %swap3A_512 = arith.index_cast %and3A_503 : i32 to index
            %swap3A_513 = arith.constant 16 : index
            %swap3A_514 = tpu.vector_load %arg9[%swap3A_512, %swap3A_513] {strides = array<i32>} : memref<16x64xf32, #tpu.memory_space<vmem>>, vector<16xf32>,
            tpu.vector_store %arg9[%swap3A_512, %swap3A_513], %gather3A_469 {strides = array<i32>} : memref<16x64xf32, #tpu.memory_space<vmem>>, vector<16xf32>,
            %swap3A_515 = arith.index_cast %and3A_503 : i32 to index
            %swap3A_516 = arith.constant 32 : index
            %swap3A_517 = tpu.vector_load %arg9[%swap3A_515, %swap3A_516] {strides = array<i32>} : memref<16x64xf32, #tpu.memory_space<vmem>>, vector<16xf32>,
            tpu.vector_store %arg9[%swap3A_515, %swap3A_516], %gather3A_485 {strides = array<i32>} : memref<16x64xf32, #tpu.memory_space<vmem>>, vector<16xf32>,
            %swap3A_518 = arith.index_cast %and3A_503 : i32 to index
            %swap3A_519 = arith.constant 48 : index
            %swap3A_520 = tpu.vector_load %arg9[%swap3A_518, %swap3A_519] {strides = array<i32>} : memref<16x64xf32, #tpu.memory_space<vmem>>, vector<16xf32>,
            tpu.vector_store %arg9[%swap3A_518, %swap3A_519], %gather3A_501 {strides = array<i32>} : memref<16x64xf32, #tpu.memory_space<vmem>>, vector<16xf32>,
            %dma_start3A_521 = arith.constant 0 : i32
            %dma_start3A_522 = tpu.memref_slice %arg9[%and3A_503, %dma_start3A_521] : memref<16x64xf32, #tpu.memory_space<vmem>> -> memref<1x64xf32, #tpu.memory_space<vmem>>
            %dma_start3A_523 = arith.constant 0 : i32
            %dma_start3A_524 = tpu.memref_slice %arg5[%and3A_435, %dma_start3A_523] : memref<16384x64xf32, #tpu.memory_space<hbm>> -> memref<1x64xf32, #tpu.memory_space<hbm>>
            %dma_start3A_525 = arith.constant 0 : i32
            %dma_start3A_526 = tpu.memref_slice %arg5[%and3A_435, %dma_start3A_525] : memref<16384x64xf32, #tpu.memory_space<hbm>> -> memref<1x64xf32, #tpu.memory_space<hbm>>
            %dma_start3A_527 = arith.constant 0 : i32
            %dma_start3A_528 = tpu.memref_slice %arg9[%and3A_503, %dma_start3A_527] : memref<16x64xf32, #tpu.memory_space<vmem>> -> memref<1x64xf32, #tpu.memory_space<vmem>>
            tpu.enqueue_dma source(%dma_start3A_528 : memref<1x64xf32, #tpu.memory_space<vmem>>) target(%dma_start3A_526 : memref<1x64xf32, #tpu.memory_space<hbm>>) target_semaphore(%arg12 : memref<!tpu.dma_semaphore, #tpu.memory_space<semaphore_mem>>)
            %add3A_529 = arith.constant 1 : i32
            %add3A_530 = arith.addi %while3A_422, %add3A_529 : i32
            %eq3A = arith.cmpi eq, %iota3A, %all_reduce_ffs3A : vector<16xi32>
            %jit3A_531 = arith.constant 0 : i32
            %broadcast_in_dim3A_532 = vector.broadcast %jit3A_531 : i32 to vector<16xi32>
            %select_n3A_533 = arith.select %eq3A, %broadcast_in_dim3A_532, %while3A_420 : vector<16xi1>, vector<16xi32>
            %sub3A_534 = arith.constant 1 : i32
            %sub3A_535 = arith.subi %while3A_421, %sub3A_534 : i32
            scf.yield %select_n3A_533, %sub3A_535, %add3A_530 : vector<16xi32>, i32, i32
          }
          scf.yield %while3A_419#2 : i32
        }
        %while3A_403 = arith.constant 1 : i32
        %while3A_404 = scf.for %while3A_405 = %while3A_400 to %while3A_396 step %while3A_403 iter_args(%while3A_406 = %while3A_402) -> (i32)  : i32 {
          %mul3A_407 = arith.constant 16 : i32
          %mul3A_408 = arith.muli %while3A_405, %mul3A_407 : i32
          %get3A = arith.index_cast %mul3A_408 : i32 to index
          %get3A_409 = tpu.vector_load %arg7[%get3A] {strides = array<i32>} : memref<16416xi32, #tpu.memory_space<vmem>>, vector<16xi32>,
          %ge3A = vector.broadcast %shift_left3A_319 : i32 to vector<16xi32>
          %ge3A_410 = arith.cmpi sge, %get3A_409, %ge3A : vector<16xi32>
          %lt3A_411 = vector.broadcast %shift_left3A_324 : i32 to vector<16xi32>
          %lt3A_412 = arith.cmpi slt, %get3A_409, %lt3A_411 : vector<16xi32>
          %and3A_413 = arith.andi %ge3A_410, %lt3A_412 : vector<16xi1>
          %jit3A_414 = arith.constant 1 : i32
          %jit3A_415 = arith.constant 0 : i32
          %broadcast_in_dim3A_416 = vector.broadcast %jit3A_414 : i32 to vector<16xi32>
          %broadcast_in_dim3A_417 = vector.broadcast %jit3A_415 : i32 to vector<16xi32>
          %select_n3A_418 = arith.select %and3A_413, %broadcast_in_dim3A_416, %broadcast_in_dim3A_417 : vector<16xi1>, vector<16xi32>
          %all_reduce_population_count3A = tpu.all_reduce %and3A_413 {dim = 0 : i64, kind = #tpu.reduction_kind<sum>} : vector<16xi1> -> vector<16xi32>
          %slice3A = vector.extract_strided_slice %all_reduce_population_count3A {offsets = [0], sizes = [1], strides = [1]} : vector<16xi32> to vector<1xi32>
          %squeeze3A = vector.extract %slice3A[0] : i32 from vector<1xi32>
          %while3A_419:3 = scf.while (%while3A_420 = %select_n3A_418, %while3A_421 = %squeeze3A, %while3A_422 = %while3A_406) : (vector<16xi32>, i32, i32) -> (vector<16xi32>, i32, i32) {
            %gt3A = arith.constant 0 : i32
            %gt3A_423 = arith.cmpi sgt, %while3A_421, %gt3A : i32
            scf.condition(%gt3A_423) %while3A_420, %while3A_421, %while3A_422 : vector<16xi32>, i32, i32
          } do {
          ^bb0(%while3A_420: vector<16xi32>, %while3A_421: i32, %while3A_422: i32):
            %ne3A_423 = arith.constant 0 : i32
            %ne3A_424 = vector.broadcast %ne3A_423 : i32 to vector<16xi32>
            %ne3A_425 = arith.cmpi ne, %while3A_420, %ne3A_424 : vector<16xi32>
            %all_reduce_ffs3A = tpu.all_reduce %ne3A_425 {dim = 0 : i64, kind = #tpu.reduction_kind<find_first_set>} : vector<16xi1> -> vector<16xi32>
            %mul3A_426 = arith.constant 16 : i32
            %mul3A_427 = arith.muli %while3A_405, %mul3A_426 : i32
            %add3A_428 = vector.broadcast %mul3A_427 : i32 to vector<16xi32>
            %add3A_429 = arith.addi %add3A_428, %all_reduce_ffs3A : vector<16xi32>
            %gather3A = tpu.vector_load_idx %arg7[%add3A_429] : memref<16416xi32, #tpu.memory_space<vmem>>[vector<16xi32>], vector<16xi32>,
            %slice3A_430 = vector.extract_strided_slice %gather3A {offsets = [0], sizes = [1], strides = [1]} : vector<16xi32> to vector<1xi32>
            %squeeze3A_431 = vector.extract %slice3A_430[0] : i32 from vector<1xi32>
            %shift_right_logical3A = arith.constant 14 : i32
            %shift_right_logical3A_432 = arith.shrui %squeeze3A_431, %shift_right_logical3A : i32
            %add3A_433 = arith.addi %multiple_of3A, %shift_right_logical3A_432 : i32
            %and3A_434 = arith.constant 16383 : i32
            %and3A_435 = arith.andi %squeeze3A_431, %and3A_434 : i32
            %sub3A_436 = arith.subi %add3A_433, %multiple_of3A_316 : i32
            %broadcast_in_dim3A_437 = vector.broadcast %sub3A_436 : i32 to vector<16xi32>
            %add3A_438 = arith.constant 0 : i32
            %add3A_439 = vector.broadcast %add3A_438 : i32 to vector<16xi32>
            %add3A_440 = arith.addi %add3A_439, %iota3A : vector<16xi32>
            %shift_right_logical3A_441 = arith.constant 3 : i32
            %shift_right_logical3A_442 = vector.broadcast %shift_right_logical3A_441 : i32 to vector<16xi32>
            %shift_right_logical3A_443 = arith.shrui %add3A_440, %shift_right_logical3A_442 : vector<16xi32>
            %and3A_444 = arith.constant 7 : i32
            %and3A_445 = vector.broadcast %and3A_444 : i32 to vector<16xi32>
            %and3A_446 = arith.andi %add3A_440, %and3A_445 : vector<16xi32>
            %gather3A_447 = arith.constant 2 : i32
            %gather3A_448 = arith.constant 0 : i32
            %gather3A_449 = arith.constant 0 : i32
            %gather3A_450 = arith.constant 0 : i32
            %gather3A_451 = tpu.memref_slice %arg8[%gather3A_447, %gather3A_448, %gather3A_449, %gather3A_450] : memref<4x8x8x256xf32, #tpu.memory_space<vmem>> -> memref<1x8x8x256xf32, #tpu.memory_space<vmem>>
            %gather3A_452 = tpu.memref_squeeze %gather3A_451 : memref<1x8x8x256xf32, #tpu.memory_space<vmem>> -> memref<8x8x256xf32, #tpu.memory_space<vmem>>
            %gather3A_453 = tpu.vector_load_idx %gather3A_452[%shift_right_logical3A_443, %and3A_446, %broadcast_in_dim3A_437] : memref<8x8x256xf32, #tpu.memory_space<vmem>>[vector<16xi32>, vector<16xi32>, vector<16xi32>], vector<16xf32>,
            %add3A_454 = arith.constant 16 : i32
            %add3A_455 = vector.broadcast %add3A_454 : i32 to vector<16xi32>
            %add3A_456 = arith.addi %add3A_455, %iota3A : vector<16xi32>
            %shift_right_logical3A_457 = arith.constant 3 : i32
            %shift_right_logical3A_458 = vector.broadcast %shift_right_logical3A_457 : i32 to vector<16xi32>
            %shift_right_logical3A_459 = arith.shrui %add3A_456, %shift_right_logical3A_458 : vector<16xi32>
            %and3A_460 = arith.constant 7 : i32
            %and3A_461 = vector.broadcast %and3A_460 : i32 to vector<16xi32>
            %and3A_462 = arith.andi %add3A_456, %and3A_461 : vector<16xi32>
            %gather3A_463 = arith.constant 2 : i32
            %gather3A_464 = arith.constant 0 : i32
            %gather3A_465 = arith.constant 0 : i32
            %gather3A_466 = arith.constant 0 : i32
            %gather3A_467 = tpu.memref_slice %arg8[%gather3A_463, %gather3A_464, %gather3A_465, %gather3A_466] : memref<4x8x8x256xf32, #tpu.memory_space<vmem>> -> memref<1x8x8x256xf32, #tpu.memory_space<vmem>>
            %gather3A_468 = tpu.memref_squeeze %gather3A_467 : memref<1x8x8x256xf32, #tpu.memory_space<vmem>> -> memref<8x8x256xf32, #tpu.memory_space<vmem>>
            %gather3A_469 = tpu.vector_load_idx %gather3A_468[%shift_right_logical3A_459, %and3A_462, %broadcast_in_dim3A_437] : memref<8x8x256xf32, #tpu.memory_space<vmem>>[vector<16xi32>, vector<16xi32>, vector<16xi32>], vector<16xf32>,
            %add3A_470 = arith.constant 32 : i32
            %add3A_471 = vector.broadcast %add3A_470 : i32 to vector<16xi32>
            %add3A_472 = arith.addi %add3A_471, %iota3A : vector<16xi32>
            %shift_right_logical3A_473 = arith.constant 3 : i32
            %shift_right_logical3A_474 = vector.broadcast %shift_right_logical3A_473 : i32 to vector<16xi32>
            %shift_right_logical3A_475 = arith.shrui %add3A_472, %shift_right_logical3A_474 : vector<16xi32>
            %and3A_476 = arith.constant 7 : i32
            %and3A_477 = vector.broadcast %and3A_476 : i32 to vector<16xi32>
            %and3A_478 = arith.andi %add3A_472, %and3A_477 : vector<16xi32>
            %gather3A_479 = arith.constant 2 : i32
            %gather3A_480 = arith.constant 0 : i32
            %gather3A_481 = arith.constant 0 : i32
            %gather3A_482 = arith.constant 0 : i32
            %gather3A_483 = tpu.memref_slice %arg8[%gather3A_479, %gather3A_480, %gather3A_481, %gather3A_482] : memref<4x8x8x256xf32, #tpu.memory_space<vmem>> -> memref<1x8x8x256xf32, #tpu.memory_space<vmem>>
            %gather3A_484 = tpu.memref_squeeze %gather3A_483 : memref<1x8x8x256xf32, #tpu.memory_space<vmem>> -> memref<8x8x256xf32, #tpu.memory_space<vmem>>
            %gather3A_485 = tpu.vector_load_idx %gather3A_484[%shift_right_logical3A_475, %and3A_478, %broadcast_in_dim3A_437] : memref<8x8x256xf32, #tpu.memory_space<vmem>>[vector<16xi32>, vector<16xi32>, vector<16xi32>], vector<16xf32>,
            %add3A_486 = arith.constant 48 : i32
            %add3A_487 = vector.broadcast %add3A_486 : i32 to vector<16xi32>
            %add3A_488 = arith.addi %add3A_487, %iota3A : vector<16xi32>
            %shift_right_logical3A_489 = arith.constant 3 : i32
            %shift_right_logical3A_490 = vector.broadcast %shift_right_logical3A_489 : i32 to vector<16xi32>
            %shift_right_logical3A_491 = arith.shrui %add3A_488, %shift_right_logical3A_490 : vector<16xi32>
            %and3A_492 = arith.constant 7 : i32
            %and3A_493 = vector.broadcast %and3A_492 : i32 to vector<16xi32>
            %and3A_494 = arith.andi %add3A_488, %and3A_493 : vector<16xi32>
            %gather3A_495 = arith.constant 2 : i32
            %gather3A_496 = arith.constant 0 : i32
            %gather3A_497 = arith.constant 0 : i32
            %gather3A_498 = arith.constant 0 : i32
            %gather3A_499 = tpu.memref_slice %arg8[%gather3A_495, %gather3A_496, %gather3A_497, %gather3A_498] : memref<4x8x8x256xf32, #tpu.memory_space<vmem>> -> memref<1x8x8x256xf32, #tpu.memory_space<vmem>>
            %gather3A_500 = tpu.memref_squeeze %gather3A_499 : memref<1x8x8x256xf32, #tpu.memory_space<vmem>> -> memref<8x8x256xf32, #tpu.memory_space<vmem>>
            %gather3A_501 = tpu.vector_load_idx %gather3A_500[%shift_right_logical3A_491, %and3A_494, %broadcast_in_dim3A_437] : memref<8x8x256xf32, #tpu.memory_space<vmem>>[vector<16xi32>, vector<16xi32>, vector<16xi32>], vector<16xf32>,
            %and3A_502 = arith.constant 15 : i32
            %and3A_503 = arith.andi %while3A_422, %and3A_502 : i32
            %ge3A_504 = arith.constant 16 : i32
            %ge3A_505 = arith.cmpi sge, %while3A_422, %ge3A_504 : i32
            %convert_element_type3A_506 = arith.extui %ge3A_505 : i1 to i32
            %cond3A_507 = arith.constant 0 : i32
            %cond3A_508 = arith.cmpi ne, %convert_element_type3A_506, %cond3A_507 : i32
            scf.if %cond3A_508 {
              %dma_wait3A_536 = arith.constant 0 : i32
              %dma_wait3A_537 = arith.constant 0 : i32
              %dma_wait3A_538 = tpu.memref_slice %arg9[%dma_wait3A_536, %dma_wait3A_537] : memref<16x64xf32, #tpu.memory_space<vmem>> -> memref<1x64xf32, #tpu.memory_space<vmem>>
              %dma_wait3A_539 = arith.constant 0 : i32
              %dma_wait3A_540 = arith.constant 0 : i32
              %dma_wait3A_541 = tpu.memref_slice %arg5[%dma_wait3A_539, %dma_wait3A_540] : memref<16384x64xf32, #tpu.memory_space<hbm>> -> memref<1x64xf32, #tpu.memory_space<hbm>>
              %dma_wait3A_542 = arith.constant 0 : i32
              %dma_wait3A_543 = arith.constant 0 : i32
              %dma_wait3A_544 = tpu.memref_slice %arg5[%dma_wait3A_542, %dma_wait3A_543] : memref<16384x64xf32, #tpu.memory_space<hbm>> -> memref<1x64xf32, #tpu.memory_space<hbm>>
              %dma_wait3A_545 = arith.constant 0 : i32
              %dma_wait3A_546 = arith.constant 0 : i32
              %dma_wait3A_547 = tpu.memref_slice %arg9[%dma_wait3A_545, %dma_wait3A_546] : memref<16x64xf32, #tpu.memory_space<vmem>> -> memref<1x64xf32, #tpu.memory_space<vmem>>
              tpu.wait_dma2 semaphore(%arg12 : memref<!tpu.dma_semaphore, #tpu.memory_space<semaphore_mem>>) src(%dma_wait3A_547 : memref<1x64xf32, #tpu.memory_space<vmem>>) dst(%dma_wait3A_544 : memref<1x64xf32, #tpu.memory_space<hbm>>)
            } else {
            }
            %swap3A_509 = arith.index_cast %and3A_503 : i32 to index
            %swap3A_510 = arith.constant 0 : index
            %swap3A_511 = tpu.vector_load %arg9[%swap3A_509, %swap3A_510] {strides = array<i32>} : memref<16x64xf32, #tpu.memory_space<vmem>>, vector<16xf32>,
            tpu.vector_store %arg9[%swap3A_509, %swap3A_510], %gather3A_453 {strides = array<i32>} : memref<16x64xf32, #tpu.memory_space<vmem>>, vector<16xf32>,
            %swap3A_512 = arith.index_cast %and3A_503 : i32 to index
            %swap3A_513 = arith.constant 16 : index
            %swap3A_514 = tpu.vector_load %arg9[%swap3A_512, %swap3A_513] {strides = array<i32>} : memref<16x64xf32, #tpu.memory_space<vmem>>, vector<16xf32>,
            tpu.vector_store %arg9[%swap3A_512, %swap3A_513], %gather3A_469 {strides = array<i32>} : memref<16x64xf32, #tpu.memory_space<vmem>>, vector<16xf32>,
            %swap3A_515 = arith.index_cast %and3A_503 : i32 to index
            %swap3A_516 = arith.constant 32 : index
            %swap3A_517 = tpu.vector_load %arg9[%swap3A_515, %swap3A_516] {strides = array<i32>} : memref<16x64xf32, #tpu.memory_space<vmem>>, vector<16xf32>,
            tpu.vector_store %arg9[%swap3A_515, %swap3A_516], %gather3A_485 {strides = array<i32>} : memref<16x64xf32, #tpu.memory_space<vmem>>, vector<16xf32>,
            %swap3A_518 = arith.index_cast %and3A_503 : i32 to index
            %swap3A_519 = arith.constant 48 : index
            %swap3A_520 = tpu.vector_load %arg9[%swap3A_518, %swap3A_519] {strides = array<i32>} : memref<16x64xf32, #tpu.memory_space<vmem>>, vector<16xf32>,
            tpu.vector_store %arg9[%swap3A_518, %swap3A_519], %gather3A_501 {strides = array<i32>} : memref<16x64xf32, #tpu.memory_space<vmem>>, vector<16xf32>,
            %dma_start3A_521 = arith.constant 0 : i32
            %dma_start3A_522 = tpu.memref_slice %arg9[%and3A_503, %dma_start3A_521] : memref<16x64xf32, #tpu.memory_space<vmem>> -> memref<1x64xf32, #tpu.memory_space<vmem>>
            %dma_start3A_523 = arith.constant 0 : i32
            %dma_start3A_524 = tpu.memref_slice %arg5[%and3A_435, %dma_start3A_523] : memref<16384x64xf32, #tpu.memory_space<hbm>> -> memref<1x64xf32, #tpu.memory_space<hbm>>
            %dma_start3A_525 = arith.constant 0 : i32
            %dma_start3A_526 = tpu.memref_slice %arg5[%and3A_435, %dma_start3A_525] : memref<16384x64xf32, #tpu.memory_space<hbm>> -> memref<1x64xf32, #tpu.memory_space<hbm>>
            %dma_start3A_527 = arith.constant 0 : i32
            %dma_start3A_528 = tpu.memref_slice %arg9[%and3A_503, %dma_start3A_527] : memref<16x64xf32, #tpu.memory_space<vmem>> -> memref<1x64xf32, #tpu.memory_space<vmem>>
            tpu.enqueue_dma source(%dma_start3A_528 : memref<1x64xf32, #tpu.memory_space<vmem>>) target(%dma_start3A_526 : memref<1x64xf32, #tpu.memory_space<hbm>>) target_semaphore(%arg12 : memref<!tpu.dma_semaphore, #tpu.memory_space<semaphore_mem>>)
            %add3A_529 = arith.constant 1 : i32
            %add3A_530 = arith.addi %while3A_422, %add3A_529 : i32
            %eq3A = arith.cmpi eq, %iota3A, %all_reduce_ffs3A : vector<16xi32>
            %jit3A_531 = arith.constant 0 : i32
            %broadcast_in_dim3A_532 = vector.broadcast %jit3A_531 : i32 to vector<16xi32>
            %select_n3A_533 = arith.select %eq3A, %broadcast_in_dim3A_532, %while3A_420 : vector<16xi1>, vector<16xi32>
            %sub3A_534 = arith.constant 1 : i32
            %sub3A_535 = arith.subi %while3A_421, %sub3A_534 : i32
            scf.yield %select_n3A_533, %sub3A_535, %add3A_530 : vector<16xi32>, i32, i32
          }
          scf.yield %while3A_419#2 : i32
        }
        scf.yield %while3A_404 : i32
      } else {
        %while3A_394 = arith.constant 0 : i32
        %while3A_395 = arith.subi %select_n3A_154, %while3A_394 : i32
        %while3A_396 = arith.addi %while3A_394, %while3A_395 : i32
        %while3A_397 = arith.constant 1 : i32
        %while3A_398 = arith.divsi %while3A_395, %while3A_397 : i32
        %while3A_399 = arith.muli %while3A_398, %while3A_397 : i32
        %while3A_400 = arith.addi %while3A_394, %while3A_399 : i32
        %while3A_401 = arith.constant 1 : i32
        %while3A_402 = scf.for %while3A_405 = %while3A_394 to %while3A_400 step %while3A_401 iter_args(%while3A_406 = %cond3A_274) -> (i32)  : i32 {
          %mul3A_407 = arith.constant 16 : i32
          %mul3A_408 = arith.muli %while3A_405, %mul3A_407 : i32
          %get3A = arith.index_cast %mul3A_408 : i32 to index
          %get3A_409 = tpu.vector_load %arg7[%get3A] {strides = array<i32>} : memref<16416xi32, #tpu.memory_space<vmem>>, vector<16xi32>,
          %ge3A = vector.broadcast %shift_left3A_319 : i32 to vector<16xi32>
          %ge3A_410 = arith.cmpi sge, %get3A_409, %ge3A : vector<16xi32>
          %lt3A_411 = vector.broadcast %shift_left3A_324 : i32 to vector<16xi32>
          %lt3A_412 = arith.cmpi slt, %get3A_409, %lt3A_411 : vector<16xi32>
          %and3A_413 = arith.andi %ge3A_410, %lt3A_412 : vector<16xi1>
          %jit3A_414 = arith.constant 1 : i32
          %jit3A_415 = arith.constant 0 : i32
          %broadcast_in_dim3A_416 = vector.broadcast %jit3A_414 : i32 to vector<16xi32>
          %broadcast_in_dim3A_417 = vector.broadcast %jit3A_415 : i32 to vector<16xi32>
          %select_n3A_418 = arith.select %and3A_413, %broadcast_in_dim3A_416, %broadcast_in_dim3A_417 : vector<16xi1>, vector<16xi32>
          %all_reduce_population_count3A = tpu.all_reduce %and3A_413 {dim = 0 : i64, kind = #tpu.reduction_kind<sum>} : vector<16xi1> -> vector<16xi32>
          %slice3A = vector.extract_strided_slice %all_reduce_population_count3A {offsets = [0], sizes = [1], strides = [1]} : vector<16xi32> to vector<1xi32>
          %squeeze3A = vector.extract %slice3A[0] : i32 from vector<1xi32>
          %while3A_419:3 = scf.while (%while3A_420 = %select_n3A_418, %while3A_421 = %squeeze3A, %while3A_422 = %while3A_406) : (vector<16xi32>, i32, i32) -> (vector<16xi32>, i32, i32) {
            %gt3A = arith.constant 0 : i32
            %gt3A_423 = arith.cmpi sgt, %while3A_421, %gt3A : i32
            scf.condition(%gt3A_423) %while3A_420, %while3A_421, %while3A_422 : vector<16xi32>, i32, i32
          } do {
          ^bb0(%while3A_420: vector<16xi32>, %while3A_421: i32, %while3A_422: i32):
            %ne3A_423 = arith.constant 0 : i32
            %ne3A_424 = vector.broadcast %ne3A_423 : i32 to vector<16xi32>
            %ne3A_425 = arith.cmpi ne, %while3A_420, %ne3A_424 : vector<16xi32>
            %all_reduce_ffs3A = tpu.all_reduce %ne3A_425 {dim = 0 : i64, kind = #tpu.reduction_kind<find_first_set>} : vector<16xi1> -> vector<16xi32>
            %mul3A_426 = arith.constant 16 : i32
            %mul3A_427 = arith.muli %while3A_405, %mul3A_426 : i32
            %add3A_428 = vector.broadcast %mul3A_427 : i32 to vector<16xi32>
            %add3A_429 = arith.addi %add3A_428, %all_reduce_ffs3A : vector<16xi32>
            %gather3A = tpu.vector_load_idx %arg7[%add3A_429] : memref<16416xi32, #tpu.memory_space<vmem>>[vector<16xi32>], vector<16xi32>,
            %slice3A_430 = vector.extract_strided_slice %gather3A {offsets = [0], sizes = [1], strides = [1]} : vector<16xi32> to vector<1xi32>
            %squeeze3A_431 = vector.extract %slice3A_430[0] : i32 from vector<1xi32>
            %shift_right_logical3A = arith.constant 14 : i32
            %shift_right_logical3A_432 = arith.shrui %squeeze3A_431, %shift_right_logical3A : i32
            %add3A_433 = arith.addi %multiple_of3A, %shift_right_logical3A_432 : i32
            %and3A_434 = arith.constant 16383 : i32
            %and3A_435 = arith.andi %squeeze3A_431, %and3A_434 : i32
            %sub3A_436 = arith.constant 999936 : i32
            %sub3A_437 = arith.subi %add3A_433, %sub3A_436 : i32
            %broadcast_in_dim3A_438 = vector.broadcast %sub3A_437 : i32 to vector<16xi32>
            %add3A_439 = arith.constant 0 : i32
            %add3A_440 = vector.broadcast %add3A_439 : i32 to vector<16xi32>
            %add3A_441 = arith.addi %add3A_440, %iota3A : vector<16xi32>
            %gather3A_442 = tpu.vector_load_idx %arg10[%broadcast_in_dim3A_438, %add3A_441] : memref<64x64xf32, #tpu.memory_space<vmem>>[vector<16xi32>, vector<16xi32>], vector<16xf32>,
            %add3A_443 = arith.constant 16 : i32
            %add3A_444 = vector.broadcast %add3A_443 : i32 to vector<16xi32>
            %add3A_445 = arith.addi %add3A_444, %iota3A : vector<16xi32>
            %gather3A_446 = tpu.vector_load_idx %arg10[%broadcast_in_dim3A_438, %add3A_445] : memref<64x64xf32, #tpu.memory_space<vmem>>[vector<16xi32>, vector<16xi32>], vector<16xf32>,
            %add3A_447 = arith.constant 32 : i32
            %add3A_448 = vector.broadcast %add3A_447 : i32 to vector<16xi32>
            %add3A_449 = arith.addi %add3A_448, %iota3A : vector<16xi32>
            %gather3A_450 = tpu.vector_load_idx %arg10[%broadcast_in_dim3A_438, %add3A_449] : memref<64x64xf32, #tpu.memory_space<vmem>>[vector<16xi32>, vector<16xi32>], vector<16xf32>,
            %add3A_451 = arith.constant 48 : i32
            %add3A_452 = vector.broadcast %add3A_451 : i32 to vector<16xi32>
            %add3A_453 = arith.addi %add3A_452, %iota3A : vector<16xi32>
            %gather3A_454 = tpu.vector_load_idx %arg10[%broadcast_in_dim3A_438, %add3A_453] : memref<64x64xf32, #tpu.memory_space<vmem>>[vector<16xi32>, vector<16xi32>], vector<16xf32>,
            %and3A_455 = arith.constant 15 : i32
            %and3A_456 = arith.andi %while3A_422, %and3A_455 : i32
            %ge3A_457 = arith.constant 16 : i32
            %ge3A_458 = arith.cmpi sge, %while3A_422, %ge3A_457 : i32
            %convert_element_type3A_459 = arith.extui %ge3A_458 : i1 to i32
            %cond3A_460 = arith.constant 0 : i32
            %cond3A_461 = arith.cmpi ne, %convert_element_type3A_459, %cond3A_460 : i32
            scf.if %cond3A_461 {
              %dma_wait3A_489 = arith.constant 0 : i32
              %dma_wait3A_490 = arith.constant 0 : i32
              %dma_wait3A_491 = tpu.memref_slice %arg9[%dma_wait3A_489, %dma_wait3A_490] : memref<16x64xf32, #tpu.memory_space<vmem>> -> memref<1x64xf32, #tpu.memory_space<vmem>>
              %dma_wait3A_492 = arith.constant 0 : i32
              %dma_wait3A_493 = arith.constant 0 : i32
              %dma_wait3A_494 = tpu.memref_slice %arg5[%dma_wait3A_492, %dma_wait3A_493] : memref<16384x64xf32, #tpu.memory_space<hbm>> -> memref<1x64xf32, #tpu.memory_space<hbm>>
              %dma_wait3A_495 = arith.constant 0 : i32
              %dma_wait3A_496 = arith.constant 0 : i32
              %dma_wait3A_497 = tpu.memref_slice %arg5[%dma_wait3A_495, %dma_wait3A_496] : memref<16384x64xf32, #tpu.memory_space<hbm>> -> memref<1x64xf32, #tpu.memory_space<hbm>>
              %dma_wait3A_498 = arith.constant 0 : i32
              %dma_wait3A_499 = arith.constant 0 : i32
              %dma_wait3A_500 = tpu.memref_slice %arg9[%dma_wait3A_498, %dma_wait3A_499] : memref<16x64xf32, #tpu.memory_space<vmem>> -> memref<1x64xf32, #tpu.memory_space<vmem>>
              tpu.wait_dma2 semaphore(%arg12 : memref<!tpu.dma_semaphore, #tpu.memory_space<semaphore_mem>>) src(%dma_wait3A_500 : memref<1x64xf32, #tpu.memory_space<vmem>>) dst(%dma_wait3A_497 : memref<1x64xf32, #tpu.memory_space<hbm>>)
            } else {
            }
            %swap3A_462 = arith.index_cast %and3A_456 : i32 to index
            %swap3A_463 = arith.constant 0 : index
            %swap3A_464 = tpu.vector_load %arg9[%swap3A_462, %swap3A_463] {strides = array<i32>} : memref<16x64xf32, #tpu.memory_space<vmem>>, vector<16xf32>,
            tpu.vector_store %arg9[%swap3A_462, %swap3A_463], %gather3A_442 {strides = array<i32>} : memref<16x64xf32, #tpu.memory_space<vmem>>, vector<16xf32>,
            %swap3A_465 = arith.index_cast %and3A_456 : i32 to index
            %swap3A_466 = arith.constant 16 : index
            %swap3A_467 = tpu.vector_load %arg9[%swap3A_465, %swap3A_466] {strides = array<i32>} : memref<16x64xf32, #tpu.memory_space<vmem>>, vector<16xf32>,
            tpu.vector_store %arg9[%swap3A_465, %swap3A_466], %gather3A_446 {strides = array<i32>} : memref<16x64xf32, #tpu.memory_space<vmem>>, vector<16xf32>,
            %swap3A_468 = arith.index_cast %and3A_456 : i32 to index
            %swap3A_469 = arith.constant 32 : index
            %swap3A_470 = tpu.vector_load %arg9[%swap3A_468, %swap3A_469] {strides = array<i32>} : memref<16x64xf32, #tpu.memory_space<vmem>>, vector<16xf32>,
            tpu.vector_store %arg9[%swap3A_468, %swap3A_469], %gather3A_450 {strides = array<i32>} : memref<16x64xf32, #tpu.memory_space<vmem>>, vector<16xf32>,
            %swap3A_471 = arith.index_cast %and3A_456 : i32 to index
            %swap3A_472 = arith.constant 48 : index
            %swap3A_473 = tpu.vector_load %arg9[%swap3A_471, %swap3A_472] {strides = array<i32>} : memref<16x64xf32, #tpu.memory_space<vmem>>, vector<16xf32>,
            tpu.vector_store %arg9[%swap3A_471, %swap3A_472], %gather3A_454 {strides = array<i32>} : memref<16x64xf32, #tpu.memory_space<vmem>>, vector<16xf32>,
            %dma_start3A_474 = arith.constant 0 : i32
            %dma_start3A_475 = tpu.memref_slice %arg9[%and3A_456, %dma_start3A_474] : memref<16x64xf32, #tpu.memory_space<vmem>> -> memref<1x64xf32, #tpu.memory_space<vmem>>
            %dma_start3A_476 = arith.constant 0 : i32
            %dma_start3A_477 = tpu.memref_slice %arg5[%and3A_435, %dma_start3A_476] : memref<16384x64xf32, #tpu.memory_space<hbm>> -> memref<1x64xf32, #tpu.memory_space<hbm>>
            %dma_start3A_478 = arith.constant 0 : i32
            %dma_start3A_479 = tpu.memref_slice %arg5[%and3A_435, %dma_start3A_478] : memref<16384x64xf32, #tpu.memory_space<hbm>> -> memref<1x64xf32, #tpu.memory_space<hbm>>
            %dma_start3A_480 = arith.constant 0 : i32
            %dma_start3A_481 = tpu.memref_slice %arg9[%and3A_456, %dma_start3A_480] : memref<16x64xf32, #tpu.memory_space<vmem>> -> memref<1x64xf32, #tpu.memory_space<vmem>>
            tpu.enqueue_dma source(%dma_start3A_481 : memref<1x64xf32, #tpu.memory_space<vmem>>) target(%dma_start3A_479 : memref<1x64xf32, #tpu.memory_space<hbm>>) target_semaphore(%arg12 : memref<!tpu.dma_semaphore, #tpu.memory_space<semaphore_mem>>)
            %add3A_482 = arith.constant 1 : i32
            %add3A_483 = arith.addi %while3A_422, %add3A_482 : i32
            %eq3A = arith.cmpi eq, %iota3A, %all_reduce_ffs3A : vector<16xi32>
            %jit3A_484 = arith.constant 0 : i32
            %broadcast_in_dim3A_485 = vector.broadcast %jit3A_484 : i32 to vector<16xi32>
            %select_n3A_486 = arith.select %eq3A, %broadcast_in_dim3A_485, %while3A_420 : vector<16xi1>, vector<16xi32>
            %sub3A_487 = arith.constant 1 : i32
            %sub3A_488 = arith.subi %while3A_421, %sub3A_487 : i32
            scf.yield %select_n3A_486, %sub3A_488, %add3A_483 : vector<16xi32>, i32, i32
          }
          scf.yield %while3A_419#2 : i32
        }
        %while3A_403 = arith.constant 1 : i32
        %while3A_404 = scf.for %while3A_405 = %while3A_400 to %while3A_396 step %while3A_403 iter_args(%while3A_406 = %while3A_402) -> (i32)  : i32 {
          %mul3A_407 = arith.constant 16 : i32
          %mul3A_408 = arith.muli %while3A_405, %mul3A_407 : i32
          %get3A = arith.index_cast %mul3A_408 : i32 to index
          %get3A_409 = tpu.vector_load %arg7[%get3A] {strides = array<i32>} : memref<16416xi32, #tpu.memory_space<vmem>>, vector<16xi32>,
          %ge3A = vector.broadcast %shift_left3A_319 : i32 to vector<16xi32>
          %ge3A_410 = arith.cmpi sge, %get3A_409, %ge3A : vector<16xi32>
          %lt3A_411 = vector.broadcast %shift_left3A_324 : i32 to vector<16xi32>
          %lt3A_412 = arith.cmpi slt, %get3A_409, %lt3A_411 : vector<16xi32>
          %and3A_413 = arith.andi %ge3A_410, %lt3A_412 : vector<16xi1>
          %jit3A_414 = arith.constant 1 : i32
          %jit3A_415 = arith.constant 0 : i32
          %broadcast_in_dim3A_416 = vector.broadcast %jit3A_414 : i32 to vector<16xi32>
          %broadcast_in_dim3A_417 = vector.broadcast %jit3A_415 : i32 to vector<16xi32>
          %select_n3A_418 = arith.select %and3A_413, %broadcast_in_dim3A_416, %broadcast_in_dim3A_417 : vector<16xi1>, vector<16xi32>
          %all_reduce_population_count3A = tpu.all_reduce %and3A_413 {dim = 0 : i64, kind = #tpu.reduction_kind<sum>} : vector<16xi1> -> vector<16xi32>
          %slice3A = vector.extract_strided_slice %all_reduce_population_count3A {offsets = [0], sizes = [1], strides = [1]} : vector<16xi32> to vector<1xi32>
          %squeeze3A = vector.extract %slice3A[0] : i32 from vector<1xi32>
          %while3A_419:3 = scf.while (%while3A_420 = %select_n3A_418, %while3A_421 = %squeeze3A, %while3A_422 = %while3A_406) : (vector<16xi32>, i32, i32) -> (vector<16xi32>, i32, i32) {
            %gt3A = arith.constant 0 : i32
            %gt3A_423 = arith.cmpi sgt, %while3A_421, %gt3A : i32
            scf.condition(%gt3A_423) %while3A_420, %while3A_421, %while3A_422 : vector<16xi32>, i32, i32
          } do {
          ^bb0(%while3A_420: vector<16xi32>, %while3A_421: i32, %while3A_422: i32):
            %ne3A_423 = arith.constant 0 : i32
            %ne3A_424 = vector.broadcast %ne3A_423 : i32 to vector<16xi32>
            %ne3A_425 = arith.cmpi ne, %while3A_420, %ne3A_424 : vector<16xi32>
            %all_reduce_ffs3A = tpu.all_reduce %ne3A_425 {dim = 0 : i64, kind = #tpu.reduction_kind<find_first_set>} : vector<16xi1> -> vector<16xi32>
            %mul3A_426 = arith.constant 16 : i32
            %mul3A_427 = arith.muli %while3A_405, %mul3A_426 : i32
            %add3A_428 = vector.broadcast %mul3A_427 : i32 to vector<16xi32>
            %add3A_429 = arith.addi %add3A_428, %all_reduce_ffs3A : vector<16xi32>
            %gather3A = tpu.vector_load_idx %arg7[%add3A_429] : memref<16416xi32, #tpu.memory_space<vmem>>[vector<16xi32>], vector<16xi32>,
            %slice3A_430 = vector.extract_strided_slice %gather3A {offsets = [0], sizes = [1], strides = [1]} : vector<16xi32> to vector<1xi32>
            %squeeze3A_431 = vector.extract %slice3A_430[0] : i32 from vector<1xi32>
            %shift_right_logical3A = arith.constant 14 : i32
            %shift_right_logical3A_432 = arith.shrui %squeeze3A_431, %shift_right_logical3A : i32
            %add3A_433 = arith.addi %multiple_of3A, %shift_right_logical3A_432 : i32
            %and3A_434 = arith.constant 16383 : i32
            %and3A_435 = arith.andi %squeeze3A_431, %and3A_434 : i32
            %sub3A_436 = arith.constant 999936 : i32
            %sub3A_437 = arith.subi %add3A_433, %sub3A_436 : i32
            %broadcast_in_dim3A_438 = vector.broadcast %sub3A_437 : i32 to vector<16xi32>
            %add3A_439 = arith.constant 0 : i32
            %add3A_440 = vector.broadcast %add3A_439 : i32 to vector<16xi32>
            %add3A_441 = arith.addi %add3A_440, %iota3A : vector<16xi32>
            %gather3A_442 = tpu.vector_load_idx %arg10[%broadcast_in_dim3A_438, %add3A_441] : memref<64x64xf32, #tpu.memory_space<vmem>>[vector<16xi32>, vector<16xi32>], vector<16xf32>,
            %add3A_443 = arith.constant 16 : i32
            %add3A_444 = vector.broadcast %add3A_443 : i32 to vector<16xi32>
            %add3A_445 = arith.addi %add3A_444, %iota3A : vector<16xi32>
            %gather3A_446 = tpu.vector_load_idx %arg10[%broadcast_in_dim3A_438, %add3A_445] : memref<64x64xf32, #tpu.memory_space<vmem>>[vector<16xi32>, vector<16xi32>], vector<16xf32>,
            %add3A_447 = arith.constant 32 : i32
            %add3A_448 = vector.broadcast %add3A_447 : i32 to vector<16xi32>
            %add3A_449 = arith.addi %add3A_448, %iota3A : vector<16xi32>
            %gather3A_450 = tpu.vector_load_idx %arg10[%broadcast_in_dim3A_438, %add3A_449] : memref<64x64xf32, #tpu.memory_space<vmem>>[vector<16xi32>, vector<16xi32>], vector<16xf32>,
            %add3A_451 = arith.constant 48 : i32
            %add3A_452 = vector.broadcast %add3A_451 : i32 to vector<16xi32>
            %add3A_453 = arith.addi %add3A_452, %iota3A : vector<16xi32>
            %gather3A_454 = tpu.vector_load_idx %arg10[%broadcast_in_dim3A_438, %add3A_453] : memref<64x64xf32, #tpu.memory_space<vmem>>[vector<16xi32>, vector<16xi32>], vector<16xf32>,
            %and3A_455 = arith.constant 15 : i32
            %and3A_456 = arith.andi %while3A_422, %and3A_455 : i32
            %ge3A_457 = arith.constant 16 : i32
            %ge3A_458 = arith.cmpi sge, %while3A_422, %ge3A_457 : i32
            %convert_element_type3A_459 = arith.extui %ge3A_458 : i1 to i32
            %cond3A_460 = arith.constant 0 : i32
            %cond3A_461 = arith.cmpi ne, %convert_element_type3A_459, %cond3A_460 : i32
            scf.if %cond3A_461 {
              %dma_wait3A_489 = arith.constant 0 : i32
              %dma_wait3A_490 = arith.constant 0 : i32
              %dma_wait3A_491 = tpu.memref_slice %arg9[%dma_wait3A_489, %dma_wait3A_490] : memref<16x64xf32, #tpu.memory_space<vmem>> -> memref<1x64xf32, #tpu.memory_space<vmem>>
              %dma_wait3A_492 = arith.constant 0 : i32
              %dma_wait3A_493 = arith.constant 0 : i32
              %dma_wait3A_494 = tpu.memref_slice %arg5[%dma_wait3A_492, %dma_wait3A_493] : memref<16384x64xf32, #tpu.memory_space<hbm>> -> memref<1x64xf32, #tpu.memory_space<hbm>>
              %dma_wait3A_495 = arith.constant 0 : i32
              %dma_wait3A_496 = arith.constant 0 : i32
              %dma_wait3A_497 = tpu.memref_slice %arg5[%dma_wait3A_495, %dma_wait3A_496] : memref<16384x64xf32, #tpu.memory_space<hbm>> -> memref<1x64xf32, #tpu.memory_space<hbm>>
              %dma_wait3A_498 = arith.constant 0 : i32
              %dma_wait3A_499 = arith.constant 0 : i32
              %dma_wait3A_500 = tpu.memref_slice %arg9[%dma_wait3A_498, %dma_wait3A_499] : memref<16x64xf32, #tpu.memory_space<vmem>> -> memref<1x64xf32, #tpu.memory_space<vmem>>
              tpu.wait_dma2 semaphore(%arg12 : memref<!tpu.dma_semaphore, #tpu.memory_space<semaphore_mem>>) src(%dma_wait3A_500 : memref<1x64xf32, #tpu.memory_space<vmem>>) dst(%dma_wait3A_497 : memref<1x64xf32, #tpu.memory_space<hbm>>)
            } else {
            }
            %swap3A_462 = arith.index_cast %and3A_456 : i32 to index
            %swap3A_463 = arith.constant 0 : index
            %swap3A_464 = tpu.vector_load %arg9[%swap3A_462, %swap3A_463] {strides = array<i32>} : memref<16x64xf32, #tpu.memory_space<vmem>>, vector<16xf32>,
            tpu.vector_store %arg9[%swap3A_462, %swap3A_463], %gather3A_442 {strides = array<i32>} : memref<16x64xf32, #tpu.memory_space<vmem>>, vector<16xf32>,
            %swap3A_465 = arith.index_cast %and3A_456 : i32 to index
            %swap3A_466 = arith.constant 16 : index
            %swap3A_467 = tpu.vector_load %arg9[%swap3A_465, %swap3A_466] {strides = array<i32>} : memref<16x64xf32, #tpu.memory_space<vmem>>, vector<16xf32>,
            tpu.vector_store %arg9[%swap3A_465, %swap3A_466], %gather3A_446 {strides = array<i32>} : memref<16x64xf32, #tpu.memory_space<vmem>>, vector<16xf32>,
            %swap3A_468 = arith.index_cast %and3A_456 : i32 to index
            %swap3A_469 = arith.constant 32 : index
            %swap3A_470 = tpu.vector_load %arg9[%swap3A_468, %swap3A_469] {strides = array<i32>} : memref<16x64xf32, #tpu.memory_space<vmem>>, vector<16xf32>,
            tpu.vector_store %arg9[%swap3A_468, %swap3A_469], %gather3A_450 {strides = array<i32>} : memref<16x64xf32, #tpu.memory_space<vmem>>, vector<16xf32>,
            %swap3A_471 = arith.index_cast %and3A_456 : i32 to index
            %swap3A_472 = arith.constant 48 : index
            %swap3A_473 = tpu.vector_load %arg9[%swap3A_471, %swap3A_472] {strides = array<i32>} : memref<16x64xf32, #tpu.memory_space<vmem>>, vector<16xf32>,
            tpu.vector_store %arg9[%swap3A_471, %swap3A_472], %gather3A_454 {strides = array<i32>} : memref<16x64xf32, #tpu.memory_space<vmem>>, vector<16xf32>,
            %dma_start3A_474 = arith.constant 0 : i32
            %dma_start3A_475 = tpu.memref_slice %arg9[%and3A_456, %dma_start3A_474] : memref<16x64xf32, #tpu.memory_space<vmem>> -> memref<1x64xf32, #tpu.memory_space<vmem>>
            %dma_start3A_476 = arith.constant 0 : i32
            %dma_start3A_477 = tpu.memref_slice %arg5[%and3A_435, %dma_start3A_476] : memref<16384x64xf32, #tpu.memory_space<hbm>> -> memref<1x64xf32, #tpu.memory_space<hbm>>
            %dma_start3A_478 = arith.constant 0 : i32
            %dma_start3A_479 = tpu.memref_slice %arg5[%and3A_435, %dma_start3A_478] : memref<16384x64xf32, #tpu.memory_space<hbm>> -> memref<1x64xf32, #tpu.memory_space<hbm>>
            %dma_start3A_480 = arith.constant 0 : i32
            %dma_start3A_481 = tpu.memref_slice %arg9[%and3A_456, %dma_start3A_480] : memref<16x64xf32, #tpu.memory_space<vmem>> -> memref<1x64xf32, #tpu.memory_space<vmem>>
            tpu.enqueue_dma source(%dma_start3A_481 : memref<1x64xf32, #tpu.memory_space<vmem>>) target(%dma_start3A_479 : memref<1x64xf32, #tpu.memory_space<hbm>>) target_semaphore(%arg12 : memref<!tpu.dma_semaphore, #tpu.memory_space<semaphore_mem>>)
            %add3A_482 = arith.constant 1 : i32
            %add3A_483 = arith.addi %while3A_422, %add3A_482 : i32
            %eq3A = arith.cmpi eq, %iota3A, %all_reduce_ffs3A : vector<16xi32>
            %jit3A_484 = arith.constant 0 : i32
            %broadcast_in_dim3A_485 = vector.broadcast %jit3A_484 : i32 to vector<16xi32>
            %select_n3A_486 = arith.select %eq3A, %broadcast_in_dim3A_485, %while3A_420 : vector<16xi1>, vector<16xi32>
            %sub3A_487 = arith.constant 1 : i32
            %sub3A_488 = arith.subi %while3A_421, %sub3A_487 : i32
            scf.yield %select_n3A_486, %sub3A_488, %add3A_483 : vector<16xi32>, i32, i32
          }
          scf.yield %while3A_419#2 : i32
        }
        scf.yield %while3A_404 : i32
      }
      %add3A_331 = arith.constant 4 : i32
      %add3A_332 = arith.addi %add3A_285, %add3A_331 : i32
      %lt3A_333 = arith.constant 124 : i32
      %lt3A_334 = arith.cmpi slt, %add3A_332, %lt3A_333 : i32
      %convert_element_type3A_335 = arith.extui %lt3A_334 : i1 to i32
      %cond3A_336 = arith.constant 0 : i32
      %cond3A_337 = arith.cmpi ne, %convert_element_type3A_335, %cond3A_336 : i32
      scf.if %cond3A_337 {
        %add3A_394 = arith.constant 4 : i32
        %add3A_395 = arith.addi %add3A_285, %add3A_394 : i32
        %mul3A_396 = arith.constant 256 : i32
        %mul3A_397 = arith.muli %add3A_395, %mul3A_396 : i32
        %add3A_398 = arith.addi %multiple_of3A, %mul3A_397 : i32
        %min3A_399 = arith.constant 999680 : i32
        %min3A_400 = arith.minsi %add3A_398, %min3A_399 : i32
        %multiple_of3A_401 = tpu.assume_multiple %min3A_400, 128 : i32
        %dma_start3A_402 = arith.constant 2 : i32
        %dma_start3A_403 = arith.constant 2 : i32
        %dma_start3A_404 = arith.constant 0 : i32
        %dma_start3A_405 = arith.constant 0 : i32
        %dma_start3A_406 = arith.constant 0 : i32
        %dma_start3A_407 = tpu.memref_slice %arg8[%dma_start3A_402, %dma_start3A_404, %dma_start3A_405, %dma_start3A_406] : memref<4x8x8x256xf32, #tpu.memory_space<vmem>> -> memref<1x8x8x256xf32, #tpu.memory_space<vmem>>
        %dma_start3A_408 = tpu.memref_squeeze %dma_start3A_407 : memref<1x8x8x256xf32, #tpu.memory_space<vmem>> -> memref<8x8x256xf32, #tpu.memory_space<vmem>>
        %dma_start3A_409 = arith.constant 0 : i32
        %dma_start3A_410 = arith.constant 0 : i32
        %dma_start3A_411 = tpu.memref_slice %arg2[%dma_start3A_409, %dma_start3A_410, %multiple_of3A_401] : memref<8x8x1000000xf32, #tpu.memory_space<hbm>> -> memref<8x8x256xf32, #tpu.memory_space<hbm>>
        %dma_start3A_412 = tpu.memref_slice %arg11[%dma_start3A_403] : memref<2x!tpu.dma_semaphore, #tpu.memory_space<semaphore_mem>> -> memref<1x!tpu.dma_semaphore, #tpu.memory_space<semaphore_mem>>
        %dma_start3A_413 = tpu.memref_squeeze %dma_start3A_412 : memref<1x!tpu.dma_semaphore, #tpu.memory_space<semaphore_mem>> -> memref<!tpu.dma_semaphore, #tpu.memory_space<semaphore_mem>>
        %dma_start3A_414 = arith.constant 0 : i32
        %dma_start3A_415 = arith.constant 0 : i32
        %dma_start3A_416 = arith.constant 0 : i32
        %dma_start3A_417 = tpu.memref_slice %arg8[%dma_start3A_402, %dma_start3A_414, %dma_start3A_415, %dma_start3A_416] : memref<4x8x8x256xf32, #tpu.memory_space<vmem>> -> memref<1x8x8x256xf32, #tpu.memory_space<vmem>>
        %dma_start3A_418 = tpu.memref_squeeze %dma_start3A_417 : memref<1x8x8x256xf32, #tpu.memory_space<vmem>> -> memref<8x8x256xf32, #tpu.memory_space<vmem>>
        %dma_start3A_419 = arith.constant 0 : i32
        %dma_start3A_420 = arith.constant 0 : i32
        %dma_start3A_421 = tpu.memref_slice %arg2[%dma_start3A_419, %dma_start3A_420, %multiple_of3A_401] : memref<8x8x1000000xf32, #tpu.memory_space<hbm>> -> memref<8x8x256xf32, #tpu.memory_space<hbm>>
        tpu.enqueue_dma source(%dma_start3A_421 : memref<8x8x256xf32, #tpu.memory_space<hbm>>) target(%dma_start3A_418 : memref<8x8x256xf32, #tpu.memory_space<vmem>>) target_semaphore(%dma_start3A_413 : memref<!tpu.dma_semaphore, #tpu.memory_space<semaphore_mem>>)
      } else {
      }
      %mul3A_338 = arith.constant 4 : i32
      %mul3A_339 = arith.muli %mul3A_338, %scan3A_173 : i32
      %add3A_340 = arith.constant 3 : i32
      %add3A_341 = arith.addi %mul3A_339, %add3A_340 : i32
      %dma_wait3A_342 = arith.constant 3 : i32
      %dma_wait3A_343 = arith.constant 3 : i32
      %dma_wait3A_344 = arith.constant 0 : i32
      %dma_wait3A_345 = arith.constant 0 : i32
      %dma_wait3A_346 = arith.constant 0 : i32
      %dma_wait3A_347 = tpu.memref_slice %arg8[%dma_wait3A_342, %dma_wait3A_344, %dma_wait3A_345, %dma_wait3A_346] : memref<4x8x8x256xf32, #tpu.memory_space<vmem>> -> memref<1x8x8x256xf32, #tpu.memory_space<vmem>>
      %dma_wait3A_348 = tpu.memref_squeeze %dma_wait3A_347 : memref<1x8x8x256xf32, #tpu.memory_space<vmem>> -> memref<8x8x256xf32, #tpu.memory_space<vmem>>
      %dma_wait3A_349 = arith.constant 0 : i32
      %dma_wait3A_350 = arith.constant 0 : i32
      %dma_wait3A_351 = arith.constant 0 : i32
      %dma_wait3A_352 = tpu.memref_slice %arg2[%dma_wait3A_349, %dma_wait3A_350, %dma_wait3A_351] : memref<8x8x1000000xf32, #tpu.memory_space<hbm>> -> memref<8x8x256xf32, #tpu.memory_space<hbm>>
      %dma_wait3A_353 = tpu.memref_slice %arg11[%dma_wait3A_343] : memref<2x!tpu.dma_semaphore, #tpu.memory_space<semaphore_mem>> -> memref<1x!tpu.dma_semaphore, #tpu.memory_space<semaphore_mem>>
      %dma_wait3A_354 = tpu.memref_squeeze %dma_wait3A_353 : memref<1x!tpu.dma_semaphore, #tpu.memory_space<semaphore_mem>> -> memref<!tpu.dma_semaphore, #tpu.memory_space<semaphore_mem>>
      %dma_wait3A_355 = arith.constant 0 : i32
      %dma_wait3A_356 = arith.constant 0 : i32
      %dma_wait3A_357 = arith.constant 0 : i32
      %dma_wait3A_358 = tpu.memref_slice %arg8[%dma_wait3A_342, %dma_wait3A_355, %dma_wait3A_356, %dma_wait3A_357] : memref<4x8x8x256xf32, #tpu.memory_space<vmem>> -> memref<1x8x8x256xf32, #tpu.memory_space<vmem>>
      %dma_wait3A_359 = tpu.memref_squeeze %dma_wait3A_358 : memref<1x8x8x256xf32, #tpu.memory_space<vmem>> -> memref<8x8x256xf32, #tpu.memory_space<vmem>>
      %dma_wait3A_360 = arith.constant 0 : i32
      %dma_wait3A_361 = arith.constant 0 : i32
      %dma_wait3A_362 = arith.constant 0 : i32
      %dma_wait3A_363 = tpu.memref_slice %arg2[%dma_wait3A_360, %dma_wait3A_361, %dma_wait3A_362] : memref<8x8x1000000xf32, #tpu.memory_space<hbm>> -> memref<8x8x256xf32, #tpu.memory_space<hbm>>
      tpu.wait_dma2 semaphore(%dma_wait3A_354 : memref<!tpu.dma_semaphore, #tpu.memory_space<semaphore_mem>>) src(%dma_wait3A_363 : memref<8x8x256xf32, #tpu.memory_space<hbm>>) dst(%dma_wait3A_359 : memref<8x8x256xf32, #tpu.memory_space<vmem>>)
      %mul3A_364 = arith.constant 256 : i32
      %mul3A_365 = arith.muli %add3A_341, %mul3A_364 : i32
      %add3A_366 = arith.addi %multiple_of3A, %mul3A_365 : i32
      %mul3A_367 = arith.constant 256 : i32
      %mul3A_368 = arith.muli %add3A_341, %mul3A_367 : i32
      %add3A_369 = arith.addi %multiple_of3A, %mul3A_368 : i32
      %min3A_370 = arith.constant 999680 : i32
      %min3A_371 = arith.minsi %add3A_369, %min3A_370 : i32
      %multiple_of3A_372 = tpu.assume_multiple %min3A_371, 128 : i32
      %sub3A_373 = arith.subi %add3A_366, %multiple_of3A : i32
      %shift_left3A_374 = arith.constant 14 : i32
      %shift_left3A_375 = arith.shli %sub3A_373, %shift_left3A_374 : i32
      %sub3A_376 = arith.subi %add3A_366, %multiple_of3A : i32
      %add3A_377 = arith.constant 256 : i32
      %add3A_378 = arith.addi %sub3A_376, %add3A_377 : i32
      %shift_left3A_379 = arith.constant 14 : i32
      %shift_left3A_380 = arith.shli %add3A_378, %shift_left3A_379 : i32
      %lt3A_381 = arith.constant 999936 : i32
      %lt3A_382 = arith.cmpi slt, %add3A_366, %lt3A_381 : i32
      %convert_element_type3A_383 = arith.extui %lt3A_382 : i1 to i32
      %cond3A_384 = arith.constant 0 : i32
      %cond3A_385 = arith.cmpi ne, %convert_element_type3A_383, %cond3A_384 : i32
      %cond3A_386 = scf.if %cond3A_385 -> (i32) {
        %while3A_394 = arith.constant 0 : i32
        %while3A_395 = arith.subi %select_n3A_154, %while3A_394 : i32
        %while3A_396 = arith.addi %while3A_394, %while3A_395 : i32
        %while3A_397 = arith.constant 1 : i32
        %while3A_398 = arith.divsi %while3A_395, %while3A_397 : i32
        %while3A_399 = arith.muli %while3A_398, %while3A_397 : i32
        %while3A_400 = arith.addi %while3A_394, %while3A_399 : i32
        %while3A_401 = arith.constant 1 : i32
        %while3A_402 = scf.for %while3A_405 = %while3A_394 to %while3A_400 step %while3A_401 iter_args(%while3A_406 = %cond3A_330) -> (i32)  : i32 {
          %mul3A_407 = arith.constant 16 : i32
          %mul3A_408 = arith.muli %while3A_405, %mul3A_407 : i32
          %get3A = arith.index_cast %mul3A_408 : i32 to index
          %get3A_409 = tpu.vector_load %arg7[%get3A] {strides = array<i32>} : memref<16416xi32, #tpu.memory_space<vmem>>, vector<16xi32>,
          %ge3A = vector.broadcast %shift_left3A_375 : i32 to vector<16xi32>
          %ge3A_410 = arith.cmpi sge, %get3A_409, %ge3A : vector<16xi32>
          %lt3A_411 = vector.broadcast %shift_left3A_380 : i32 to vector<16xi32>
          %lt3A_412 = arith.cmpi slt, %get3A_409, %lt3A_411 : vector<16xi32>
          %and3A_413 = arith.andi %ge3A_410, %lt3A_412 : vector<16xi1>
          %jit3A_414 = arith.constant 1 : i32
          %jit3A_415 = arith.constant 0 : i32
          %broadcast_in_dim3A_416 = vector.broadcast %jit3A_414 : i32 to vector<16xi32>
          %broadcast_in_dim3A_417 = vector.broadcast %jit3A_415 : i32 to vector<16xi32>
          %select_n3A_418 = arith.select %and3A_413, %broadcast_in_dim3A_416, %broadcast_in_dim3A_417 : vector<16xi1>, vector<16xi32>
          %all_reduce_population_count3A = tpu.all_reduce %and3A_413 {dim = 0 : i64, kind = #tpu.reduction_kind<sum>} : vector<16xi1> -> vector<16xi32>
          %slice3A = vector.extract_strided_slice %all_reduce_population_count3A {offsets = [0], sizes = [1], strides = [1]} : vector<16xi32> to vector<1xi32>
          %squeeze3A = vector.extract %slice3A[0] : i32 from vector<1xi32>
          %while3A_419:3 = scf.while (%while3A_420 = %select_n3A_418, %while3A_421 = %squeeze3A, %while3A_422 = %while3A_406) : (vector<16xi32>, i32, i32) -> (vector<16xi32>, i32, i32) {
            %gt3A = arith.constant 0 : i32
            %gt3A_423 = arith.cmpi sgt, %while3A_421, %gt3A : i32
            scf.condition(%gt3A_423) %while3A_420, %while3A_421, %while3A_422 : vector<16xi32>, i32, i32
          } do {
          ^bb0(%while3A_420: vector<16xi32>, %while3A_421: i32, %while3A_422: i32):
            %ne3A_423 = arith.constant 0 : i32
            %ne3A_424 = vector.broadcast %ne3A_423 : i32 to vector<16xi32>
            %ne3A_425 = arith.cmpi ne, %while3A_420, %ne3A_424 : vector<16xi32>
            %all_reduce_ffs3A = tpu.all_reduce %ne3A_425 {dim = 0 : i64, kind = #tpu.reduction_kind<find_first_set>} : vector<16xi1> -> vector<16xi32>
            %mul3A_426 = arith.constant 16 : i32
            %mul3A_427 = arith.muli %while3A_405, %mul3A_426 : i32
            %add3A_428 = vector.broadcast %mul3A_427 : i32 to vector<16xi32>
            %add3A_429 = arith.addi %add3A_428, %all_reduce_ffs3A : vector<16xi32>
            %gather3A = tpu.vector_load_idx %arg7[%add3A_429] : memref<16416xi32, #tpu.memory_space<vmem>>[vector<16xi32>], vector<16xi32>,
            %slice3A_430 = vector.extract_strided_slice %gather3A {offsets = [0], sizes = [1], strides = [1]} : vector<16xi32> to vector<1xi32>
            %squeeze3A_431 = vector.extract %slice3A_430[0] : i32 from vector<1xi32>
            %shift_right_logical3A = arith.constant 14 : i32
            %shift_right_logical3A_432 = arith.shrui %squeeze3A_431, %shift_right_logical3A : i32
            %add3A_433 = arith.addi %multiple_of3A, %shift_right_logical3A_432 : i32
            %and3A_434 = arith.constant 16383 : i32
            %and3A_435 = arith.andi %squeeze3A_431, %and3A_434 : i32
            %sub3A_436 = arith.subi %add3A_433, %multiple_of3A_372 : i32
            %broadcast_in_dim3A_437 = vector.broadcast %sub3A_436 : i32 to vector<16xi32>
            %add3A_438 = arith.constant 0 : i32
            %add3A_439 = vector.broadcast %add3A_438 : i32 to vector<16xi32>
            %add3A_440 = arith.addi %add3A_439, %iota3A : vector<16xi32>
            %shift_right_logical3A_441 = arith.constant 3 : i32
            %shift_right_logical3A_442 = vector.broadcast %shift_right_logical3A_441 : i32 to vector<16xi32>
            %shift_right_logical3A_443 = arith.shrui %add3A_440, %shift_right_logical3A_442 : vector<16xi32>
            %and3A_444 = arith.constant 7 : i32
            %and3A_445 = vector.broadcast %and3A_444 : i32 to vector<16xi32>
            %and3A_446 = arith.andi %add3A_440, %and3A_445 : vector<16xi32>
            %gather3A_447 = arith.constant 3 : i32
            %gather3A_448 = arith.constant 0 : i32
            %gather3A_449 = arith.constant 0 : i32
            %gather3A_450 = arith.constant 0 : i32
            %gather3A_451 = tpu.memref_slice %arg8[%gather3A_447, %gather3A_448, %gather3A_449, %gather3A_450] : memref<4x8x8x256xf32, #tpu.memory_space<vmem>> -> memref<1x8x8x256xf32, #tpu.memory_space<vmem>>
            %gather3A_452 = tpu.memref_squeeze %gather3A_451 : memref<1x8x8x256xf32, #tpu.memory_space<vmem>> -> memref<8x8x256xf32, #tpu.memory_space<vmem>>
            %gather3A_453 = tpu.vector_load_idx %gather3A_452[%shift_right_logical3A_443, %and3A_446, %broadcast_in_dim3A_437] : memref<8x8x256xf32, #tpu.memory_space<vmem>>[vector<16xi32>, vector<16xi32>, vector<16xi32>], vector<16xf32>,
            %add3A_454 = arith.constant 16 : i32
            %add3A_455 = vector.broadcast %add3A_454 : i32 to vector<16xi32>
            %add3A_456 = arith.addi %add3A_455, %iota3A : vector<16xi32>
            %shift_right_logical3A_457 = arith.constant 3 : i32
            %shift_right_logical3A_458 = vector.broadcast %shift_right_logical3A_457 : i32 to vector<16xi32>
            %shift_right_logical3A_459 = arith.shrui %add3A_456, %shift_right_logical3A_458 : vector<16xi32>
            %and3A_460 = arith.constant 7 : i32
            %and3A_461 = vector.broadcast %and3A_460 : i32 to vector<16xi32>
            %and3A_462 = arith.andi %add3A_456, %and3A_461 : vector<16xi32>
            %gather3A_463 = arith.constant 3 : i32
            %gather3A_464 = arith.constant 0 : i32
            %gather3A_465 = arith.constant 0 : i32
            %gather3A_466 = arith.constant 0 : i32
            %gather3A_467 = tpu.memref_slice %arg8[%gather3A_463, %gather3A_464, %gather3A_465, %gather3A_466] : memref<4x8x8x256xf32, #tpu.memory_space<vmem>> -> memref<1x8x8x256xf32, #tpu.memory_space<vmem>>
            %gather3A_468 = tpu.memref_squeeze %gather3A_467 : memref<1x8x8x256xf32, #tpu.memory_space<vmem>> -> memref<8x8x256xf32, #tpu.memory_space<vmem>>
            %gather3A_469 = tpu.vector_load_idx %gather3A_468[%shift_right_logical3A_459, %and3A_462, %broadcast_in_dim3A_437] : memref<8x8x256xf32, #tpu.memory_space<vmem>>[vector<16xi32>, vector<16xi32>, vector<16xi32>], vector<16xf32>,
            %add3A_470 = arith.constant 32 : i32
            %add3A_471 = vector.broadcast %add3A_470 : i32 to vector<16xi32>
            %add3A_472 = arith.addi %add3A_471, %iota3A : vector<16xi32>
            %shift_right_logical3A_473 = arith.constant 3 : i32
            %shift_right_logical3A_474 = vector.broadcast %shift_right_logical3A_473 : i32 to vector<16xi32>
            %shift_right_logical3A_475 = arith.shrui %add3A_472, %shift_right_logical3A_474 : vector<16xi32>
            %and3A_476 = arith.constant 7 : i32
            %and3A_477 = vector.broadcast %and3A_476 : i32 to vector<16xi32>
            %and3A_478 = arith.andi %add3A_472, %and3A_477 : vector<16xi32>
            %gather3A_479 = arith.constant 3 : i32
            %gather3A_480 = arith.constant 0 : i32
            %gather3A_481 = arith.constant 0 : i32
            %gather3A_482 = arith.constant 0 : i32
            %gather3A_483 = tpu.memref_slice %arg8[%gather3A_479, %gather3A_480, %gather3A_481, %gather3A_482] : memref<4x8x8x256xf32, #tpu.memory_space<vmem>> -> memref<1x8x8x256xf32, #tpu.memory_space<vmem>>
            %gather3A_484 = tpu.memref_squeeze %gather3A_483 : memref<1x8x8x256xf32, #tpu.memory_space<vmem>> -> memref<8x8x256xf32, #tpu.memory_space<vmem>>
            %gather3A_485 = tpu.vector_load_idx %gather3A_484[%shift_right_logical3A_475, %and3A_478, %broadcast_in_dim3A_437] : memref<8x8x256xf32, #tpu.memory_space<vmem>>[vector<16xi32>, vector<16xi32>, vector<16xi32>], vector<16xf32>,
            %add3A_486 = arith.constant 48 : i32
            %add3A_487 = vector.broadcast %add3A_486 : i32 to vector<16xi32>
            %add3A_488 = arith.addi %add3A_487, %iota3A : vector<16xi32>
            %shift_right_logical3A_489 = arith.constant 3 : i32
            %shift_right_logical3A_490 = vector.broadcast %shift_right_logical3A_489 : i32 to vector<16xi32>
            %shift_right_logical3A_491 = arith.shrui %add3A_488, %shift_right_logical3A_490 : vector<16xi32>
            %and3A_492 = arith.constant 7 : i32
            %and3A_493 = vector.broadcast %and3A_492 : i32 to vector<16xi32>
            %and3A_494 = arith.andi %add3A_488, %and3A_493 : vector<16xi32>
            %gather3A_495 = arith.constant 3 : i32
            %gather3A_496 = arith.constant 0 : i32
            %gather3A_497 = arith.constant 0 : i32
            %gather3A_498 = arith.constant 0 : i32
            %gather3A_499 = tpu.memref_slice %arg8[%gather3A_495, %gather3A_496, %gather3A_497, %gather3A_498] : memref<4x8x8x256xf32, #tpu.memory_space<vmem>> -> memref<1x8x8x256xf32, #tpu.memory_space<vmem>>
            %gather3A_500 = tpu.memref_squeeze %gather3A_499 : memref<1x8x8x256xf32, #tpu.memory_space<vmem>> -> memref<8x8x256xf32, #tpu.memory_space<vmem>>
            %gather3A_501 = tpu.vector_load_idx %gather3A_500[%shift_right_logical3A_491, %and3A_494, %broadcast_in_dim3A_437] : memref<8x8x256xf32, #tpu.memory_space<vmem>>[vector<16xi32>, vector<16xi32>, vector<16xi32>], vector<16xf32>,
            %and3A_502 = arith.constant 15 : i32
            %and3A_503 = arith.andi %while3A_422, %and3A_502 : i32
            %ge3A_504 = arith.constant 16 : i32
            %ge3A_505 = arith.cmpi sge, %while3A_422, %ge3A_504 : i32
            %convert_element_type3A_506 = arith.extui %ge3A_505 : i1 to i32
            %cond3A_507 = arith.constant 0 : i32
            %cond3A_508 = arith.cmpi ne, %convert_element_type3A_506, %cond3A_507 : i32
            scf.if %cond3A_508 {
              %dma_wait3A_536 = arith.constant 0 : i32
              %dma_wait3A_537 = arith.constant 0 : i32
              %dma_wait3A_538 = tpu.memref_slice %arg9[%dma_wait3A_536, %dma_wait3A_537] : memref<16x64xf32, #tpu.memory_space<vmem>> -> memref<1x64xf32, #tpu.memory_space<vmem>>
              %dma_wait3A_539 = arith.constant 0 : i32
              %dma_wait3A_540 = arith.constant 0 : i32
              %dma_wait3A_541 = tpu.memref_slice %arg5[%dma_wait3A_539, %dma_wait3A_540] : memref<16384x64xf32, #tpu.memory_space<hbm>> -> memref<1x64xf32, #tpu.memory_space<hbm>>
              %dma_wait3A_542 = arith.constant 0 : i32
              %dma_wait3A_543 = arith.constant 0 : i32
              %dma_wait3A_544 = tpu.memref_slice %arg5[%dma_wait3A_542, %dma_wait3A_543] : memref<16384x64xf32, #tpu.memory_space<hbm>> -> memref<1x64xf32, #tpu.memory_space<hbm>>
              %dma_wait3A_545 = arith.constant 0 : i32
              %dma_wait3A_546 = arith.constant 0 : i32
              %dma_wait3A_547 = tpu.memref_slice %arg9[%dma_wait3A_545, %dma_wait3A_546] : memref<16x64xf32, #tpu.memory_space<vmem>> -> memref<1x64xf32, #tpu.memory_space<vmem>>
              tpu.wait_dma2 semaphore(%arg12 : memref<!tpu.dma_semaphore, #tpu.memory_space<semaphore_mem>>) src(%dma_wait3A_547 : memref<1x64xf32, #tpu.memory_space<vmem>>) dst(%dma_wait3A_544 : memref<1x64xf32, #tpu.memory_space<hbm>>)
            } else {
            }
            %swap3A_509 = arith.index_cast %and3A_503 : i32 to index
            %swap3A_510 = arith.constant 0 : index
            %swap3A_511 = tpu.vector_load %arg9[%swap3A_509, %swap3A_510] {strides = array<i32>} : memref<16x64xf32, #tpu.memory_space<vmem>>, vector<16xf32>,
            tpu.vector_store %arg9[%swap3A_509, %swap3A_510], %gather3A_453 {strides = array<i32>} : memref<16x64xf32, #tpu.memory_space<vmem>>, vector<16xf32>,
            %swap3A_512 = arith.index_cast %and3A_503 : i32 to index
            %swap3A_513 = arith.constant 16 : index
            %swap3A_514 = tpu.vector_load %arg9[%swap3A_512, %swap3A_513] {strides = array<i32>} : memref<16x64xf32, #tpu.memory_space<vmem>>, vector<16xf32>,
            tpu.vector_store %arg9[%swap3A_512, %swap3A_513], %gather3A_469 {strides = array<i32>} : memref<16x64xf32, #tpu.memory_space<vmem>>, vector<16xf32>,
            %swap3A_515 = arith.index_cast %and3A_503 : i32 to index
            %swap3A_516 = arith.constant 32 : index
            %swap3A_517 = tpu.vector_load %arg9[%swap3A_515, %swap3A_516] {strides = array<i32>} : memref<16x64xf32, #tpu.memory_space<vmem>>, vector<16xf32>,
            tpu.vector_store %arg9[%swap3A_515, %swap3A_516], %gather3A_485 {strides = array<i32>} : memref<16x64xf32, #tpu.memory_space<vmem>>, vector<16xf32>,
            %swap3A_518 = arith.index_cast %and3A_503 : i32 to index
            %swap3A_519 = arith.constant 48 : index
            %swap3A_520 = tpu.vector_load %arg9[%swap3A_518, %swap3A_519] {strides = array<i32>} : memref<16x64xf32, #tpu.memory_space<vmem>>, vector<16xf32>,
            tpu.vector_store %arg9[%swap3A_518, %swap3A_519], %gather3A_501 {strides = array<i32>} : memref<16x64xf32, #tpu.memory_space<vmem>>, vector<16xf32>,
            %dma_start3A_521 = arith.constant 0 : i32
            %dma_start3A_522 = tpu.memref_slice %arg9[%and3A_503, %dma_start3A_521] : memref<16x64xf32, #tpu.memory_space<vmem>> -> memref<1x64xf32, #tpu.memory_space<vmem>>
            %dma_start3A_523 = arith.constant 0 : i32
            %dma_start3A_524 = tpu.memref_slice %arg5[%and3A_435, %dma_start3A_523] : memref<16384x64xf32, #tpu.memory_space<hbm>> -> memref<1x64xf32, #tpu.memory_space<hbm>>
            %dma_start3A_525 = arith.constant 0 : i32
            %dma_start3A_526 = tpu.memref_slice %arg5[%and3A_435, %dma_start3A_525] : memref<16384x64xf32, #tpu.memory_space<hbm>> -> memref<1x64xf32, #tpu.memory_space<hbm>>
            %dma_start3A_527 = arith.constant 0 : i32
            %dma_start3A_528 = tpu.memref_slice %arg9[%and3A_503, %dma_start3A_527] : memref<16x64xf32, #tpu.memory_space<vmem>> -> memref<1x64xf32, #tpu.memory_space<vmem>>
            tpu.enqueue_dma source(%dma_start3A_528 : memref<1x64xf32, #tpu.memory_space<vmem>>) target(%dma_start3A_526 : memref<1x64xf32, #tpu.memory_space<hbm>>) target_semaphore(%arg12 : memref<!tpu.dma_semaphore, #tpu.memory_space<semaphore_mem>>)
            %add3A_529 = arith.constant 1 : i32
            %add3A_530 = arith.addi %while3A_422, %add3A_529 : i32
            %eq3A = arith.cmpi eq, %iota3A, %all_reduce_ffs3A : vector<16xi32>
            %jit3A_531 = arith.constant 0 : i32
            %broadcast_in_dim3A_532 = vector.broadcast %jit3A_531 : i32 to vector<16xi32>
            %select_n3A_533 = arith.select %eq3A, %broadcast_in_dim3A_532, %while3A_420 : vector<16xi1>, vector<16xi32>
            %sub3A_534 = arith.constant 1 : i32
            %sub3A_535 = arith.subi %while3A_421, %sub3A_534 : i32
            scf.yield %select_n3A_533, %sub3A_535, %add3A_530 : vector<16xi32>, i32, i32
          }
          scf.yield %while3A_419#2 : i32
        }
        %while3A_403 = arith.constant 1 : i32
        %while3A_404 = scf.for %while3A_405 = %while3A_400 to %while3A_396 step %while3A_403 iter_args(%while3A_406 = %while3A_402) -> (i32)  : i32 {
          %mul3A_407 = arith.constant 16 : i32
          %mul3A_408 = arith.muli %while3A_405, %mul3A_407 : i32
          %get3A = arith.index_cast %mul3A_408 : i32 to index
          %get3A_409 = tpu.vector_load %arg7[%get3A] {strides = array<i32>} : memref<16416xi32, #tpu.memory_space<vmem>>, vector<16xi32>,
          %ge3A = vector.broadcast %shift_left3A_375 : i32 to vector<16xi32>
          %ge3A_410 = arith.cmpi sge, %get3A_409, %ge3A : vector<16xi32>
          %lt3A_411 = vector.broadcast %shift_left3A_380 : i32 to vector<16xi32>
          %lt3A_412 = arith.cmpi slt, %get3A_409, %lt3A_411 : vector<16xi32>
          %and3A_413 = arith.andi %ge3A_410, %lt3A_412 : vector<16xi1>
          %jit3A_414 = arith.constant 1 : i32
          %jit3A_415 = arith.constant 0 : i32
          %broadcast_in_dim3A_416 = vector.broadcast %jit3A_414 : i32 to vector<16xi32>
          %broadcast_in_dim3A_417 = vector.broadcast %jit3A_415 : i32 to vector<16xi32>
          %select_n3A_418 = arith.select %and3A_413, %broadcast_in_dim3A_416, %broadcast_in_dim3A_417 : vector<16xi1>, vector<16xi32>
          %all_reduce_population_count3A = tpu.all_reduce %and3A_413 {dim = 0 : i64, kind = #tpu.reduction_kind<sum>} : vector<16xi1> -> vector<16xi32>
          %slice3A = vector.extract_strided_slice %all_reduce_population_count3A {offsets = [0], sizes = [1], strides = [1]} : vector<16xi32> to vector<1xi32>
          %squeeze3A = vector.extract %slice3A[0] : i32 from vector<1xi32>
          %while3A_419:3 = scf.while (%while3A_420 = %select_n3A_418, %while3A_421 = %squeeze3A, %while3A_422 = %while3A_406) : (vector<16xi32>, i32, i32) -> (vector<16xi32>, i32, i32) {
            %gt3A = arith.constant 0 : i32
            %gt3A_423 = arith.cmpi sgt, %while3A_421, %gt3A : i32
            scf.condition(%gt3A_423) %while3A_420, %while3A_421, %while3A_422 : vector<16xi32>, i32, i32
          } do {
          ^bb0(%while3A_420: vector<16xi32>, %while3A_421: i32, %while3A_422: i32):
            %ne3A_423 = arith.constant 0 : i32
            %ne3A_424 = vector.broadcast %ne3A_423 : i32 to vector<16xi32>
            %ne3A_425 = arith.cmpi ne, %while3A_420, %ne3A_424 : vector<16xi32>
            %all_reduce_ffs3A = tpu.all_reduce %ne3A_425 {dim = 0 : i64, kind = #tpu.reduction_kind<find_first_set>} : vector<16xi1> -> vector<16xi32>
            %mul3A_426 = arith.constant 16 : i32
            %mul3A_427 = arith.muli %while3A_405, %mul3A_426 : i32
            %add3A_428 = vector.broadcast %mul3A_427 : i32 to vector<16xi32>
            %add3A_429 = arith.addi %add3A_428, %all_reduce_ffs3A : vector<16xi32>
            %gather3A = tpu.vector_load_idx %arg7[%add3A_429] : memref<16416xi32, #tpu.memory_space<vmem>>[vector<16xi32>], vector<16xi32>,
            %slice3A_430 = vector.extract_strided_slice %gather3A {offsets = [0], sizes = [1], strides = [1]} : vector<16xi32> to vector<1xi32>
            %squeeze3A_431 = vector.extract %slice3A_430[0] : i32 from vector<1xi32>
            %shift_right_logical3A = arith.constant 14 : i32
            %shift_right_logical3A_432 = arith.shrui %squeeze3A_431, %shift_right_logical3A : i32
            %add3A_433 = arith.addi %multiple_of3A, %shift_right_logical3A_432 : i32
            %and3A_434 = arith.constant 16383 : i32
            %and3A_435 = arith.andi %squeeze3A_431, %and3A_434 : i32
            %sub3A_436 = arith.subi %add3A_433, %multiple_of3A_372 : i32
            %broadcast_in_dim3A_437 = vector.broadcast %sub3A_436 : i32 to vector<16xi32>
            %add3A_438 = arith.constant 0 : i32
            %add3A_439 = vector.broadcast %add3A_438 : i32 to vector<16xi32>
            %add3A_440 = arith.addi %add3A_439, %iota3A : vector<16xi32>
            %shift_right_logical3A_441 = arith.constant 3 : i32
            %shift_right_logical3A_442 = vector.broadcast %shift_right_logical3A_441 : i32 to vector<16xi32>
            %shift_right_logical3A_443 = arith.shrui %add3A_440, %shift_right_logical3A_442 : vector<16xi32>
            %and3A_444 = arith.constant 7 : i32
            %and3A_445 = vector.broadcast %and3A_444 : i32 to vector<16xi32>
            %and3A_446 = arith.andi %add3A_440, %and3A_445 : vector<16xi32>
            %gather3A_447 = arith.constant 3 : i32
            %gather3A_448 = arith.constant 0 : i32
            %gather3A_449 = arith.constant 0 : i32
            %gather3A_450 = arith.constant 0 : i32
            %gather3A_451 = tpu.memref_slice %arg8[%gather3A_447, %gather3A_448, %gather3A_449, %gather3A_450] : memref<4x8x8x256xf32, #tpu.memory_space<vmem>> -> memref<1x8x8x256xf32, #tpu.memory_space<vmem>>
            %gather3A_452 = tpu.memref_squeeze %gather3A_451 : memref<1x8x8x256xf32, #tpu.memory_space<vmem>> -> memref<8x8x256xf32, #tpu.memory_space<vmem>>
            %gather3A_453 = tpu.vector_load_idx %gather3A_452[%shift_right_logical3A_443, %and3A_446, %broadcast_in_dim3A_437] : memref<8x8x256xf32, #tpu.memory_space<vmem>>[vector<16xi32>, vector<16xi32>, vector<16xi32>], vector<16xf32>,
            %add3A_454 = arith.constant 16 : i32
            %add3A_455 = vector.broadcast %add3A_454 : i32 to vector<16xi32>
            %add3A_456 = arith.addi %add3A_455, %iota3A : vector<16xi32>
            %shift_right_logical3A_457 = arith.constant 3 : i32
            %shift_right_logical3A_458 = vector.broadcast %shift_right_logical3A_457 : i32 to vector<16xi32>
            %shift_right_logical3A_459 = arith.shrui %add3A_456, %shift_right_logical3A_458 : vector<16xi32>
            %and3A_460 = arith.constant 7 : i32
            %and3A_461 = vector.broadcast %and3A_460 : i32 to vector<16xi32>
            %and3A_462 = arith.andi %add3A_456, %and3A_461 : vector<16xi32>
            %gather3A_463 = arith.constant 3 : i32
            %gather3A_464 = arith.constant 0 : i32
            %gather3A_465 = arith.constant 0 : i32
            %gather3A_466 = arith.constant 0 : i32
            %gather3A_467 = tpu.memref_slice %arg8[%gather3A_463, %gather3A_464, %gather3A_465, %gather3A_466] : memref<4x8x8x256xf32, #tpu.memory_space<vmem>> -> memref<1x8x8x256xf32, #tpu.memory_space<vmem>>
            %gather3A_468 = tpu.memref_squeeze %gather3A_467 : memref<1x8x8x256xf32, #tpu.memory_space<vmem>> -> memref<8x8x256xf32, #tpu.memory_space<vmem>>
            %gather3A_469 = tpu.vector_load_idx %gather3A_468[%shift_right_logical3A_459, %and3A_462, %broadcast_in_dim3A_437] : memref<8x8x256xf32, #tpu.memory_space<vmem>>[vector<16xi32>, vector<16xi32>, vector<16xi32>], vector<16xf32>,
            %add3A_470 = arith.constant 32 : i32
            %add3A_471 = vector.broadcast %add3A_470 : i32 to vector<16xi32>
            %add3A_472 = arith.addi %add3A_471, %iota3A : vector<16xi32>
            %shift_right_logical3A_473 = arith.constant 3 : i32
            %shift_right_logical3A_474 = vector.broadcast %shift_right_logical3A_473 : i32 to vector<16xi32>
            %shift_right_logical3A_475 = arith.shrui %add3A_472, %shift_right_logical3A_474 : vector<16xi32>
            %and3A_476 = arith.constant 7 : i32
            %and3A_477 = vector.broadcast %and3A_476 : i32 to vector<16xi32>
            %and3A_478 = arith.andi %add3A_472, %and3A_477 : vector<16xi32>
            %gather3A_479 = arith.constant 3 : i32
            %gather3A_480 = arith.constant 0 : i32
            %gather3A_481 = arith.constant 0 : i32
            %gather3A_482 = arith.constant 0 : i32
            %gather3A_483 = tpu.memref_slice %arg8[%gather3A_479, %gather3A_480, %gather3A_481, %gather3A_482] : memref<4x8x8x256xf32, #tpu.memory_space<vmem>> -> memref<1x8x8x256xf32, #tpu.memory_space<vmem>>
            %gather3A_484 = tpu.memref_squeeze %gather3A_483 : memref<1x8x8x256xf32, #tpu.memory_space<vmem>> -> memref<8x8x256xf32, #tpu.memory_space<vmem>>
            %gather3A_485 = tpu.vector_load_idx %gather3A_484[%shift_right_logical3A_475, %and3A_478, %broadcast_in_dim3A_437] : memref<8x8x256xf32, #tpu.memory_space<vmem>>[vector<16xi32>, vector<16xi32>, vector<16xi32>], vector<16xf32>,
            %add3A_486 = arith.constant 48 : i32
            %add3A_487 = vector.broadcast %add3A_486 : i32 to vector<16xi32>
            %add3A_488 = arith.addi %add3A_487, %iota3A : vector<16xi32>
            %shift_right_logical3A_489 = arith.constant 3 : i32
            %shift_right_logical3A_490 = vector.broadcast %shift_right_logical3A_489 : i32 to vector<16xi32>
            %shift_right_logical3A_491 = arith.shrui %add3A_488, %shift_right_logical3A_490 : vector<16xi32>
            %and3A_492 = arith.constant 7 : i32
            %and3A_493 = vector.broadcast %and3A_492 : i32 to vector<16xi32>
            %and3A_494 = arith.andi %add3A_488, %and3A_493 : vector<16xi32>
            %gather3A_495 = arith.constant 3 : i32
            %gather3A_496 = arith.constant 0 : i32
            %gather3A_497 = arith.constant 0 : i32
            %gather3A_498 = arith.constant 0 : i32
            %gather3A_499 = tpu.memref_slice %arg8[%gather3A_495, %gather3A_496, %gather3A_497, %gather3A_498] : memref<4x8x8x256xf32, #tpu.memory_space<vmem>> -> memref<1x8x8x256xf32, #tpu.memory_space<vmem>>
            %gather3A_500 = tpu.memref_squeeze %gather3A_499 : memref<1x8x8x256xf32, #tpu.memory_space<vmem>> -> memref<8x8x256xf32, #tpu.memory_space<vmem>>
            %gather3A_501 = tpu.vector_load_idx %gather3A_500[%shift_right_logical3A_491, %and3A_494, %broadcast_in_dim3A_437] : memref<8x8x256xf32, #tpu.memory_space<vmem>>[vector<16xi32>, vector<16xi32>, vector<16xi32>], vector<16xf32>,
            %and3A_502 = arith.constant 15 : i32
            %and3A_503 = arith.andi %while3A_422, %and3A_502 : i32
            %ge3A_504 = arith.constant 16 : i32
            %ge3A_505 = arith.cmpi sge, %while3A_422, %ge3A_504 : i32
            %convert_element_type3A_506 = arith.extui %ge3A_505 : i1 to i32
            %cond3A_507 = arith.constant 0 : i32
            %cond3A_508 = arith.cmpi ne, %convert_element_type3A_506, %cond3A_507 : i32
            scf.if %cond3A_508 {
              %dma_wait3A_536 = arith.constant 0 : i32
              %dma_wait3A_537 = arith.constant 0 : i32
              %dma_wait3A_538 = tpu.memref_slice %arg9[%dma_wait3A_536, %dma_wait3A_537] : memref<16x64xf32, #tpu.memory_space<vmem>> -> memref<1x64xf32, #tpu.memory_space<vmem>>
              %dma_wait3A_539 = arith.constant 0 : i32
              %dma_wait3A_540 = arith.constant 0 : i32
              %dma_wait3A_541 = tpu.memref_slice %arg5[%dma_wait3A_539, %dma_wait3A_540] : memref<16384x64xf32, #tpu.memory_space<hbm>> -> memref<1x64xf32, #tpu.memory_space<hbm>>
              %dma_wait3A_542 = arith.constant 0 : i32
              %dma_wait3A_543 = arith.constant 0 : i32
              %dma_wait3A_544 = tpu.memref_slice %arg5[%dma_wait3A_542, %dma_wait3A_543] : memref<16384x64xf32, #tpu.memory_space<hbm>> -> memref<1x64xf32, #tpu.memory_space<hbm>>
              %dma_wait3A_545 = arith.constant 0 : i32
              %dma_wait3A_546 = arith.constant 0 : i32
              %dma_wait3A_547 = tpu.memref_slice %arg9[%dma_wait3A_545, %dma_wait3A_546] : memref<16x64xf32, #tpu.memory_space<vmem>> -> memref<1x64xf32, #tpu.memory_space<vmem>>
              tpu.wait_dma2 semaphore(%arg12 : memref<!tpu.dma_semaphore, #tpu.memory_space<semaphore_mem>>) src(%dma_wait3A_547 : memref<1x64xf32, #tpu.memory_space<vmem>>) dst(%dma_wait3A_544 : memref<1x64xf32, #tpu.memory_space<hbm>>)
            } else {
            }
            %swap3A_509 = arith.index_cast %and3A_503 : i32 to index
            %swap3A_510 = arith.constant 0 : index
            %swap3A_511 = tpu.vector_load %arg9[%swap3A_509, %swap3A_510] {strides = array<i32>} : memref<16x64xf32, #tpu.memory_space<vmem>>, vector<16xf32>,
            tpu.vector_store %arg9[%swap3A_509, %swap3A_510], %gather3A_453 {strides = array<i32>} : memref<16x64xf32, #tpu.memory_space<vmem>>, vector<16xf32>,
            %swap3A_512 = arith.index_cast %and3A_503 : i32 to index
            %swap3A_513 = arith.constant 16 : index
            %swap3A_514 = tpu.vector_load %arg9[%swap3A_512, %swap3A_513] {strides = array<i32>} : memref<16x64xf32, #tpu.memory_space<vmem>>, vector<16xf32>,
            tpu.vector_store %arg9[%swap3A_512, %swap3A_513], %gather3A_469 {strides = array<i32>} : memref<16x64xf32, #tpu.memory_space<vmem>>, vector<16xf32>,
            %swap3A_515 = arith.index_cast %and3A_503 : i32 to index
            %swap3A_516 = arith.constant 32 : index
            %swap3A_517 = tpu.vector_load %arg9[%swap3A_515, %swap3A_516] {strides = array<i32>} : memref<16x64xf32, #tpu.memory_space<vmem>>, vector<16xf32>,
            tpu.vector_store %arg9[%swap3A_515, %swap3A_516], %gather3A_485 {strides = array<i32>} : memref<16x64xf32, #tpu.memory_space<vmem>>, vector<16xf32>,
            %swap3A_518 = arith.index_cast %and3A_503 : i32 to index
            %swap3A_519 = arith.constant 48 : index
            %swap3A_520 = tpu.vector_load %arg9[%swap3A_518, %swap3A_519] {strides = array<i32>} : memref<16x64xf32, #tpu.memory_space<vmem>>, vector<16xf32>,
            tpu.vector_store %arg9[%swap3A_518, %swap3A_519], %gather3A_501 {strides = array<i32>} : memref<16x64xf32, #tpu.memory_space<vmem>>, vector<16xf32>,
            %dma_start3A_521 = arith.constant 0 : i32
            %dma_start3A_522 = tpu.memref_slice %arg9[%and3A_503, %dma_start3A_521] : memref<16x64xf32, #tpu.memory_space<vmem>> -> memref<1x64xf32, #tpu.memory_space<vmem>>
            %dma_start3A_523 = arith.constant 0 : i32
            %dma_start3A_524 = tpu.memref_slice %arg5[%and3A_435, %dma_start3A_523] : memref<16384x64xf32, #tpu.memory_space<hbm>> -> memref<1x64xf32, #tpu.memory_space<hbm>>
            %dma_start3A_525 = arith.constant 0 : i32
            %dma_start3A_526 = tpu.memref_slice %arg5[%and3A_435, %dma_start3A_525] : memref<16384x64xf32, #tpu.memory_space<hbm>> -> memref<1x64xf32, #tpu.memory_space<hbm>>
            %dma_start3A_527 = arith.constant 0 : i32
            %dma_start3A_528 = tpu.memref_slice %arg9[%and3A_503, %dma_start3A_527] : memref<16x64xf32, #tpu.memory_space<vmem>> -> memref<1x64xf32, #tpu.memory_space<vmem>>
            tpu.enqueue_dma source(%dma_start3A_528 : memref<1x64xf32, #tpu.memory_space<vmem>>) target(%dma_start3A_526 : memref<1x64xf32, #tpu.memory_space<hbm>>) target_semaphore(%arg12 : memref<!tpu.dma_semaphore, #tpu.memory_space<semaphore_mem>>)
            %add3A_529 = arith.constant 1 : i32
            %add3A_530 = arith.addi %while3A_422, %add3A_529 : i32
            %eq3A = arith.cmpi eq, %iota3A, %all_reduce_ffs3A : vector<16xi32>
            %jit3A_531 = arith.constant 0 : i32
            %broadcast_in_dim3A_532 = vector.broadcast %jit3A_531 : i32 to vector<16xi32>
            %select_n3A_533 = arith.select %eq3A, %broadcast_in_dim3A_532, %while3A_420 : vector<16xi1>, vector<16xi32>
            %sub3A_534 = arith.constant 1 : i32
            %sub3A_535 = arith.subi %while3A_421, %sub3A_534 : i32
            scf.yield %select_n3A_533, %sub3A_535, %add3A_530 : vector<16xi32>, i32, i32
          }
          scf.yield %while3A_419#2 : i32
        }
        scf.yield %while3A_404 : i32
      } else {
        %while3A_394 = arith.constant 0 : i32
        %while3A_395 = arith.subi %select_n3A_154, %while3A_394 : i32
        %while3A_396 = arith.addi %while3A_394, %while3A_395 : i32
        %while3A_397 = arith.constant 1 : i32
        %while3A_398 = arith.divsi %while3A_395, %while3A_397 : i32
        %while3A_399 = arith.muli %while3A_398, %while3A_397 : i32
        %while3A_400 = arith.addi %while3A_394, %while3A_399 : i32
        %while3A_401 = arith.constant 1 : i32
        %while3A_402 = scf.for %while3A_405 = %while3A_394 to %while3A_400 step %while3A_401 iter_args(%while3A_406 = %cond3A_330) -> (i32)  : i32 {
          %mul3A_407 = arith.constant 16 : i32
          %mul3A_408 = arith.muli %while3A_405, %mul3A_407 : i32
          %get3A = arith.index_cast %mul3A_408 : i32 to index
          %get3A_409 = tpu.vector_load %arg7[%get3A] {strides = array<i32>} : memref<16416xi32, #tpu.memory_space<vmem>>, vector<16xi32>,
          %ge3A = vector.broadcast %shift_left3A_375 : i32 to vector<16xi32>
          %ge3A_410 = arith.cmpi sge, %get3A_409, %ge3A : vector<16xi32>
          %lt3A_411 = vector.broadcast %shift_left3A_380 : i32 to vector<16xi32>
          %lt3A_412 = arith.cmpi slt, %get3A_409, %lt3A_411 : vector<16xi32>
          %and3A_413 = arith.andi %ge3A_410, %lt3A_412 : vector<16xi1>
          %jit3A_414 = arith.constant 1 : i32
          %jit3A_415 = arith.constant 0 : i32
          %broadcast_in_dim3A_416 = vector.broadcast %jit3A_414 : i32 to vector<16xi32>
          %broadcast_in_dim3A_417 = vector.broadcast %jit3A_415 : i32 to vector<16xi32>
          %select_n3A_418 = arith.select %and3A_413, %broadcast_in_dim3A_416, %broadcast_in_dim3A_417 : vector<16xi1>, vector<16xi32>
          %all_reduce_population_count3A = tpu.all_reduce %and3A_413 {dim = 0 : i64, kind = #tpu.reduction_kind<sum>} : vector<16xi1> -> vector<16xi32>
          %slice3A = vector.extract_strided_slice %all_reduce_population_count3A {offsets = [0], sizes = [1], strides = [1]} : vector<16xi32> to vector<1xi32>
          %squeeze3A = vector.extract %slice3A[0] : i32 from vector<1xi32>
          %while3A_419:3 = scf.while (%while3A_420 = %select_n3A_418, %while3A_421 = %squeeze3A, %while3A_422 = %while3A_406) : (vector<16xi32>, i32, i32) -> (vector<16xi32>, i32, i32) {
            %gt3A = arith.constant 0 : i32
            %gt3A_423 = arith.cmpi sgt, %while3A_421, %gt3A : i32
            scf.condition(%gt3A_423) %while3A_420, %while3A_421, %while3A_422 : vector<16xi32>, i32, i32
          } do {
          ^bb0(%while3A_420: vector<16xi32>, %while3A_421: i32, %while3A_422: i32):
            %ne3A_423 = arith.constant 0 : i32
            %ne3A_424 = vector.broadcast %ne3A_423 : i32 to vector<16xi32>
            %ne3A_425 = arith.cmpi ne, %while3A_420, %ne3A_424 : vector<16xi32>
            %all_reduce_ffs3A = tpu.all_reduce %ne3A_425 {dim = 0 : i64, kind = #tpu.reduction_kind<find_first_set>} : vector<16xi1> -> vector<16xi32>
            %mul3A_426 = arith.constant 16 : i32
            %mul3A_427 = arith.muli %while3A_405, %mul3A_426 : i32
            %add3A_428 = vector.broadcast %mul3A_427 : i32 to vector<16xi32>
            %add3A_429 = arith.addi %add3A_428, %all_reduce_ffs3A : vector<16xi32>
            %gather3A = tpu.vector_load_idx %arg7[%add3A_429] : memref<16416xi32, #tpu.memory_space<vmem>>[vector<16xi32>], vector<16xi32>,
            %slice3A_430 = vector.extract_strided_slice %gather3A {offsets = [0], sizes = [1], strides = [1]} : vector<16xi32> to vector<1xi32>
            %squeeze3A_431 = vector.extract %slice3A_430[0] : i32 from vector<1xi32>
            %shift_right_logical3A = arith.constant 14 : i32
            %shift_right_logical3A_432 = arith.shrui %squeeze3A_431, %shift_right_logical3A : i32
            %add3A_433 = arith.addi %multiple_of3A, %shift_right_logical3A_432 : i32
            %and3A_434 = arith.constant 16383 : i32
            %and3A_435 = arith.andi %squeeze3A_431, %and3A_434 : i32
            %sub3A_436 = arith.constant 999936 : i32
            %sub3A_437 = arith.subi %add3A_433, %sub3A_436 : i32
            %broadcast_in_dim3A_438 = vector.broadcast %sub3A_437 : i32 to vector<16xi32>
            %add3A_439 = arith.constant 0 : i32
            %add3A_440 = vector.broadcast %add3A_439 : i32 to vector<16xi32>
            %add3A_441 = arith.addi %add3A_440, %iota3A : vector<16xi32>
            %gather3A_442 = tpu.vector_load_idx %arg10[%broadcast_in_dim3A_438, %add3A_441] : memref<64x64xf32, #tpu.memory_space<vmem>>[vector<16xi32>, vector<16xi32>], vector<16xf32>,
            %add3A_443 = arith.constant 16 : i32
            %add3A_444 = vector.broadcast %add3A_443 : i32 to vector<16xi32>
            %add3A_445 = arith.addi %add3A_444, %iota3A : vector<16xi32>
            %gather3A_446 = tpu.vector_load_idx %arg10[%broadcast_in_dim3A_438, %add3A_445] : memref<64x64xf32, #tpu.memory_space<vmem>>[vector<16xi32>, vector<16xi32>], vector<16xf32>,
            %add3A_447 = arith.constant 32 : i32
            %add3A_448 = vector.broadcast %add3A_447 : i32 to vector<16xi32>
            %add3A_449 = arith.addi %add3A_448, %iota3A : vector<16xi32>
            %gather3A_450 = tpu.vector_load_idx %arg10[%broadcast_in_dim3A_438, %add3A_449] : memref<64x64xf32, #tpu.memory_space<vmem>>[vector<16xi32>, vector<16xi32>], vector<16xf32>,
            %add3A_451 = arith.constant 48 : i32
            %add3A_452 = vector.broadcast %add3A_451 : i32 to vector<16xi32>
            %add3A_453 = arith.addi %add3A_452, %iota3A : vector<16xi32>
            %gather3A_454 = tpu.vector_load_idx %arg10[%broadcast_in_dim3A_438, %add3A_453] : memref<64x64xf32, #tpu.memory_space<vmem>>[vector<16xi32>, vector<16xi32>], vector<16xf32>,
            %and3A_455 = arith.constant 15 : i32
            %and3A_456 = arith.andi %while3A_422, %and3A_455 : i32
            %ge3A_457 = arith.constant 16 : i32
            %ge3A_458 = arith.cmpi sge, %while3A_422, %ge3A_457 : i32
            %convert_element_type3A_459 = arith.extui %ge3A_458 : i1 to i32
            %cond3A_460 = arith.constant 0 : i32
            %cond3A_461 = arith.cmpi ne, %convert_element_type3A_459, %cond3A_460 : i32
            scf.if %cond3A_461 {
              %dma_wait3A_489 = arith.constant 0 : i32
              %dma_wait3A_490 = arith.constant 0 : i32
              %dma_wait3A_491 = tpu.memref_slice %arg9[%dma_wait3A_489, %dma_wait3A_490] : memref<16x64xf32, #tpu.memory_space<vmem>> -> memref<1x64xf32, #tpu.memory_space<vmem>>
              %dma_wait3A_492 = arith.constant 0 : i32
              %dma_wait3A_493 = arith.constant 0 : i32
              %dma_wait3A_494 = tpu.memref_slice %arg5[%dma_wait3A_492, %dma_wait3A_493] : memref<16384x64xf32, #tpu.memory_space<hbm>> -> memref<1x64xf32, #tpu.memory_space<hbm>>
              %dma_wait3A_495 = arith.constant 0 : i32
              %dma_wait3A_496 = arith.constant 0 : i32
              %dma_wait3A_497 = tpu.memref_slice %arg5[%dma_wait3A_495, %dma_wait3A_496] : memref<16384x64xf32, #tpu.memory_space<hbm>> -> memref<1x64xf32, #tpu.memory_space<hbm>>
              %dma_wait3A_498 = arith.constant 0 : i32
              %dma_wait3A_499 = arith.constant 0 : i32
              %dma_wait3A_500 = tpu.memref_slice %arg9[%dma_wait3A_498, %dma_wait3A_499] : memref<16x64xf32, #tpu.memory_space<vmem>> -> memref<1x64xf32, #tpu.memory_space<vmem>>
              tpu.wait_dma2 semaphore(%arg12 : memref<!tpu.dma_semaphore, #tpu.memory_space<semaphore_mem>>) src(%dma_wait3A_500 : memref<1x64xf32, #tpu.memory_space<vmem>>) dst(%dma_wait3A_497 : memref<1x64xf32, #tpu.memory_space<hbm>>)
            } else {
            }
            %swap3A_462 = arith.index_cast %and3A_456 : i32 to index
            %swap3A_463 = arith.constant 0 : index
            %swap3A_464 = tpu.vector_load %arg9[%swap3A_462, %swap3A_463] {strides = array<i32>} : memref<16x64xf32, #tpu.memory_space<vmem>>, vector<16xf32>,
            tpu.vector_store %arg9[%swap3A_462, %swap3A_463], %gather3A_442 {strides = array<i32>} : memref<16x64xf32, #tpu.memory_space<vmem>>, vector<16xf32>,
            %swap3A_465 = arith.index_cast %and3A_456 : i32 to index
            %swap3A_466 = arith.constant 16 : index
            %swap3A_467 = tpu.vector_load %arg9[%swap3A_465, %swap3A_466] {strides = array<i32>} : memref<16x64xf32, #tpu.memory_space<vmem>>, vector<16xf32>,
            tpu.vector_store %arg9[%swap3A_465, %swap3A_466], %gather3A_446 {strides = array<i32>} : memref<16x64xf32, #tpu.memory_space<vmem>>, vector<16xf32>,
            %swap3A_468 = arith.index_cast %and3A_456 : i32 to index
            %swap3A_469 = arith.constant 32 : index
            %swap3A_470 = tpu.vector_load %arg9[%swap3A_468, %swap3A_469] {strides = array<i32>} : memref<16x64xf32, #tpu.memory_space<vmem>>, vector<16xf32>,
            tpu.vector_store %arg9[%swap3A_468, %swap3A_469], %gather3A_450 {strides = array<i32>} : memref<16x64xf32, #tpu.memory_space<vmem>>, vector<16xf32>,
            %swap3A_471 = arith.index_cast %and3A_456 : i32 to index
            %swap3A_472 = arith.constant 48 : index
            %swap3A_473 = tpu.vector_load %arg9[%swap3A_471, %swap3A_472] {strides = array<i32>} : memref<16x64xf32, #tpu.memory_space<vmem>>, vector<16xf32>,
            tpu.vector_store %arg9[%swap3A_471, %swap3A_472], %gather3A_454 {strides = array<i32>} : memref<16x64xf32, #tpu.memory_space<vmem>>, vector<16xf32>,
            %dma_start3A_474 = arith.constant 0 : i32
            %dma_start3A_475 = tpu.memref_slice %arg9[%and3A_456, %dma_start3A_474] : memref<16x64xf32, #tpu.memory_space<vmem>> -> memref<1x64xf32, #tpu.memory_space<vmem>>
            %dma_start3A_476 = arith.constant 0 : i32
            %dma_start3A_477 = tpu.memref_slice %arg5[%and3A_435, %dma_start3A_476] : memref<16384x64xf32, #tpu.memory_space<hbm>> -> memref<1x64xf32, #tpu.memory_space<hbm>>
            %dma_start3A_478 = arith.constant 0 : i32
            %dma_start3A_479 = tpu.memref_slice %arg5[%and3A_435, %dma_start3A_478] : memref<16384x64xf32, #tpu.memory_space<hbm>> -> memref<1x64xf32, #tpu.memory_space<hbm>>
            %dma_start3A_480 = arith.constant 0 : i32
            %dma_start3A_481 = tpu.memref_slice %arg9[%and3A_456, %dma_start3A_480] : memref<16x64xf32, #tpu.memory_space<vmem>> -> memref<1x64xf32, #tpu.memory_space<vmem>>
            tpu.enqueue_dma source(%dma_start3A_481 : memref<1x64xf32, #tpu.memory_space<vmem>>) target(%dma_start3A_479 : memref<1x64xf32, #tpu.memory_space<hbm>>) target_semaphore(%arg12 : memref<!tpu.dma_semaphore, #tpu.memory_space<semaphore_mem>>)
            %add3A_482 = arith.constant 1 : i32
            %add3A_483 = arith.addi %while3A_422, %add3A_482 : i32
            %eq3A = arith.cmpi eq, %iota3A, %all_reduce_ffs3A : vector<16xi32>
            %jit3A_484 = arith.constant 0 : i32
            %broadcast_in_dim3A_485 = vector.broadcast %jit3A_484 : i32 to vector<16xi32>
            %select_n3A_486 = arith.select %eq3A, %broadcast_in_dim3A_485, %while3A_420 : vector<16xi1>, vector<16xi32>
            %sub3A_487 = arith.constant 1 : i32
            %sub3A_488 = arith.subi %while3A_421, %sub3A_487 : i32
            scf.yield %select_n3A_486, %sub3A_488, %add3A_483 : vector<16xi32>, i32, i32
          }
          scf.yield %while3A_419#2 : i32
        }
        %while3A_403 = arith.constant 1 : i32
        %while3A_404 = scf.for %while3A_405 = %while3A_400 to %while3A_396 step %while3A_403 iter_args(%while3A_406 = %while3A_402) -> (i32)  : i32 {
          %mul3A_407 = arith.constant 16 : i32
          %mul3A_408 = arith.muli %while3A_405, %mul3A_407 : i32
          %get3A = arith.index_cast %mul3A_408 : i32 to index
          %get3A_409 = tpu.vector_load %arg7[%get3A] {strides = array<i32>} : memref<16416xi32, #tpu.memory_space<vmem>>, vector<16xi32>,
          %ge3A = vector.broadcast %shift_left3A_375 : i32 to vector<16xi32>
          %ge3A_410 = arith.cmpi sge, %get3A_409, %ge3A : vector<16xi32>
          %lt3A_411 = vector.broadcast %shift_left3A_380 : i32 to vector<16xi32>
          %lt3A_412 = arith.cmpi slt, %get3A_409, %lt3A_411 : vector<16xi32>
          %and3A_413 = arith.andi %ge3A_410, %lt3A_412 : vector<16xi1>
          %jit3A_414 = arith.constant 1 : i32
          %jit3A_415 = arith.constant 0 : i32
          %broadcast_in_dim3A_416 = vector.broadcast %jit3A_414 : i32 to vector<16xi32>
          %broadcast_in_dim3A_417 = vector.broadcast %jit3A_415 : i32 to vector<16xi32>
          %select_n3A_418 = arith.select %and3A_413, %broadcast_in_dim3A_416, %broadcast_in_dim3A_417 : vector<16xi1>, vector<16xi32>
          %all_reduce_population_count3A = tpu.all_reduce %and3A_413 {dim = 0 : i64, kind = #tpu.reduction_kind<sum>} : vector<16xi1> -> vector<16xi32>
          %slice3A = vector.extract_strided_slice %all_reduce_population_count3A {offsets = [0], sizes = [1], strides = [1]} : vector<16xi32> to vector<1xi32>
          %squeeze3A = vector.extract %slice3A[0] : i32 from vector<1xi32>
          %while3A_419:3 = scf.while (%while3A_420 = %select_n3A_418, %while3A_421 = %squeeze3A, %while3A_422 = %while3A_406) : (vector<16xi32>, i32, i32) -> (vector<16xi32>, i32, i32) {
            %gt3A = arith.constant 0 : i32
            %gt3A_423 = arith.cmpi sgt, %while3A_421, %gt3A : i32
            scf.condition(%gt3A_423) %while3A_420, %while3A_421, %while3A_422 : vector<16xi32>, i32, i32
          } do {
          ^bb0(%while3A_420: vector<16xi32>, %while3A_421: i32, %while3A_422: i32):
            %ne3A_423 = arith.constant 0 : i32
            %ne3A_424 = vector.broadcast %ne3A_423 : i32 to vector<16xi32>
            %ne3A_425 = arith.cmpi ne, %while3A_420, %ne3A_424 : vector<16xi32>
            %all_reduce_ffs3A = tpu.all_reduce %ne3A_425 {dim = 0 : i64, kind = #tpu.reduction_kind<find_first_set>} : vector<16xi1> -> vector<16xi32>
            %mul3A_426 = arith.constant 16 : i32
            %mul3A_427 = arith.muli %while3A_405, %mul3A_426 : i32
            %add3A_428 = vector.broadcast %mul3A_427 : i32 to vector<16xi32>
            %add3A_429 = arith.addi %add3A_428, %all_reduce_ffs3A : vector<16xi32>
            %gather3A = tpu.vector_load_idx %arg7[%add3A_429] : memref<16416xi32, #tpu.memory_space<vmem>>[vector<16xi32>], vector<16xi32>,
            %slice3A_430 = vector.extract_strided_slice %gather3A {offsets = [0], sizes = [1], strides = [1]} : vector<16xi32> to vector<1xi32>
            %squeeze3A_431 = vector.extract %slice3A_430[0] : i32 from vector<1xi32>
            %shift_right_logical3A = arith.constant 14 : i32
            %shift_right_logical3A_432 = arith.shrui %squeeze3A_431, %shift_right_logical3A : i32
            %add3A_433 = arith.addi %multiple_of3A, %shift_right_logical3A_432 : i32
            %and3A_434 = arith.constant 16383 : i32
            %and3A_435 = arith.andi %squeeze3A_431, %and3A_434 : i32
            %sub3A_436 = arith.constant 999936 : i32
            %sub3A_437 = arith.subi %add3A_433, %sub3A_436 : i32
            %broadcast_in_dim3A_438 = vector.broadcast %sub3A_437 : i32 to vector<16xi32>
            %add3A_439 = arith.constant 0 : i32
            %add3A_440 = vector.broadcast %add3A_439 : i32 to vector<16xi32>
            %add3A_441 = arith.addi %add3A_440, %iota3A : vector<16xi32>
            %gather3A_442 = tpu.vector_load_idx %arg10[%broadcast_in_dim3A_438, %add3A_441] : memref<64x64xf32, #tpu.memory_space<vmem>>[vector<16xi32>, vector<16xi32>], vector<16xf32>,
            %add3A_443 = arith.constant 16 : i32
            %add3A_444 = vector.broadcast %add3A_443 : i32 to vector<16xi32>
            %add3A_445 = arith.addi %add3A_444, %iota3A : vector<16xi32>
            %gather3A_446 = tpu.vector_load_idx %arg10[%broadcast_in_dim3A_438, %add3A_445] : memref<64x64xf32, #tpu.memory_space<vmem>>[vector<16xi32>, vector<16xi32>], vector<16xf32>,
            %add3A_447 = arith.constant 32 : i32
            %add3A_448 = vector.broadcast %add3A_447 : i32 to vector<16xi32>
            %add3A_449 = arith.addi %add3A_448, %iota3A : vector<16xi32>
            %gather3A_450 = tpu.vector_load_idx %arg10[%broadcast_in_dim3A_438, %add3A_449] : memref<64x64xf32, #tpu.memory_space<vmem>>[vector<16xi32>, vector<16xi32>], vector<16xf32>,
            %add3A_451 = arith.constant 48 : i32
            %add3A_452 = vector.broadcast %add3A_451 : i32 to vector<16xi32>
            %add3A_453 = arith.addi %add3A_452, %iota3A : vector<16xi32>
            %gather3A_454 = tpu.vector_load_idx %arg10[%broadcast_in_dim3A_438, %add3A_453] : memref<64x64xf32, #tpu.memory_space<vmem>>[vector<16xi32>, vector<16xi32>], vector<16xf32>,
            %and3A_455 = arith.constant 15 : i32
            %and3A_456 = arith.andi %while3A_422, %and3A_455 : i32
            %ge3A_457 = arith.constant 16 : i32
            %ge3A_458 = arith.cmpi sge, %while3A_422, %ge3A_457 : i32
            %convert_element_type3A_459 = arith.extui %ge3A_458 : i1 to i32
            %cond3A_460 = arith.constant 0 : i32
            %cond3A_461 = arith.cmpi ne, %convert_element_type3A_459, %cond3A_460 : i32
            scf.if %cond3A_461 {
              %dma_wait3A_489 = arith.constant 0 : i32
              %dma_wait3A_490 = arith.constant 0 : i32
              %dma_wait3A_491 = tpu.memref_slice %arg9[%dma_wait3A_489, %dma_wait3A_490] : memref<16x64xf32, #tpu.memory_space<vmem>> -> memref<1x64xf32, #tpu.memory_space<vmem>>
              %dma_wait3A_492 = arith.constant 0 : i32
              %dma_wait3A_493 = arith.constant 0 : i32
              %dma_wait3A_494 = tpu.memref_slice %arg5[%dma_wait3A_492, %dma_wait3A_493] : memref<16384x64xf32, #tpu.memory_space<hbm>> -> memref<1x64xf32, #tpu.memory_space<hbm>>
              %dma_wait3A_495 = arith.constant 0 : i32
              %dma_wait3A_496 = arith.constant 0 : i32
              %dma_wait3A_497 = tpu.memref_slice %arg5[%dma_wait3A_495, %dma_wait3A_496] : memref<16384x64xf32, #tpu.memory_space<hbm>> -> memref<1x64xf32, #tpu.memory_space<hbm>>
              %dma_wait3A_498 = arith.constant 0 : i32
              %dma_wait3A_499 = arith.constant 0 : i32
              %dma_wait3A_500 = tpu.memref_slice %arg9[%dma_wait3A_498, %dma_wait3A_499] : memref<16x64xf32, #tpu.memory_space<vmem>> -> memref<1x64xf32, #tpu.memory_space<vmem>>
              tpu.wait_dma2 semaphore(%arg12 : memref<!tpu.dma_semaphore, #tpu.memory_space<semaphore_mem>>) src(%dma_wait3A_500 : memref<1x64xf32, #tpu.memory_space<vmem>>) dst(%dma_wait3A_497 : memref<1x64xf32, #tpu.memory_space<hbm>>)
            } else {
            }
            %swap3A_462 = arith.index_cast %and3A_456 : i32 to index
            %swap3A_463 = arith.constant 0 : index
            %swap3A_464 = tpu.vector_load %arg9[%swap3A_462, %swap3A_463] {strides = array<i32>} : memref<16x64xf32, #tpu.memory_space<vmem>>, vector<16xf32>,
            tpu.vector_store %arg9[%swap3A_462, %swap3A_463], %gather3A_442 {strides = array<i32>} : memref<16x64xf32, #tpu.memory_space<vmem>>, vector<16xf32>,
            %swap3A_465 = arith.index_cast %and3A_456 : i32 to index
            %swap3A_466 = arith.constant 16 : index
            %swap3A_467 = tpu.vector_load %arg9[%swap3A_465, %swap3A_466] {strides = array<i32>} : memref<16x64xf32, #tpu.memory_space<vmem>>, vector<16xf32>,
            tpu.vector_store %arg9[%swap3A_465, %swap3A_466], %gather3A_446 {strides = array<i32>} : memref<16x64xf32, #tpu.memory_space<vmem>>, vector<16xf32>,
            %swap3A_468 = arith.index_cast %and3A_456 : i32 to index
            %swap3A_469 = arith.constant 32 : index
            %swap3A_470 = tpu.vector_load %arg9[%swap3A_468, %swap3A_469] {strides = array<i32>} : memref<16x64xf32, #tpu.memory_space<vmem>>, vector<16xf32>,
            tpu.vector_store %arg9[%swap3A_468, %swap3A_469], %gather3A_450 {strides = array<i32>} : memref<16x64xf32, #tpu.memory_space<vmem>>, vector<16xf32>,
            %swap3A_471 = arith.index_cast %and3A_456 : i32 to index
            %swap3A_472 = arith.constant 48 : index
            %swap3A_473 = tpu.vector_load %arg9[%swap3A_471, %swap3A_472] {strides = array<i32>} : memref<16x64xf32, #tpu.memory_space<vmem>>, vector<16xf32>,
            tpu.vector_store %arg9[%swap3A_471, %swap3A_472], %gather3A_454 {strides = array<i32>} : memref<16x64xf32, #tpu.memory_space<vmem>>, vector<16xf32>,
            %dma_start3A_474 = arith.constant 0 : i32
            %dma_start3A_475 = tpu.memref_slice %arg9[%and3A_456, %dma_start3A_474] : memref<16x64xf32, #tpu.memory_space<vmem>> -> memref<1x64xf32, #tpu.memory_space<vmem>>
            %dma_start3A_476 = arith.constant 0 : i32
            %dma_start3A_477 = tpu.memref_slice %arg5[%and3A_435, %dma_start3A_476] : memref<16384x64xf32, #tpu.memory_space<hbm>> -> memref<1x64xf32, #tpu.memory_space<hbm>>
            %dma_start3A_478 = arith.constant 0 : i32
            %dma_start3A_479 = tpu.memref_slice %arg5[%and3A_435, %dma_start3A_478] : memref<16384x64xf32, #tpu.memory_space<hbm>> -> memref<1x64xf32, #tpu.memory_space<hbm>>
            %dma_start3A_480 = arith.constant 0 : i32
            %dma_start3A_481 = tpu.memref_slice %arg9[%and3A_456, %dma_start3A_480] : memref<16x64xf32, #tpu.memory_space<vmem>> -> memref<1x64xf32, #tpu.memory_space<vmem>>
            tpu.enqueue_dma source(%dma_start3A_481 : memref<1x64xf32, #tpu.memory_space<vmem>>) target(%dma_start3A_479 : memref<1x64xf32, #tpu.memory_space<hbm>>) target_semaphore(%arg12 : memref<!tpu.dma_semaphore, #tpu.memory_space<semaphore_mem>>)
            %add3A_482 = arith.constant 1 : i32
            %add3A_483 = arith.addi %while3A_422, %add3A_482 : i32
            %eq3A = arith.cmpi eq, %iota3A, %all_reduce_ffs3A : vector<16xi32>
            %jit3A_484 = arith.constant 0 : i32
            %broadcast_in_dim3A_485 = vector.broadcast %jit3A_484 : i32 to vector<16xi32>
            %select_n3A_486 = arith.select %eq3A, %broadcast_in_dim3A_485, %while3A_420 : vector<16xi1>, vector<16xi32>
            %sub3A_487 = arith.constant 1 : i32
            %sub3A_488 = arith.subi %while3A_421, %sub3A_487 : i32
            scf.yield %select_n3A_486, %sub3A_488, %add3A_483 : vector<16xi32>, i32, i32
          }
          scf.yield %while3A_419#2 : i32
        }
        scf.yield %while3A_404 : i32
      }
      %add3A_387 = arith.constant 4 : i32
      %add3A_388 = arith.addi %add3A_341, %add3A_387 : i32
      %lt3A_389 = arith.constant 124 : i32
      %lt3A_390 = arith.cmpi slt, %add3A_388, %lt3A_389 : i32
      %convert_element_type3A_391 = arith.extui %lt3A_390 : i1 to i32
      %cond3A_392 = arith.constant 0 : i32
      %cond3A_393 = arith.cmpi ne, %convert_element_type3A_391, %cond3A_392 : i32
      scf.if %cond3A_393 {
        %add3A_394 = arith.constant 4 : i32
        %add3A_395 = arith.addi %add3A_341, %add3A_394 : i32
        %mul3A_396 = arith.constant 256 : i32
        %mul3A_397 = arith.muli %add3A_395, %mul3A_396 : i32
        %add3A_398 = arith.addi %multiple_of3A, %mul3A_397 : i32
        %min3A_399 = arith.constant 999680 : i32
        %min3A_400 = arith.minsi %add3A_398, %min3A_399 : i32
        %multiple_of3A_401 = tpu.assume_multiple %min3A_400, 128 : i32
        %dma_start3A_402 = arith.constant 3 : i32
        %dma_start3A_403 = arith.constant 3 : i32
        %dma_start3A_404 = arith.constant 0 : i32
        %dma_start3A_405 = arith.constant 0 : i32
        %dma_start3A_406 = arith.constant 0 : i32
        %dma_start3A_407 = tpu.memref_slice %arg8[%dma_start3A_402, %dma_start3A_404, %dma_start3A_405, %dma_start3A_406] : memref<4x8x8x256xf32, #tpu.memory_space<vmem>> -> memref<1x8x8x256xf32, #tpu.memory_space<vmem>>
        %dma_start3A_408 = tpu.memref_squeeze %dma_start3A_407 : memref<1x8x8x256xf32, #tpu.memory_space<vmem>> -> memref<8x8x256xf32, #tpu.memory_space<vmem>>
        %dma_start3A_409 = arith.constant 0 : i32
        %dma_start3A_410 = arith.constant 0 : i32
        %dma_start3A_411 = tpu.memref_slice %arg2[%dma_start3A_409, %dma_start3A_410, %multiple_of3A_401] : memref<8x8x1000000xf32, #tpu.memory_space<hbm>> -> memref<8x8x256xf32, #tpu.memory_space<hbm>>
        %dma_start3A_412 = tpu.memref_slice %arg11[%dma_start3A_403] : memref<2x!tpu.dma_semaphore, #tpu.memory_space<semaphore_mem>> -> memref<1x!tpu.dma_semaphore, #tpu.memory_space<semaphore_mem>>
        %dma_start3A_413 = tpu.memref_squeeze %dma_start3A_412 : memref<1x!tpu.dma_semaphore, #tpu.memory_space<semaphore_mem>> -> memref<!tpu.dma_semaphore, #tpu.memory_space<semaphore_mem>>
        %dma_start3A_414 = arith.constant 0 : i32
        %dma_start3A_415 = arith.constant 0 : i32
        %dma_start3A_416 = arith.constant 0 : i32
        %dma_start3A_417 = tpu.memref_slice %arg8[%dma_start3A_402, %dma_start3A_414, %dma_start3A_415, %dma_start3A_416] : memref<4x8x8x256xf32, #tpu.memory_space<vmem>> -> memref<1x8x8x256xf32, #tpu.memory_space<vmem>>
        %dma_start3A_418 = tpu.memref_squeeze %dma_start3A_417 : memref<1x8x8x256xf32, #tpu.memory_space<vmem>> -> memref<8x8x256xf32, #tpu.memory_space<vmem>>
        %dma_start3A_419 = arith.constant 0 : i32
        %dma_start3A_420 = arith.constant 0 : i32
        %dma_start3A_421 = tpu.memref_slice %arg2[%dma_start3A_419, %dma_start3A_420, %multiple_of3A_401] : memref<8x8x1000000xf32, #tpu.memory_space<hbm>> -> memref<8x8x256xf32, #tpu.memory_space<hbm>>
        tpu.enqueue_dma source(%dma_start3A_421 : memref<8x8x256xf32, #tpu.memory_space<hbm>>) target(%dma_start3A_418 : memref<8x8x256xf32, #tpu.memory_space<vmem>>) target_semaphore(%dma_start3A_413 : memref<!tpu.dma_semaphore, #tpu.memory_space<semaphore_mem>>)
      } else {
      }
      scf.yield %cond3A_386 : i32
    }
    %scan3A_161 = arith.constant 31 : i32
    %min3A_162 = arith.constant 16 : i32
    %min3A_163 = arith.minsi %scan3A_160, %min3A_162 : i32
    %while3A = arith.constant 0 : i32
    %while3A_164 = arith.constant 0 : i32
    %while3A_165 = arith.subi %min3A_163, %while3A_164 : i32
    %while3A_166 = arith.addi %while3A_164, %while3A_165 : i32
    %while3A_167 = arith.constant 1 : i32
    %while3A_168 = arith.divsi %while3A_165, %while3A_167 : i32
    %while3A_169 = arith.muli %while3A_168, %while3A_167 : i32
    %while3A_170 = arith.addi %while3A_164, %while3A_169 : i32
    %while3A_171 = arith.constant 1 : i32
    scf.for %while3A_173 = %while3A_164 to %while3A_170 step %while3A_171  : i32 {
      %dma_wait3A = arith.constant 0 : i32
      %dma_wait3A_174 = arith.constant 0 : i32
      %dma_wait3A_175 = tpu.memref_slice %arg9[%dma_wait3A, %dma_wait3A_174] : memref<16x64xf32, #tpu.memory_space<vmem>> -> memref<1x64xf32, #tpu.memory_space<vmem>>
      %dma_wait3A_176 = arith.constant 0 : i32
      %dma_wait3A_177 = arith.constant 0 : i32
      %dma_wait3A_178 = tpu.memref_slice %arg5[%dma_wait3A_176, %dma_wait3A_177] : memref<16384x64xf32, #tpu.memory_space<hbm>> -> memref<1x64xf32, #tpu.memory_space<hbm>>
      %dma_wait3A_179 = arith.constant 0 : i32
      %dma_wait3A_180 = arith.constant 0 : i32
      %dma_wait3A_181 = tpu.memref_slice %arg5[%dma_wait3A_179, %dma_wait3A_180] : memref<16384x64xf32, #tpu.memory_space<hbm>> -> memref<1x64xf32, #tpu.memory_space<hbm>>
      %dma_wait3A_182 = arith.constant 0 : i32
      %dma_wait3A_183 = arith.constant 0 : i32
      %dma_wait3A_184 = tpu.memref_slice %arg9[%dma_wait3A_182, %dma_wait3A_183] : memref<16x64xf32, #tpu.memory_space<vmem>> -> memref<1x64xf32, #tpu.memory_space<vmem>>
      tpu.wait_dma2 semaphore(%arg12 : memref<!tpu.dma_semaphore, #tpu.memory_space<semaphore_mem>>) src(%dma_wait3A_184 : memref<1x64xf32, #tpu.memory_space<vmem>>) dst(%dma_wait3A_181 : memref<1x64xf32, #tpu.memory_space<hbm>>)
    }
    %while3A_172 = arith.constant 1 : i32
    scf.for %while3A_173 = %while3A_170 to %while3A_166 step %while3A_172  : i32 {
      %dma_wait3A = arith.constant 0 : i32
      %dma_wait3A_174 = arith.constant 0 : i32
      %dma_wait3A_175 = tpu.memref_slice %arg9[%dma_wait3A, %dma_wait3A_174] : memref<16x64xf32, #tpu.memory_space<vmem>> -> memref<1x64xf32, #tpu.memory_space<vmem>>
      %dma_wait3A_176 = arith.constant 0 : i32
      %dma_wait3A_177 = arith.constant 0 : i32
      %dma_wait3A_178 = tpu.memref_slice %arg5[%dma_wait3A_176, %dma_wait3A_177] : memref<16384x64xf32, #tpu.memory_space<hbm>> -> memref<1x64xf32, #tpu.memory_space<hbm>>
      %dma_wait3A_179 = arith.constant 0 : i32
      %dma_wait3A_180 = arith.constant 0 : i32
      %dma_wait3A_181 = tpu.memref_slice %arg5[%dma_wait3A_179, %dma_wait3A_180] : memref<16384x64xf32, #tpu.memory_space<hbm>> -> memref<1x64xf32, #tpu.memory_space<hbm>>
      %dma_wait3A_182 = arith.constant 0 : i32
      %dma_wait3A_183 = arith.constant 0 : i32
      %dma_wait3A_184 = tpu.memref_slice %arg9[%dma_wait3A_182, %dma_wait3A_183] : memref<16x64xf32, #tpu.memory_space<vmem>> -> memref<1x64xf32, #tpu.memory_space<vmem>>
      tpu.wait_dma2 semaphore(%arg12 : memref<!tpu.dma_semaphore, #tpu.memory_space<semaphore_mem>>) src(%dma_wait3A_184 : memref<1x64xf32, #tpu.memory_space<vmem>>) dst(%dma_wait3A_181 : memref<1x64xf32, #tpu.memory_space<hbm>>)
    }
    return
  }
}

</mosaic_0001>

<sc_bundles>
// kernel: _gather.3.cloned.1.call-start
scs
__scs_entry_jumppad:
0x0: {  	(pc) =	sbr.rel $0x88, $3  }
0x1: {  	(tag) =	ssettag $0x0;
	lr =	simm.s32 $0x1  }
0x2: {  	[smem:$0x3F9F] =	sst lr;
	_ =	strace $0xD0000000  }
0x3: {  	_ = 	snop  }
0x4: {  	_ = 	snop  }
0x5: {  	_ = 	snop  }
0x6: {  	_ = 	snop  }
0x7: {  	_ = 	snop  }
__scs_overlays_trampoline_lowered:
0x8: {  	[smem:$0x3FAE] =	sst s0  }
0x9: {  	[smem:$0x3FAF] =	sst s1  }
0xa: {  	[smem:$0x3FB0] =	sst s2  }
0xb: {  	[smem:$0x3FB1] =	sst s3  }
0xc: {  	[smem:$0x3FB2] =	sst s4  }
0xd: {  	[smem:$0x3FB3] =	sst s5  }
0xe: {  	[smem:$0x3FB4] =	sst s6  }
0xf: {  	[smem:$0x3FB5] =	sst s7  }
0x10: {  	[smem:$0x3FB6] =	sst s8  }
0x11: {  	[smem:$0x3FB7] =	sst s9;
	s0 =	simm.s32 @!p0 $0x0  }
0x12: {  	s1 =	sld [smem:$0x3F9D];
	s0 =	simm.s32 @p0 $0x1  }
0x13: {  	[smem:$0x3FB8] =	sst s0;
	s0 =	simm.s32 @!p1 $0x0  }
0x14: {  	s2 =	sld [smem:$0x3F9C];
	s0 =	simm.s32 @p1 $0x1  }
0x15: {  	[smem:$0x3FB9] =	sst s0;
	s0 =	simm.s32 @!p2 $0x0  }
0x16: {  	s3 =	sld [smem:$0x3FDB];
	s0 =	simm.s32 @p2 $0x1  }
0x17: {  	s4 =	simm.s32 $0x1BF5;
	[smem:$0x3FBB] =	sst s0  }
0x18: {  	s0 =	sld [smem:$0x3F9E];
	_ =	swait.ge [sflag:s4], $0x0  }
0x19: {  	s7 =	sld [smem:$0x3F9F]  }
0x1a: {  	s8 =	sadd.s32 $0xFFFFE003, lr  }
0x1b: {  	s9 =	sadd.s32 $0xFFFFFEF7, lr;
	s5 =	simm.s32 $0xFFFFFFFF;
	p2 =	slt.u32 s8, $0xFFFFF086  }
0x1c: {  	p1 =	slt.u32 s9, $0xF7A;
	s5 =	simm.s32 @!p2 $0x0  }
0x1d: {  	s5 =	simm.s32 @p1 $0x1;
	p0 =	seq.s32 s7, s2  }
0x1e: {  	s7 =	smul.u32 @!p0 $0xF7A, s2;
	p2 =	seq.s32 @!p0 s5, $0x0  }
0x1f: {  	s9 =	smul.u32 $0xF7A, s1;
	s8 =	simm.s32 @!p0 $0x1BF5;
	p2 =	por !p2, p0  }
0x20: {  	[sflag:s8] =	ssyncset.s32 @!p0 $0xFFFFF086;
	s6 =	sadd.s32 @!p0 s3, s7;
	s7 =	simm.s32 @!p0 $0x108  }
0x21: {  	s3 =	sadd.s32 s3, s9;
	s6 =	sadd.s32 @!p0 $0x88, s6;
	s7 =	simm.s32 @p2 $0x1082  }
0x22: {  	[simem:s7], [sflag:s8] =	dma.local @!p0 [hbm:s6], $0xF7A  }
0x23: {  	s9 =	sor.u32 $0xD0000000, s2;
	s6 =	simm.s32 $0x108;
	_ =	swait.ge @!p0 [sflag:s8], $0x0  }
0x24: {  	s3 =	sadd.s32 $0x88, s3;
	s6 =	simm.s32 @!p1 $0x1082;
	[sflag:s4] =	ssyncset.s32 $0xFFFFF086  }
0x25: {  	[simem:s6], [sflag:s4] =	dma.local [hbm:s3], $0xF7A  }
0x26: {  	[smem:$0x3F9F] =	sst s1;
	(tag) =	ssettag s2;
	_ =	strace s9  }
0x27: {  	s1 =	sld [smem:$0x3FAF]  }
0x28: {  	s2 =	sld [smem:$0x3FB0]  }
0x29: {  	s4 =	sld [smem:$0x3FB2]  }
0x2a: {  	p0 =	seq.s32 s5, $0x0;
	s5 =	sld [smem:$0x3FB3]  }
0x2b: {  	s6 =	sld [smem:$0x3FB4]  }
0x2c: {  	s7 =	sld [smem:$0x3FB5]  }
0x2d: {  	s3 =	simm.s32 $0x108;
	s8 =	sld [smem:$0x3FB6]  }
0x2e: {  	s3 =	simm.s32 @!p0 $0x1082;
	s9 =	sld [smem:$0x3FB7]  }
0x2f: {  	lr =	sadd.s32 s0, s3;
	s0 =	sld [smem:$0x3FAE]  }
0x30: {  	s3 =	sld [smem:$0x3FB1]  }
0x31: {  	[smem:$0x3FBA] =	sst s10  }
0x32: {  	s10 =	sld [smem:$0x3FB8];
	_ =	sdelay $0x3  }
0x33: {  	p0 =	seq.s32 s10, $0x1;
	s10 =	sld [smem:$0x3FBA];
	_ =	sdelay $0x3  }
0x34: {  	[smem:$0x3FBA] =	sst s10  }
0x35: {  	s10 =	sld [smem:$0x3FB9];
	_ =	sdelay $0x3  }
0x36: {  	p1 =	seq.s32 s10, $0x1;
	s10 =	sld [smem:$0x3FBA];
	_ =	sdelay $0x3  }
0x37: {  	[smem:$0x3FBA] =	sst s10  }
0x38: {  	s10 =	sld [smem:$0x3FBB]  }
0x39: {  	_ = 	snop;
	(pc) =	sbr.ind lr, $3  }
0x3a: {  	_ = 	snop  }
0x3b: {  	_ = 	snop  }
0x3c: {  	p2 =	seq.s32 s10, $0x1;
	s10 =	sld [smem:$0x3FBA]  }
0x3d: {  	_ =	shalt  }
0x3e: {  	_ =	shalt  }
0x3f: {  	_ =	shalt  }
0x40: {  	_ =	shalt  }
0x41: {  	_ =	shalt  }
0x42: {  	_ =	shalt  }
0x43: {  	_ =	shalt  }
0x44: {  	_ =	shalt  }
0x45: {  	_ =	shalt  }
0x46: {  	_ =	shalt  }
0x47: {  	_ =	shalt  }
0x48: {  	_ =	shalt  }
0x49: {  	_ =	shalt  }
0x4a: {  	_ =	shalt  }
0x4b: {  	_ =	shalt  }
0x4c: {  	_ =	shalt  }
0x4d: {  	_ =	shalt  }
0x4e: {  	_ =	shalt  }
0x4f: {  	_ =	shalt  }
0x50: {  	_ =	shalt  }
0x51: {  	_ =	shalt  }
0x52: {  	_ =	shalt  }
0x53: {  	_ =	shalt  }
0x54: {  	_ =	shalt  }
0x55: {  	_ =	shalt  }
0x56: {  	_ =	shalt  }
0x57: {  	_ =	shalt  }
0x58: {  	_ =	shalt  }
0x59: {  	_ =	shalt  }
0x5a: {  	_ =	shalt  }
0x5b: {  	_ =	shalt  }
0x5c: {  	_ =	shalt  }
0x5d: {  	_ =	shalt  }
0x5e: {  	_ =	shalt  }
0x5f: {  	_ =	shalt  }
0x60: {  	_ =	shalt  }
0x61: {  	_ =	shalt  }
0x62: {  	_ =	shalt  }
0x63: {  	_ =	shalt  }
0x64: {  	_ =	shalt  }
0x65: {  	_ =	shalt  }
0x66: {  	_ =	shalt  }
0x67: {  	_ =	shalt  }
0x68: {  	_ =	shalt  }
0x69: {  	_ =	shalt  }
0x6a: {  	_ =	shalt  }
0x6b: {  	_ =	shalt  }
0x6c: {  	_ =	shalt  }
0x6d: {  	_ =	shalt  }
0x6e: {  	_ =	shalt  }
0x6f: {  	_ =	shalt  }
0x70: {  	_ =	shalt  }
0x71: {  	_ =	shalt  }
0x72: {  	_ =	shalt  }
0x73: {  	_ =	shalt  }
0x74: {  	_ =	shalt  }
0x75: {  	_ =	shalt  }
0x76: {  	_ =	shalt  }
0x77: {  	_ =	shalt  }
0x78: {  	_ =	shalt  }
0x79: {  	_ =	shalt  }
0x7a: {  	_ =	shalt  }
0x7b: {  	_ =	shalt  }
0x7c: {  	_ =	shalt  }
0x7d: {  	_ =	shalt  }
0x7e: {  	_ =	shalt  }
0x7f: {  	_ =	shalt  }
0x80: {  	_ =	shalt  }
0x81: {  	_ =	shalt  }
0x82: {  	_ =	shalt  }
0x83: {  	_ =	shalt  }
0x84: {  	_ =	shalt  }
0x85: {  	_ =	shalt  }
0x86: {  	_ =	shalt  }
0x87: {  	_ =	shalt  }
.Lfunc_end0:
.L_simem_size_0:
called_computation_lowered:
.L_overlay_start_0:
0x88: {  	s2 =	sld [smem:$0x3FD9]  }
0x89: {  	s3 =	sld [smem:$0x3FFE];
	_ =	sdelay $0x1  }
0x8a: {  	s1 =	srdreg.scid  }
0x8b: {  	s0 =	sand.u32 $0x1, s1  }
0x8c: {  	s17 =	sshll.u32 s0, $0xA;
	s2 =	sadd.s32 s3, s2  }
0x8d: {  	s2 =	sadd.s32 s2, s17  }
0x8e: {  	[smem:$0x3FC6] =	sst s2  }
0x8f: {  	_ = 	snop  }
0x90: {  	s2 =	sld [smem:$0x3FC9]  }
0x91: {  	s18 =	sld [smem:$0x3FC8]  }
0x92: {  	s4 =	sld [smem:$0x3FD0];
	(tm) =	ssettm $0x1  }
0x93: {  	s5 =	sld [smem:$0x3FFB];
	_ =	sdelay $0x3  }
0x94: {  	_ =	strace s5  }
0x95: {  	s5 =	sld [smem:$0x3FFC];
	_ =	sdelay $0x3  }
0x96: {  	_ =	strace s5  }
0x97: {  	s5 =	sld [smem:$0x3FFD];
	_ =	sdelay $0x3  }
0x98: {  	_ =	strace s5  }
0x99: {  	_ =	strace $0x8FFFFFFF  }
0x9a: {  	s19 =	sld [smem:$0x3FDB];
	_ =	sdelay $0x1  }
0x9b: {  	s6 =	simm.s32 $_scs_section_size  }
0x9c: {  	s7 =	simm.s32 $_size__tile_overlayer_lowered;
	s8 =	simm.s32 $_tile_overlayer_lowered  }
0x9d: {  	s22 =	simm.s32 $0x1BFF;
	s21 =	sshll.u32 s8, $0x1;
	s5 =	sadd.s32 s6, s19  }
0x9e: {  	s9 =	simm.s32 $0x0;
	s20 =	sshll.u32 s7, $0x1;
	s7 =	sadd.s32 s21, s5  }
0x9f: {  	[timem:s9], [sflag:s22] =	dma.local [hbm:s7], s20  }
0xa0: {  	_ =	swait.ge [sflag:s22], s20  }
0xa1: {  	s6 =	ssub.s32 $0x0, s20;
	[sflag:s22] =	ssyncset.done $0x0  }
0xa2: {  	[sflag:s22] =	ssyncadd.s32 s6;
	_ =	sdelay $0x1  }
0xa3: {  	s23 =	simm.s32 $0x1B8B  }
0xa4: {  	_ =	swait.ge [sflag:s23], $0x1  }
0xa5: {  	[sflag:s23] =	ssyncset.done $0x0  }
0xa6: {  	s25 =	simm.s32 $0x1B8E;
	s24 =	sld [smem:$0x3FFE];
	[sflag:s23] =	ssyncadd.s32 $0xFFFFFFFF  }
0xa7: {  	s26 =	simm.s32 $execute0_lowered;
	[smem:$0x3FD2] =	sst s25  }
0xa8: {  	s7 =	sshll.u32 s26, $0x1;
	_ =	strace $0x80000046;
	[dreg:$0x1] =	wrdreg $0xFFFFFFFF  }
0xa9: {  	s28 =	simm.s32 $_size_execute0_lowered;
	s5 =	sadd.s32 s5, s7;
	[dreg:$0x0] =	wrdreg $0x0  }
0xaa: {  	s7 =	sshll.u32 s28, $0x1;
	[dreg:$0x2] =	wrdreg s5  }
0xab: {  	[dreg:$0x3] =	wrdreg s7  }
0xac: {  	[dreg:$0x4] =	wrdreg $0xC0  }
0xad: {  	_ =	task [dreg:s9], $0x5FFFF  }
0xae: {  	[dreg:$0x1] =	wrdreg $0xFFFFFFFF  }
0xaf: {  	[dreg:$0x0] =	wrdreg $0x60  }
0xb0: {  	[dreg:$0x2] =	wrdreg s18  }
0xb1: {  	[dreg:$0x3] =	wrdreg s2  }
0xb2: {  	[dreg:$0x4] =	wrdreg s4  }
0xb3: {  	[dreg:$0x5] =	wrdreg s24  }
0xb4: {  	[dreg:$0x6] =	wrdreg $0x9  }
0xb5: {  	_ =	task.clear_ibuf [dreg:s9], $0x7FFFF;
	_ =	strace $0x90000046  }
0xb6: {  	s29 =	simm.s32 $0x9;
	_ =	strace $0x80000048  }
0xb7: {  	_ =	swait.ge [sflag:s29], $0x1  }
0xb8: {  	[sflag:s29] =	ssyncadd.s32 $0xFFFFFFFF  }
0xb9: {  	_ =	strace $0x90000048  }
0xba: {  	_ =	sfence  }
0xbb: {  	s30 =	sld [smem:$0x0];
	_ =	sdelay $0x2  }
0xbc: {  	s31 =	sshll.u32 s1, $0xD;
	s1 =	sshrl.u32 s1, $0x2  }
0xbd: {  	s3 =	sand.u32 $0x4000, s31;
	s1 =	sadd.s32 s1, s30  }
0xbe: {  	s0 =	sor.u32 s3, s0;
	s1 =	sshll.u32 s1, $0x11  }
0xbf: {  	s0 =	sor.u32 s1, s0  }
0xc0: {  	s0 =	sadd.s32 $0x8F2B, s0  }
0xc1: {  	[sflag:s0] =	ssyncadd.remote.s32 $0x1  }
0xc2: {  	_ =	sfence.sel $0xFFFF  }
0xc3: {  	[dreg:$0x0] =	wrdreg $0xFFFFFFFF;
	(pc) =	sbr.abs _section_cstart, $3  }
0xc4: {  	[dreg:$0x1] =	wrdreg $0xFFFFFFFF  }
0xc5: {  	_ =	task.clear_ibuf [dreg:s9], $0x2FFFF;
	_ =	strace $0x9FFFFFFF  }
0xc6: {  	(tm) =	ssettm $0x7FFFFFFF  }
0xc7: {  	_ =	shalt  }
tec
execute0_lowered:
.L_overlay_start_1:
0x0: {  	(tag) =	ssettag $0x1  }
0x1: {  	v0 =	vimm.s32 $0xB80  }
0x2: {  	vm14 =	vcmask $0x300;
	vm13 =	vcmask $0x704;
	vm12 =	vcmask $0xB08  }
0x3: {  	vm11 =	vcmask $0xF0C;
	vm10 =	vcmask $0x1310;
	vm9 =	vcmask $0x1714  }
0x4: {  	vm8 =	vcmask $0x1B18;
	vm7 =	vcmask $0x1F1C;
	vm6 =	vcmask $0x2320  }
0x5: {  	vm5 =	vcmask $0x2724;
	vm4 =	vcmask $0x2B28;
	vm3 =	vcmask $0x2F2C  }
0x6: {  	vm2 =	vcmask $0x3330;
	vm1 =	vcmask $0x3734;
	vm0 =	vcmask $0x3B38  }
0x7: {  	v5 =	vimm.s32 $0x0;
	v7 =	vimm.s32 $0x1B80;
	v8 =	vimm.s32 $0x2B80  }
0x8: {  	v9 =	vimm.s32 $0x3B80;
	v0 =	vsel vm14, $0x0, v0;
	v7 =	vsel vm14, $0x1000, v7  }
0x9: {  	v8 =	vsel vm14, $0x2000, v8;
	v9 =	vsel vm14, $0x3000, v9;
	v0 =	vsel vm13, $0x80, v0  }
0xa: {  	v7 =	vsel vm13, $0x1080, v7;
	v8 =	vsel vm13, $0x2080, v8;
	v9 =	vsel vm13, $0x3080, v9  }
0xb: {  	v0 =	vsel vm12, $0x100, v0;
	v7 =	vsel vm12, $0x1100, v7;
	v8 =	vsel vm12, $0x2100, v8  }
0xc: {  	v9 =	vsel vm12, $0x3100, v9;
	v0 =	vsel vm11, $0x180, v0;
	v7 =	vsel vm11, $0x1180, v7  }
0xd: {  	v8 =	vsel vm11, $0x2180, v8;
	v9 =	vsel vm11, $0x3180, v9;
	v0 =	vsel vm10, $0x200, v0  }
0xe: {  	s0 =	srdreg.scid;
	s1 =	stileid.u32;
	v7 =	vsel vm10, $0x1200, v7;
	v8 =	vsel vm10, $0x2200, v8;
	v9 =	vsel vm10, $0x3200, v9  }
0xf: {  	s0 =	sand.u32 $0x1, s0;
	s1 =	sshll.u32 s1, $0x1;
	v0 =	vsel vm9, $0x280, v0;
	v7 =	vsel vm9, $0x1280, v7;
	v8 =	vsel vm9, $0x2280, v8  }
0x10: {  	s3 =	rddreg [dreg:$0x3];
	s1 =	sor.u32 s0, s1;
	v9 =	vsel vm9, $0x3280, v9;
	v0 =	vsel vm8, $0x300, v0;
	v7 =	vsel vm8, $0x1300, v7  }
0x11: {  	s6 =	simm.s32 $0x0;
	s0 =	ssub.s32 $0x2, s0;
	s1 =	smul.u32 $0x7A12, s1;
	v8 =	vsel vm8, $0x2300, v8;
	v9 =	vsel vm8, $0x3300, v9;
	v0 =	vsel vm7, $0x380, v0  }
0x12: {  	s20 =	simm.s32 $0x8080;
	s28 =	simm.s32 $0x4000;
	s4 =	sshrl.u32 s0, $0x1;
	v7 =	vsel vm7, $0x1380, v7;
	v8 =	vsel vm7, $0x2380, v8;
	v0 =	vsel vm6, $0x800, v0  }
0x13: {  	[smem:$0x7FF] =	sst s6;
	s0 =	ssub.s32 s0, s4;
	s2 =	sadd.s32 $0x7A12, s1;
	v9 =	vsel vm7, $0x3380, v9;
	v7 =	vsel vm6, $0x1800, v7;
	v1 =	vsel vm5, $0x880, v0  }
0x14: {  	s0 =	smax.u32 s0, $0x1;
	v0 =	vmov s1;
	s1 =	sand.u32 $0xFFF80, s1;
	v2 =	vsel vm4, $0x900, v1;
	v1 =	vmov s2;
	s2 =	rddreg [dreg:$0x0]  }
0x15: {  	v8 =	vsel vm6, $0x2800, v8;
	v9 =	vsel vm6, $0x3800, v9;
	v7 =	vsel vm5, $0x1880, v7;
	_ =	strace $0x80000047;
	s24 =	sadd.s32 $0x400, s1;
	[dreg:$0xd] =	wrdreg s0  }
0x16: {  	s29 =	simm.s32 $0x2;
	v8 =	vsel vm5, $0x2880, v8;
	v9 =	vsel vm5, $0x3880, v9;
	s25 =	sadd.s32 $0x500, s1;
	v7 =	vsel vm4, $0x1900, v7;
	[dreg:$0x9] =	wrdreg s24  }
0x17: {  	s30 =	simm.s32 $0x3;
	s26 =	sadd.s32 $0x600, s1;
	v8 =	vsel vm4, $0x2900, v8;
	v9 =	vsel vm4, $0x3900, v9;
	v3 =	vsel vm3, $0x980, v2;
	[dreg:$0xa] =	wrdreg s25  }
0x18: {  	s8 =	sadd.s32 $0x400, s3;
	s31 =	sadd.s32 $0x700, s1;
	v2 =	vmov s1;
	[dreg:$0xb] =	wrdreg s26;
	v7 =	vsel vm3, $0x1980, v7;
	v8 =	vsel vm3, $0x2980, v8  }
0x19: {  	s3 =	simm.s32 $0x0;
	s5 =	sadd.s32 s2, s1;
	[dreg:$0xc] =	wrdreg s31;
	v9 =	vsel vm3, $0x3980, v9;
	v4 =	vsel vm2, $0xA00, v3;
	v3 =	vlaneseq.u32  }
.Ltmp0:
0x1a: {  	s21 =	sadd.s32 $0x100, s5;
	[dreg:$0x5] =	wrdreg s5;
	v7 =	vsel vm2, $0x1A00, v7;
	v8 =	vsel vm2, $0x2A00, v8;
	v9 =	vsel vm2, $0x3A00, v9;
	(pc) =	sbr.rel .LBB2_1-.Ltmp0, $4  }
0x1b: {  	s12 =	sadd.s32 $0xFFF0BE00, s1;
	s22 =	sadd.s32 $0x200, s5;
	v6 =	vsel vm1, $0xA80, v4;
	v4 =	vimm.s32 $0x7FFFFFF0;
	[dreg:$0x6] =	wrdreg s21;
	v7 =	vsel vm1, $0x1A80, v7  }
0x1c: {  	s24 =	simm.s32 $0x4;
	s23 =	sadd.s32 $0x300, s5;
	[dreg:$0x7] =	wrdreg s22;
	v8 =	vsel vm1, $0x2A80, v8;
	v9 =	vsel vm1, $0x3A80, v9;
	v10 =	vor.u32 $0x10, v3  }
0x1d: {  	s25 =	simm.s32 $0x18880;
	s26 =	simm.s32 $0x1;
	[dreg:$0x8] =	wrdreg s23;
	v11 =	vor.u32 $0x20, v3;
	v12 =	vor.u32 $0x30, v3;
	v6 =	vsel vm0, $0xB00, v6  }
0x1e: {  	s21 =	simm.s32 $0xC080;
	s22 =	simm.s32 $0x10080;
	s23 =	simm.s32 $0x14080;
	v7 =	vsel vm0, $0x1B00, v7;
	v8 =	vsel vm0, $0x2B00, v8;
	v9 =	vsel vm0, $0x3B00, v9  }
.LBB2_89:
0x1f: {  	[sflag:s30] =	ssyncadd.s32 $0xFFFFFF80  }
.LBB2_90:
0x20: {  	s3 =	sadd.s32 $0x1, s3;
	s0 =	rddreg [dreg:$0xd]  }
0x21: {  	p0 =	sne.s32 s3, s0  }
.Ltmp1:
0x22: {  	_ = 	snop;
	(pc) =	sbr.rel @!p0 .LBB2_91-.Ltmp1, $1  }
0x23: {  	_ =	sdelay $0x3  }
.LBB2_1:
0x24: {  	[dreg:$0xe] =	wrdreg s3  }
0x25: {  	s0 =	rddreg [dreg:$0x5];
	s15 =	simm.s32 $0x7A1400;
	s4 =	simm.s32 $0x800  }
0x26: {  	[tilespmem:s20], [sflag:$0x1] =	stream.strided.gather [hbm4b:s0+s4], $0x4000, s15, s4, $0x38;
	[tilespmem:$0x1A880] =	vst v63  }
0x27: {  	s16 =	rddreg [dreg:$0x6]  }
0x28: {  	[tilespmem:s21], [sflag:$0x2] =	stream.strided.gather [hbm4b:s16+s4], $0x4000, s15, s4, $0x38;
	[tilespmem:$0x1A880] =	vst v63  }
0x29: {  	s17 =	rddreg [dreg:$0x7]  }
0x2a: {  	[tilespmem:s22], [sflag:$0x3] =	stream.strided.gather [hbm4b:s17+s4], $0x4000, s15, s4, $0x38;
	[tilespmem:$0x1A880] =	vst v63  }
0x2b: {  	s18 =	rddreg [dreg:$0x8]  }
0x2c: {  	[tilespmem:s23], [sflag:$0x4] =	stream.strided.gather [hbm4b:s18+s4], $0x4000, s15, s4, $0x38;
	[tilespmem:$0x1A880] =	vst v63  }
0x2d: {  	s19 =	rddreg [dreg:$0x1]  }
0x2e: {  	[tilespmem:s6], [sflag:$0x4] =	stream.linear.gather [hbm4b:s19+s6], $0x4000, $0x38;
	[tilespmem:$0x1A880] =	vst v63  }
0x2f: {  	_ =	swait.ge [sflag:s24], $0x4000  }
0x30: {  	[sflag:s24] =	ssyncset.done $0x0  }
0x31: {  	[sflag:s24] =	ssyncadd.s32 $0xFFFFC000  }
0x32: {  	s31 =	rddreg [dreg:$0x2]  }
0x33: {  	[tilespmem:s25], [sflag:$0x4] =	stream.linear.gather [hbm4b:s31+s6], $0x2000, $0x38;
	[tilespmem:$0x1A880] =	vst v63  }
0x34: {  	_ =	swait.ge [sflag:s24], $0x2000  }
0x35: {  	[sflag:s24] =	ssyncset.done $0x0  }
0x36: {  	[sflag:s24] =	ssyncadd.s32 $0xFFFFE000  }
0x37: {  	v13 =	vld [tilespmem:s6+$0x0];
	_ =	sdelay $0x4  }
0x38: {  	vm0 =	vge.s32 v13, v0;
	vm1 =	vlt.s32 v13, v1  }
0x39: {  	vm0 =	vmand vm0, vm1  }
0x3a: {  	v14 =	vmpcnt.ones.xlane vm0;
	_ =	sdelay $0x1  }
0x3b: {  	(v2sf) =	vpush v14, $0x0  }
0x3c: {  	v13 =	vsub.s32 v13, v2  }
0x3d: {  	v13 =	vshll.u32 v13, $0xE  }
0x3e: {  	v13 =	vadd.s32 s6, v13  }
0x3f: {  	v13 =	vadd.s32 v3, v13  }
0x40: {  	s0 =	simm.s32 $0x10;
	[tilespmem:s6+$0x4000] =	vst.msk vm0, v13  }
0x41: {  	v13 =	vld [tilespmem:s0+$0x0];
	_ =	sdelay $0x4  }
0x42: {  	vm0 =	vge.s32 v13, v0;
	vm1 =	vlt.s32 v13, v1  }
0x43: {  	v13 =	vsub.s32 v13, v2;
	vm0 =	vmand vm0, vm1  }
0x44: {  	v13 =	vshll.u32 v13, $0xE;
	v14 =	vmpcnt.ones.xlane vm0  }
0x45: {  	v13 =	vadd.s32 s0, v13  }
0x46: {  	s3 =	simm.s32 $0x20;
	s4 =	simm.s32 $0x0;
	v13 =	vadd.s32 v3, v13;
	(v2sf) =	vpush v14, $0x0;
	s5 =	spop (v2sf)  }
.LBB2_2:
0x47: {  	p0 =	sne.s32 s3, $0x3FF0  }
0x48: {  	s4 =	sadd.s32 s4, s5;
	s5 =	smov.u32 s3;
	s3 =	sadd.s32 $0x10, s3  }
0x49: {  	[tilespmem:s4+$0x4000] =	vst.msk vm0, v13  }
0x4a: {  	s0 =	sadd.s32 $0x10, s0  }
0x4b: {  	v13 =	vld [tilespmem:s0+$0x0];
	_ =	sdelay $0x4  }
0x4c: {  	vm0 =	vge.s32 v13, v0;
	vm1 =	vlt.s32 v13, v1;
	v13 =	vsub.s32 v13, v2  }
.Ltmp2:
0x4d: {  	vm0 =	vmand vm0, vm1;
	v13 =	vshll.u32 v13, $0xE;
	(pc) =	sbr.rel @p0 .LBB2_2-.Ltmp2, $4  }
0x4e: {  	v13 =	vadd.s32 s5, v13;
	v14 =	vmpcnt.ones.xlane vm0  }
0x4f: {  	v13 =	vadd.s32 v3, v13  }
0x50: {  	(v2sf) =	vpush v14, $0x0  }
0x51: {  	s5 =	spop (v2sf)  }
0x52: {  	_ =	sdelay $0xc  }
0x53: {  	s0 =	sadd.s32 s4, s5;
	s3 =	spop (v2sf)  }
0x54: {  	s3 =	sadd.s32 s0, s3  }
0x55: {  	s18 =	sadd.s32 $0xF, s3  }
0x56: {  	s19 =	sand.u32 $0xF, s18  }
0x57: {  	s31 =	sshra.s32 s18, $0x1F;
	p1 =	slt.s32 s18, $0x1;
	p0 =	sne.s32 s19, $0x0  }
0x58: {  	s5 =	sshrl.u32 s31, $0x1C;
	p0 =	por !p1, !p0  }
0x59: {  	s4 =	sadd.s32 s5, s18;
	s5 =	simm.s32 $0x1;
	p0 =	por !p0, !p0  }
0x5a: {  	s4 =	sshra.s32 s4, $0x4;
	s5 =	simm.s32 @!p0 $0x0  }
0x5b: {  	[tilespmem:s0+$0x4000] =	vst.msk vm0, v13;
	s5 =	ssub.s32 s4, s5  }
0x5c: {  	s9 =	simm.s32 $0x0;
	s0 =	simm.s32 $0x0;
	[tilespmem:s3+$0x4000] =	vst v4;
	p0 =	slt.s32 s5, $0x1  }
.LBB2_4:
.Ltmp3:
0x5d: {  	(pc) =	sbr.rel @p0 .LBB2_5-.Ltmp3, $4  }
0x5e: {  	_ = 	snop  }
0x5f: {  	_ =	swait.ge [sflag:s26], $0x4000;
	s4 =	sshll.u32 s0, $0x18  }
0x60: {  	[sflag:s26] =	ssyncset.done $0x0;
	s7 =	sor.u32 $0x400000, s4  }
0x61: {  	s3 =	sshll.u32 s0, $0xA;
	[sflag:s26] =	ssyncadd.s32 $0xFFFFC000;
	v13 =	vmov s7  }
.Ltmp4:
0x62: {  	(pc) =	sbr.rel .LBB2_7-.Ltmp4, $2  }
0x63: {  	_ =	sdelay $0x2  }
0x64: {  	v14 =	vmov s4;
	s7 =	simm.s32 $0x0  }
.LBB2_8:
0x65: {  	s10 =	smov.u32 s9  }
.LBB2_16:
0x66: {  	s7 =	sadd.s32 $0x1, s7  }
0x67: {  	p1 =	sne.s32 s7, s5  }
.Ltmp5:
0x68: {  	_ = 	snop;
	(pc) =	sbr.rel @!p1 .LBB2_17-.Ltmp5, $1  }
0x69: {  	_ =	sdelay $0x3  }
.LBB2_7:
0x6a: {  	s11 =	sshll.u32 s7, $0x4  }
0x6b: {  	v15 =	vld [tilespmem:s11+$0x4000];
	_ =	sdelay $0x4  }
0x6c: {  	vm0 =	vge.s32 v15, v14;
	vm1 =	vlt.s32 v15, v13  }
0x6d: {  	vm0 =	vmand vm0, vm1  }
0x6e: {  	v15 =	vmpcnt.ones.xlane vm0;
	_ =	sdelay $0x1  }
0x6f: {  	(v2sf) =	vpush v15, $0x0;
	_ =	sdelay $0xe  }
0x70: {  	s10 =	spop (v2sf)  }
0x71: {  	p1 =	slt.s32 s10, $0x1  }
.Ltmp6:
0x72: {  	_ = 	snop;
	(pc) =	sbr.rel @p1 .LBB2_8-.Ltmp6, $1  }
0x73: {  	_ =	sdelay $0x3  }
0x74: {  	s13 =	sadd.s32 $0x1, s10  }
0x75: {  	s13 =	sadd.s32 $0xFFFFFFFF, s13  }
0x76: {  	p2 =	sgt.s32 s13, $0x1  }
.Ltmp7:
0x77: {  	_ = 	snop;
	(pc) =	sbr.rel @!p2 .LBB2_10-.Ltmp7, $4  }
0x78: {  	_ = 	snop  }
0x79: {  	v17 =	vsel vm0, $0x1, v5  }
0x7a: {  	s14 =	sshll.u32 s9, $0x7;
	s10 =	sadd.s32 s9, s10;
	vm0 =	vne.s32 v17, $0x0  }
0x7b: {  	v15 =	vmov s11;
	p1 =	por $0x0, $0x0;
	s11 =	sand.u32 $0x780, s14;
	s14 =	sadd.s32 $0x80, s14;
	v16 =	vmctz.xlane vm0  }
0x7c: {  	_ = 	snop  }
0x7d: {  	v18 =	vadd.s32 v15, v16;
	_ =	sdelay $0x4  }
0x7e: {  	v18 =	vld.idx.msk [tilespmem:v18+s28+$0x0], $0xffff;
	_ =	sdelay $0x4  }
0x7f: {  	(v2sf) =	vpush v18, $0x0;
	_ =	sdelay $0xe  }
0x80: {  	s16 =	spop (v2sf)  }
0x81: {  	s17 =	sshrl.u32 s16, $0xE  }
0x82: {  	s17 =	ssub.s32 s17, s3  }
0x83: {  	v18 =	vmov s17  }
0x84: {  	v19 =	vshll.u32 v18, $0x3  }
0x85: {  	v18 =	vand.u32 $0x7F, v18;
	v19 =	vand.u32 $0xFFFFFC00, v19  }
0x86: {  	v18 =	vor.u32 v18, v19  }
0x87: {  	v19 =	vadd.s32 v8, v18  }
0x88: {  	v20 =	vadd.s32 v7, v18  }
0x89: {  	v21 =	vadd.s32 v9, v18  }
0x8a: {  	s18 =	sadd.s32 $0xFFFFFFFF, s13;
	v22 =	vadd.s32 v6, v18  }
0x8b: {  	p2 =	sgt.s32 s18, $0x1  }
.Ltmp8:
0x8c: {  	vm0 =	veq.s32 v16, v3;
	v18 =	vld.idx.msk [tilespmem:v19+s20+$0x0], $0xffff;
	(pc) =	sbr.rel @!p2 .LBB2_12-.Ltmp8, $4  }
0x8d: {  	p3 =	slt.s32 s9, $0x10;
	v17 =	vsel vm0, $0x0, v17;
	v19 =	vld.idx.msk [tilespmem:v20+s20+$0x0], $0xffff  }
0x8e: {  	s9 =	sadd.s32 $0x1, s9;
	p1 =	por $0x1, $0x1;
	s19 =	simm.s32 @!p3 $0x3;
	vm0 =	vne.s32 v17, $0x0;
	v20 =	vld.idx.msk [tilespmem:v21+s20+$0x0], $0xffff  }
0x8f: {  	v16 =	vmctz.xlane vm0;
	s31 =	sshll.u32 s16, $0x4;
	s16 =	sadd.s32 $0x80, s14;
	v21 =	vld.idx.msk [tilespmem:v22+s20+$0x0], $0xffff;
	_ =	swait.ge @!p3 [sflag:s19], $0x80  }
0x90: {  	s13 =	sand.u32 $0x3FFF0, s31;
	s17 =	sand.u32 $0x780, s14;
	[sflag:s19] =	ssyncset.done @!p3 $0x0  }
.LBB2_13:
0x91: {  	s14 =	sand.u32 $0x780, s16;
	s18 =	sadd.s32 $0xFFFFFFFF, s18;
	v22 =	vadd.s32 v15, v16;
	[sflag:s19] =	ssyncadd.s32 @!p3 $0xFFFFFF80  }
0x92: {  	p2 =	sgt.s32 s18, $0x1;
	[tilespmem:s11+$0x18090] =	vst v19  }
0x93: {  	[tilespmem:s11+$0x180A0] =	vst v18  }
0x94: {  	s19 =	sadd.s32 $0x18080, s11;
	s13 =	sadd.s32 s8, s13;
	[tilespmem:s11+$0x180B0] =	vst v20  }
0x95: {  	[tilespmem:s11+$0x18080] =	vst v21;
	s11 =	smov.u32 s17;
	s17 =	smov.u32 s14  }
0x96: {  	[hbm4b:s13+s6] =	stream.linear.scatter [tilespmem:s19], [sflag:$0x3], $0x80, $0x38;
	[tilespmem:$0x1A880] =	vst v63  }
0x97: {  	v18 =	vld.idx.msk [tilespmem:v22+s28+$0x0], $0xffff;
	_ =	sdelay $0x5  }
0x98: {  	(v2sf) =	vpush v18, $0x0;
	_ =	sdelay $0xe  }
0x99: {  	s13 =	spop (v2sf)  }
0x9a: {  	s14 =	sshrl.u32 s13, $0xE;
	s13 =	sshll.u32 s13, $0x4  }
0x9b: {  	s14 =	ssub.s32 s14, s3;
	s13 =	sand.u32 $0x3FFF0, s13  }
0x9c: {  	v18 =	vmov s14  }
0x9d: {  	v19 =	vand.u32 $0x7F, v18;
	v18 =	vshll.u32 v18, $0x3  }
0x9e: {  	v18 =	vand.u32 $0xFFFFFC00, v18  }
0x9f: {  	v18 =	vor.u32 v19, v18  }
0xa0: {  	v21 =	vadd.s32 v6, v18;
	v19 =	vadd.s32 v8, v18;
	v20 =	vadd.s32 v9, v18  }
0xa1: {  	v22 =	vadd.s32 v7, v18;
	_ =	sdelay $0x3  }
0xa2: {  	v18 =	vld.idx.msk [tilespmem:v19+s20+$0x0], $0xffff  }
.Ltmp9:
0xa3: {  	vm0 =	veq.s32 v16, v3;
	v19 =	vld.idx.msk [tilespmem:v22+s20+$0x0], $0xffff;
	(pc) =	sbr.rel @p2 .LBB2_13-.Ltmp9, $4  }
0xa4: {  	p3 =	slt.s32 s9, $0x10;
	v17 =	vsel vm0, $0x0, v17;
	v20 =	vld.idx.msk [tilespmem:v20+s20+$0x0], $0xffff  }
0xa5: {  	vm0 =	vne.s32 v17, $0x0;
	s19 =	simm.s32 @!p3 $0x3;
	v21 =	vld.idx.msk [tilespmem:v21+s20+$0x0], $0xffff  }
0xa6: {  	v16 =	vmctz.xlane vm0;
	_ =	swait.ge @!p3 [sflag:s19], $0x80  }
0xa7: {  	s16 =	sadd.s32 $0x80, s16;
	s9 =	sadd.s32 $0x1, s9;
	[sflag:s19] =	ssyncset.done @!p3 $0x0  }
0xa8: {  	s14 =	smov.u32 s11;
	s11 =	smov.u32 s17  }
.LBB2_15:
0xa9: {  	p2 =	por p3, !p1  }
0xaa: {  	[sflag:s19] =	ssyncadd.s32 @!p2 $0xFFFFFF80  }
0xab: {  	v15 =	vadd.s32 v15, v16;
	[tilespmem:s14+$0x18090] =	vst @p1 v19  }
0xac: {  	[tilespmem:s14+$0x180A0] =	vst @p1 v18  }
0xad: {  	[tilespmem:s14+$0x180B0] =	vst @p1 v20  }
0xae: {  	s16 =	sadd.s32 @p1 $0x18080, s14;
	s13 =	sadd.s32 @p1 s8, s13;
	[tilespmem:s14+$0x18080] =	vst @p1 v21  }
0xaf: {  	[hbm4b:s13+s6] =	stream.linear.scatter @p1 [tilespmem:s16], [sflag:$0x3], $0x80, $0x38;
	[tilespmem:$0x1A880] =	vst v63  }
0xb0: {  	v15 =	vld.idx.msk [tilespmem:v15+s28+$0x0], $0xffff;
	_ =	sdelay $0x4  }
0xb1: {  	(v2sf) =	vpush v15, $0x0;
	_ =	sdelay $0xe  }
0xb2: {  	s17 =	spop (v2sf)  }
0xb3: {  	s18 =	sshrl.u32 s17, $0xE  }
0xb4: {  	s14 =	ssub.s32 s18, s3  }
0xb5: {  	v15 =	vmov s14  }
0xb6: {  	v62 =	vshll.u32 v15, $0x3  }
0xb7: {  	v15 =	vand.u32 $0x7F, v15;
	v16 =	vand.u32 $0xFFFFFC00, v62  }
0xb8: {  	v15 =	vor.u32 v15, v16  }
0xb9: {  	v16 =	vadd.s32 v8, v15  }
0xba: {  	v17 =	vadd.s32 v7, v15  }
0xbb: {  	v63 =	vadd.s32 v9, v15  }
0xbc: {  	v15 =	vadd.s32 v6, v15;
	_ =	sdelay $0x1  }
0xbd: {  	v16 =	vld.idx.msk [tilespmem:v16+s20+$0x0], $0xffff  }
0xbe: {  	p1 =	slt.s32 s9, $0x10;
	v17 =	vld.idx.msk [tilespmem:v17+s20+$0x0], $0xffff  }
0xbf: {  	s9 =	simm.s32 @!p1 $0x3;
	v18 =	vld.idx.msk [tilespmem:v63+s20+$0x0], $0xffff  }
0xc0: {  	v15 =	vld.idx.msk [tilespmem:v15+s20+$0x0], $0xffff;
	_ =	swait.ge @!p1 [sflag:s9], $0x80  }
0xc1: {  	[sflag:s9] =	ssyncset.done @!p1 $0x0  }
0xc2: {  	[sflag:s9] =	ssyncadd.s32 @!p1 $0xFFFFFF80  }
0xc3: {  	[tilespmem:s11+$0x18090] =	vst v17  }
.Ltmp10:
0xc4: {  	s19 =	sshll.u32 s17, $0x4;
	[tilespmem:s11+$0x180A0] =	vst v16;
	(pc) =	sbr.rel .LBB2_16-.Ltmp10, $4  }
0xc5: {  	s9 =	sand.u32 $0x3FFF0, s19;
	[tilespmem:s11+$0x180B0] =	vst v18  }
0xc6: {  	s31 =	sadd.s32 $0x18080, s11;
	s9 =	sadd.s32 s8, s9;
	[tilespmem:s11+$0x18080] =	vst v15  }
0xc7: {  	[hbm4b:s9+s6] =	stream.linear.scatter [tilespmem:s31], [sflag:$0x3], $0x80, $0x38;
	[tilespmem:$0x1A880] =	vst v63  }
0xc8: {  	s9 =	smov.u32 s10  }
.LBB2_10:
.Ltmp11:
0xc9: {  	(pc) =	sbr.rel .LBB2_15-.Ltmp11, $2  }
0xca: {  	_ =	sdelay $0x2  }
0xcb: {  	_ = 	snop  }
.LBB2_12:
.Ltmp12:
0xcc: {  	(pc) =	sbr.rel .LBB2_15-.Ltmp12, $2  }
0xcd: {  	_ =	sdelay $0x2  }
0xce: {  	s14 =	smov.u32 s11;
	s11 =	smov.u32 s17  }
.LBB2_5:
0xcf: {  	s10 =	smov.u32 s9  }
.LBB2_17:
0xd0: {  	p1 =	seq.s32 s0, $0x1E;
	s7 =	rddreg [dreg:$0x9]  }
0xd1: {  	s7 =	sadd.s32 @!p1 s3, s7  }
0xd2: {  	s11 =	simm.s32 @!p1 $0x800;
	s17 =	simm.s32 @!p1 $0x7A1400;
	s7 =	smin.u32 @!p1 s7, $0xF4100  }
.Ltmp13:
0xd3: {  	s9 =	simm.s32 @!p1 $0x8080;
	s7 =	sadd.s32 @!p1 s2, s7;
	(pc) =	sbr.rel @p0 .LBB2_18-.Ltmp13, $4  }
0xd4: {  	[tilespmem:s9], [sflag:$0x1] =	stream.strided.gather @!p1 [hbm4b:s7+s11], $0x4000, s17, s11, $0x38;
	[tilespmem:$0x1A880] =	vst v63  }
0xd5: {  	_ =	swait.ge [sflag:s29], $0x4000  }
0xd6: {  	[sflag:s29] =	ssyncset.done $0x0  }
0xd7: {  	[sflag:s29] =	ssyncadd.s32 $0xFFFFC000  }
.Ltmp14:
0xd8: {  	(pc) =	sbr.rel .LBB2_20-.Ltmp14, $3  }
0xd9: {  	_ =	sdelay $0x1  }
0xda: {  	s7 =	sor.u32 $0x800000, s4  }
0xdb: {  	v14 =	vmov s7;
	s7 =	simm.s32 $0x0  }
.LBB2_21:
0xdc: {  	s9 =	smov.u32 s10  }
.LBB2_29:
0xdd: {  	s7 =	sadd.s32 $0x1, s7  }
0xde: {  	p2 =	sne.s32 s7, s5  }
.Ltmp15:
0xdf: {  	_ = 	snop;
	(pc) =	sbr.rel @!p2 .LBB2_30-.Ltmp15, $1  }
0xe0: {  	_ =	sdelay $0x3  }
.LBB2_20:
0xe1: {  	s14 =	sshll.u32 s7, $0x4  }
0xe2: {  	v15 =	vld [tilespmem:s14+$0x4000];
	_ =	sdelay $0x4  }
0xe3: {  	vm0 =	vge.s32 v15, v13;
	vm1 =	vlt.s32 v15, v14  }
0xe4: {  	vm0 =	vmand vm0, vm1  }
0xe5: {  	v15 =	vmpcnt.ones.xlane vm0;
	_ =	sdelay $0x1  }
0xe6: {  	(v2sf) =	vpush v15, $0x0;
	_ =	sdelay $0xe  }
0xe7: {  	s9 =	spop (v2sf)  }
0xe8: {  	p2 =	slt.s32 s9, $0x1  }
.Ltmp16:
0xe9: {  	_ = 	snop;
	(pc) =	sbr.rel @p2 .LBB2_21-.Ltmp16, $1  }
0xea: {  	_ =	sdelay $0x3  }
0xeb: {  	s13 =	sadd.s32 $0x1, s9  }
0xec: {  	s13 =	sadd.s32 $0xFFFFFFFF, s13  }
0xed: {  	p3 =	sgt.s32 s13, $0x1  }
.Ltmp17:
0xee: {  	_ = 	snop;
	(pc) =	sbr.rel @!p3 .LBB2_23-.Ltmp17, $4  }
0xef: {  	_ = 	snop  }
0xf0: {  	v17 =	vsel vm0, $0x1, v5  }
0xf1: {  	s16 =	sshll.u32 s10, $0x7;
	s9 =	sadd.s32 s10, s9;
	vm0 =	vne.s32 v17, $0x0  }
0xf2: {  	v15 =	vmov s14;
	p2 =	por $0x0, $0x0;
	s31 =	sand.u32 $0x780, s16;
	s16 =	sadd.s32 $0x80, s16;
	v16 =	vmctz.xlane vm0  }
0xf3: {  	_ = 	snop  }
0xf4: {  	v18 =	vadd.s32 v15, v16;
	_ =	sdelay $0x4  }
0xf5: {  	v18 =	vld.idx.msk [tilespmem:v18+s28+$0x0], $0xffff;
	_ =	sdelay $0x4  }
0xf6: {  	(v2sf) =	vpush v18, $0x0;
	_ =	sdelay $0xe  }
0xf7: {  	s14 =	spop (v2sf)  }
0xf8: {  	s18 =	sshrl.u32 s14, $0xE  }
0xf9: {  	s18 =	ssub.s32 s18, s3  }
0xfa: {  	s18 =	sadd.s32 $0xFFFFFF00, s18  }
0xfb: {  	v18 =	vmov s18  }
0xfc: {  	v19 =	vshll.u32 v18, $0x3  }
0xfd: {  	v18 =	vand.u32 $0x7F, v18;
	v19 =	vand.u32 $0xFFFFFC00, v19  }
0xfe: {  	v18 =	vor.u32 v18, v19  }
0xff: {  	v19 =	vadd.s32 v8, v18  }
0x100: {  	v20 =	vadd.s32 v7, v18  }
0x101: {  	v21 =	vadd.s32 v9, v18  }
0x102: {  	s19 =	sadd.s32 $0xFFFFFFFF, s13;
	v22 =	vadd.s32 v6, v18  }
0x103: {  	p3 =	sgt.s32 s19, $0x1  }
.Ltmp18:
0x104: {  	vm0 =	veq.s32 v16, v3;
	v18 =	vld.idx.msk [tilespmem:v19+s21+$0x0], $0xffff;
	(pc) =	sbr.rel @!p3 .LBB2_25-.Ltmp18, $4  }
0x105: {  	p4 =	slt.s32 s10, $0x10;
	v17 =	vsel vm0, $0x0, v17;
	v19 =	vld.idx.msk [tilespmem:v20+s21+$0x0], $0xffff  }
0x106: {  	s10 =	sadd.s32 $0x1, s10;
	vm0 =	vne.s32 v17, $0x0;
	s15 =	sshll.u32 s14, $0x4;
	s14 =	simm.s32 @!p4 $0x3;
	v20 =	vld.idx.msk [tilespmem:v21+s21+$0x0], $0xffff  }
0x107: {  	p2 =	por $0x1, $0x1;
	v16 =	vmctz.xlane vm0;
	s13 =	sand.u32 $0x3FFF0, s15;
	v21 =	vld.idx.msk [tilespmem:v22+s21+$0x0], $0xffff;
	_ =	swait.ge @!p4 [sflag:s14], $0x80  }
0x108: {  	s18 =	sand.u32 $0x780, s16;
	s16 =	sadd.s32 $0x80, s16;
	[sflag:s14] =	ssyncset.done @!p4 $0x0  }
.LBB2_26:
0x109: {  	s15 =	sand.u32 $0x780, s16;
	s19 =	sadd.s32 $0xFFFFFFFF, s19;
	v22 =	vadd.s32 v15, v16;
	[sflag:s14] =	ssyncadd.s32 @!p4 $0xFFFFFF80  }
0x10a: {  	p3 =	sgt.s32 s19, $0x1;
	[tilespmem:s31+$0x18090] =	vst v19  }
0x10b: {  	[tilespmem:s31+$0x180A0] =	vst v18  }
0x10c: {  	s14 =	sadd.s32 $0x18080, s31;
	s13 =	sadd.s32 s8, s13;
	[tilespmem:s31+$0x180B0] =	vst v20  }
0x10d: {  	[tilespmem:s31+$0x18080] =	vst v21;
	s31 =	smov.u32 s18;
	s18 =	smov.u32 s15  }
0x10e: {  	[hbm4b:s13+s6] =	stream.linear.scatter [tilespmem:s14], [sflag:$0x3], $0x80, $0x38;
	[tilespmem:$0x1A880] =	vst v63  }
0x10f: {  	v18 =	vld.idx.msk [tilespmem:v22+s28+$0x0], $0xffff;
	_ =	sdelay $0x5  }
0x110: {  	(v2sf) =	vpush v18, $0x0;
	_ =	sdelay $0xe  }
0x111: {  	s13 =	spop (v2sf)  }
0x112: {  	s14 =	sshrl.u32 s13, $0xE;
	s13 =	sshll.u32 s13, $0x4  }
0x113: {  	s14 =	ssub.s32 s14, s3;
	s13 =	sand.u32 $0x3FFF0, s13  }
0x114: {  	s14 =	sadd.s32 $0xFFFFFF00, s14  }
0x115: {  	v18 =	vmov s14  }
0x116: {  	v19 =	vand.u32 $0x7F, v18;
	v18 =	vshll.u32 v18, $0x3  }
0x117: {  	v18 =	vand.u32 $0xFFFFFC00, v18  }
0x118: {  	v18 =	vor.u32 v19, v18  }
0x119: {  	v21 =	vadd.s32 v6, v18;
	v19 =	vadd.s32 v8, v18;
	v20 =	vadd.s32 v9, v18  }
0x11a: {  	v22 =	vadd.s32 v7, v18;
	_ =	sdelay $0x3  }
0x11b: {  	v18 =	vld.idx.msk [tilespmem:v19+s21+$0x0], $0xffff  }
.Ltmp19:
0x11c: {  	vm0 =	veq.s32 v16, v3;
	v19 =	vld.idx.msk [tilespmem:v22+s21+$0x0], $0xffff;
	(pc) =	sbr.rel @p3 .LBB2_26-.Ltmp19, $4  }
0x11d: {  	p4 =	slt.s32 s10, $0x10;
	v17 =	vsel vm0, $0x0, v17;
	v20 =	vld.idx.msk [tilespmem:v20+s21+$0x0], $0xffff  }
0x11e: {  	vm0 =	vne.s32 v17, $0x0;
	s14 =	simm.s32 @!p4 $0x3;
	v21 =	vld.idx.msk [tilespmem:v21+s21+$0x0], $0xffff  }
0x11f: {  	v16 =	vmctz.xlane vm0;
	_ =	swait.ge @!p4 [sflag:s14], $0x80  }
0x120: {  	s16 =	sadd.s32 $0x80, s16;
	s10 =	sadd.s32 $0x1, s10;
	[sflag:s14] =	ssyncset.done @!p4 $0x0  }
0x121: {  	s16 =	smov.u32 s31;
	s31 =	smov.u32 s18  }
.LBB2_28:
0x122: {  	p3 =	por p4, !p2  }
0x123: {  	[sflag:s14] =	ssyncadd.s32 @!p3 $0xFFFFFF80  }
0x124: {  	v15 =	vadd.s32 v15, v16;
	[tilespmem:s16+$0x18090] =	vst @p2 v19  }
0x125: {  	[tilespmem:s16+$0x180A0] =	vst @p2 v18  }
0x126: {  	[tilespmem:s16+$0x180B0] =	vst @p2 v20  }
0x127: {  	s13 =	sadd.s32 @p2 s8, s13;
	s14 =	sadd.s32 @p2 $0x18080, s16;
	[tilespmem:s16+$0x18080] =	vst @p2 v21  }
0x128: {  	[hbm4b:s13+s6] =	stream.linear.scatter @p2 [tilespmem:s14], [sflag:$0x3], $0x80, $0x38;
	[tilespmem:$0x1A880] =	vst v63  }
0x129: {  	v15 =	vld.idx.msk [tilespmem:v15+s28+$0x0], $0xffff;
	_ =	sdelay $0x4  }
0x12a: {  	(v2sf) =	vpush v15, $0x0;
	_ =	sdelay $0xe  }
0x12b: {  	s15 =	spop (v2sf)  }
0x12c: {  	s16 =	sshrl.u32 s15, $0xE  }
0x12d: {  	s14 =	ssub.s32 s16, s3  }
0x12e: {  	s14 =	sadd.s32 $0xFFFFFF00, s14  }
0x12f: {  	v15 =	vmov s14  }
0x130: {  	v62 =	vshll.u32 v15, $0x3  }
0x131: {  	v15 =	vand.u32 $0x7F, v15;
	v16 =	vand.u32 $0xFFFFFC00, v62  }
0x132: {  	v15 =	vor.u32 v15, v16  }
0x133: {  	v16 =	vadd.s32 v8, v15  }
0x134: {  	v17 =	vadd.s32 v7, v15  }
0x135: {  	v63 =	vadd.s32 v9, v15  }
0x136: {  	v15 =	vadd.s32 v6, v15;
	_ =	sdelay $0x1  }
0x137: {  	v16 =	vld.idx.msk [tilespmem:v16+s21+$0x0], $0xffff  }
0x138: {  	p2 =	slt.s32 s10, $0x10;
	v17 =	vld.idx.msk [tilespmem:v17+s21+$0x0], $0xffff  }
0x139: {  	s10 =	simm.s32 @!p2 $0x3;
	v18 =	vld.idx.msk [tilespmem:v63+s21+$0x0], $0xffff  }
0x13a: {  	v15 =	vld.idx.msk [tilespmem:v15+s21+$0x0], $0xffff;
	_ =	swait.ge @!p2 [sflag:s10], $0x80  }
0x13b: {  	[sflag:s10] =	ssyncset.done @!p2 $0x0  }
0x13c: {  	[sflag:s10] =	ssyncadd.s32 @!p2 $0xFFFFFF80  }
0x13d: {  	[tilespmem:s31+$0x18090] =	vst v17  }
.Ltmp20:
0x13e: {  	s18 =	sshll.u32 s15, $0x4;
	[tilespmem:s31+$0x180A0] =	vst v16;
	(pc) =	sbr.rel .LBB2_29-.Ltmp20, $4  }
0x13f: {  	s10 =	sand.u32 $0x3FFF0, s18;
	[tilespmem:s31+$0x180B0] =	vst v18  }
0x140: {  	s19 =	sadd.s32 $0x18080, s31;
	s10 =	sadd.s32 s8, s10;
	[tilespmem:s31+$0x18080] =	vst v15  }
0x141: {  	[hbm4b:s10+s6] =	stream.linear.scatter [tilespmem:s19], [sflag:$0x3], $0x80, $0x38;
	[tilespmem:$0x1A880] =	vst v63  }
0x142: {  	s10 =	smov.u32 s9  }
.LBB2_23:
.Ltmp21:
0x143: {  	(pc) =	sbr.rel .LBB2_28-.Ltmp21, $2  }
0x144: {  	_ =	sdelay $0x2  }
0x145: {  	_ = 	snop  }
.LBB2_25:
.Ltmp22:
0x146: {  	(pc) =	sbr.rel .LBB2_28-.Ltmp22, $2  }
0x147: {  	_ =	sdelay $0x2  }
0x148: {  	s16 =	smov.u32 s31;
	s31 =	smov.u32 s18  }
.LBB2_18:
0x149: {  	s9 =	smov.u32 s10  }
.LBB2_30:
0x14a: {  	s7 =	rddreg [dreg:$0xa]  }
0x14b: {  	s7 =	sadd.s32 @!p1 s3, s7  }
0x14c: {  	s7 =	smin.u32 @!p1 s7, $0xF4100  }
0x14d: {  	s10 =	simm.s32 @!p1 $0xC080;
	s31 =	sor.u32 $0x200, s3;
	s7 =	sadd.s32 @!p1 s2, s7  }
0x14e: {  	[tilespmem:s10], [sflag:$0x2] =	stream.strided.gather @!p1 [hbm4b:s7+s11], $0x4000, s17, s11, $0x38;
	[tilespmem:$0x1A880] =	vst v63  }
0x14f: {  	s11 =	sadd.s32 s1, s31  }
0x150: {  	p2 =	slt.u32 s11, $0xF4200  }
.Ltmp23:
0x151: {  	_ = 	snop;
	(pc) =	sbr.rel @!p2 .LBB2_31-.Ltmp23, $4  }
0x152: {  	_ = 	snop  }
0x153: {  	_ =	swait.ge [sflag:s30], $0x4000  }
0x154: {  	[sflag:s30] =	ssyncset.done $0x0  }
0x155: {  	s10 =	sshll.u32 s31, $0xE;
	s7 =	sor.u32 $0xC00000, s4;
	[sflag:s30] =	ssyncadd.s32 $0xFFFFC000  }
.Ltmp24:
0x156: {  	(pc) =	sbr.rel @p0 .LBB2_34-.Ltmp24, $1  }
0x157: {  	_ =	sdelay $0x3  }
.Ltmp25:
0x158: {  	(pc) =	sbr.rel .LBB2_36-.Ltmp25, $3  }
0x159: {  	_ =	sdelay $0x1  }
0x15a: {  	s11 =	smin.u32 s11, $0xF4100  }
0x15b: {  	v13 =	vmov s10;
	v14 =	vmov s7;
	s7 =	ssub.s32 s1, s11;
	s11 =	simm.s32 $0x0  }
.LBB2_37:
0x15c: {  	s10 =	smov.u32 s9  }
.LBB2_45:
0x15d: {  	s11 =	sadd.s32 $0x1, s11  }
0x15e: {  	p2 =	seq.s32 s11, s5  }
.Ltmp26:
0x15f: {  	_ = 	snop;
	(pc) =	sbr.rel @p2 .LBB2_57-.Ltmp26, $1  }
0x160: {  	_ =	sdelay $0x3  }
.LBB2_36:
0x161: {  	s14 =	sshll.u32 s11, $0x4  }
0x162: {  	v15 =	vld [tilespmem:s14+$0x4000];
	_ =	sdelay $0x4  }
0x163: {  	vm0 =	vge.s32 v15, v13;
	vm1 =	vlt.s32 v15, v14  }
0x164: {  	vm0 =	vmand vm0, vm1  }
0x165: {  	v15 =	vmpcnt.ones.xlane vm0;
	_ =	sdelay $0x1  }
0x166: {  	(v2sf) =	vpush v15, $0x0;
	_ =	sdelay $0xe  }
0x167: {  	s10 =	spop (v2sf)  }
0x168: {  	p2 =	slt.s32 s10, $0x1  }
.Ltmp27:
0x169: {  	_ = 	snop;
	(pc) =	sbr.rel @p2 .LBB2_37-.Ltmp27, $1  }
0x16a: {  	_ =	sdelay $0x3  }
0x16b: {  	s13 =	sadd.s32 $0x1, s10  }
0x16c: {  	s13 =	sadd.s32 $0xFFFFFFFF, s13  }
0x16d: {  	p3 =	sgt.s32 s13, $0x1  }
.Ltmp28:
0x16e: {  	_ = 	snop;
	(pc) =	sbr.rel @!p3 .LBB2_39-.Ltmp28, $4  }
0x16f: {  	_ = 	snop  }
0x170: {  	v17 =	vsel vm0, $0x1, v5  }
0x171: {  	s15 =	sshll.u32 s9, $0x7;
	s10 =	sadd.s32 s9, s10;
	vm0 =	vne.s32 v17, $0x0  }
0x172: {  	v15 =	vmov s14;
	p2 =	por $0x0, $0x0;
	s17 =	sand.u32 $0x780, s15;
	s16 =	sadd.s32 $0x80, s15;
	v16 =	vmctz.xlane vm0  }
0x173: {  	_ = 	snop  }
0x174: {  	v18 =	vadd.s32 v15, v16;
	_ =	sdelay $0x4  }
0x175: {  	v18 =	vld.idx.msk [tilespmem:v18+s28+$0x0], $0xffff;
	_ =	sdelay $0x4  }
0x176: {  	(v2sf) =	vpush v18, $0x0;
	_ =	sdelay $0xe  }
0x177: {  	s14 =	spop (v2sf)  }
0x178: {  	s15 =	sshrl.u32 s14, $0xE  }
0x179: {  	s15 =	sadd.s32 s15, s7  }
0x17a: {  	v18 =	vmov s15  }
0x17b: {  	v19 =	vshll.u32 v18, $0x3  }
0x17c: {  	v18 =	vand.u32 $0x7F, v18;
	v19 =	vand.u32 $0xFFFFFC00, v19  }
0x17d: {  	v18 =	vor.u32 v18, v19  }
0x17e: {  	v19 =	vadd.s32 v8, v18  }
0x17f: {  	v20 =	vadd.s32 v7, v18  }
0x180: {  	v21 =	vadd.s32 v9, v18  }
0x181: {  	s19 =	sadd.s32 $0xFFFFFFFF, s13;
	v22 =	vadd.s32 v6, v18  }
0x182: {  	p3 =	sgt.s32 s19, $0x1  }
.Ltmp29:
0x183: {  	vm0 =	veq.s32 v16, v3;
	v18 =	vld.idx.msk [tilespmem:v19+s22+$0x0], $0xffff;
	(pc) =	sbr.rel @!p3 .LBB2_41-.Ltmp29, $4  }
0x184: {  	p4 =	slt.s32 s9, $0x10;
	v17 =	vsel vm0, $0x0, v17;
	v19 =	vld.idx.msk [tilespmem:v20+s22+$0x0], $0xffff  }
0x185: {  	s18 =	sand.u32 $0x780, s16;
	vm0 =	vne.s32 v17, $0x0;
	s31 =	sshll.u32 s14, $0x4;
	s14 =	simm.s32 @!p4 $0x3;
	v20 =	vld.idx.msk [tilespmem:v21+s22+$0x0], $0xffff  }
0x186: {  	s16 =	sadd.s32 $0x80, s16;
	s9 =	sadd.s32 $0x1, s9;
	v16 =	vmctz.xlane vm0;
	v21 =	vld.idx.msk [tilespmem:v22+s22+$0x0], $0xffff;
	_ =	swait.ge @!p4 [sflag:s14], $0x80  }
0x187: {  	p2 =	por $0x1, $0x1;
	s13 =	sand.u32 $0x3FFF0, s31;
	[sflag:s14] =	ssyncset.done @!p4 $0x0  }
.LBB2_42:
0x188: {  	s15 =	sand.u32 $0x780, s16;
	s19 =	sadd.s32 $0xFFFFFFFF, s19;
	v22 =	vadd.s32 v15, v16;
	[sflag:s14] =	ssyncadd.s32 @!p4 $0xFFFFFF80  }
0x189: {  	p3 =	sgt.s32 s19, $0x1;
	[tilespmem:s17+$0x18090] =	vst v19  }
0x18a: {  	[tilespmem:s17+$0x180A0] =	vst v18  }
0x18b: {  	s14 =	sadd.s32 $0x18080, s17;
	s13 =	sadd.s32 s8, s13;
	[tilespmem:s17+$0x180B0] =	vst v20  }
0x18c: {  	[tilespmem:s17+$0x18080] =	vst v21;
	s17 =	smov.u32 s18;
	s18 =	smov.u32 s15  }
0x18d: {  	[hbm4b:s13+s6] =	stream.linear.scatter [tilespmem:s14], [sflag:$0x3], $0x80, $0x38;
	[tilespmem:$0x1A880] =	vst v63  }
0x18e: {  	v18 =	vld.idx.msk [tilespmem:v22+s28+$0x0], $0xffff;
	_ =	sdelay $0x5  }
0x18f: {  	(v2sf) =	vpush v18, $0x0;
	_ =	sdelay $0xe  }
0x190: {  	s13 =	spop (v2sf)  }
0x191: {  	s14 =	sshrl.u32 s13, $0xE;
	s13 =	sshll.u32 s13, $0x4  }
0x192: {  	s14 =	sadd.s32 s14, s7;
	s13 =	sand.u32 $0x3FFF0, s13  }
0x193: {  	v18 =	vmov s14  }
0x194: {  	v19 =	vand.u32 $0x7F, v18;
	v18 =	vshll.u32 v18, $0x3  }
0x195: {  	v18 =	vand.u32 $0xFFFFFC00, v18  }
0x196: {  	v18 =	vor.u32 v19, v18  }
0x197: {  	v21 =	vadd.s32 v6, v18;
	v19 =	vadd.s32 v8, v18;
	v20 =	vadd.s32 v9, v18  }
0x198: {  	v22 =	vadd.s32 v7, v18;
	_ =	sdelay $0x3  }
0x199: {  	v18 =	vld.idx.msk [tilespmem:v19+s22+$0x0], $0xffff  }
.Ltmp30:
0x19a: {  	vm0 =	veq.s32 v16, v3;
	v19 =	vld.idx.msk [tilespmem:v22+s22+$0x0], $0xffff;
	(pc) =	sbr.rel @p3 .LBB2_42-.Ltmp30, $4  }
0x19b: {  	p4 =	slt.s32 s9, $0x10;
	v17 =	vsel vm0, $0x0, v17;
	v20 =	vld.idx.msk [tilespmem:v20+s22+$0x0], $0xffff  }
0x19c: {  	vm0 =	vne.s32 v17, $0x0;
	s14 =	simm.s32 @!p4 $0x3;
	v21 =	vld.idx.msk [tilespmem:v21+s22+$0x0], $0xffff  }
0x19d: {  	v16 =	vmctz.xlane vm0;
	_ =	swait.ge @!p4 [sflag:s14], $0x80  }
0x19e: {  	s16 =	sadd.s32 $0x80, s16;
	s9 =	sadd.s32 $0x1, s9;
	[sflag:s14] =	ssyncset.done @!p4 $0x0  }
0x19f: {  	s16 =	smov.u32 s17;
	s17 =	smov.u32 s18  }
.LBB2_44:
0x1a0: {  	p3 =	por p4, !p2  }
0x1a1: {  	[sflag:s14] =	ssyncadd.s32 @!p3 $0xFFFFFF80  }
0x1a2: {  	v15 =	vadd.s32 v15, v16;
	[tilespmem:s16+$0x18090] =	vst @p2 v19  }
0x1a3: {  	[tilespmem:s16+$0x180A0] =	vst @p2 v18  }
0x1a4: {  	[tilespmem:s16+$0x180B0] =	vst @p2 v20  }
0x1a5: {  	s13 =	sadd.s32 @p2 s8, s13;
	s14 =	sadd.s32 @p2 $0x18080, s16;
	[tilespmem:s16+$0x18080] =	vst @p2 v21  }
0x1a6: {  	[hbm4b:s13+s6] =	stream.linear.scatter @p2 [tilespmem:s14], [sflag:$0x3], $0x80, $0x38;
	[tilespmem:$0x1A880] =	vst v63  }
0x1a7: {  	v15 =	vld.idx.msk [tilespmem:v15+s28+$0x0], $0xffff;
	_ =	sdelay $0x4  }
0x1a8: {  	(v2sf) =	vpush v15, $0x0;
	_ =	sdelay $0xe  }
0x1a9: {  	s16 =	spop (v2sf)  }
0x1aa: {  	s18 =	sshrl.u32 s16, $0xE  }
0x1ab: {  	s14 =	sadd.s32 s18, s7  }
0x1ac: {  	v15 =	vmov s14  }
0x1ad: {  	v62 =	vshll.u32 v15, $0x3  }
0x1ae: {  	v15 =	vand.u32 $0x7F, v15;
	v16 =	vand.u32 $0xFFFFFC00, v62  }
0x1af: {  	v15 =	vor.u32 v15, v16  }
0x1b0: {  	v16 =	vadd.s32 v8, v15  }
0x1b1: {  	v17 =	vadd.s32 v7, v15  }
0x1b2: {  	v63 =	vadd.s32 v9, v15  }
0x1b3: {  	v15 =	vadd.s32 v6, v15;
	_ =	sdelay $0x1  }
0x1b4: {  	v16 =	vld.idx.msk [tilespmem:v16+s22+$0x0], $0xffff  }
0x1b5: {  	p2 =	slt.s32 s9, $0x10;
	v17 =	vld.idx.msk [tilespmem:v17+s22+$0x0], $0xffff  }
0x1b6: {  	s9 =	simm.s32 @!p2 $0x3;
	v18 =	vld.idx.msk [tilespmem:v63+s22+$0x0], $0xffff  }
0x1b7: {  	v15 =	vld.idx.msk [tilespmem:v15+s22+$0x0], $0xffff;
	_ =	swait.ge @!p2 [sflag:s9], $0x80  }
0x1b8: {  	[sflag:s9] =	ssyncset.done @!p2 $0x0  }
0x1b9: {  	[sflag:s9] =	ssyncadd.s32 @!p2 $0xFFFFFF80  }
0x1ba: {  	[tilespmem:s17+$0x18090] =	vst v17  }
.Ltmp31:
0x1bb: {  	s19 =	sshll.u32 s16, $0x4;
	[tilespmem:s17+$0x180A0] =	vst v16;
	(pc) =	sbr.rel .LBB2_45-.Ltmp31, $4  }
0x1bc: {  	s9 =	sand.u32 $0x3FFF0, s19;
	[tilespmem:s17+$0x180B0] =	vst v18  }
0x1bd: {  	s31 =	sadd.s32 $0x18080, s17;
	s9 =	sadd.s32 s8, s9;
	[tilespmem:s17+$0x18080] =	vst v15  }
0x1be: {  	[hbm4b:s9+s6] =	stream.linear.scatter [tilespmem:s31], [sflag:$0x3], $0x80, $0x38;
	[tilespmem:$0x1A880] =	vst v63  }
0x1bf: {  	s9 =	smov.u32 s10  }
.LBB2_39:
.Ltmp32:
0x1c0: {  	(pc) =	sbr.rel .LBB2_44-.Ltmp32, $2  }
0x1c1: {  	_ =	sdelay $0x2  }
0x1c2: {  	_ = 	snop  }
.LBB2_41:
.Ltmp33:
0x1c3: {  	(pc) =	sbr.rel .LBB2_44-.Ltmp33, $2  }
0x1c4: {  	_ =	sdelay $0x2  }
0x1c5: {  	s16 =	smov.u32 s17;
	s17 =	smov.u32 s18  }
.LBB2_31:
.Ltmp34:
0x1c6: {  	(pc) =	sbr.rel @p0 .LBB2_32-.Ltmp34, $1  }
0x1c7: {  	_ =	sdelay $0x3  }
.Ltmp35:
0x1c8: {  	(pc) =	sbr.rel .LBB2_47-.Ltmp35, $2  }
0x1c9: {  	_ =	sdelay $0x2  }
0x1ca: {  	v13 =	vmov s10;
	v14 =	vmov s7;
	s7 =	simm.s32 $0x0  }
.LBB2_48:
0x1cb: {  	s10 =	smov.u32 s9  }
.LBB2_56:
0x1cc: {  	s7 =	sadd.s32 $0x1, s7  }
0x1cd: {  	p2 =	sne.s32 s7, s5  }
.Ltmp36:
0x1ce: {  	_ = 	snop;
	(pc) =	sbr.rel @!p2 .LBB2_57-.Ltmp36, $1  }
0x1cf: {  	_ =	sdelay $0x3  }
.LBB2_47:
0x1d0: {  	s11 =	sshll.u32 s7, $0x4  }
0x1d1: {  	v15 =	vld [tilespmem:s11+$0x4000];
	_ =	sdelay $0x4  }
0x1d2: {  	vm0 =	vge.s32 v15, v13;
	vm1 =	vlt.s32 v15, v14  }
0x1d3: {  	vm0 =	vmand vm0, vm1  }
0x1d4: {  	v15 =	vmpcnt.ones.xlane vm0;
	_ =	sdelay $0x1  }
0x1d5: {  	(v2sf) =	vpush v15, $0x0;
	_ =	sdelay $0xe  }
0x1d6: {  	s10 =	spop (v2sf)  }
0x1d7: {  	p2 =	slt.s32 s10, $0x1  }
.Ltmp37:
0x1d8: {  	_ = 	snop;
	(pc) =	sbr.rel @p2 .LBB2_48-.Ltmp37, $1  }
0x1d9: {  	_ =	sdelay $0x3  }
0x1da: {  	s13 =	sadd.s32 $0x1, s10  }
0x1db: {  	s13 =	sadd.s32 $0xFFFFFFFF, s13  }
0x1dc: {  	p3 =	sgt.s32 s13, $0x1  }
.Ltmp38:
0x1dd: {  	_ = 	snop;
	(pc) =	sbr.rel @!p3 .LBB2_50-.Ltmp38, $4  }
0x1de: {  	_ = 	snop  }
0x1df: {  	v17 =	vsel vm0, $0x1, v5  }
0x1e0: {  	s14 =	sshll.u32 s9, $0x7;
	s10 =	sadd.s32 s9, s10;
	vm0 =	vne.s32 v17, $0x0  }
0x1e1: {  	v15 =	vmov s11;
	p2 =	por $0x0, $0x0;
	s11 =	sand.u32 $0x780, s14;
	s16 =	sadd.s32 $0x80, s14;
	v16 =	vmctz.xlane vm0  }
0x1e2: {  	_ = 	snop  }
0x1e3: {  	v18 =	vadd.s32 v15, v16;
	_ =	sdelay $0x4  }
0x1e4: {  	v18 =	vld.idx.msk [tilespmem:v18+s28+$0x0], $0xffff;
	_ =	sdelay $0x4  }
0x1e5: {  	(v2sf) =	vpush v18, $0x0;
	_ =	sdelay $0xe  }
0x1e6: {  	s14 =	spop (v2sf)  }
0x1e7: {  	s15 =	sshrl.u32 s14, $0xE  }
0x1e8: {  	s15 =	sadd.s32 s15, s12  }
0x1e9: {  	s15 =	sshll.u32 s15, $0x7  }
0x1ea: {  	v18 =	vor.u32 s15, v11  }
0x1eb: {  	v19 =	vor.u32 s15, v10  }
0x1ec: {  	v20 =	vor.u32 s15, v12  }
0x1ed: {  	s18 =	sadd.s32 $0xFFFFFFFF, s13;
	v21 =	vor.u32 s15, v3  }
0x1ee: {  	p3 =	sgt.s32 s18, $0x1  }
.Ltmp39:
0x1ef: {  	vm0 =	veq.s32 v16, v3;
	v18 =	vld.idx.msk [tilespmem:v18+s25+$0x0], $0xffff;
	(pc) =	sbr.rel @!p3 .LBB2_52-.Ltmp39, $4  }
0x1f0: {  	p4 =	slt.s32 s9, $0x10;
	v17 =	vsel vm0, $0x0, v17;
	v19 =	vld.idx.msk [tilespmem:v19+s25+$0x0], $0xffff  }
0x1f1: {  	s17 =	sand.u32 $0x780, s16;
	vm0 =	vne.s32 v17, $0x0;
	s31 =	sshll.u32 s14, $0x4;
	s14 =	simm.s32 @!p4 $0x3;
	v20 =	vld.idx.msk [tilespmem:v20+s25+$0x0], $0xffff  }
0x1f2: {  	s16 =	sadd.s32 $0x80, s16;
	s9 =	sadd.s32 $0x1, s9;
	v16 =	vmctz.xlane vm0;
	v21 =	vld.idx.msk [tilespmem:v21+s25+$0x0], $0xffff;
	_ =	swait.ge @!p4 [sflag:s14], $0x80  }
0x1f3: {  	p2 =	por $0x1, $0x1;
	s13 =	sand.u32 $0x3FFF0, s31;
	[sflag:s14] =	ssyncset.done @!p4 $0x0  }
.LBB2_53:
0x1f4: {  	s15 =	sand.u32 $0x780, s16;
	s18 =	sadd.s32 $0xFFFFFFFF, s18;
	v22 =	vadd.s32 v15, v16;
	[sflag:s14] =	ssyncadd.s32 @!p4 $0xFFFFFF80  }
0x1f5: {  	p3 =	sgt.s32 s18, $0x1;
	[tilespmem:s11+$0x18090] =	vst v19  }
0x1f6: {  	[tilespmem:s11+$0x180A0] =	vst v18  }
0x1f7: {  	s14 =	sadd.s32 $0x18080, s11;
	s13 =	sadd.s32 s8, s13;
	[tilespmem:s11+$0x180B0] =	vst v20  }
0x1f8: {  	[tilespmem:s11+$0x18080] =	vst v21;
	s11 =	smov.u32 s17;
	s17 =	smov.u32 s15  }
0x1f9: {  	[hbm4b:s13+s6] =	stream.linear.scatter [tilespmem:s14], [sflag:$0x3], $0x80, $0x38;
	[tilespmem:$0x1A880] =	vst v63  }
0x1fa: {  	v18 =	vld.idx.msk [tilespmem:v22+s28+$0x0], $0xffff;
	_ =	sdelay $0x5  }
0x1fb: {  	(v2sf) =	vpush v18, $0x0;
	_ =	sdelay $0xe  }
0x1fc: {  	s13 =	spop (v2sf)  }
0x1fd: {  	s14 =	sshrl.u32 s13, $0xE;
	s13 =	sshll.u32 s13, $0x4  }
0x1fe: {  	s14 =	sadd.s32 s14, s12;
	s13 =	sand.u32 $0x3FFF0, s13  }
0x1ff: {  	s14 =	sshll.u32 s14, $0x7  }
0x200: {  	v21 =	vor.u32 s14, v3;
	v18 =	vor.u32 s14, v11;
	v20 =	vor.u32 s14, v12  }
0x201: {  	v19 =	vor.u32 s14, v10;
	_ =	sdelay $0x3  }
0x202: {  	v18 =	vld.idx.msk [tilespmem:v18+s25+$0x0], $0xffff  }
.Ltmp40:
0x203: {  	vm0 =	veq.s32 v16, v3;
	v19 =	vld.idx.msk [tilespmem:v19+s25+$0x0], $0xffff;
	(pc) =	sbr.rel @p3 .LBB2_53-.Ltmp40, $4  }
0x204: {  	p4 =	slt.s32 s9, $0x10;
	v17 =	vsel vm0, $0x0, v17;
	v20 =	vld.idx.msk [tilespmem:v20+s25+$0x0], $0xffff  }
0x205: {  	vm0 =	vne.s32 v17, $0x0;
	s14 =	simm.s32 @!p4 $0x3;
	v21 =	vld.idx.msk [tilespmem:v21+s25+$0x0], $0xffff  }
0x206: {  	v16 =	vmctz.xlane vm0;
	_ =	swait.ge @!p4 [sflag:s14], $0x80  }
0x207: {  	s16 =	sadd.s32 $0x80, s16;
	s9 =	sadd.s32 $0x1, s9;
	[sflag:s14] =	ssyncset.done @!p4 $0x0  }
0x208: {  	s16 =	smov.u32 s11;
	s11 =	smov.u32 s17  }
.LBB2_55:
0x209: {  	p3 =	por p4, !p2  }
0x20a: {  	[sflag:s14] =	ssyncadd.s32 @!p3 $0xFFFFFF80  }
0x20b: {  	v15 =	vadd.s32 v15, v16;
	[tilespmem:s16+$0x18090] =	vst @p2 v19  }
0x20c: {  	[tilespmem:s16+$0x180A0] =	vst @p2 v18  }
0x20d: {  	[tilespmem:s16+$0x180B0] =	vst @p2 v20  }
0x20e: {  	s13 =	sadd.s32 @p2 s8, s13;
	s14 =	sadd.s32 @p2 $0x18080, s16;
	[tilespmem:s16+$0x18080] =	vst @p2 v21  }
0x20f: {  	[hbm4b:s13+s6] =	stream.linear.scatter @p2 [tilespmem:s14], [sflag:$0x3], $0x80, $0x38;
	[tilespmem:$0x1A880] =	vst v63  }
0x210: {  	v15 =	vld.idx.msk [tilespmem:v15+s28+$0x0], $0xffff;
	_ =	sdelay $0x4  }
0x211: {  	(v2sf) =	vpush v15, $0x0;
	_ =	sdelay $0xe  }
0x212: {  	s17 =	spop (v2sf)  }
0x213: {  	s18 =	sshrl.u32 s17, $0xE  }
0x214: {  	s14 =	sadd.s32 s18, s12  }
0x215: {  	s14 =	sshll.u32 s14, $0x7  }
0x216: {  	v15 =	vor.u32 s14, v11  }
0x217: {  	v62 =	vor.u32 s14, v10  }
0x218: {  	v17 =	vor.u32 s14, v12  }
0x219: {  	v63 =	vor.u32 s14, v3;
	_ =	sdelay $0x1  }
0x21a: {  	v15 =	vld.idx.msk [tilespmem:v15+s25+$0x0], $0xffff  }
0x21b: {  	p2 =	slt.s32 s9, $0x10;
	v16 =	vld.idx.msk [tilespmem:v62+s25+$0x0], $0xffff  }
0x21c: {  	s9 =	simm.s32 @!p2 $0x3;
	v17 =	vld.idx.msk [tilespmem:v17+s25+$0x0], $0xffff  }
0x21d: {  	v18 =	vld.idx.msk [tilespmem:v63+s25+$0x0], $0xffff;
	_ =	swait.ge @!p2 [sflag:s9], $0x80  }
0x21e: {  	[sflag:s9] =	ssyncset.done @!p2 $0x0  }
0x21f: {  	[sflag:s9] =	ssyncadd.s32 @!p2 $0xFFFFFF80  }
0x220: {  	[tilespmem:s11+$0x18090] =	vst v16  }
.Ltmp41:
0x221: {  	s19 =	sshll.u32 s17, $0x4;
	[tilespmem:s11+$0x180A0] =	vst v15;
	(pc) =	sbr.rel .LBB2_56-.Ltmp41, $4  }
0x222: {  	s9 =	sand.u32 $0x3FFF0, s19;
	[tilespmem:s11+$0x180B0] =	vst v17  }
0x223: {  	s31 =	sadd.s32 $0x18080, s11;
	s9 =	sadd.s32 s8, s9;
	[tilespmem:s11+$0x18080] =	vst v18  }
0x224: {  	[hbm4b:s9+s6] =	stream.linear.scatter [tilespmem:s31], [sflag:$0x3], $0x80, $0x38;
	[tilespmem:$0x1A880] =	vst v63  }
0x225: {  	s9 =	smov.u32 s10  }
.LBB2_50:
.Ltmp42:
0x226: {  	(pc) =	sbr.rel .LBB2_55-.Ltmp42, $2  }
0x227: {  	_ =	sdelay $0x2  }
0x228: {  	_ = 	snop  }
.LBB2_52:
.Ltmp43:
0x229: {  	(pc) =	sbr.rel .LBB2_55-.Ltmp43, $2  }
0x22a: {  	_ =	sdelay $0x2  }
0x22b: {  	s16 =	smov.u32 s11;
	s11 =	smov.u32 s17  }
.LBB2_34:
.Ltmp44:
0x22c: {  	(pc) =	sbr.rel .LBB2_57-.Ltmp44, $2  }
0x22d: {  	_ =	sdelay $0x2  }
0x22e: {  	s10 =	smov.u32 s9  }
.LBB2_32:
0x22f: {  	s10 =	smov.u32 s9  }
.LBB2_57:
0x230: {  	s7 =	rddreg [dreg:$0xb]  }
0x231: {  	s7 =	sadd.s32 @!p1 s3, s7  }
0x232: {  	s9 =	simm.s32 @!p1 $0x800;
	s11 =	simm.s32 @!p1 $0x7A1400;
	s7 =	smin.u32 @!p1 s7, $0xF4100  }
0x233: {  	s13 =	simm.s32 @!p1 $0x10080;
	s31 =	sor.u32 $0x300, s3;
	s7 =	sadd.s32 @!p1 s2, s7  }
0x234: {  	[tilespmem:s13], [sflag:$0x3] =	stream.strided.gather @!p1 [hbm4b:s7+s9], $0x4000, s11, s9, $0x38;
	[tilespmem:$0x1A880] =	vst v63  }
0x235: {  	s9 =	sadd.s32 s1, s31  }
0x236: {  	p2 =	slt.u32 s9, $0xF4200  }
.Ltmp45:
0x237: {  	_ = 	snop;
	(pc) =	sbr.rel @!p2 .LBB2_58-.Ltmp45, $4  }
0x238: {  	_ = 	snop  }
0x239: {  	_ =	swait.ge [sflag:s24], $0x4000  }
0x23a: {  	[sflag:s24] =	ssyncset.done $0x0  }
0x23b: {  	s4 =	sadd.s32 $0x1000000, s4;
	s7 =	sshll.u32 s31, $0xE;
	[sflag:s24] =	ssyncadd.s32 $0xFFFFC000  }
.Ltmp46:
0x23c: {  	(pc) =	sbr.rel @p0 .LBB2_61-.Ltmp46, $1  }
0x23d: {  	_ =	sdelay $0x3  }
.Ltmp47:
0x23e: {  	(pc) =	sbr.rel .LBB2_63-.Ltmp47, $3  }
0x23f: {  	_ =	sdelay $0x1  }
0x240: {  	s9 =	smin.u32 s9, $0xF4100  }
0x241: {  	v13 =	vmov s7;
	v14 =	vmov s4;
	s7 =	simm.s32 $0x0;
	s4 =	ssub.s32 s1, s9  }
.LBB2_64:
0x242: {  	s9 =	smov.u32 s10  }
.LBB2_72:
0x243: {  	s7 =	sadd.s32 $0x1, s7  }
0x244: {  	p2 =	seq.s32 s7, s5  }
.Ltmp48:
0x245: {  	_ = 	snop;
	(pc) =	sbr.rel @p2 .LBB2_84-.Ltmp48, $1  }
0x246: {  	_ =	sdelay $0x3  }
.LBB2_63:
0x247: {  	s11 =	sshll.u32 s7, $0x4  }
0x248: {  	v15 =	vld [tilespmem:s11+$0x4000];
	_ =	sdelay $0x4  }
0x249: {  	vm0 =	vge.s32 v15, v13;
	vm1 =	vlt.s32 v15, v14  }
0x24a: {  	vm0 =	vmand vm0, vm1  }
0x24b: {  	v15 =	vmpcnt.ones.xlane vm0;
	_ =	sdelay $0x1  }
0x24c: {  	(v2sf) =	vpush v15, $0x0;
	_ =	sdelay $0xe  }
0x24d: {  	s9 =	spop (v2sf)  }
0x24e: {  	p2 =	slt.s32 s9, $0x1  }
.Ltmp49:
0x24f: {  	_ = 	snop;
	(pc) =	sbr.rel @p2 .LBB2_64-.Ltmp49, $1  }
0x250: {  	_ =	sdelay $0x3  }
0x251: {  	s13 =	sadd.s32 $0x1, s9  }
0x252: {  	s13 =	sadd.s32 $0xFFFFFFFF, s13  }
0x253: {  	p3 =	sgt.s32 s13, $0x1  }
.Ltmp50:
0x254: {  	_ = 	snop;
	(pc) =	sbr.rel @!p3 .LBB2_66-.Ltmp50, $4  }
0x255: {  	_ = 	snop  }
0x256: {  	v17 =	vsel vm0, $0x1, v5  }
0x257: {  	s14 =	sshll.u32 s10, $0x7;
	s9 =	sadd.s32 s10, s9;
	vm0 =	vne.s32 v17, $0x0  }
0x258: {  	v15 =	vmov s11;
	p2 =	por $0x0, $0x0;
	s11 =	sand.u32 $0x780, s14;
	s16 =	sadd.s32 $0x80, s14;
	v16 =	vmctz.xlane vm0  }
0x259: {  	_ = 	snop  }
0x25a: {  	v18 =	vadd.s32 v15, v16;
	_ =	sdelay $0x4  }
0x25b: {  	v18 =	vld.idx.msk [tilespmem:v18+s28+$0x0], $0xffff;
	_ =	sdelay $0x4  }
0x25c: {  	(v2sf) =	vpush v18, $0x0;
	_ =	sdelay $0xe  }
0x25d: {  	s14 =	spop (v2sf)  }
0x25e: {  	s15 =	sshrl.u32 s14, $0xE  }
0x25f: {  	s15 =	sadd.s32 s15, s4  }
0x260: {  	v18 =	vmov s15  }
0x261: {  	v19 =	vshll.u32 v18, $0x3  }
0x262: {  	v18 =	vand.u32 $0x7F, v18;
	v19 =	vand.u32 $0xFFFFFC00, v19  }
0x263: {  	v18 =	vor.u32 v18, v19  }
0x264: {  	v19 =	vadd.s32 v8, v18  }
0x265: {  	v20 =	vadd.s32 v7, v18  }
0x266: {  	v21 =	vadd.s32 v9, v18  }
0x267: {  	s18 =	sadd.s32 $0xFFFFFFFF, s13;
	v22 =	vadd.s32 v6, v18  }
0x268: {  	p3 =	sgt.s32 s18, $0x1  }
.Ltmp51:
0x269: {  	vm0 =	veq.s32 v16, v3;
	v18 =	vld.idx.msk [tilespmem:v19+s23+$0x0], $0xffff;
	(pc) =	sbr.rel @!p3 .LBB2_68-.Ltmp51, $4  }
0x26a: {  	p4 =	slt.s32 s10, $0x10;
	v17 =	vsel vm0, $0x0, v17;
	v19 =	vld.idx.msk [tilespmem:v20+s23+$0x0], $0xffff  }
0x26b: {  	s17 =	sand.u32 $0x780, s16;
	vm0 =	vne.s32 v17, $0x0;
	s31 =	sshll.u32 s14, $0x4;
	s14 =	simm.s32 @!p4 $0x3;
	v20 =	vld.idx.msk [tilespmem:v21+s23+$0x0], $0xffff  }
0x26c: {  	s16 =	sadd.s32 $0x80, s16;
	s10 =	sadd.s32 $0x1, s10;
	v16 =	vmctz.xlane vm0;
	v21 =	vld.idx.msk [tilespmem:v22+s23+$0x0], $0xffff;
	_ =	swait.ge @!p4 [sflag:s14], $0x80  }
0x26d: {  	p2 =	por $0x1, $0x1;
	s13 =	sand.u32 $0x3FFF0, s31;
	[sflag:s14] =	ssyncset.done @!p4 $0x0  }
.LBB2_69:
0x26e: {  	s15 =	sand.u32 $0x780, s16;
	s18 =	sadd.s32 $0xFFFFFFFF, s18;
	v22 =	vadd.s32 v15, v16;
	[sflag:s14] =	ssyncadd.s32 @!p4 $0xFFFFFF80  }
0x26f: {  	p3 =	sgt.s32 s18, $0x1;
	[tilespmem:s11+$0x18090] =	vst v19  }
0x270: {  	[tilespmem:s11+$0x180A0] =	vst v18  }
0x271: {  	s14 =	sadd.s32 $0x18080, s11;
	s13 =	sadd.s32 s8, s13;
	[tilespmem:s11+$0x180B0] =	vst v20  }
0x272: {  	[tilespmem:s11+$0x18080] =	vst v21;
	s11 =	smov.u32 s17;
	s17 =	smov.u32 s15  }
0x273: {  	[hbm4b:s13+s6] =	stream.linear.scatter [tilespmem:s14], [sflag:$0x3], $0x80, $0x38;
	[tilespmem:$0x1A880] =	vst v63  }
0x274: {  	v18 =	vld.idx.msk [tilespmem:v22+s28+$0x0], $0xffff;
	_ =	sdelay $0x5  }
0x275: {  	(v2sf) =	vpush v18, $0x0;
	_ =	sdelay $0xe  }
0x276: {  	s13 =	spop (v2sf)  }
0x277: {  	s14 =	sshrl.u32 s13, $0xE;
	s13 =	sshll.u32 s13, $0x4  }
0x278: {  	s14 =	sadd.s32 s14, s4;
	s13 =	sand.u32 $0x3FFF0, s13  }
0x279: {  	v18 =	vmov s14  }
0x27a: {  	v19 =	vand.u32 $0x7F, v18;
	v18 =	vshll.u32 v18, $0x3  }
0x27b: {  	v18 =	vand.u32 $0xFFFFFC00, v18  }
0x27c: {  	v18 =	vor.u32 v19, v18  }
0x27d: {  	v21 =	vadd.s32 v6, v18;
	v19 =	vadd.s32 v8, v18;
	v20 =	vadd.s32 v9, v18  }
0x27e: {  	v22 =	vadd.s32 v7, v18;
	_ =	sdelay $0x3  }
0x27f: {  	v18 =	vld.idx.msk [tilespmem:v19+s23+$0x0], $0xffff  }
.Ltmp52:
0x280: {  	vm0 =	veq.s32 v16, v3;
	v19 =	vld.idx.msk [tilespmem:v22+s23+$0x0], $0xffff;
	(pc) =	sbr.rel @p3 .LBB2_69-.Ltmp52, $4  }
0x281: {  	p4 =	slt.s32 s10, $0x10;
	v17 =	vsel vm0, $0x0, v17;
	v20 =	vld.idx.msk [tilespmem:v20+s23+$0x0], $0xffff  }
0x282: {  	vm0 =	vne.s32 v17, $0x0;
	s14 =	simm.s32 @!p4 $0x3;
	v21 =	vld.idx.msk [tilespmem:v21+s23+$0x0], $0xffff  }
0x283: {  	v16 =	vmctz.xlane vm0;
	_ =	swait.ge @!p4 [sflag:s14], $0x80  }
0x284: {  	s16 =	sadd.s32 $0x80, s16;
	s10 =	sadd.s32 $0x1, s10;
	[sflag:s14] =	ssyncset.done @!p4 $0x0  }
0x285: {  	s16 =	smov.u32 s11;
	s11 =	smov.u32 s17  }
.LBB2_71:
0x286: {  	p3 =	por p4, !p2  }
0x287: {  	[sflag:s14] =	ssyncadd.s32 @!p3 $0xFFFFFF80  }
0x288: {  	v15 =	vadd.s32 v15, v16;
	[tilespmem:s16+$0x18090] =	vst @p2 v19  }
0x289: {  	[tilespmem:s16+$0x180A0] =	vst @p2 v18  }
0x28a: {  	[tilespmem:s16+$0x180B0] =	vst @p2 v20  }
0x28b: {  	s13 =	sadd.s32 @p2 s8, s13;
	s14 =	sadd.s32 @p2 $0x18080, s16;
	[tilespmem:s16+$0x18080] =	vst @p2 v21  }
0x28c: {  	[hbm4b:s13+s6] =	stream.linear.scatter @p2 [tilespmem:s14], [sflag:$0x3], $0x80, $0x38;
	[tilespmem:$0x1A880] =	vst v63  }
0x28d: {  	v15 =	vld.idx.msk [tilespmem:v15+s28+$0x0], $0xffff;
	_ =	sdelay $0x4  }
0x28e: {  	(v2sf) =	vpush v15, $0x0;
	_ =	sdelay $0xe  }
0x28f: {  	s17 =	spop (v2sf)  }
0x290: {  	s18 =	sshrl.u32 s17, $0xE  }
0x291: {  	s14 =	sadd.s32 s18, s4  }
0x292: {  	v15 =	vmov s14  }
0x293: {  	v62 =	vshll.u32 v15, $0x3  }
0x294: {  	v15 =	vand.u32 $0x7F, v15;
	v16 =	vand.u32 $0xFFFFFC00, v62  }
0x295: {  	v15 =	vor.u32 v15, v16  }
0x296: {  	v16 =	vadd.s32 v8, v15  }
0x297: {  	v17 =	vadd.s32 v7, v15  }
0x298: {  	v63 =	vadd.s32 v9, v15  }
0x299: {  	v15 =	vadd.s32 v6, v15;
	_ =	sdelay $0x1  }
0x29a: {  	v16 =	vld.idx.msk [tilespmem:v16+s23+$0x0], $0xffff  }
0x29b: {  	p2 =	slt.s32 s10, $0x10;
	v17 =	vld.idx.msk [tilespmem:v17+s23+$0x0], $0xffff  }
0x29c: {  	s10 =	simm.s32 @!p2 $0x3;
	v18 =	vld.idx.msk [tilespmem:v63+s23+$0x0], $0xffff  }
0x29d: {  	v15 =	vld.idx.msk [tilespmem:v15+s23+$0x0], $0xffff;
	_ =	swait.ge @!p2 [sflag:s10], $0x80  }
0x29e: {  	[sflag:s10] =	ssyncset.done @!p2 $0x0  }
0x29f: {  	[sflag:s10] =	ssyncadd.s32 @!p2 $0xFFFFFF80  }
0x2a0: {  	[tilespmem:s11+$0x18090] =	vst v17  }
.Ltmp53:
0x2a1: {  	s19 =	sshll.u32 s17, $0x4;
	[tilespmem:s11+$0x180A0] =	vst v16;
	(pc) =	sbr.rel .LBB2_72-.Ltmp53, $4  }
0x2a2: {  	s10 =	sand.u32 $0x3FFF0, s19;
	[tilespmem:s11+$0x180B0] =	vst v18  }
0x2a3: {  	s31 =	sadd.s32 $0x18080, s11;
	s10 =	sadd.s32 s8, s10;
	[tilespmem:s11+$0x18080] =	vst v15  }
0x2a4: {  	[hbm4b:s10+s6] =	stream.linear.scatter [tilespmem:s31], [sflag:$0x3], $0x80, $0x38;
	[tilespmem:$0x1A880] =	vst v63  }
0x2a5: {  	s10 =	smov.u32 s9  }
.LBB2_66:
.Ltmp54:
0x2a6: {  	(pc) =	sbr.rel .LBB2_71-.Ltmp54, $2  }
0x2a7: {  	_ =	sdelay $0x2  }
0x2a8: {  	_ = 	snop  }
.LBB2_68:
.Ltmp55:
0x2a9: {  	(pc) =	sbr.rel .LBB2_71-.Ltmp55, $2  }
0x2aa: {  	_ =	sdelay $0x2  }
0x2ab: {  	s16 =	smov.u32 s11;
	s11 =	smov.u32 s17  }
.LBB2_58:
.Ltmp56:
0x2ac: {  	(pc) =	sbr.rel @p0 .LBB2_59-.Ltmp56, $1  }
0x2ad: {  	_ =	sdelay $0x3  }
.Ltmp57:
0x2ae: {  	(pc) =	sbr.rel .LBB2_74-.Ltmp57, $2  }
0x2af: {  	_ =	sdelay $0x2  }
0x2b0: {  	v13 =	vmov s7;
	v14 =	vmov s4;
	s4 =	simm.s32 $0x0  }
.LBB2_75:
0x2b1: {  	s9 =	smov.u32 s10  }
.LBB2_83:
0x2b2: {  	s4 =	sadd.s32 $0x1, s4  }
0x2b3: {  	p2 =	sne.s32 s4, s5  }
.Ltmp58:
0x2b4: {  	_ = 	snop;
	(pc) =	sbr.rel @!p2 .LBB2_84-.Ltmp58, $1  }
0x2b5: {  	_ =	sdelay $0x3  }
.LBB2_74:
0x2b6: {  	s7 =	sshll.u32 s4, $0x4  }
0x2b7: {  	v15 =	vld [tilespmem:s7+$0x4000];
	_ =	sdelay $0x4  }
0x2b8: {  	vm0 =	vge.s32 v15, v13;
	vm1 =	vlt.s32 v15, v14  }
0x2b9: {  	vm0 =	vmand vm0, vm1  }
0x2ba: {  	v15 =	vmpcnt.ones.xlane vm0;
	_ =	sdelay $0x1  }
0x2bb: {  	(v2sf) =	vpush v15, $0x0;
	_ =	sdelay $0xe  }
0x2bc: {  	s9 =	spop (v2sf)  }
0x2bd: {  	p2 =	slt.s32 s9, $0x1  }
.Ltmp59:
0x2be: {  	_ = 	snop;
	(pc) =	sbr.rel @p2 .LBB2_75-.Ltmp59, $1  }
0x2bf: {  	_ =	sdelay $0x3  }
0x2c0: {  	s11 =	sadd.s32 $0x1, s9  }
0x2c1: {  	s13 =	sadd.s32 $0xFFFFFFFF, s11  }
0x2c2: {  	p3 =	sgt.s32 s13, $0x1  }
.Ltmp60:
0x2c3: {  	_ = 	snop;
	(pc) =	sbr.rel @!p3 .LBB2_77-.Ltmp60, $4  }
0x2c4: {  	_ = 	snop  }
0x2c5: {  	v17 =	vsel vm0, $0x1, v5  }
0x2c6: {  	s31 =	sshll.u32 s10, $0x7;
	s9 =	sadd.s32 s10, s9;
	vm0 =	vne.s32 v17, $0x0  }
0x2c7: {  	v15 =	vmov s7;
	p2 =	por $0x0, $0x0;
	s7 =	sand.u32 $0x780, s31;
	s16 =	sadd.s32 $0x80, s31;
	v16 =	vmctz.xlane vm0  }
0x2c8: {  	_ = 	snop  }
0x2c9: {  	v18 =	vadd.s32 v15, v16;
	_ =	sdelay $0x4  }
0x2ca: {  	v18 =	vld.idx.msk [tilespmem:v18+s28+$0x0], $0xffff;
	_ =	sdelay $0x4  }
0x2cb: {  	(v2sf) =	vpush v18, $0x0;
	_ =	sdelay $0xe  }
0x2cc: {  	s14 =	spop (v2sf)  }
0x2cd: {  	s11 =	sshrl.u32 s14, $0xE  }
0x2ce: {  	s11 =	sadd.s32 s11, s12  }
0x2cf: {  	s11 =	sshll.u32 s11, $0x7  }
0x2d0: {  	v18 =	vor.u32 s11, v11  }
0x2d1: {  	v19 =	vor.u32 s11, v10  }
0x2d2: {  	v20 =	vor.u32 s11, v12  }
0x2d3: {  	s17 =	sadd.s32 $0xFFFFFFFF, s13;
	v21 =	vor.u32 s11, v3  }
0x2d4: {  	p3 =	sgt.s32 s17, $0x1  }
.Ltmp61:
0x2d5: {  	vm0 =	veq.s32 v16, v3;
	v18 =	vld.idx.msk [tilespmem:v18+s25+$0x0], $0xffff;
	(pc) =	sbr.rel @!p3 .LBB2_79-.Ltmp61, $4  }
0x2d6: {  	p4 =	slt.s32 s10, $0x10;
	v17 =	vsel vm0, $0x0, v17;
	v19 =	vld.idx.msk [tilespmem:v19+s25+$0x0], $0xffff  }
0x2d7: {  	s10 =	sadd.s32 $0x1, s10;
	vm0 =	vne.s32 v17, $0x0;
	s31 =	sshll.u32 s14, $0x4;
	s14 =	simm.s32 @!p4 $0x3;
	v20 =	vld.idx.msk [tilespmem:v20+s25+$0x0], $0xffff  }
0x2d8: {  	p2 =	por $0x1, $0x1;
	v16 =	vmctz.xlane vm0;
	s13 =	sand.u32 $0x3FFF0, s31;
	v21 =	vld.idx.msk [tilespmem:v21+s25+$0x0], $0xffff;
	_ =	swait.ge @!p4 [sflag:s14], $0x80  }
0x2d9: {  	s11 =	sand.u32 $0x780, s16;
	s16 =	sadd.s32 $0x80, s16;
	[sflag:s14] =	ssyncset.done @!p4 $0x0  }
.LBB2_80:
0x2da: {  	s15 =	sand.u32 $0x780, s16;
	s17 =	sadd.s32 $0xFFFFFFFF, s17;
	v22 =	vadd.s32 v15, v16;
	[sflag:s14] =	ssyncadd.s32 @!p4 $0xFFFFFF80  }
0x2db: {  	p3 =	sgt.s32 s17, $0x1;
	[tilespmem:s7+$0x18090] =	vst v19  }
0x2dc: {  	[tilespmem:s7+$0x180A0] =	vst v18  }
0x2dd: {  	s14 =	sadd.s32 $0x18080, s7;
	s13 =	sadd.s32 s8, s13;
	[tilespmem:s7+$0x180B0] =	vst v20  }
0x2de: {  	[tilespmem:s7+$0x18080] =	vst v21;
	s7 =	smov.u32 s11;
	s11 =	smov.u32 s15  }
0x2df: {  	[hbm4b:s13+s6] =	stream.linear.scatter [tilespmem:s14], [sflag:$0x3], $0x80, $0x38;
	[tilespmem:$0x1A880] =	vst v63  }
0x2e0: {  	v18 =	vld.idx.msk [tilespmem:v22+s28+$0x0], $0xffff;
	_ =	sdelay $0x5  }
0x2e1: {  	(v2sf) =	vpush v18, $0x0;
	_ =	sdelay $0xe  }
0x2e2: {  	s13 =	spop (v2sf)  }
0x2e3: {  	s14 =	sshrl.u32 s13, $0xE;
	s13 =	sshll.u32 s13, $0x4  }
0x2e4: {  	s14 =	sadd.s32 s14, s12;
	s13 =	sand.u32 $0x3FFF0, s13  }
0x2e5: {  	s14 =	sshll.u32 s14, $0x7  }
0x2e6: {  	v21 =	vor.u32 s14, v3;
	v18 =	vor.u32 s14, v11;
	v20 =	vor.u32 s14, v12  }
0x2e7: {  	v19 =	vor.u32 s14, v10;
	_ =	sdelay $0x3  }
0x2e8: {  	v18 =	vld.idx.msk [tilespmem:v18+s25+$0x0], $0xffff  }
.Ltmp62:
0x2e9: {  	vm0 =	veq.s32 v16, v3;
	v19 =	vld.idx.msk [tilespmem:v19+s25+$0x0], $0xffff;
	(pc) =	sbr.rel @p3 .LBB2_80-.Ltmp62, $4  }
0x2ea: {  	p4 =	slt.s32 s10, $0x10;
	v17 =	vsel vm0, $0x0, v17;
	v20 =	vld.idx.msk [tilespmem:v20+s25+$0x0], $0xffff  }
0x2eb: {  	vm0 =	vne.s32 v17, $0x0;
	s14 =	simm.s32 @!p4 $0x3;
	v21 =	vld.idx.msk [tilespmem:v21+s25+$0x0], $0xffff  }
0x2ec: {  	v16 =	vmctz.xlane vm0;
	_ =	swait.ge @!p4 [sflag:s14], $0x80  }
0x2ed: {  	s16 =	sadd.s32 $0x80, s16;
	s10 =	sadd.s32 $0x1, s10;
	[sflag:s14] =	ssyncset.done @!p4 $0x0  }
0x2ee: {  	s16 =	smov.u32 s7;
	s7 =	smov.u32 s11  }
.LBB2_82:
0x2ef: {  	p3 =	por p4, !p2  }
0x2f0: {  	[sflag:s14] =	ssyncadd.s32 @!p3 $0xFFFFFF80  }
0x2f1: {  	v15 =	vadd.s32 v15, v16;
	[tilespmem:s16+$0x18090] =	vst @p2 v19  }
0x2f2: {  	[tilespmem:s16+$0x180A0] =	vst @p2 v18  }
0x2f3: {  	[tilespmem:s16+$0x180B0] =	vst @p2 v20  }
0x2f4: {  	s11 =	sadd.s32 @p2 $0x18080, s16;
	s13 =	sadd.s32 @p2 s8, s13;
	[tilespmem:s16+$0x18080] =	vst @p2 v21  }
0x2f5: {  	[hbm4b:s13+s6] =	stream.linear.scatter @p2 [tilespmem:s11], [sflag:$0x3], $0x80, $0x38;
	[tilespmem:$0x1A880] =	vst v63  }
0x2f6: {  	v15 =	vld.idx.msk [tilespmem:v15+s28+$0x0], $0xffff;
	_ =	sdelay $0x4  }
0x2f7: {  	(v2sf) =	vpush v15, $0x0;
	_ =	sdelay $0xe  }
0x2f8: {  	s17 =	spop (v2sf)  }
0x2f9: {  	s18 =	sshrl.u32 s17, $0xE  }
0x2fa: {  	s13 =	sadd.s32 s18, s12  }
0x2fb: {  	s13 =	sshll.u32 s13, $0x7  }
0x2fc: {  	v15 =	vor.u32 s13, v11  }
0x2fd: {  	v62 =	vor.u32 s13, v10  }
0x2fe: {  	v17 =	vor.u32 s13, v12  }
0x2ff: {  	v63 =	vor.u32 s13, v3;
	_ =	sdelay $0x1  }
0x300: {  	v15 =	vld.idx.msk [tilespmem:v15+s25+$0x0], $0xffff  }
0x301: {  	p2 =	slt.s32 s10, $0x10;
	v16 =	vld.idx.msk [tilespmem:v62+s25+$0x0], $0xffff  }
0x302: {  	s10 =	simm.s32 @!p2 $0x3;
	v17 =	vld.idx.msk [tilespmem:v17+s25+$0x0], $0xffff  }
0x303: {  	v18 =	vld.idx.msk [tilespmem:v63+s25+$0x0], $0xffff;
	_ =	swait.ge @!p2 [sflag:s10], $0x80  }
0x304: {  	[sflag:s10] =	ssyncset.done @!p2 $0x0  }
0x305: {  	[sflag:s10] =	ssyncadd.s32 @!p2 $0xFFFFFF80  }
0x306: {  	[tilespmem:s7+$0x18090] =	vst v16  }
.Ltmp63:
0x307: {  	s19 =	sshll.u32 s17, $0x4;
	[tilespmem:s7+$0x180A0] =	vst v15;
	(pc) =	sbr.rel .LBB2_83-.Ltmp63, $4  }
0x308: {  	s10 =	sand.u32 $0x3FFF0, s19;
	[tilespmem:s7+$0x180B0] =	vst v17  }
0x309: {  	s31 =	sadd.s32 $0x18080, s7;
	s10 =	sadd.s32 s8, s10;
	[tilespmem:s7+$0x18080] =	vst v18  }
0x30a: {  	[hbm4b:s10+s6] =	stream.linear.scatter [tilespmem:s31], [sflag:$0x3], $0x80, $0x38;
	[tilespmem:$0x1A880] =	vst v63  }
0x30b: {  	s10 =	smov.u32 s9  }
.LBB2_77:
.Ltmp64:
0x30c: {  	(pc) =	sbr.rel .LBB2_82-.Ltmp64, $2  }
0x30d: {  	_ =	sdelay $0x2  }
0x30e: {  	_ = 	snop  }
.LBB2_79:
.Ltmp65:
0x30f: {  	(pc) =	sbr.rel .LBB2_82-.Ltmp65, $2  }
0x310: {  	_ =	sdelay $0x2  }
0x311: {  	s16 =	smov.u32 s7;
	s7 =	smov.u32 s11  }
.LBB2_61:
.Ltmp66:
0x312: {  	(pc) =	sbr.rel .LBB2_84-.Ltmp66, $2  }
0x313: {  	_ =	sdelay $0x2  }
0x314: {  	s9 =	smov.u32 s10  }
.LBB2_59:
0x315: {  	s9 =	smov.u32 s10  }
.LBB2_84:
.Ltmp67:
0x316: {  	(pc) =	sbr.rel @p1 .LBB2_86-.Ltmp67, $1  }
0x317: {  	_ =	sdelay $0x3  }
.Ltmp68:
0x318: {  	s4 =	rddreg [dreg:$0xc];
	(pc) =	sbr.rel .LBB2_4-.Ltmp68, $4  }
0x319: {  	s3 =	sadd.s32 s3, s4  }
0x31a: {  	s31 =	simm.s32 $0x7A1400;
	s3 =	smin.u32 s3, $0xF4100  }
0x31b: {  	s7 =	simm.s32 $0x800;
	s0 =	sadd.s32 $0x1, s0;
	s3 =	sadd.s32 s2, s3  }
0x31c: {  	[tilespmem:s23], [sflag:$0x4] =	stream.strided.gather [hbm4b:s3+s7], $0x4000, s31, s7, $0x38;
	[tilespmem:$0x1A880] =	vst v63  }
.LBB2_86:
0x31d: {  	p0 =	slt.s32 s9, $0x1  }
.Ltmp69:
0x31e: {  	_ = 	snop;
	(pc) =	sbr.rel @p0 .LBB2_90-.Ltmp69, $2  }
0x31f: {  	_ =	sdelay $0x2  }
0x320: {  	s3 =	rddreg [dreg:$0xe]  }
0x321: {  	p0 =	slt.s32 s9, $0x10  }
0x322: {  	s9 =	simm.s32 @!p0 $0x10  }
0x323: {  	p0 =	sne.s32 s9, $0x1  }
.Ltmp70:
0x324: {  	_ = 	snop;
	(pc) =	sbr.rel @!p0 .LBB2_89-.Ltmp70, $3  }
0x325: {  	_ =	sdelay $0x1  }
0x326: {  	_ =	swait.ge [sflag:s30], $0x80  }
0x327: {  	[sflag:s30] =	ssyncset.done $0x0;
	s0 =	sadd.s32 $0xFFFFFFFF, s9  }
.LBB2_88:
0x328: {  	p0 =	sne.s32 s0, $0x1;
	s0 =	sadd.s32 $0xFFFFFFFF, s0;
	[sflag:s30] =	ssyncadd.s32 $0xFFFFFF80  }
.Ltmp71:
0x329: {  	(pc) =	sbr.rel @p0 .LBB2_88-.Ltmp71, $3  }
0x32a: {  	_ =	sdelay $0x1  }
0x32b: {  	_ =	swait.ge [sflag:s30], $0x80  }
0x32c: {  	[sflag:s30] =	ssyncset.done $0x0  }
.Ltmp72:
0x32d: {  	_ = 	snop;
	(pc) =	sbr.rel .LBB2_89-.Ltmp72, $1  }
0x32e: {  	_ =	sdelay $0x3  }
.LBB2_91:
0x32f: {  	_ =	sfence.sel $0x180000  }
0x330: {  	[bflag:$0x0] =	sbarrier.arrive $0xFFFF  }
0x331: {  	_ =	strace $0x90000047  }
0x332: {  	s0 =	stileid.u32;
	[bflag:$0x2] =	sbarrier.arrive $0xFFFF  }
0x333: {  	p0 =	sne.s32 s0, $0x0;
	s0 =	rddreg [dreg:$0x4]  }
0x334: {  	s0 =	sadd.s32 @!p0 $0x100000, s0  }
0x335: {  	[sflag:s0] =	ssyncadd.tile.s32 @!p0 $0x1;
	_ =	shalt  }
.Lfunc_end2:
_tile_overlayer_lowered:
.L_overlay_start_2:
0x336: {  	(tag) =	ssettag $0x2  }
0x337: {  	s0 =	rddreg [dreg:$0x0];
	s2 =	stileid.u32  }
0x338: {  	s1 =	rddreg [dreg:$0x1];
	p0 =	sne.s32 s2, $0x0  }
0x339: {  	s3 =	rddreg [dreg:$0x2];
	[bflag:$0x3] =	sbarrier.arrive $0xFFFF;
	s2 =	simm.s32 @!p0 $0x1C04  }
0x33a: {  	[timem:s3], [sflag:s2] =	dma.local @!p0 [hbm:s0], s1  }
0x33b: {  	s0 =	simm.s32 @!p0 $0x4  }
0x33c: {  	_ =	swait.ge @!p0 [sflag:s0], s1  }
0x33d: {  	s1 =	ssub.s32 @!p0 $0x0, s1;
	[sflag:s0] =	ssyncset.done @!p0 $0x0  }
0x33e: {  	[sflag:s0] =	ssyncadd.s32 @!p0 s1  }
0x33f: {  	[bflag:$0x3] =	sbarrier.arrive $0xFFFF  }
0x340: {  	_ =	shalt  }

</sc_bundles>
